<compile_context>
chip_gen: v7x
topology: tpu7x:2x2x1
jax: 0.10.2.dev20260603
libtpu: 0.0.44.dev20260713+nightly
codegen_flags: <defaults>
</compile_context>

<pallas_src>
import functools

import jax
import jax.numpy as jnp
from jax import lax
from jax.experimental import pallas as pl
from jax.experimental.pallas import tpu as pltpu
from jax.experimental.pallas import tpu_sc as plsc

N_NODES = 10000
N_EDGES = 320000
DIN = 128
C = 16

NC = 2
NS = 16
NW = NC * NS
EW = N_EDGES // NW
K = 1000
NCH = EW // K

_SC_MESH = dict(core_axis_name="c", subcore_axis_name="s",
                num_cores=NC, num_subcores=NS)



def _prologue_body(x_ref, w_ref, b_ref, t_ref, logb0_ref, h_ref, bm_ref):
    z = jnp.dot(x_ref[...], w_ref[...],
                preferred_element_type=jnp.float32) + b_ref[...]
    m = jnp.max(z, axis=-1, keepdims=True)
    lse = jnp.log(jnp.sum(jnp.exp(z - m), axis=-1, keepdims=True)) + m
    logb0_ref[...] = z - lse

    @pl.when(pl.program_id(0) == 0)
    def _():
        t = t_ref[...]
        s = jnp.sum(t * t, axis=1, keepdims=True)
        logh = -(s + s.T - 2.0 * jnp.dot(t, t.T,
                                         preferred_element_type=jnp.float32))
        h = jnp.exp(logh)
        hrow = jnp.concatenate([h] * 8, axis=1)
        htile = jnp.concatenate([hrow] * 8, axis=0)
        ii = lax.broadcasted_iota(jnp.int32, (8 * C, 8 * C), 0) // C
        jj = lax.broadcasted_iota(jnp.int32, (8 * C, 8 * C), 1) // C
        blk = (ii == jj)
        h_ref[...] = jnp.where(blk, htile, 0.0)
        bm_ref[...] = jnp.where(blk, 1.0, 0.0)


def _prologue(x, w, b2, t):
    rb = 2000
    grid = (N_NODES // rb,)
    return pl.pallas_call(
        _prologue_body,
        grid=grid,
        in_specs=[
            pl.BlockSpec((rb, DIN), lambda i: (i, 0)),
            pl.BlockSpec((DIN, C), lambda i: (0, 0)),
            pl.BlockSpec((1, C), lambda i: (0, 0)),
            pl.BlockSpec((C, C), lambda i: (0, 0)),
        ],
        out_specs=[
            pl.BlockSpec((rb, C), lambda i: (i, 0)),
            pl.BlockSpec((8 * C, 8 * C), lambda i: (0, 0)),
            pl.BlockSpec((8 * C, 8 * C), lambda i: (0, 0)),
        ],
        out_shape=[
            jax.ShapeDtypeStruct((N_NODES, C), jnp.float32),
            jax.ShapeDtypeStruct((8 * C, 8 * C), jnp.float32),
            jax.ShapeDtypeStruct((8 * C, 8 * C), jnp.float32),
        ],
    )(x, w, b2, t)


def _group_max(a):
    ms = [jnp.max(a[:, k * C:(k + 1) * C], axis=1, keepdims=True)
          for k in range(8)]
    return jnp.concatenate(
        [jnp.broadcast_to(mk, (a.shape[0], C)) for mk in ms], axis=1)


def _msg_from(a, hb_ref, bm_ref, out_ref):
    p = jnp.exp(a - 44.0)
    q = jnp.dot(p, hb_ref[...], preferred_element_type=jnp.float32)
    q = jnp.maximum(q, 1e-37)
    z = jnp.dot(q, bm_ref[...], preferred_element_type=jnp.float32)
    out_ref[...] = jnp.log(q / z)


def _edge_body2(g1_ref, g2_ref, hb_ref, bm_ref, out_ref):
    _msg_from(g1_ref[...] - g2_ref[...], hb_ref, bm_ref, out_ref)


def _edge_body1(g1_ref, hb_ref, bm_ref, out_ref):
    _msg_from(g1_ref[...], hb_ref, bm_ref, out_ref)


EP = N_EDGES // 8
NP = N_NODES // 8


def _edge_update(g1p, g2p, hb, bm):
    rb = 4000
    grid = (EP // rb,)
    espec = pl.BlockSpec((rb, 8 * C), lambda i: (i, 0))
    hspec = pl.BlockSpec((8 * C, 8 * C), lambda i: (0, 0))
    if g2p is None:
        return pl.pallas_call(
            _edge_body1, grid=grid,
            in_specs=[espec, hspec, hspec],
            out_specs=espec,
            out_shape=jax.ShapeDtypeStruct((EP, 8 * C), jnp.float32),
        )(g1p, hb, bm)
    return pl.pallas_call(
        _edge_body2, grid=grid,
        in_specs=[espec, espec, hspec, hspec],
        out_specs=espec,
        out_shape=jax.ShapeDtypeStruct((EP, 8 * C), jnp.float32),
    )(g1p, g2p, hb, bm)


def _combine_body(a0_ref, a1_ref, logb0_ref, bm_ref, out_ref):
    s = a0_ref[0] + a1_ref[0] + logb0_ref[...]
    m = _group_max(s)
    e = jnp.exp(s - m)
    z = jnp.dot(e, bm_ref[...], preferred_element_type=jnp.float32)
    out_ref[...] = s - m - jnp.log(z)


def _combine(agg3p, logb0p, bm):
    spec0 = pl.BlockSpec((1, NP, 8 * C), lambda i: (0, 0, 0))
    spec1 = pl.BlockSpec((1, NP, 8 * C), lambda i: (1, 0, 0))
    spec = pl.BlockSpec((NP, 8 * C), lambda i: (0, 0))
    hspec = pl.BlockSpec((8 * C, 8 * C), lambda i: (0, 0))
    return pl.pallas_call(
        _combine_body, grid=(1,),
        in_specs=[spec0, spec1, spec, hspec],
        out_specs=spec,
        out_shape=jax.ShapeDtypeStruct((NP, 8 * C), jnp.float32),
    )(agg3p, agg3p, logb0p, bm)



def _gather_pipeline(tables, idx_vs, outs, bufs, gsems, ssems, base):
    nt = len(tables)

    def issue(j, s):
        for t in range(nt):
            pltpu.async_copy(tables[t].at[idx_vs[t].at[j]], bufs[t][s],
                             gsems[t][s])

    def wait_g(s):
        for t in range(nt):
            pltpu.make_async_copy(tables[t].at[idx_vs[t].at[0]], bufs[t][s],
                                  gsems[t][s]).wait()

    def store(j, s):
        for t in range(nt):
            pltpu.async_copy(bufs[t][s], outs[t].at[pl.ds(base + j * K, K)],
                             ssems[t][s])

    def wait_st(s):
        for t in range(nt):
            pltpu.make_async_copy(bufs[t][s], outs[t].at[pl.ds(base, K)],
                                  ssems[t][s]).wait()

    issue(0, 0)
    issue(1, 1)

    def pair(g, c):
        j0 = 2 * g
        j1 = j0 + 1
        wait_g(0)
        store(j0, 0)
        wait_g(1)
        store(j1, 1)
        wait_st(0)

        @pl.when(j0 + 2 < NCH)
        def _():
            issue(j0 + 2, 0)

        wait_st(1)

        @pl.when(j1 + 2 < NCH)
        def _():
            issue(j1 + 2, 1)

        return c

    lax.fori_loop(0, NCH // 2, pair, 0)
    if NCH % 2 == 1:
        wait_g(0)
        store(NCH - 1, 0)
        wait_st(0)


def _gather2_body(logb_hbm, src_hbm, msg_hbm, rv_hbm, g1_hbm, g2_hbm,
                  idx1_v, idx2_v, b1a, b1b, b2a, b2b,
                  g1s, g2s, g3s, g4s, s1s, s2s, s3s, s4s):
    cid = lax.axis_index("c")
    sid = lax.axis_index("s")
    w = cid * NS + sid
    base = w * EW
    pltpu.sync_copy(src_hbm.at[w], idx1_v)
    pltpu.sync_copy(rv_hbm.at[w], idx2_v)
    _gather_pipeline(
        (logb_hbm, msg_hbm), (idx1_v, idx2_v), (g1_hbm, g2_hbm),
        ((b1a, b1b), (b2a, b2b)),
        ((g1s, g2s), (g3s, g4s)), ((s1s, s2s), (s3s, s4s)), base)


def _gather1_body(logb_hbm, src_hbm, g1_hbm,
                  idx1_v, b1a, b1b, g1s, g2s, s1s, s2s):
    cid = lax.axis_index("c")
    sid = lax.axis_index("s")
    w = cid * NS + sid
    base = w * EW
    pltpu.sync_copy(src_hbm.at[w], idx1_v)
    _gather_pipeline((logb_hbm,), (idx1_v,), (g1_hbm,),
                     ((b1a, b1b),), ((g1s, g2s),), ((s1s, s2s),), base)


def _scatter_body(msg_hbm, dst_hbm, zeros_hbm, agg_hbm, idx_v, rows_a,
                  rows_b, shared, sem_a, sem_b, sem_c, sem_d):
    cid = lax.axis_index("c")
    sid = lax.axis_index("s")
    w = cid * NS + sid
    base = w * EW

    @pl.when(sid == 0)
    def _():
        pltpu.sync_copy(zeros_hbm, shared)

    plsc.subcore_barrier()
    pltpu.sync_copy(dst_hbm.at[w], idx_v)
    rbufs = (rows_a, rows_b)
    lsems = (sem_a, sem_b)

    def load(j, s):
        pltpu.async_copy(msg_hbm.at[pl.ds(base + j * K, K)], rbufs[s],
                         lsems[s])

    def wait_l(s):
        pltpu.make_async_copy(msg_hbm.at[pl.ds(base, K)], rbufs[s],
                              lsems[s]).wait()

    ssems = (sem_c, sem_d)

    def scat(j, s):
        pltpu.async_copy(rbufs[s], shared.at[idx_v.at[j]], ssems[s], add=True)

    def wait_scat(s):
        pltpu.make_async_copy(rbufs[s], shared.at[idx_v.at[0]],
                              ssems[s]).wait()

    load(0, 0)
    load(1, 1)

    def pair(g, c):
        j0 = 2 * g
        j1 = j0 + 1
        wait_l(0)
        scat(j0, 0)
        wait_l(1)
        scat(j1, 1)
        wait_scat(0)

        @pl.when(j0 + 2 < NCH)
        def _():
            load(j0 + 2, 0)

        wait_scat(1)

        @pl.when(j1 + 2 < NCH)
        def _():
            load(j1 + 2, 1)

        return c

    lax.fori_loop(0, NCH // 2, pair, 0)
    if NCH % 2 == 1:
        wait_l(0)
        scat(NCH - 1, 0)
        wait_scat(0)
    plsc.subcore_barrier()

    @pl.when(sid == 0)
    def _():
        pltpu.sync_copy(shared, agg_hbm.at[pl.ds(cid * N_NODES, N_NODES)])


@functools.lru_cache(maxsize=1)
def _sc_kernels():
    mesh = plsc.VectorSubcoreMesh(**_SC_MESH)
    cparams = pltpu.CompilerParams(use_tc_tiling_on_sc=False)
    e_out = jax.ShapeDtypeStruct((N_EDGES, C), jnp.float32)
    gather2 = pl.kernel(
        _gather2_body,
        out_type=[e_out, e_out],
        mesh=mesh,
        compiler_params=cparams,
        scratch_types=(
            [pltpu.VMEM((NCH, K), jnp.int32)] * 2
            + [pltpu.VMEM((K, C), jnp.float32)] * 4
            + [pltpu.SemaphoreType.DMA] * 8
        ),
    )
    gather1 = pl.kernel(
        _gather1_body,
        out_type=e_out,
        mesh=mesh,
        compiler_params=cparams,
        scratch_types=(
            [pltpu.VMEM((NCH, K), jnp.int32)]
            + [pltpu.VMEM((K, C), jnp.float32)] * 2
            + [pltpu.SemaphoreType.DMA] * 4
        ),
    )
    scatter = pl.kernel(
        _scatter_body,
        out_type=jax.ShapeDtypeStruct((NC * N_NODES, C), jnp.float32),
        mesh=mesh,
        compiler_params=cparams,
        scratch_types=(
            [pltpu.VMEM((NCH, K), jnp.int32)]
            + [pltpu.VMEM((K, C), jnp.float32)] * 2
            + [pltpu.VMEM_SHARED((N_NODES, C), jnp.float32)]
            + [pltpu.SemaphoreType.DMA] * 4
        ),
    )
    return gather1, gather2, scatter



def kernel(x, edge_index, rv, W, b, T):
    src2 = edge_index[0].reshape(NW, NCH, K)
    dst2 = edge_index[1].reshape(NW, NCH, K)
    rv2 = rv.reshape(NW, NCH, K)
    zeros = jnp.zeros((N_NODES, C), jnp.float32)
    gather1, gather2, scatter = _sc_kernels()

    logb0, hb, bm = _prologue(x, W, b.reshape(1, C), T)
    logb0p = jnp.reshape(logb0, (NP, 8 * C))

    g1 = gather1(logb0, src2)
    msgp = _edge_update(jnp.reshape(g1, (EP, 8 * C)), None, hb, bm)
    msg = jnp.reshape(msgp, (N_EDGES, C))
    agg2 = scatter(msg, dst2, zeros)
    logbp = _combine(jnp.reshape(agg2, (2, NP, 8 * C)), logb0p, bm)

    for _ in range(4):
        logb = jnp.reshape(logbp, (N_NODES, C))
        g1, g2 = gather2(logb, src2, msg, rv2)
        msgp = _edge_update(jnp.reshape(g1, (EP, 8 * C)),
                            jnp.reshape(g2, (EP, 8 * C)), hb, bm)
        msg = jnp.reshape(msgp, (N_EDGES, C))
        agg2 = scatter(msg, dst2, zeros)
        logbp = _combine(jnp.reshape(agg2, (2, NP, 8 * C)), logb0p, bm)

    return jnp.reshape(logbp, (N_NODES, C))

# --- scband reference (transcript-rebuilt; emitter-appended) ---
"""Pipeline reference for scband-bpgnn-12232066859076 (READ-ONLY COPY).

The authoritative reference and input builder live on the scoring server;
editing this copy changes nothing except your own understanding.
"""

import jax, jax.numpy as jnp
import numpy as np
from jax.scipy.special import logsumexp

N, E, DIN, C = 10000, 320000, 128, 16


def log_normalize(log_x):
    return log_x - logsumexp(log_x, axis=-1, keepdims=True)


def setup_inputs(seed: int = 0):
    key = jax.random.key(seed)
    k1, k2, k3, k4, k5, k6 = jax.random.split(key, 6)
    x = jax.random.normal(k1, (N, DIN), dtype=jnp.float32)
    edge_index = jax.random.randint(k2, (2, E), 0, N, dtype=jnp.int32)
    rv = jax.random.randint(k3, (E,), 0, E, dtype=jnp.int32)
    # MLP with num_hidden=0 -> single Linear(dim_in, dim_out)
    W = jax.random.normal(k4, (DIN, C), dtype=jnp.float32) / np.sqrt(DIN)
    bi = jnp.zeros((C,), dtype=jnp.float32)
    # BPConv learned parameter T
    T = jax.random.normal(k5, (C, C), dtype=jnp.float32) / np.sqrt(C)
    return {"x": x, "edge_index": edge_index, "rv": rv, "W": W, "b": bi, "T": T}


def reference(x, edge_index, rv, W, b, T):
    # transform: Linear + LogSoftmax
    log_b0 = jax.nn.log_softmax(x @ W + b, axis=-1)
    n_nodes = x.shape[0]
    n_edges = edge_index.shape[1]
    # log_H (learned): S = s_i + s_j - 2 T T^T ; log_H = -S
    s = jnp.sum(T * T, axis=1)
    logH = -(s[:, None] + s[None, :] - 2.0 * (T @ T.T))
    src = edge_index[0]
    dst = edge_index[1]
    log_msg_prev = jnp.full((n_edges, C), -np.log(float(C)), dtype=jnp.float32)
    log_b = log_b0
    for _ in range(5):
        x_j = log_b[src]  # gather source beliefs per edge
        tmp = (x_j - log_msg_prev[rv])[:, :, None] + logH[None, :, :]
        log_msg_raw = logsumexp(tmp, axis=-2)
        log_msg = log_normalize(log_msg_raw)
        log_msg_prev = log_msg
        agg = jax.ops.segment_sum(log_msg, dst, num_segments=n_nodes)
        log_b = log_normalize(agg + log_b0)
    return log_b

if __name__ == "__main__":
    import jax
    _d = setup_inputs()
    print(jax.jit(kernel)(*tuple(_d.values())))

</pallas_src>

<mosaic_0001>
#map = affine_map<(d0, d1) -> (0, 0)>
#map1 = affine_map<(d0, d1) -> (0, 0, 0)>
module attributes {stable_mosaic.version = 14 : i64} {
  func.func @_gather2_body(%arg0: i32, %arg1: i32, %arg2: memref<10000x16xf32, #tpu.memory_space<hbm>>, %arg3: memref<32x10x1000xi32, #tpu.memory_space<hbm>>, %arg4: memref<320000x16xf32, #tpu.memory_space<hbm>>, %arg5: memref<32x10x1000xi32, #tpu.memory_space<hbm>>, %arg6: memref<320000x16xf32, #tpu.memory_space<hbm>>, %arg7: memref<320000x16xf32, #tpu.memory_space<hbm>>, %arg8: memref<10x1000xi32, #tpu.memory_space<vmem>>, %arg9: memref<10x1000xi32, #tpu.memory_space<vmem>>, %arg10: memref<1000x16xf32, #tpu.memory_space<vmem>>, %arg11: memref<1000x16xf32, #tpu.memory_space<vmem>>, %arg12: memref<1000x16xf32, #tpu.memory_space<vmem>>, %arg13: memref<1000x16xf32, #tpu.memory_space<vmem>>, %arg14: memref<!tpu.dma_semaphore, #tpu.memory_space<semaphore_mem>>, %arg15: memref<!tpu.dma_semaphore, #tpu.memory_space<semaphore_mem>>, %arg16: memref<!tpu.dma_semaphore, #tpu.memory_space<semaphore_mem>>, %arg17: memref<!tpu.dma_semaphore, #tpu.memory_space<semaphore_mem>>, %arg18: memref<!tpu.dma_semaphore, #tpu.memory_space<semaphore_mem>>, %arg19: memref<!tpu.dma_semaphore, #tpu.memory_space<semaphore_mem>>, %arg20: memref<!tpu.dma_semaphore, #tpu.memory_space<semaphore_mem>>, %arg21: memref<!tpu.dma_semaphore, #tpu.memory_space<semaphore_mem>>) attributes {dimension_semantics = [#tpu.dimension_semantics<core_parallel>, #tpu.dimension_semantics<subcore_parallel>], iteration_bounds = array<i64: 2, 16>, scalar_prefetch = 0 : i64, scratch_operands = 14 : i64, tpu.core_type = #tpu.core_type<sc_vector_subcore>, window_params = [{transform_indices = #map}, {transform_indices = #map1}, {transform_indices = #map}, {transform_indices = #map1}, {transform_indices = #map}, {transform_indices = #map}]} {
    %mul3A = arith.constant 16 : i32
    %mul3A_0 = arith.muli %arg0, %mul3A : i32
    %add3A = arith.addi %mul3A_0, %arg1 : i32
    %mul3A_1 = arith.constant 10000 : i32
    %mul3A_2 = arith.muli %add3A, %mul3A_1 : i32
    "tpu.region"() ({
      %run_scoped3A = tpu.sem_alloc : memref<!tpu.dma_semaphore, #tpu.memory_space<semaphore_mem>>
      %dma_start3A_35 = arith.constant 0 : i32
      %dma_start3A_36 = arith.constant 0 : i32
      %dma_start3A_37 = tpu.memref_slice %arg3[%add3A, %dma_start3A_35, %dma_start3A_36] : memref<32x10x1000xi32, #tpu.memory_space<hbm>> -> memref<1x10x1000xi32, #tpu.memory_space<hbm>>
      %dma_start3A_38 = tpu.memref_squeeze %dma_start3A_37 : memref<1x10x1000xi32, #tpu.memory_space<hbm>> -> memref<10x1000xi32, #tpu.memory_space<hbm>>
      %dma_start3A_39 = arith.constant 0 : i32
      %dma_start3A_40 = arith.constant 0 : i32
      %dma_start3A_41 = tpu.memref_slice %arg3[%add3A, %dma_start3A_39, %dma_start3A_40] : memref<32x10x1000xi32, #tpu.memory_space<hbm>> -> memref<1x10x1000xi32, #tpu.memory_space<hbm>>
      %dma_start3A_42 = tpu.memref_squeeze %dma_start3A_41 : memref<1x10x1000xi32, #tpu.memory_space<hbm>> -> memref<10x1000xi32, #tpu.memory_space<hbm>>
      tpu.enqueue_dma source(%dma_start3A_42 : memref<10x1000xi32, #tpu.memory_space<hbm>>) target(%arg8 : memref<10x1000xi32, #tpu.memory_space<vmem>>) target_semaphore(%run_scoped3A : memref<!tpu.dma_semaphore, #tpu.memory_space<semaphore_mem>>)
      %dma_wait3A = arith.constant 0 : i32
      %dma_wait3A_43 = arith.constant 0 : i32
      %dma_wait3A_44 = tpu.memref_slice %arg3[%add3A, %dma_wait3A, %dma_wait3A_43] : memref<32x10x1000xi32, #tpu.memory_space<hbm>> -> memref<1x10x1000xi32, #tpu.memory_space<hbm>>
      %dma_wait3A_45 = tpu.memref_squeeze %dma_wait3A_44 : memref<1x10x1000xi32, #tpu.memory_space<hbm>> -> memref<10x1000xi32, #tpu.memory_space<hbm>>
      %dma_wait3A_46 = arith.constant 0 : i32
      %dma_wait3A_47 = arith.constant 0 : i32
      %dma_wait3A_48 = tpu.memref_slice %arg3[%add3A, %dma_wait3A_46, %dma_wait3A_47] : memref<32x10x1000xi32, #tpu.memory_space<hbm>> -> memref<1x10x1000xi32, #tpu.memory_space<hbm>>
      %dma_wait3A_49 = tpu.memref_squeeze %dma_wait3A_48 : memref<1x10x1000xi32, #tpu.memory_space<hbm>> -> memref<10x1000xi32, #tpu.memory_space<hbm>>
      tpu.wait_dma2 semaphore(%run_scoped3A : memref<!tpu.dma_semaphore, #tpu.memory_space<semaphore_mem>>) src(%dma_wait3A_49 : memref<10x1000xi32, #tpu.memory_space<hbm>>) dst(%arg8 : memref<10x1000xi32, #tpu.memory_space<vmem>>)
      tpu.yield
    }) : () -> ()
    "tpu.region"() ({
      %run_scoped3A = tpu.sem_alloc : memref<!tpu.dma_semaphore, #tpu.memory_space<semaphore_mem>>
      %dma_start3A_35 = arith.constant 0 : i32
      %dma_start3A_36 = arith.constant 0 : i32
      %dma_start3A_37 = tpu.memref_slice %arg5[%add3A, %dma_start3A_35, %dma_start3A_36] : memref<32x10x1000xi32, #tpu.memory_space<hbm>> -> memref<1x10x1000xi32, #tpu.memory_space<hbm>>
      %dma_start3A_38 = tpu.memref_squeeze %dma_start3A_37 : memref<1x10x1000xi32, #tpu.memory_space<hbm>> -> memref<10x1000xi32, #tpu.memory_space<hbm>>
      %dma_start3A_39 = arith.constant 0 : i32
      %dma_start3A_40 = arith.constant 0 : i32
      %dma_start3A_41 = tpu.memref_slice %arg5[%add3A, %dma_start3A_39, %dma_start3A_40] : memref<32x10x1000xi32, #tpu.memory_space<hbm>> -> memref<1x10x1000xi32, #tpu.memory_space<hbm>>
      %dma_start3A_42 = tpu.memref_squeeze %dma_start3A_41 : memref<1x10x1000xi32, #tpu.memory_space<hbm>> -> memref<10x1000xi32, #tpu.memory_space<hbm>>
      tpu.enqueue_dma source(%dma_start3A_42 : memref<10x1000xi32, #tpu.memory_space<hbm>>) target(%arg9 : memref<10x1000xi32, #tpu.memory_space<vmem>>) target_semaphore(%run_scoped3A : memref<!tpu.dma_semaphore, #tpu.memory_space<semaphore_mem>>)
      %dma_wait3A = arith.constant 0 : i32
      %dma_wait3A_43 = arith.constant 0 : i32
      %dma_wait3A_44 = tpu.memref_slice %arg5[%add3A, %dma_wait3A, %dma_wait3A_43] : memref<32x10x1000xi32, #tpu.memory_space<hbm>> -> memref<1x10x1000xi32, #tpu.memory_space<hbm>>
      %dma_wait3A_45 = tpu.memref_squeeze %dma_wait3A_44 : memref<1x10x1000xi32, #tpu.memory_space<hbm>> -> memref<10x1000xi32, #tpu.memory_space<hbm>>
      %dma_wait3A_46 = arith.constant 0 : i32
      %dma_wait3A_47 = arith.constant 0 : i32
      %dma_wait3A_48 = tpu.memref_slice %arg5[%add3A, %dma_wait3A_46, %dma_wait3A_47] : memref<32x10x1000xi32, #tpu.memory_space<hbm>> -> memref<1x10x1000xi32, #tpu.memory_space<hbm>>
      %dma_wait3A_49 = tpu.memref_squeeze %dma_wait3A_48 : memref<1x10x1000xi32, #tpu.memory_space<hbm>> -> memref<10x1000xi32, #tpu.memory_space<hbm>>
      tpu.wait_dma2 semaphore(%run_scoped3A : memref<!tpu.dma_semaphore, #tpu.memory_space<semaphore_mem>>) src(%dma_wait3A_49 : memref<10x1000xi32, #tpu.memory_space<hbm>>) dst(%arg9 : memref<10x1000xi32, #tpu.memory_space<vmem>>)
      tpu.yield
    }) : () -> ()
    %dma_start3A = arith.constant 0 : i32
    %dma_start3A_3 = arith.constant 0 : i32
    %dma_start3A_4 = tpu.memref_slice %arg8[%dma_start3A, %dma_start3A_3] : memref<10x1000xi32, #tpu.memory_space<vmem>> -> memref<1x1000xi32, #tpu.memory_space<vmem>>
    %dma_start3A_5 = tpu.memref_squeeze %dma_start3A_4 : memref<1x1000xi32, #tpu.memory_space<vmem>> -> memref<1000xi32, #tpu.memory_space<vmem>>
    %dma_start3A_6 = arith.constant 0 : i32
    %dma_start3A_7 = arith.constant 0 : i32
    %dma_start3A_8 = tpu.memref_slice %arg2[%dma_start3A_6, %dma_start3A_7] : memref<10000x16xf32, #tpu.memory_space<hbm>> -> memref<10000x16xf32, #tpu.memory_space<hbm>>
    tpu.enqueue_indirect_dma source(%dma_start3A_8 : memref<10000x16xf32, #tpu.memory_space<hbm>>) target(%arg10 : memref<1000x16xf32, #tpu.memory_space<vmem>>) offsets(%dma_start3A_5 : memref<1000xi32, #tpu.memory_space<vmem>>) semaphore(%arg14 : memref<!tpu.dma_semaphore, #tpu.memory_space<semaphore_mem>>)
    %dma_start3A_9 = arith.constant 0 : i32
    %dma_start3A_10 = arith.constant 0 : i32
    %dma_start3A_11 = tpu.memref_slice %arg9[%dma_start3A_9, %dma_start3A_10] : memref<10x1000xi32, #tpu.memory_space<vmem>> -> memref<1x1000xi32, #tpu.memory_space<vmem>>
    %dma_start3A_12 = tpu.memref_squeeze %dma_start3A_11 : memref<1x1000xi32, #tpu.memory_space<vmem>> -> memref<1000xi32, #tpu.memory_space<vmem>>
    %dma_start3A_13 = arith.constant 0 : i32
    %dma_start3A_14 = arith.constant 0 : i32
    %dma_start3A_15 = tpu.memref_slice %arg4[%dma_start3A_13, %dma_start3A_14] : memref<320000x16xf32, #tpu.memory_space<hbm>> -> memref<320000x16xf32, #tpu.memory_space<hbm>>
    tpu.enqueue_indirect_dma source(%dma_start3A_15 : memref<320000x16xf32, #tpu.memory_space<hbm>>) target(%arg12 : memref<1000x16xf32, #tpu.memory_space<vmem>>) offsets(%dma_start3A_12 : memref<1000xi32, #tpu.memory_space<vmem>>) semaphore(%arg16 : memref<!tpu.dma_semaphore, #tpu.memory_space<semaphore_mem>>)
    %dma_start3A_16 = arith.constant 1 : i32
    %dma_start3A_17 = arith.constant 0 : i32
    %dma_start3A_18 = tpu.memref_slice %arg8[%dma_start3A_16, %dma_start3A_17] : memref<10x1000xi32, #tpu.memory_space<vmem>> -> memref<1x1000xi32, #tpu.memory_space<vmem>>
    %dma_start3A_19 = tpu.memref_squeeze %dma_start3A_18 : memref<1x1000xi32, #tpu.memory_space<vmem>> -> memref<1000xi32, #tpu.memory_space<vmem>>
    %dma_start3A_20 = arith.constant 0 : i32
    %dma_start3A_21 = arith.constant 0 : i32
    %dma_start3A_22 = tpu.memref_slice %arg2[%dma_start3A_20, %dma_start3A_21] : memref<10000x16xf32, #tpu.memory_space<hbm>> -> memref<10000x16xf32, #tpu.memory_space<hbm>>
    tpu.enqueue_indirect_dma source(%dma_start3A_22 : memref<10000x16xf32, #tpu.memory_space<hbm>>) target(%arg11 : memref<1000x16xf32, #tpu.memory_space<vmem>>) offsets(%dma_start3A_19 : memref<1000xi32, #tpu.memory_space<vmem>>) semaphore(%arg15 : memref<!tpu.dma_semaphore, #tpu.memory_space<semaphore_mem>>)
    %dma_start3A_23 = arith.constant 1 : i32
    %dma_start3A_24 = arith.constant 0 : i32
    %dma_start3A_25 = tpu.memref_slice %arg9[%dma_start3A_23, %dma_start3A_24] : memref<10x1000xi32, #tpu.memory_space<vmem>> -> memref<1x1000xi32, #tpu.memory_space<vmem>>
    %dma_start3A_26 = tpu.memref_squeeze %dma_start3A_25 : memref<1x1000xi32, #tpu.memory_space<vmem>> -> memref<1000xi32, #tpu.memory_space<vmem>>
    %dma_start3A_27 = arith.constant 0 : i32
    %dma_start3A_28 = arith.constant 0 : i32
    %dma_start3A_29 = tpu.memref_slice %arg4[%dma_start3A_27, %dma_start3A_28] : memref<320000x16xf32, #tpu.memory_space<hbm>> -> memref<320000x16xf32, #tpu.memory_space<hbm>>
    tpu.enqueue_indirect_dma source(%dma_start3A_29 : memref<320000x16xf32, #tpu.memory_space<hbm>>) target(%arg13 : memref<1000x16xf32, #tpu.memory_space<vmem>>) offsets(%dma_start3A_26 : memref<1000xi32, #tpu.memory_space<vmem>>) semaphore(%arg17 : memref<!tpu.dma_semaphore, #tpu.memory_space<semaphore_mem>>)
    %scan3A = arith.constant 0 : i32
    %scan3A_30 = arith.constant 0 : i32
    %scan3A_31 = arith.constant 5 : i32
    %scan3A_32 = arith.addi %scan3A_30, %scan3A_31 : i32
    %scan3A_33 = arith.constant 1 : i32
    scf.for %scan3A_35 = %scan3A_30 to %scan3A_32 step %scan3A_33  : i32 {
      %mul3A_36 = arith.constant 2 : i32
      %mul3A_37 = arith.muli %mul3A_36, %scan3A_35 : i32
      %add3A_38 = arith.constant 1 : i32
      %add3A_39 = arith.addi %mul3A_37, %add3A_38 : i32
      %dma_wait3A = arith.constant 0 : i32
      %dma_wait3A_40 = arith.constant 0 : i32
      %dma_wait3A_41 = tpu.memref_slice %arg8[%dma_wait3A, %dma_wait3A_40] : memref<10x1000xi32, #tpu.memory_space<vmem>> -> memref<1x1000xi32, #tpu.memory_space<vmem>>
      %dma_wait3A_42 = tpu.memref_squeeze %dma_wait3A_41 : memref<1x1000xi32, #tpu.memory_space<vmem>> -> memref<1000xi32, #tpu.memory_space<vmem>>
      %dma_wait3A_43 = arith.constant 0 : i32
      %dma_wait3A_44 = arith.constant 0 : i32
      %dma_wait3A_45 = tpu.memref_slice %arg2[%dma_wait3A_43, %dma_wait3A_44] : memref<10000x16xf32, #tpu.memory_space<hbm>> -> memref<10000x16xf32, #tpu.memory_space<hbm>>
      tpu.wait_indirect_dma semaphore(%arg14 : memref<!tpu.dma_semaphore, #tpu.memory_space<semaphore_mem>>) src(%dma_wait3A_45 : memref<10000x16xf32, #tpu.memory_space<hbm>>) dst(%arg10 : memref<1000x16xf32, #tpu.memory_space<vmem>>)
      %dma_wait3A_46 = arith.constant 0 : i32
      %dma_wait3A_47 = arith.constant 0 : i32
      %dma_wait3A_48 = tpu.memref_slice %arg9[%dma_wait3A_46, %dma_wait3A_47] : memref<10x1000xi32, #tpu.memory_space<vmem>> -> memref<1x1000xi32, #tpu.memory_space<vmem>>
      %dma_wait3A_49 = tpu.memref_squeeze %dma_wait3A_48 : memref<1x1000xi32, #tpu.memory_space<vmem>> -> memref<1000xi32, #tpu.memory_space<vmem>>
      %dma_wait3A_50 = arith.constant 0 : i32
      %dma_wait3A_51 = arith.constant 0 : i32
      %dma_wait3A_52 = tpu.memref_slice %arg4[%dma_wait3A_50, %dma_wait3A_51] : memref<320000x16xf32, #tpu.memory_space<hbm>> -> memref<320000x16xf32, #tpu.memory_space<hbm>>
      tpu.wait_indirect_dma semaphore(%arg16 : memref<!tpu.dma_semaphore, #tpu.memory_space<semaphore_mem>>) src(%dma_wait3A_52 : memref<320000x16xf32, #tpu.memory_space<hbm>>) dst(%arg12 : memref<1000x16xf32, #tpu.memory_space<vmem>>)
      %mul3A_53 = arith.constant 1000 : i32
      %mul3A_54 = arith.muli %mul3A_37, %mul3A_53 : i32
      %add3A_55 = arith.addi %mul3A_2, %mul3A_54 : i32
      %dma_start3A_56 = arith.constant 0 : i32
      %dma_start3A_57 = tpu.memref_slice %arg6[%add3A_55, %dma_start3A_56] : memref<320000x16xf32, #tpu.memory_space<hbm>> -> memref<1000x16xf32, #tpu.memory_space<hbm>>
      %dma_start3A_58 = arith.constant 0 : i32
      %dma_start3A_59 = tpu.memref_slice %arg6[%add3A_55, %dma_start3A_58] : memref<320000x16xf32, #tpu.memory_space<hbm>> -> memref<1000x16xf32, #tpu.memory_space<hbm>>
      tpu.enqueue_dma source(%arg10 : memref<1000x16xf32, #tpu.memory_space<vmem>>) target(%dma_start3A_59 : memref<1000x16xf32, #tpu.memory_space<hbm>>) target_semaphore(%arg18 : memref<!tpu.dma_semaphore, #tpu.memory_space<semaphore_mem>>)
      %mul3A_60 = arith.constant 1000 : i32
      %mul3A_61 = arith.muli %mul3A_37, %mul3A_60 : i32
      %add3A_62 = arith.addi %mul3A_2, %mul3A_61 : i32
      %dma_start3A_63 = arith.constant 0 : i32
      %dma_start3A_64 = tpu.memref_slice %arg7[%add3A_62, %dma_start3A_63] : memref<320000x16xf32, #tpu.memory_space<hbm>> -> memref<1000x16xf32, #tpu.memory_space<hbm>>
      %dma_start3A_65 = arith.constant 0 : i32
      %dma_start3A_66 = tpu.memref_slice %arg7[%add3A_62, %dma_start3A_65] : memref<320000x16xf32, #tpu.memory_space<hbm>> -> memref<1000x16xf32, #tpu.memory_space<hbm>>
      tpu.enqueue_dma source(%arg12 : memref<1000x16xf32, #tpu.memory_space<vmem>>) target(%dma_start3A_66 : memref<1000x16xf32, #tpu.memory_space<hbm>>) target_semaphore(%arg20 : memref<!tpu.dma_semaphore, #tpu.memory_space<semaphore_mem>>)
      %dma_wait3A_67 = arith.constant 0 : i32
      %dma_wait3A_68 = arith.constant 0 : i32
      %dma_wait3A_69 = tpu.memref_slice %arg8[%dma_wait3A_67, %dma_wait3A_68] : memref<10x1000xi32, #tpu.memory_space<vmem>> -> memref<1x1000xi32, #tpu.memory_space<vmem>>
      %dma_wait3A_70 = tpu.memref_squeeze %dma_wait3A_69 : memref<1x1000xi32, #tpu.memory_space<vmem>> -> memref<1000xi32, #tpu.memory_space<vmem>>
      %dma_wait3A_71 = arith.constant 0 : i32
      %dma_wait3A_72 = arith.constant 0 : i32
      %dma_wait3A_73 = tpu.memref_slice %arg2[%dma_wait3A_71, %dma_wait3A_72] : memref<10000x16xf32, #tpu.memory_space<hbm>> -> memref<10000x16xf32, #tpu.memory_space<hbm>>
      tpu.wait_indirect_dma semaphore(%arg15 : memref<!tpu.dma_semaphore, #tpu.memory_space<semaphore_mem>>) src(%dma_wait3A_73 : memref<10000x16xf32, #tpu.memory_space<hbm>>) dst(%arg11 : memref<1000x16xf32, #tpu.memory_space<vmem>>)
      %dma_wait3A_74 = arith.constant 0 : i32
      %dma_wait3A_75 = arith.constant 0 : i32
      %dma_wait3A_76 = tpu.memref_slice %arg9[%dma_wait3A_74, %dma_wait3A_75] : memref<10x1000xi32, #tpu.memory_space<vmem>> -> memref<1x1000xi32, #tpu.memory_space<vmem>>
      %dma_wait3A_77 = tpu.memref_squeeze %dma_wait3A_76 : memref<1x1000xi32, #tpu.memory_space<vmem>> -> memref<1000xi32, #tpu.memory_space<vmem>>
      %dma_wait3A_78 = arith.constant 0 : i32
      %dma_wait3A_79 = arith.constant 0 : i32
      %dma_wait3A_80 = tpu.memref_slice %arg4[%dma_wait3A_78, %dma_wait3A_79] : memref<320000x16xf32, #tpu.memory_space<hbm>> -> memref<320000x16xf32, #tpu.memory_space<hbm>>
      tpu.wait_indirect_dma semaphore(%arg17 : memref<!tpu.dma_semaphore, #tpu.memory_space<semaphore_mem>>) src(%dma_wait3A_80 : memref<320000x16xf32, #tpu.memory_space<hbm>>) dst(%arg13 : memref<1000x16xf32, #tpu.memory_space<vmem>>)
      %mul3A_81 = arith.constant 1000 : i32
      %mul3A_82 = arith.muli %add3A_39, %mul3A_81 : i32
      %add3A_83 = arith.addi %mul3A_2, %mul3A_82 : i32
      %dma_start3A_84 = arith.constant 0 : i32
      %dma_start3A_85 = tpu.memref_slice %arg6[%add3A_83, %dma_start3A_84] : memref<320000x16xf32, #tpu.memory_space<hbm>> -> memref<1000x16xf32, #tpu.memory_space<hbm>>
      %dma_start3A_86 = arith.constant 0 : i32
      %dma_start3A_87 = tpu.memref_slice %arg6[%add3A_83, %dma_start3A_86] : memref<320000x16xf32, #tpu.memory_space<hbm>> -> memref<1000x16xf32, #tpu.memory_space<hbm>>
      tpu.enqueue_dma source(%arg11 : memref<1000x16xf32, #tpu.memory_space<vmem>>) target(%dma_start3A_87 : memref<1000x16xf32, #tpu.memory_space<hbm>>) target_semaphore(%arg19 : memref<!tpu.dma_semaphore, #tpu.memory_space<semaphore_mem>>)
      %mul3A_88 = arith.constant 1000 : i32
      %mul3A_89 = arith.muli %add3A_39, %mul3A_88 : i32
      %add3A_90 = arith.addi %mul3A_2, %mul3A_89 : i32
      %dma_start3A_91 = arith.constant 0 : i32
      %dma_start3A_92 = tpu.memref_slice %arg7[%add3A_90, %dma_start3A_91] : memref<320000x16xf32, #tpu.memory_space<hbm>> -> memref<1000x16xf32, #tpu.memory_space<hbm>>
      %dma_start3A_93 = arith.constant 0 : i32
      %dma_start3A_94 = tpu.memref_slice %arg7[%add3A_90, %dma_start3A_93] : memref<320000x16xf32, #tpu.memory_space<hbm>> -> memref<1000x16xf32, #tpu.memory_space<hbm>>
      tpu.enqueue_dma source(%arg13 : memref<1000x16xf32, #tpu.memory_space<vmem>>) target(%dma_start3A_94 : memref<1000x16xf32, #tpu.memory_space<hbm>>) target_semaphore(%arg21 : memref<!tpu.dma_semaphore, #tpu.memory_space<semaphore_mem>>)
      %dma_wait3A_95 = arith.constant 0 : i32
      %dma_wait3A_96 = tpu.memref_slice %arg6[%mul3A_2, %dma_wait3A_95] : memref<320000x16xf32, #tpu.memory_space<hbm>> -> memref<1000x16xf32, #tpu.memory_space<hbm>>
      %dma_wait3A_97 = arith.constant 0 : i32
      %dma_wait3A_98 = tpu.memref_slice %arg6[%mul3A_2, %dma_wait3A_97] : memref<320000x16xf32, #tpu.memory_space<hbm>> -> memref<1000x16xf32, #tpu.memory_space<hbm>>
      tpu.wait_dma2 semaphore(%arg18 : memref<!tpu.dma_semaphore, #tpu.memory_space<semaphore_mem>>) src(%arg10 : memref<1000x16xf32, #tpu.memory_space<vmem>>) dst(%dma_wait3A_98 : memref<1000x16xf32, #tpu.memory_space<hbm>>)
      %dma_wait3A_99 = arith.constant 0 : i32
      %dma_wait3A_100 = tpu.memref_slice %arg7[%mul3A_2, %dma_wait3A_99] : memref<320000x16xf32, #tpu.memory_space<hbm>> -> memref<1000x16xf32, #tpu.memory_space<hbm>>
      %dma_wait3A_101 = arith.constant 0 : i32
      %dma_wait3A_102 = tpu.memref_slice %arg7[%mul3A_2, %dma_wait3A_101] : memref<320000x16xf32, #tpu.memory_space<hbm>> -> memref<1000x16xf32, #tpu.memory_space<hbm>>
      tpu.wait_dma2 semaphore(%arg20 : memref<!tpu.dma_semaphore, #tpu.memory_space<semaphore_mem>>) src(%arg12 : memref<1000x16xf32, #tpu.memory_space<vmem>>) dst(%dma_wait3A_102 : memref<1000x16xf32, #tpu.memory_space<hbm>>)
      %add3A_103 = arith.constant 2 : i32
      %add3A_104 = arith.addi %mul3A_37, %add3A_103 : i32
      %lt3A = arith.constant 10 : i32
      %lt3A_105 = arith.cmpi slt, %add3A_104, %lt3A : i32
      %convert_element_type3A = arith.extui %lt3A_105 : i1 to i32
      %cond3A = arith.constant 0 : i32
      %cond3A_106 = arith.cmpi ne, %convert_element_type3A, %cond3A : i32
      scf.if %cond3A_106 {
        %add3A_122 = arith.constant 2 : i32
        %add3A_123 = arith.addi %mul3A_37, %add3A_122 : i32
        %dma_start3A_124 = arith.constant 0 : i32
        %dma_start3A_125 = tpu.memref_slice %arg8[%add3A_123, %dma_start3A_124] : memref<10x1000xi32, #tpu.memory_space<vmem>> -> memref<1x1000xi32, #tpu.memory_space<vmem>>
        %dma_start3A_126 = tpu.memref_squeeze %dma_start3A_125 : memref<1x1000xi32, #tpu.memory_space<vmem>> -> memref<1000xi32, #tpu.memory_space<vmem>>
        %dma_start3A_127 = arith.constant 0 : i32
        %dma_start3A_128 = arith.constant 0 : i32
        %dma_start3A_129 = tpu.memref_slice %arg2[%dma_start3A_127, %dma_start3A_128] : memref<10000x16xf32, #tpu.memory_space<hbm>> -> memref<10000x16xf32, #tpu.memory_space<hbm>>
        tpu.enqueue_indirect_dma source(%dma_start3A_129 : memref<10000x16xf32, #tpu.memory_space<hbm>>) target(%arg10 : memref<1000x16xf32, #tpu.memory_space<vmem>>) offsets(%dma_start3A_126 : memref<1000xi32, #tpu.memory_space<vmem>>) semaphore(%arg14 : memref<!tpu.dma_semaphore, #tpu.memory_space<semaphore_mem>>)
        %dma_start3A_130 = arith.constant 0 : i32
        %dma_start3A_131 = tpu.memref_slice %arg9[%add3A_123, %dma_start3A_130] : memref<10x1000xi32, #tpu.memory_space<vmem>> -> memref<1x1000xi32, #tpu.memory_space<vmem>>
        %dma_start3A_132 = tpu.memref_squeeze %dma_start3A_131 : memref<1x1000xi32, #tpu.memory_space<vmem>> -> memref<1000xi32, #tpu.memory_space<vmem>>
        %dma_start3A_133 = arith.constant 0 : i32
        %dma_start3A_134 = arith.constant 0 : i32
        %dma_start3A_135 = tpu.memref_slice %arg4[%dma_start3A_133, %dma_start3A_134] : memref<320000x16xf32, #tpu.memory_space<hbm>> -> memref<320000x16xf32, #tpu.memory_space<hbm>>
        tpu.enqueue_indirect_dma source(%dma_start3A_135 : memref<320000x16xf32, #tpu.memory_space<hbm>>) target(%arg12 : memref<1000x16xf32, #tpu.memory_space<vmem>>) offsets(%dma_start3A_132 : memref<1000xi32, #tpu.memory_space<vmem>>) semaphore(%arg16 : memref<!tpu.dma_semaphore, #tpu.memory_space<semaphore_mem>>)
      } else {
      }
      %dma_wait3A_107 = arith.constant 0 : i32
      %dma_wait3A_108 = tpu.memref_slice %arg6[%mul3A_2, %dma_wait3A_107] : memref<320000x16xf32, #tpu.memory_space<hbm>> -> memref<1000x16xf32, #tpu.memory_space<hbm>>
      %dma_wait3A_109 = arith.constant 0 : i32
      %dma_wait3A_110 = tpu.memref_slice %arg6[%mul3A_2, %dma_wait3A_109] : memref<320000x16xf32, #tpu.memory_space<hbm>> -> memref<1000x16xf32, #tpu.memory_space<hbm>>
      tpu.wait_dma2 semaphore(%arg19 : memref<!tpu.dma_semaphore, #tpu.memory_space<semaphore_mem>>) src(%arg11 : memref<1000x16xf32, #tpu.memory_space<vmem>>) dst(%dma_wait3A_110 : memref<1000x16xf32, #tpu.memory_space<hbm>>)
      %dma_wait3A_111 = arith.constant 0 : i32
      %dma_wait3A_112 = tpu.memref_slice %arg7[%mul3A_2, %dma_wait3A_111] : memref<320000x16xf32, #tpu.memory_space<hbm>> -> memref<1000x16xf32, #tpu.memory_space<hbm>>
      %dma_wait3A_113 = arith.constant 0 : i32
      %dma_wait3A_114 = tpu.memref_slice %arg7[%mul3A_2, %dma_wait3A_113] : memref<320000x16xf32, #tpu.memory_space<hbm>> -> memref<1000x16xf32, #tpu.memory_space<hbm>>
      tpu.wait_dma2 semaphore(%arg21 : memref<!tpu.dma_semaphore, #tpu.memory_space<semaphore_mem>>) src(%arg13 : memref<1000x16xf32, #tpu.memory_space<vmem>>) dst(%dma_wait3A_114 : memref<1000x16xf32, #tpu.memory_space<hbm>>)
      %add3A_115 = arith.constant 2 : i32
      %add3A_116 = arith.addi %add3A_39, %add3A_115 : i32
      %lt3A_117 = arith.constant 10 : i32
      %lt3A_118 = arith.cmpi slt, %add3A_116, %lt3A_117 : i32
      %convert_element_type3A_119 = arith.extui %lt3A_118 : i1 to i32
      %cond3A_120 = arith.constant 0 : i32
      %cond3A_121 = arith.cmpi ne, %convert_element_type3A_119, %cond3A_120 : i32
      scf.if %cond3A_121 {
        %add3A_122 = arith.constant 2 : i32
        %add3A_123 = arith.addi %add3A_39, %add3A_122 : i32
        %dma_start3A_124 = arith.constant 0 : i32
        %dma_start3A_125 = tpu.memref_slice %arg8[%add3A_123, %dma_start3A_124] : memref<10x1000xi32, #tpu.memory_space<vmem>> -> memref<1x1000xi32, #tpu.memory_space<vmem>>
        %dma_start3A_126 = tpu.memref_squeeze %dma_start3A_125 : memref<1x1000xi32, #tpu.memory_space<vmem>> -> memref<1000xi32, #tpu.memory_space<vmem>>
        %dma_start3A_127 = arith.constant 0 : i32
        %dma_start3A_128 = arith.constant 0 : i32
        %dma_start3A_129 = tpu.memref_slice %arg2[%dma_start3A_127, %dma_start3A_128] : memref<10000x16xf32, #tpu.memory_space<hbm>> -> memref<10000x16xf32, #tpu.memory_space<hbm>>
        tpu.enqueue_indirect_dma source(%dma_start3A_129 : memref<10000x16xf32, #tpu.memory_space<hbm>>) target(%arg11 : memref<1000x16xf32, #tpu.memory_space<vmem>>) offsets(%dma_start3A_126 : memref<1000xi32, #tpu.memory_space<vmem>>) semaphore(%arg15 : memref<!tpu.dma_semaphore, #tpu.memory_space<semaphore_mem>>)
        %dma_start3A_130 = arith.constant 0 : i32
        %dma_start3A_131 = tpu.memref_slice %arg9[%add3A_123, %dma_start3A_130] : memref<10x1000xi32, #tpu.memory_space<vmem>> -> memref<1x1000xi32, #tpu.memory_space<vmem>>
        %dma_start3A_132 = tpu.memref_squeeze %dma_start3A_131 : memref<1x1000xi32, #tpu.memory_space<vmem>> -> memref<1000xi32, #tpu.memory_space<vmem>>
        %dma_start3A_133 = arith.constant 0 : i32
        %dma_start3A_134 = arith.constant 0 : i32
        %dma_start3A_135 = tpu.memref_slice %arg4[%dma_start3A_133, %dma_start3A_134] : memref<320000x16xf32, #tpu.memory_space<hbm>> -> memref<320000x16xf32, #tpu.memory_space<hbm>>
        tpu.enqueue_indirect_dma source(%dma_start3A_135 : memref<320000x16xf32, #tpu.memory_space<hbm>>) target(%arg13 : memref<1000x16xf32, #tpu.memory_space<vmem>>) offsets(%dma_start3A_132 : memref<1000xi32, #tpu.memory_space<vmem>>) semaphore(%arg17 : memref<!tpu.dma_semaphore, #tpu.memory_space<semaphore_mem>>)
      } else {
      }
    }
    %scan3A_34 = arith.constant 5 : i32
    return
  }
}

#map = affine_map<(d0, d1) -> (0, 0)>
#map1 = affine_map<(d0, d1) -> (0, 0, 0)>
module attributes {stable_mosaic.version = 14 : i64} {
  func.func @_gather1_body(%arg0: i32, %arg1: i32, %arg2: memref<10000x16xf32, #tpu.memory_space<hbm>>, %arg3: memref<32x10x1000xi32, #tpu.memory_space<hbm>>, %arg4: memref<320000x16xf32, #tpu.memory_space<hbm>>, %arg5: memref<10x1000xi32, #tpu.memory_space<vmem>>, %arg6: memref<1000x16xf32, #tpu.memory_space<vmem>>, %arg7: memref<1000x16xf32, #tpu.memory_space<vmem>>, %arg8: memref<!tpu.dma_semaphore, #tpu.memory_space<semaphore_mem>>, %arg9: memref<!tpu.dma_semaphore, #tpu.memory_space<semaphore_mem>>, %arg10: memref<!tpu.dma_semaphore, #tpu.memory_space<semaphore_mem>>, %arg11: memref<!tpu.dma_semaphore, #tpu.memory_space<semaphore_mem>>) attributes {dimension_semantics = [#tpu.dimension_semantics<core_parallel>, #tpu.dimension_semantics<subcore_parallel>], iteration_bounds = array<i64: 2, 16>, scalar_prefetch = 0 : i64, scratch_operands = 7 : i64, tpu.core_type = #tpu.core_type<sc_vector_subcore>, window_params = [{transform_indices = #map}, {transform_indices = #map1}, {transform_indices = #map}]} {
    %mul3A = arith.constant 16 : i32
    %mul3A_0 = arith.muli %arg0, %mul3A : i32
    %add3A = arith.addi %mul3A_0, %arg1 : i32
    %mul3A_1 = arith.constant 10000 : i32
    %mul3A_2 = arith.muli %add3A, %mul3A_1 : i32
    "tpu.region"() ({
      %run_scoped3A = tpu.sem_alloc : memref<!tpu.dma_semaphore, #tpu.memory_space<semaphore_mem>>
      %dma_start3A_21 = arith.constant 0 : i32
      %dma_start3A_22 = arith.constant 0 : i32
      %dma_start3A_23 = tpu.memref_slice %arg3[%add3A, %dma_start3A_21, %dma_start3A_22] : memref<32x10x1000xi32, #tpu.memory_space<hbm>> -> memref<1x10x1000xi32, #tpu.memory_space<hbm>>
      %dma_start3A_24 = tpu.memref_squeeze %dma_start3A_23 : memref<1x10x1000xi32, #tpu.memory_space<hbm>> -> memref<10x1000xi32, #tpu.memory_space<hbm>>
      %dma_start3A_25 = arith.constant 0 : i32
      %dma_start3A_26 = arith.constant 0 : i32
      %dma_start3A_27 = tpu.memref_slice %arg3[%add3A, %dma_start3A_25, %dma_start3A_26] : memref<32x10x1000xi32, #tpu.memory_space<hbm>> -> memref<1x10x1000xi32, #tpu.memory_space<hbm>>
      %dma_start3A_28 = tpu.memref_squeeze %dma_start3A_27 : memref<1x10x1000xi32, #tpu.memory_space<hbm>> -> memref<10x1000xi32, #tpu.memory_space<hbm>>
      tpu.enqueue_dma source(%dma_start3A_28 : memref<10x1000xi32, #tpu.memory_space<hbm>>) target(%arg5 : memref<10x1000xi32, #tpu.memory_space<vmem>>) target_semaphore(%run_scoped3A : memref<!tpu.dma_semaphore, #tpu.memory_space<semaphore_mem>>)
      %dma_wait3A = arith.constant 0 : i32
      %dma_wait3A_29 = arith.constant 0 : i32
      %dma_wait3A_30 = tpu.memref_slice %arg3[%add3A, %dma_wait3A, %dma_wait3A_29] : memref<32x10x1000xi32, #tpu.memory_space<hbm>> -> memref<1x10x1000xi32, #tpu.memory_space<hbm>>
      %dma_wait3A_31 = tpu.memref_squeeze %dma_wait3A_30 : memref<1x10x1000xi32, #tpu.memory_space<hbm>> -> memref<10x1000xi32, #tpu.memory_space<hbm>>
      %dma_wait3A_32 = arith.constant 0 : i32
      %dma_wait3A_33 = arith.constant 0 : i32
      %dma_wait3A_34 = tpu.memref_slice %arg3[%add3A, %dma_wait3A_32, %dma_wait3A_33] : memref<32x10x1000xi32, #tpu.memory_space<hbm>> -> memref<1x10x1000xi32, #tpu.memory_space<hbm>>
      %dma_wait3A_35 = tpu.memref_squeeze %dma_wait3A_34 : memref<1x10x1000xi32, #tpu.memory_space<hbm>> -> memref<10x1000xi32, #tpu.memory_space<hbm>>
      tpu.wait_dma2 semaphore(%run_scoped3A : memref<!tpu.dma_semaphore, #tpu.memory_space<semaphore_mem>>) src(%dma_wait3A_35 : memref<10x1000xi32, #tpu.memory_space<hbm>>) dst(%arg5 : memref<10x1000xi32, #tpu.memory_space<vmem>>)
      tpu.yield
    }) : () -> ()
    %dma_start3A = arith.constant 0 : i32
    %dma_start3A_3 = arith.constant 0 : i32
    %dma_start3A_4 = tpu.memref_slice %arg5[%dma_start3A, %dma_start3A_3] : memref<10x1000xi32, #tpu.memory_space<vmem>> -> memref<1x1000xi32, #tpu.memory_space<vmem>>
    %dma_start3A_5 = tpu.memref_squeeze %dma_start3A_4 : memref<1x1000xi32, #tpu.memory_space<vmem>> -> memref<1000xi32, #tpu.memory_space<vmem>>
    %dma_start3A_6 = arith.constant 0 : i32
    %dma_start3A_7 = arith.constant 0 : i32
    %dma_start3A_8 = tpu.memref_slice %arg2[%dma_start3A_6, %dma_start3A_7] : memref<10000x16xf32, #tpu.memory_space<hbm>> -> memref<10000x16xf32, #tpu.memory_space<hbm>>
    tpu.enqueue_indirect_dma source(%dma_start3A_8 : memref<10000x16xf32, #tpu.memory_space<hbm>>) target(%arg6 : memref<1000x16xf32, #tpu.memory_space<vmem>>) offsets(%dma_start3A_5 : memref<1000xi32, #tpu.memory_space<vmem>>) semaphore(%arg8 : memref<!tpu.dma_semaphore, #tpu.memory_space<semaphore_mem>>)
    %dma_start3A_9 = arith.constant 1 : i32
    %dma_start3A_10 = arith.constant 0 : i32
    %dma_start3A_11 = tpu.memref_slice %arg5[%dma_start3A_9, %dma_start3A_10] : memref<10x1000xi32, #tpu.memory_space<vmem>> -> memref<1x1000xi32, #tpu.memory_space<vmem>>
    %dma_start3A_12 = tpu.memref_squeeze %dma_start3A_11 : memref<1x1000xi32, #tpu.memory_space<vmem>> -> memref<1000xi32, #tpu.memory_space<vmem>>
    %dma_start3A_13 = arith.constant 0 : i32
    %dma_start3A_14 = arith.constant 0 : i32
    %dma_start3A_15 = tpu.memref_slice %arg2[%dma_start3A_13, %dma_start3A_14] : memref<10000x16xf32, #tpu.memory_space<hbm>> -> memref<10000x16xf32, #tpu.memory_space<hbm>>
    tpu.enqueue_indirect_dma source(%dma_start3A_15 : memref<10000x16xf32, #tpu.memory_space<hbm>>) target(%arg7 : memref<1000x16xf32, #tpu.memory_space<vmem>>) offsets(%dma_start3A_12 : memref<1000xi32, #tpu.memory_space<vmem>>) semaphore(%arg9 : memref<!tpu.dma_semaphore, #tpu.memory_space<semaphore_mem>>)
    %scan3A = arith.constant 0 : i32
    %scan3A_16 = arith.constant 0 : i32
    %scan3A_17 = arith.constant 5 : i32
    %scan3A_18 = arith.addi %scan3A_16, %scan3A_17 : i32
    %scan3A_19 = arith.constant 1 : i32
    scf.for %scan3A_21 = %scan3A_16 to %scan3A_18 step %scan3A_19  : i32 {
      %mul3A_22 = arith.constant 2 : i32
      %mul3A_23 = arith.muli %mul3A_22, %scan3A_21 : i32
      %add3A_24 = arith.constant 1 : i32
      %add3A_25 = arith.addi %mul3A_23, %add3A_24 : i32
      %dma_wait3A = arith.constant 0 : i32
      %dma_wait3A_26 = arith.constant 0 : i32
      %dma_wait3A_27 = tpu.memref_slice %arg5[%dma_wait3A, %dma_wait3A_26] : memref<10x1000xi32, #tpu.memory_space<vmem>> -> memref<1x1000xi32, #tpu.memory_space<vmem>>
      %dma_wait3A_28 = tpu.memref_squeeze %dma_wait3A_27 : memref<1x1000xi32, #tpu.memory_space<vmem>> -> memref<1000xi32, #tpu.memory_space<vmem>>
      %dma_wait3A_29 = arith.constant 0 : i32
      %dma_wait3A_30 = arith.constant 0 : i32
      %dma_wait3A_31 = tpu.memref_slice %arg2[%dma_wait3A_29, %dma_wait3A_30] : memref<10000x16xf32, #tpu.memory_space<hbm>> -> memref<10000x16xf32, #tpu.memory_space<hbm>>
      tpu.wait_indirect_dma semaphore(%arg8 : memref<!tpu.dma_semaphore, #tpu.memory_space<semaphore_mem>>) src(%dma_wait3A_31 : memref<10000x16xf32, #tpu.memory_space<hbm>>) dst(%arg6 : memref<1000x16xf32, #tpu.memory_space<vmem>>)
      %mul3A_32 = arith.constant 1000 : i32
      %mul3A_33 = arith.muli %mul3A_23, %mul3A_32 : i32
      %add3A_34 = arith.addi %mul3A_2, %mul3A_33 : i32
      %dma_start3A_35 = arith.constant 0 : i32
      %dma_start3A_36 = tpu.memref_slice %arg4[%add3A_34, %dma_start3A_35] : memref<320000x16xf32, #tpu.memory_space<hbm>> -> memref<1000x16xf32, #tpu.memory_space<hbm>>
      %dma_start3A_37 = arith.constant 0 : i32
      %dma_start3A_38 = tpu.memref_slice %arg4[%add3A_34, %dma_start3A_37] : memref<320000x16xf32, #tpu.memory_space<hbm>> -> memref<1000x16xf32, #tpu.memory_space<hbm>>
      tpu.enqueue_dma source(%arg6 : memref<1000x16xf32, #tpu.memory_space<vmem>>) target(%dma_start3A_38 : memref<1000x16xf32, #tpu.memory_space<hbm>>) target_semaphore(%arg10 : memref<!tpu.dma_semaphore, #tpu.memory_space<semaphore_mem>>)
      %dma_wait3A_39 = arith.constant 0 : i32
      %dma_wait3A_40 = arith.constant 0 : i32
      %dma_wait3A_41 = tpu.memref_slice %arg5[%dma_wait3A_39, %dma_wait3A_40] : memref<10x1000xi32, #tpu.memory_space<vmem>> -> memref<1x1000xi32, #tpu.memory_space<vmem>>
      %dma_wait3A_42 = tpu.memref_squeeze %dma_wait3A_41 : memref<1x1000xi32, #tpu.memory_space<vmem>> -> memref<1000xi32, #tpu.memory_space<vmem>>
      %dma_wait3A_43 = arith.constant 0 : i32
      %dma_wait3A_44 = arith.constant 0 : i32
      %dma_wait3A_45 = tpu.memref_slice %arg2[%dma_wait3A_43, %dma_wait3A_44] : memref<10000x16xf32, #tpu.memory_space<hbm>> -> memref<10000x16xf32, #tpu.memory_space<hbm>>
      tpu.wait_indirect_dma semaphore(%arg9 : memref<!tpu.dma_semaphore, #tpu.memory_space<semaphore_mem>>) src(%dma_wait3A_45 : memref<10000x16xf32, #tpu.memory_space<hbm>>) dst(%arg7 : memref<1000x16xf32, #tpu.memory_space<vmem>>)
      %mul3A_46 = arith.constant 1000 : i32
      %mul3A_47 = arith.muli %add3A_25, %mul3A_46 : i32
      %add3A_48 = arith.addi %mul3A_2, %mul3A_47 : i32
      %dma_start3A_49 = arith.constant 0 : i32
      %dma_start3A_50 = tpu.memref_slice %arg4[%add3A_48, %dma_start3A_49] : memref<320000x16xf32, #tpu.memory_space<hbm>> -> memref<1000x16xf32, #tpu.memory_space<hbm>>
      %dma_start3A_51 = arith.constant 0 : i32
      %dma_start3A_52 = tpu.memref_slice %arg4[%add3A_48, %dma_start3A_51] : memref<320000x16xf32, #tpu.memory_space<hbm>> -> memref<1000x16xf32, #tpu.memory_space<hbm>>
      tpu.enqueue_dma source(%arg7 : memref<1000x16xf32, #tpu.memory_space<vmem>>) target(%dma_start3A_52 : memref<1000x16xf32, #tpu.memory_space<hbm>>) target_semaphore(%arg11 : memref<!tpu.dma_semaphore, #tpu.memory_space<semaphore_mem>>)
      %dma_wait3A_53 = arith.constant 0 : i32
      %dma_wait3A_54 = tpu.memref_slice %arg4[%mul3A_2, %dma_wait3A_53] : memref<320000x16xf32, #tpu.memory_space<hbm>> -> memref<1000x16xf32, #tpu.memory_space<hbm>>
      %dma_wait3A_55 = arith.constant 0 : i32
      %dma_wait3A_56 = tpu.memref_slice %arg4[%mul3A_2, %dma_wait3A_55] : memref<320000x16xf32, #tpu.memory_space<hbm>> -> memref<1000x16xf32, #tpu.memory_space<hbm>>
      tpu.wait_dma2 semaphore(%arg10 : memref<!tpu.dma_semaphore, #tpu.memory_space<semaphore_mem>>) src(%arg6 : memref<1000x16xf32, #tpu.memory_space<vmem>>) dst(%dma_wait3A_56 : memref<1000x16xf32, #tpu.memory_space<hbm>>)
      %add3A_57 = arith.constant 2 : i32
      %add3A_58 = arith.addi %mul3A_23, %add3A_57 : i32
      %lt3A = arith.constant 10 : i32
      %lt3A_59 = arith.cmpi slt, %add3A_58, %lt3A : i32
      %convert_element_type3A = arith.extui %lt3A_59 : i1 to i32
      %cond3A = arith.constant 0 : i32
      %cond3A_60 = arith.cmpi ne, %convert_element_type3A, %cond3A : i32
      scf.if %cond3A_60 {
        %add3A_72 = arith.constant 2 : i32
        %add3A_73 = arith.addi %mul3A_23, %add3A_72 : i32
        %dma_start3A_74 = arith.constant 0 : i32
        %dma_start3A_75 = tpu.memref_slice %arg5[%add3A_73, %dma_start3A_74] : memref<10x1000xi32, #tpu.memory_space<vmem>> -> memref<1x1000xi32, #tpu.memory_space<vmem>>
        %dma_start3A_76 = tpu.memref_squeeze %dma_start3A_75 : memref<1x1000xi32, #tpu.memory_space<vmem>> -> memref<1000xi32, #tpu.memory_space<vmem>>
        %dma_start3A_77 = arith.constant 0 : i32
        %dma_start3A_78 = arith.constant 0 : i32
        %dma_start3A_79 = tpu.memref_slice %arg2[%dma_start3A_77, %dma_start3A_78] : memref<10000x16xf32, #tpu.memory_space<hbm>> -> memref<10000x16xf32, #tpu.memory_space<hbm>>
        tpu.enqueue_indirect_dma source(%dma_start3A_79 : memref<10000x16xf32, #tpu.memory_space<hbm>>) target(%arg6 : memref<1000x16xf32, #tpu.memory_space<vmem>>) offsets(%dma_start3A_76 : memref<1000xi32, #tpu.memory_space<vmem>>) semaphore(%arg8 : memref<!tpu.dma_semaphore, #tpu.memory_space<semaphore_mem>>)
      } else {
      }
      %dma_wait3A_61 = arith.constant 0 : i32
      %dma_wait3A_62 = tpu.memref_slice %arg4[%mul3A_2, %dma_wait3A_61] : memref<320000x16xf32, #tpu.memory_space<hbm>> -> memref<1000x16xf32, #tpu.memory_space<hbm>>
      %dma_wait3A_63 = arith.constant 0 : i32
      %dma_wait3A_64 = tpu.memref_slice %arg4[%mul3A_2, %dma_wait3A_63] : memref<320000x16xf32, #tpu.memory_space<hbm>> -> memref<1000x16xf32, #tpu.memory_space<hbm>>
      tpu.wait_dma2 semaphore(%arg11 : memref<!tpu.dma_semaphore, #tpu.memory_space<semaphore_mem>>) src(%arg7 : memref<1000x16xf32, #tpu.memory_space<vmem>>) dst(%dma_wait3A_64 : memref<1000x16xf32, #tpu.memory_space<hbm>>)
      %add3A_65 = arith.constant 2 : i32
      %add3A_66 = arith.addi %add3A_25, %add3A_65 : i32
      %lt3A_67 = arith.constant 10 : i32
      %lt3A_68 = arith.cmpi slt, %add3A_66, %lt3A_67 : i32
      %convert_element_type3A_69 = arith.extui %lt3A_68 : i1 to i32
      %cond3A_70 = arith.constant 0 : i32
      %cond3A_71 = arith.cmpi ne, %convert_element_type3A_69, %cond3A_70 : i32
      scf.if %cond3A_71 {
        %add3A_72 = arith.constant 2 : i32
        %add3A_73 = arith.addi %add3A_25, %add3A_72 : i32
        %dma_start3A_74 = arith.constant 0 : i32
        %dma_start3A_75 = tpu.memref_slice %arg5[%add3A_73, %dma_start3A_74] : memref<10x1000xi32, #tpu.memory_space<vmem>> -> memref<1x1000xi32, #tpu.memory_space<vmem>>
        %dma_start3A_76 = tpu.memref_squeeze %dma_start3A_75 : memref<1x1000xi32, #tpu.memory_space<vmem>> -> memref<1000xi32, #tpu.memory_space<vmem>>
        %dma_start3A_77 = arith.constant 0 : i32
        %dma_start3A_78 = arith.constant 0 : i32
        %dma_start3A_79 = tpu.memref_slice %arg2[%dma_start3A_77, %dma_start3A_78] : memref<10000x16xf32, #tpu.memory_space<hbm>> -> memref<10000x16xf32, #tpu.memory_space<hbm>>
        tpu.enqueue_indirect_dma source(%dma_start3A_79 : memref<10000x16xf32, #tpu.memory_space<hbm>>) target(%arg7 : memref<1000x16xf32, #tpu.memory_space<vmem>>) offsets(%dma_start3A_76 : memref<1000xi32, #tpu.memory_space<vmem>>) semaphore(%arg9 : memref<!tpu.dma_semaphore, #tpu.memory_space<semaphore_mem>>)
      } else {
      }
    }
    %scan3A_20 = arith.constant 5 : i32
    return
  }
}

#map = affine_map<(d0, d1) -> (0, 0)>
#map1 = affine_map<(d0, d1) -> (0, 0, 0)>
module attributes {stable_mosaic.version = 14 : i64} {
  func.func @_scatter_body(%arg0: i32, %arg1: i32, %arg2: memref<320000x16xf32, #tpu.memory_space<hbm>>, %arg3: memref<32x10x1000xi32, #tpu.memory_space<hbm>>, %arg4: memref<10000x16xf32, #tpu.memory_space<hbm>>, %arg5: memref<20000x16xf32, #tpu.memory_space<hbm>>, %arg6: memref<10x1000xi32, #tpu.memory_space<vmem>>, %arg7: memref<1000x16xf32, #tpu.memory_space<vmem>>, %arg8: memref<1000x16xf32, #tpu.memory_space<vmem>>, %arg9: memref<10000x16xf32, #tpu.memory_space<vmem_shared>>, %arg10: memref<!tpu.dma_semaphore, #tpu.memory_space<semaphore_mem>>, %arg11: memref<!tpu.dma_semaphore, #tpu.memory_space<semaphore_mem>>, %arg12: memref<!tpu.dma_semaphore, #tpu.memory_space<semaphore_mem>>, %arg13: memref<!tpu.dma_semaphore, #tpu.memory_space<semaphore_mem>>) attributes {dimension_semantics = [#tpu.dimension_semantics<core_parallel>, #tpu.dimension_semantics<subcore_parallel>], iteration_bounds = array<i64: 2, 16>, scalar_prefetch = 0 : i64, scratch_operands = 8 : i64, tpu.core_type = #tpu.core_type<sc_vector_subcore>, window_params = [{transform_indices = #map}, {transform_indices = #map1}, {transform_indices = #map}, {transform_indices = #map}]} {
    %mul3A = arith.constant 16 : i32
    %mul3A_0 = arith.muli %arg0, %mul3A : i32
    %add3A = arith.addi %mul3A_0, %arg1 : i32
    %mul3A_1 = arith.constant 10000 : i32
    %mul3A_2 = arith.muli %add3A, %mul3A_1 : i32
    %eq3A = arith.constant 0 : i32
    %eq3A_3 = arith.cmpi eq, %arg1, %eq3A : i32
    %convert_element_type3A = arith.extui %eq3A_3 : i1 to i32
    %cond3A = arith.constant 0 : i32
    %cond3A_4 = arith.cmpi ne, %convert_element_type3A, %cond3A : i32
    scf.if %cond3A_4 {
      "tpu.region"() ({
        %run_scoped3A = tpu.sem_alloc : memref<!tpu.dma_semaphore, #tpu.memory_space<semaphore_mem>>
        tpu.enqueue_dma source(%arg4 : memref<10000x16xf32, #tpu.memory_space<hbm>>) target(%arg9 : memref<10000x16xf32, #tpu.memory_space<vmem_shared>>) target_semaphore(%run_scoped3A : memref<!tpu.dma_semaphore, #tpu.memory_space<semaphore_mem>>)
        tpu.wait_dma2 semaphore(%run_scoped3A : memref<!tpu.dma_semaphore, #tpu.memory_space<semaphore_mem>>) src(%arg4 : memref<10000x16xf32, #tpu.memory_space<hbm>>) dst(%arg9 : memref<10000x16xf32, #tpu.memory_space<vmem_shared>>)
        tpu.yield
      }) : () -> ()
    } else {
    }
    %barrier3A = arith.constant 0 : index
    tpu.barrier barrier_id(%barrier3A)
    "tpu.region"() ({
      %run_scoped3A = tpu.sem_alloc : memref<!tpu.dma_semaphore, #tpu.memory_space<semaphore_mem>>
      %dma_start3A_27 = arith.constant 0 : i32
      %dma_start3A_28 = arith.constant 0 : i32
      %dma_start3A_29 = tpu.memref_slice %arg3[%add3A, %dma_start3A_27, %dma_start3A_28] : memref<32x10x1000xi32, #tpu.memory_space<hbm>> -> memref<1x10x1000xi32, #tpu.memory_space<hbm>>
      %dma_start3A_30 = tpu.memref_squeeze %dma_start3A_29 : memref<1x10x1000xi32, #tpu.memory_space<hbm>> -> memref<10x1000xi32, #tpu.memory_space<hbm>>
      %dma_start3A_31 = arith.constant 0 : i32
      %dma_start3A_32 = arith.constant 0 : i32
      %dma_start3A_33 = tpu.memref_slice %arg3[%add3A, %dma_start3A_31, %dma_start3A_32] : memref<32x10x1000xi32, #tpu.memory_space<hbm>> -> memref<1x10x1000xi32, #tpu.memory_space<hbm>>
      %dma_start3A_34 = tpu.memref_squeeze %dma_start3A_33 : memref<1x10x1000xi32, #tpu.memory_space<hbm>> -> memref<10x1000xi32, #tpu.memory_space<hbm>>
      tpu.enqueue_dma source(%dma_start3A_34 : memref<10x1000xi32, #tpu.memory_space<hbm>>) target(%arg6 : memref<10x1000xi32, #tpu.memory_space<vmem>>) target_semaphore(%run_scoped3A : memref<!tpu.dma_semaphore, #tpu.memory_space<semaphore_mem>>)
      %dma_wait3A = arith.constant 0 : i32
      %dma_wait3A_35 = arith.constant 0 : i32
      %dma_wait3A_36 = tpu.memref_slice %arg3[%add3A, %dma_wait3A, %dma_wait3A_35] : memref<32x10x1000xi32, #tpu.memory_space<hbm>> -> memref<1x10x1000xi32, #tpu.memory_space<hbm>>
      %dma_wait3A_37 = tpu.memref_squeeze %dma_wait3A_36 : memref<1x10x1000xi32, #tpu.memory_space<hbm>> -> memref<10x1000xi32, #tpu.memory_space<hbm>>
      %dma_wait3A_38 = arith.constant 0 : i32
      %dma_wait3A_39 = arith.constant 0 : i32
      %dma_wait3A_40 = tpu.memref_slice %arg3[%add3A, %dma_wait3A_38, %dma_wait3A_39] : memref<32x10x1000xi32, #tpu.memory_space<hbm>> -> memref<1x10x1000xi32, #tpu.memory_space<hbm>>
      %dma_wait3A_41 = tpu.memref_squeeze %dma_wait3A_40 : memref<1x10x1000xi32, #tpu.memory_space<hbm>> -> memref<10x1000xi32, #tpu.memory_space<hbm>>
      tpu.wait_dma2 semaphore(%run_scoped3A : memref<!tpu.dma_semaphore, #tpu.memory_space<semaphore_mem>>) src(%dma_wait3A_41 : memref<10x1000xi32, #tpu.memory_space<hbm>>) dst(%arg6 : memref<10x1000xi32, #tpu.memory_space<vmem>>)
      tpu.yield
    }) : () -> ()
    %add3A_5 = arith.constant 0 : i32
    %add3A_6 = arith.addi %mul3A_2, %add3A_5 : i32
    %dma_start3A = arith.constant 0 : i32
    %dma_start3A_7 = tpu.memref_slice %arg2[%add3A_6, %dma_start3A] : memref<320000x16xf32, #tpu.memory_space<hbm>> -> memref<1000x16xf32, #tpu.memory_space<hbm>>
    %dma_start3A_8 = arith.constant 0 : i32
    %dma_start3A_9 = tpu.memref_slice %arg2[%add3A_6, %dma_start3A_8] : memref<320000x16xf32, #tpu.memory_space<hbm>> -> memref<1000x16xf32, #tpu.memory_space<hbm>>
    tpu.enqueue_dma source(%dma_start3A_9 : memref<1000x16xf32, #tpu.memory_space<hbm>>) target(%arg7 : memref<1000x16xf32, #tpu.memory_space<vmem>>) target_semaphore(%arg10 : memref<!tpu.dma_semaphore, #tpu.memory_space<semaphore_mem>>)
    %add3A_10 = arith.constant 1000 : i32
    %add3A_11 = arith.addi %mul3A_2, %add3A_10 : i32
    %dma_start3A_12 = arith.constant 0 : i32
    %dma_start3A_13 = tpu.memref_slice %arg2[%add3A_11, %dma_start3A_12] : memref<320000x16xf32, #tpu.memory_space<hbm>> -> memref<1000x16xf32, #tpu.memory_space<hbm>>
    %dma_start3A_14 = arith.constant 0 : i32
    %dma_start3A_15 = tpu.memref_slice %arg2[%add3A_11, %dma_start3A_14] : memref<320000x16xf32, #tpu.memory_space<hbm>> -> memref<1000x16xf32, #tpu.memory_space<hbm>>
    tpu.enqueue_dma source(%dma_start3A_15 : memref<1000x16xf32, #tpu.memory_space<hbm>>) target(%arg8 : memref<1000x16xf32, #tpu.memory_space<vmem>>) target_semaphore(%arg11 : memref<!tpu.dma_semaphore, #tpu.memory_space<semaphore_mem>>)
    %scan3A = arith.constant 0 : i32
    %scan3A_16 = arith.constant 0 : i32
    %scan3A_17 = arith.constant 5 : i32
    %scan3A_18 = arith.addi %scan3A_16, %scan3A_17 : i32
    %scan3A_19 = arith.constant 1 : i32
    scf.for %scan3A_27 = %scan3A_16 to %scan3A_18 step %scan3A_19  : i32 {
      %mul3A_28 = arith.constant 2 : i32
      %mul3A_29 = arith.muli %mul3A_28, %scan3A_27 : i32
      %add3A_30 = arith.constant 1 : i32
      %add3A_31 = arith.addi %mul3A_29, %add3A_30 : i32
      %dma_wait3A = arith.constant 0 : i32
      %dma_wait3A_32 = tpu.memref_slice %arg2[%mul3A_2, %dma_wait3A] : memref<320000x16xf32, #tpu.memory_space<hbm>> -> memref<1000x16xf32, #tpu.memory_space<hbm>>
      %dma_wait3A_33 = arith.constant 0 : i32
      %dma_wait3A_34 = tpu.memref_slice %arg2[%mul3A_2, %dma_wait3A_33] : memref<320000x16xf32, #tpu.memory_space<hbm>> -> memref<1000x16xf32, #tpu.memory_space<hbm>>
      tpu.wait_dma2 semaphore(%arg10 : memref<!tpu.dma_semaphore, #tpu.memory_space<semaphore_mem>>) src(%dma_wait3A_34 : memref<1000x16xf32, #tpu.memory_space<hbm>>) dst(%arg7 : memref<1000x16xf32, #tpu.memory_space<vmem>>)
      %dma_start3A_35 = arith.constant 0 : i32
      %dma_start3A_36 = tpu.memref_slice %arg6[%mul3A_29, %dma_start3A_35] : memref<10x1000xi32, #tpu.memory_space<vmem>> -> memref<1x1000xi32, #tpu.memory_space<vmem>>
      %dma_start3A_37 = tpu.memref_squeeze %dma_start3A_36 : memref<1x1000xi32, #tpu.memory_space<vmem>> -> memref<1000xi32, #tpu.memory_space<vmem>>
      %dma_start3A_38 = arith.constant 0 : i32
      %dma_start3A_39 = arith.constant 0 : i32
      %dma_start3A_40 = tpu.memref_slice %arg9[%dma_start3A_38, %dma_start3A_39] : memref<10000x16xf32, #tpu.memory_space<vmem_shared>> -> memref<10000x16xf32, #tpu.memory_space<vmem_shared>>
      tpu.enqueue_indirect_dma source(%arg7 : memref<1000x16xf32, #tpu.memory_space<vmem>>) target(%dma_start3A_40 : memref<10000x16xf32, #tpu.memory_space<vmem_shared>>) offsets(%dma_start3A_37 : memref<1000xi32, #tpu.memory_space<vmem>>) semaphore(%arg12 : memref<!tpu.dma_semaphore, #tpu.memory_space<semaphore_mem>>) {add = true}
      %dma_wait3A_41 = arith.constant 0 : i32
      %dma_wait3A_42 = tpu.memref_slice %arg2[%mul3A_2, %dma_wait3A_41] : memref<320000x16xf32, #tpu.memory_space<hbm>> -> memref<1000x16xf32, #tpu.memory_space<hbm>>
      %dma_wait3A_43 = arith.constant 0 : i32
      %dma_wait3A_44 = tpu.memref_slice %arg2[%mul3A_2, %dma_wait3A_43] : memref<320000x16xf32, #tpu.memory_space<hbm>> -> memref<1000x16xf32, #tpu.memory_space<hbm>>
      tpu.wait_dma2 semaphore(%arg11 : memref<!tpu.dma_semaphore, #tpu.memory_space<semaphore_mem>>) src(%dma_wait3A_44 : memref<1000x16xf32, #tpu.memory_space<hbm>>) dst(%arg8 : memref<1000x16xf32, #tpu.memory_space<vmem>>)
      %dma_start3A_45 = arith.constant 0 : i32
      %dma_start3A_46 = tpu.memref_slice %arg6[%add3A_31, %dma_start3A_45] : memref<10x1000xi32, #tpu.memory_space<vmem>> -> memref<1x1000xi32, #tpu.memory_space<vmem>>
      %dma_start3A_47 = tpu.memref_squeeze %dma_start3A_46 : memref<1x1000xi32, #tpu.memory_space<vmem>> -> memref<1000xi32, #tpu.memory_space<vmem>>
      %dma_start3A_48 = arith.constant 0 : i32
      %dma_start3A_49 = arith.constant 0 : i32
      %dma_start3A_50 = tpu.memref_slice %arg9[%dma_start3A_48, %dma_start3A_49] : memref<10000x16xf32, #tpu.memory_space<vmem_shared>> -> memref<10000x16xf32, #tpu.memory_space<vmem_shared>>
      tpu.enqueue_indirect_dma source(%arg8 : memref<1000x16xf32, #tpu.memory_space<vmem>>) target(%dma_start3A_50 : memref<10000x16xf32, #tpu.memory_space<vmem_shared>>) offsets(%dma_start3A_47 : memref<1000xi32, #tpu.memory_space<vmem>>) semaphore(%arg13 : memref<!tpu.dma_semaphore, #tpu.memory_space<semaphore_mem>>) {add = true}
      %dma_wait3A_51 = arith.constant 0 : i32
      %dma_wait3A_52 = arith.constant 0 : i32
      %dma_wait3A_53 = tpu.memref_slice %arg6[%dma_wait3A_51, %dma_wait3A_52] : memref<10x1000xi32, #tpu.memory_space<vmem>> -> memref<1x1000xi32, #tpu.memory_space<vmem>>
      %dma_wait3A_54 = tpu.memref_squeeze %dma_wait3A_53 : memref<1x1000xi32, #tpu.memory_space<vmem>> -> memref<1000xi32, #tpu.memory_space<vmem>>
      %dma_wait3A_55 = arith.constant 0 : i32
      %dma_wait3A_56 = arith.constant 0 : i32
      %dma_wait3A_57 = tpu.memref_slice %arg9[%dma_wait3A_55, %dma_wait3A_56] : memref<10000x16xf32, #tpu.memory_space<vmem_shared>> -> memref<10000x16xf32, #tpu.memory_space<vmem_shared>>
      tpu.wait_indirect_dma semaphore(%arg12 : memref<!tpu.dma_semaphore, #tpu.memory_space<semaphore_mem>>) src(%arg7 : memref<1000x16xf32, #tpu.memory_space<vmem>>) dst(%dma_wait3A_57 : memref<10000x16xf32, #tpu.memory_space<vmem_shared>>)
      %add3A_58 = arith.constant 2 : i32
      %add3A_59 = arith.addi %mul3A_29, %add3A_58 : i32
      %lt3A = arith.constant 10 : i32
      %lt3A_60 = arith.cmpi slt, %add3A_59, %lt3A : i32
      %convert_element_type3A_61 = arith.extui %lt3A_60 : i1 to i32
      %cond3A_62 = arith.constant 0 : i32
      %cond3A_63 = arith.cmpi ne, %convert_element_type3A_61, %cond3A_62 : i32
      scf.if %cond3A_63 {
        %add3A_78 = arith.constant 2 : i32
        %add3A_79 = arith.addi %mul3A_29, %add3A_78 : i32
        %mul3A_80 = arith.constant 1000 : i32
        %mul3A_81 = arith.muli %add3A_79, %mul3A_80 : i32
        %add3A_82 = arith.addi %mul3A_2, %mul3A_81 : i32
        %dma_start3A_83 = arith.constant 0 : i32
        %dma_start3A_84 = tpu.memref_slice %arg2[%add3A_82, %dma_start3A_83] : memref<320000x16xf32, #tpu.memory_space<hbm>> -> memref<1000x16xf32, #tpu.memory_space<hbm>>
        %dma_start3A_85 = arith.constant 0 : i32
        %dma_start3A_86 = tpu.memref_slice %arg2[%add3A_82, %dma_start3A_85] : memref<320000x16xf32, #tpu.memory_space<hbm>> -> memref<1000x16xf32, #tpu.memory_space<hbm>>
        tpu.enqueue_dma source(%dma_start3A_86 : memref<1000x16xf32, #tpu.memory_space<hbm>>) target(%arg7 : memref<1000x16xf32, #tpu.memory_space<vmem>>) target_semaphore(%arg10 : memref<!tpu.dma_semaphore, #tpu.memory_space<semaphore_mem>>)
      } else {
      }
      %dma_wait3A_64 = arith.constant 0 : i32
      %dma_wait3A_65 = arith.constant 0 : i32
      %dma_wait3A_66 = tpu.memref_slice %arg6[%dma_wait3A_64, %dma_wait3A_65] : memref<10x1000xi32, #tpu.memory_space<vmem>> -> memref<1x1000xi32, #tpu.memory_space<vmem>>
      %dma_wait3A_67 = tpu.memref_squeeze %dma_wait3A_66 : memref<1x1000xi32, #tpu.memory_space<vmem>> -> memref<1000xi32, #tpu.memory_space<vmem>>
      %dma_wait3A_68 = arith.constant 0 : i32
      %dma_wait3A_69 = arith.constant 0 : i32
      %dma_wait3A_70 = tpu.memref_slice %arg9[%dma_wait3A_68, %dma_wait3A_69] : memref<10000x16xf32, #tpu.memory_space<vmem_shared>> -> memref<10000x16xf32, #tpu.memory_space<vmem_shared>>
      tpu.wait_indirect_dma semaphore(%arg13 : memref<!tpu.dma_semaphore, #tpu.memory_space<semaphore_mem>>) src(%arg8 : memref<1000x16xf32, #tpu.memory_space<vmem>>) dst(%dma_wait3A_70 : memref<10000x16xf32, #tpu.memory_space<vmem_shared>>)
      %add3A_71 = arith.constant 2 : i32
      %add3A_72 = arith.addi %add3A_31, %add3A_71 : i32
      %lt3A_73 = arith.constant 10 : i32
      %lt3A_74 = arith.cmpi slt, %add3A_72, %lt3A_73 : i32
      %convert_element_type3A_75 = arith.extui %lt3A_74 : i1 to i32
      %cond3A_76 = arith.constant 0 : i32
      %cond3A_77 = arith.cmpi ne, %convert_element_type3A_75, %cond3A_76 : i32
      scf.if %cond3A_77 {
        %add3A_78 = arith.constant 2 : i32
        %add3A_79 = arith.addi %add3A_31, %add3A_78 : i32
        %mul3A_80 = arith.constant 1000 : i32
        %mul3A_81 = arith.muli %add3A_79, %mul3A_80 : i32
        %add3A_82 = arith.addi %mul3A_2, %mul3A_81 : i32
        %dma_start3A_83 = arith.constant 0 : i32
        %dma_start3A_84 = tpu.memref_slice %arg2[%add3A_82, %dma_start3A_83] : memref<320000x16xf32, #tpu.memory_space<hbm>> -> memref<1000x16xf32, #tpu.memory_space<hbm>>
        %dma_start3A_85 = arith.constant 0 : i32
        %dma_start3A_86 = tpu.memref_slice %arg2[%add3A_82, %dma_start3A_85] : memref<320000x16xf32, #tpu.memory_space<hbm>> -> memref<1000x16xf32, #tpu.memory_space<hbm>>
        tpu.enqueue_dma source(%dma_start3A_86 : memref<1000x16xf32, #tpu.memory_space<hbm>>) target(%arg8 : memref<1000x16xf32, #tpu.memory_space<vmem>>) target_semaphore(%arg11 : memref<!tpu.dma_semaphore, #tpu.memory_space<semaphore_mem>>)
      } else {
      }
    }
    %scan3A_20 = arith.constant 5 : i32
    %barrier3A_21 = arith.constant 0 : index
    tpu.barrier barrier_id(%barrier3A_21)
    %eq3A_22 = arith.constant 0 : i32
    %eq3A_23 = arith.cmpi eq, %arg1, %eq3A_22 : i32
    %convert_element_type3A_24 = arith.extui %eq3A_23 : i1 to i32
    %cond3A_25 = arith.constant 0 : i32
    %cond3A_26 = arith.cmpi ne, %convert_element_type3A_24, %cond3A_25 : i32
    scf.if %cond3A_26 {
      %mul3A_27 = arith.constant 10000 : i32
      %mul3A_28 = arith.muli %arg0, %mul3A_27 : i32
      "tpu.region"() ({
        %run_scoped3A = tpu.sem_alloc : memref<!tpu.dma_semaphore, #tpu.memory_space<semaphore_mem>>
        %dma_start3A_29 = arith.constant 0 : i32
        %dma_start3A_30 = tpu.memref_slice %arg5[%mul3A_28, %dma_start3A_29] : memref<20000x16xf32, #tpu.memory_space<hbm>> -> memref<10000x16xf32, #tpu.memory_space<hbm>>
        tpu.enqueue_dma source(%arg9 : memref<10000x16xf32, #tpu.memory_space<vmem_shared>>) target(%dma_start3A_30 : memref<10000x16xf32, #tpu.memory_space<hbm>>) target_semaphore(%run_scoped3A : memref<!tpu.dma_semaphore, #tpu.memory_space<semaphore_mem>>)
        %dma_wait3A = arith.constant 0 : i32
        %dma_wait3A_31 = tpu.memref_slice %arg5[%mul3A_28, %dma_wait3A] : memref<20000x16xf32, #tpu.memory_space<hbm>> -> memref<10000x16xf32, #tpu.memory_space<hbm>>
        tpu.wait_dma2 semaphore(%run_scoped3A : memref<!tpu.dma_semaphore, #tpu.memory_space<semaphore_mem>>) src(%arg9 : memref<10000x16xf32, #tpu.memory_space<vmem_shared>>) dst(%dma_wait3A_31 : memref<10000x16xf32, #tpu.memory_space<hbm>>)
        tpu.yield
      }) : () -> ()
    } else {
    }
    return
  }
}

#map = affine_map<(d0, d1) -> (0, 0)>
#map1 = affine_map<(d0, d1) -> (0, 0, 0)>
module attributes {stable_mosaic.version = 14 : i64} {
  func.func @_scatter_body(%arg0: i32, %arg1: i32, %arg2: memref<320000x16xf32, #tpu.memory_space<hbm>>, %arg3: memref<32x10x1000xi32, #tpu.memory_space<hbm>>, %arg4: memref<10000x16xf32, #tpu.memory_space<hbm>>, %arg5: memref<20000x16xf32, #tpu.memory_space<hbm>>, %arg6: memref<10x1000xi32, #tpu.memory_space<vmem>>, %arg7: memref<1000x16xf32, #tpu.memory_space<vmem>>, %arg8: memref<1000x16xf32, #tpu.memory_space<vmem>>, %arg9: memref<10000x16xf32, #tpu.memory_space<vmem_shared>>, %arg10: memref<!tpu.dma_semaphore, #tpu.memory_space<semaphore_mem>>, %arg11: memref<!tpu.dma_semaphore, #tpu.memory_space<semaphore_mem>>, %arg12: memref<!tpu.dma_semaphore, #tpu.memory_space<semaphore_mem>>, %arg13: memref<!tpu.dma_semaphore, #tpu.memory_space<semaphore_mem>>) attributes {dimension_semantics = [#tpu.dimension_semantics<core_parallel>, #tpu.dimension_semantics<subcore_parallel>], iteration_bounds = array<i64: 2, 16>, scalar_prefetch = 0 : i64, scratch_operands = 8 : i64, tpu.core_type = #tpu.core_type<sc_vector_subcore>, window_params = [{transform_indices = #map}, {transform_indices = #map1}, {transform_indices = #map}, {transform_indices = #map}]} {
    %mul3A = arith.constant 16 : i32
    %mul3A_0 = arith.muli %arg0, %mul3A : i32
    %add3A = arith.addi %mul3A_0, %arg1 : i32
    %mul3A_1 = arith.constant 10000 : i32
    %mul3A_2 = arith.muli %add3A, %mul3A_1 : i32
    %eq3A = arith.constant 0 : i32
    %eq3A_3 = arith.cmpi eq, %arg1, %eq3A : i32
    %convert_element_type3A = arith.extui %eq3A_3 : i1 to i32
    %cond3A = arith.constant 0 : i32
    %cond3A_4 = arith.cmpi ne, %convert_element_type3A, %cond3A : i32
    scf.if %cond3A_4 {
      "tpu.region"() ({
        %run_scoped3A = tpu.sem_alloc : memref<!tpu.dma_semaphore, #tpu.memory_space<semaphore_mem>>
        tpu.enqueue_dma source(%arg4 : memref<10000x16xf32, #tpu.memory_space<hbm>>) target(%arg9 : memref<10000x16xf32, #tpu.memory_space<vmem_shared>>) target_semaphore(%run_scoped3A : memref<!tpu.dma_semaphore, #tpu.memory_space<semaphore_mem>>)
        tpu.wait_dma2 semaphore(%run_scoped3A : memref<!tpu.dma_semaphore, #tpu.memory_space<semaphore_mem>>) src(%arg4 : memref<10000x16xf32, #tpu.memory_space<hbm>>) dst(%arg9 : memref<10000x16xf32, #tpu.memory_space<vmem_shared>>)
        tpu.yield
      }) : () -> ()
    } else {
    }
    %barrier3A = arith.constant 0 : index
    tpu.barrier barrier_id(%barrier3A)
    "tpu.region"() ({
      %run_scoped3A = tpu.sem_alloc : memref<!tpu.dma_semaphore, #tpu.memory_space<semaphore_mem>>
      %dma_start3A_27 = arith.constant 0 : i32
      %dma_start3A_28 = arith.constant 0 : i32
      %dma_start3A_29 = tpu.memref_slice %arg3[%add3A, %dma_start3A_27, %dma_start3A_28] : memref<32x10x1000xi32, #tpu.memory_space<hbm>> -> memref<1x10x1000xi32, #tpu.memory_space<hbm>>
      %dma_start3A_30 = tpu.memref_squeeze %dma_start3A_29 : memref<1x10x1000xi32, #tpu.memory_space<hbm>> -> memref<10x1000xi32, #tpu.memory_space<hbm>>
      %dma_start3A_31 = arith.constant 0 : i32
      %dma_start3A_32 = arith.constant 0 : i32
      %dma_start3A_33 = tpu.memref_slice %arg3[%add3A, %dma_start3A_31, %dma_start3A_32] : memref<32x10x1000xi32, #tpu.memory_space<hbm>> -> memref<1x10x1000xi32, #tpu.memory_space<hbm>>
      %dma_start3A_34 = tpu.memref_squeeze %dma_start3A_33 : memref<1x10x1000xi32, #tpu.memory_space<hbm>> -> memref<10x1000xi32, #tpu.memory_space<hbm>>
      tpu.enqueue_dma source(%dma_start3A_34 : memref<10x1000xi32, #tpu.memory_space<hbm>>) target(%arg6 : memref<10x1000xi32, #tpu.memory_space<vmem>>) target_semaphore(%run_scoped3A : memref<!tpu.dma_semaphore, #tpu.memory_space<semaphore_mem>>)
      %dma_wait3A = arith.constant 0 : i32
      %dma_wait3A_35 = arith.constant 0 : i32
      %dma_wait3A_36 = tpu.memref_slice %arg3[%add3A, %dma_wait3A, %dma_wait3A_35] : memref<32x10x1000xi32, #tpu.memory_space<hbm>> -> memref<1x10x1000xi32, #tpu.memory_space<hbm>>
      %dma_wait3A_37 = tpu.memref_squeeze %dma_wait3A_36 : memref<1x10x1000xi32, #tpu.memory_space<hbm>> -> memref<10x1000xi32, #tpu.memory_space<hbm>>
      %dma_wait3A_38 = arith.constant 0 : i32
      %dma_wait3A_39 = arith.constant 0 : i32
      %dma_wait3A_40 = tpu.memref_slice %arg3[%add3A, %dma_wait3A_38, %dma_wait3A_39] : memref<32x10x1000xi32, #tpu.memory_space<hbm>> -> memref<1x10x1000xi32, #tpu.memory_space<hbm>>
      %dma_wait3A_41 = tpu.memref_squeeze %dma_wait3A_40 : memref<1x10x1000xi32, #tpu.memory_space<hbm>> -> memref<10x1000xi32, #tpu.memory_space<hbm>>
      tpu.wait_dma2 semaphore(%run_scoped3A : memref<!tpu.dma_semaphore, #tpu.memory_space<semaphore_mem>>) src(%dma_wait3A_41 : memref<10x1000xi32, #tpu.memory_space<hbm>>) dst(%arg6 : memref<10x1000xi32, #tpu.memory_space<vmem>>)
      tpu.yield
    }) : () -> ()
    %add3A_5 = arith.constant 0 : i32
    %add3A_6 = arith.addi %mul3A_2, %add3A_5 : i32
    %dma_start3A = arith.constant 0 : i32
    %dma_start3A_7 = tpu.memref_slice %arg2[%add3A_6, %dma_start3A] : memref<320000x16xf32, #tpu.memory_space<hbm>> -> memref<1000x16xf32, #tpu.memory_space<hbm>>
    %dma_start3A_8 = arith.constant 0 : i32
    %dma_start3A_9 = tpu.memref_slice %arg2[%add3A_6, %dma_start3A_8] : memref<320000x16xf32, #tpu.memory_space<hbm>> -> memref<1000x16xf32, #tpu.memory_space<hbm>>
    tpu.enqueue_dma source(%dma_start3A_9 : memref<1000x16xf32, #tpu.memory_space<hbm>>) target(%arg7 : memref<1000x16xf32, #tpu.memory_space<vmem>>) target_semaphore(%arg10 : memref<!tpu.dma_semaphore, #tpu.memory_space<semaphore_mem>>)
    %add3A_10 = arith.constant 1000 : i32
    %add3A_11 = arith.addi %mul3A_2, %add3A_10 : i32
    %dma_start3A_12 = arith.constant 0 : i32
    %dma_start3A_13 = tpu.memref_slice %arg2[%add3A_11, %dma_start3A_12] : memref<320000x16xf32, #tpu.memory_space<hbm>> -> memref<1000x16xf32, #tpu.memory_space<hbm>>
    %dma_start3A_14 = arith.constant 0 : i32
    %dma_start3A_15 = tpu.memref_slice %arg2[%add3A_11, %dma_start3A_14] : memref<320000x16xf32, #tpu.memory_space<hbm>> -> memref<1000x16xf32, #tpu.memory_space<hbm>>
    tpu.enqueue_dma source(%dma_start3A_15 : memref<1000x16xf32, #tpu.memory_space<hbm>>) target(%arg8 : memref<1000x16xf32, #tpu.memory_space<vmem>>) target_semaphore(%arg11 : memref<!tpu.dma_semaphore, #tpu.memory_space<semaphore_mem>>)
    %scan3A = arith.constant 0 : i32
    %scan3A_16 = arith.constant 0 : i32
    %scan3A_17 = arith.constant 5 : i32
    %scan3A_18 = arith.addi %scan3A_16, %scan3A_17 : i32
    %scan3A_19 = arith.constant 1 : i32
    scf.for %scan3A_27 = %scan3A_16 to %scan3A_18 step %scan3A_19  : i32 {
      %mul3A_28 = arith.constant 2 : i32
      %mul3A_29 = arith.muli %mul3A_28, %scan3A_27 : i32
      %add3A_30 = arith.constant 1 : i32
      %add3A_31 = arith.addi %mul3A_29, %add3A_30 : i32
      %dma_wait3A = arith.constant 0 : i32
      %dma_wait3A_32 = tpu.memref_slice %arg2[%mul3A_2, %dma_wait3A] : memref<320000x16xf32, #tpu.memory_space<hbm>> -> memref<1000x16xf32, #tpu.memory_space<hbm>>
      %dma_wait3A_33 = arith.constant 0 : i32
      %dma_wait3A_34 = tpu.memref_slice %arg2[%mul3A_2, %dma_wait3A_33] : memref<320000x16xf32, #tpu.memory_space<hbm>> -> memref<1000x16xf32, #tpu.memory_space<hbm>>
      tpu.wait_dma2 semaphore(%arg10 : memref<!tpu.dma_semaphore, #tpu.memory_space<semaphore_mem>>) src(%dma_wait3A_34 : memref<1000x16xf32, #tpu.memory_space<hbm>>) dst(%arg7 : memref<1000x16xf32, #tpu.memory_space<vmem>>)
      %dma_start3A_35 = arith.constant 0 : i32
      %dma_start3A_36 = tpu.memref_slice %arg6[%mul3A_29, %dma_start3A_35] : memref<10x1000xi32, #tpu.memory_space<vmem>> -> memref<1x1000xi32, #tpu.memory_space<vmem>>
      %dma_start3A_37 = tpu.memref_squeeze %dma_start3A_36 : memref<1x1000xi32, #tpu.memory_space<vmem>> -> memref<1000xi32, #tpu.memory_space<vmem>>
      %dma_start3A_38 = arith.constant 0 : i32
      %dma_start3A_39 = arith.constant 0 : i32
      %dma_start3A_40 = tpu.memref_slice %arg9[%dma_start3A_38, %dma_start3A_39] : memref<10000x16xf32, #tpu.memory_space<vmem_shared>> -> memref<10000x16xf32, #tpu.memory_space<vmem_shared>>
      tpu.enqueue_indirect_dma source(%arg7 : memref<1000x16xf32, #tpu.memory_space<vmem>>) target(%dma_start3A_40 : memref<10000x16xf32, #tpu.memory_space<vmem_shared>>) offsets(%dma_start3A_37 : memref<1000xi32, #tpu.memory_space<vmem>>) semaphore(%arg12 : memref<!tpu.dma_semaphore, #tpu.memory_space<semaphore_mem>>) {add = true}
      %dma_wait3A_41 = arith.constant 0 : i32
      %dma_wait3A_42 = tpu.memref_slice %arg2[%mul3A_2, %dma_wait3A_41] : memref<320000x16xf32, #tpu.memory_space<hbm>> -> memref<1000x16xf32, #tpu.memory_space<hbm>>
      %dma_wait3A_43 = arith.constant 0 : i32
      %dma_wait3A_44 = tpu.memref_slice %arg2[%mul3A_2, %dma_wait3A_43] : memref<320000x16xf32, #tpu.memory_space<hbm>> -> memref<1000x16xf32, #tpu.memory_space<hbm>>
      tpu.wait_dma2 semaphore(%arg11 : memref<!tpu.dma_semaphore, #tpu.memory_space<semaphore_mem>>) src(%dma_wait3A_44 : memref<1000x16xf32, #tpu.memory_space<hbm>>) dst(%arg8 : memref<1000x16xf32, #tpu.memory_space<vmem>>)
      %dma_start3A_45 = arith.constant 0 : i32
      %dma_start3A_46 = tpu.memref_slice %arg6[%add3A_31, %dma_start3A_45] : memref<10x1000xi32, #tpu.memory_space<vmem>> -> memref<1x1000xi32, #tpu.memory_space<vmem>>
      %dma_start3A_47 = tpu.memref_squeeze %dma_start3A_46 : memref<1x1000xi32, #tpu.memory_space<vmem>> -> memref<1000xi32, #tpu.memory_space<vmem>>
      %dma_start3A_48 = arith.constant 0 : i32
      %dma_start3A_49 = arith.constant 0 : i32
      %dma_start3A_50 = tpu.memref_slice %arg9[%dma_start3A_48, %dma_start3A_49] : memref<10000x16xf32, #tpu.memory_space<vmem_shared>> -> memref<10000x16xf32, #tpu.memory_space<vmem_shared>>
      tpu.enqueue_indirect_dma source(%arg8 : memref<1000x16xf32, #tpu.memory_space<vmem>>) target(%dma_start3A_50 : memref<10000x16xf32, #tpu.memory_space<vmem_shared>>) offsets(%dma_start3A_47 : memref<1000xi32, #tpu.memory_space<vmem>>) semaphore(%arg13 : memref<!tpu.dma_semaphore, #tpu.memory_space<semaphore_mem>>) {add = true}
      %dma_wait3A_51 = arith.constant 0 : i32
      %dma_wait3A_52 = arith.constant 0 : i32
      %dma_wait3A_53 = tpu.memref_slice %arg6[%dma_wait3A_51, %dma_wait3A_52] : memref<10x1000xi32, #tpu.memory_space<vmem>> -> memref<1x1000xi32, #tpu.memory_space<vmem>>
      %dma_wait3A_54 = tpu.memref_squeeze %dma_wait3A_53 : memref<1x1000xi32, #tpu.memory_space<vmem>> -> memref<1000xi32, #tpu.memory_space<vmem>>
      %dma_wait3A_55 = arith.constant 0 : i32
      %dma_wait3A_56 = arith.constant 0 : i32
      %dma_wait3A_57 = tpu.memref_slice %arg9[%dma_wait3A_55, %dma_wait3A_56] : memref<10000x16xf32, #tpu.memory_space<vmem_shared>> -> memref<10000x16xf32, #tpu.memory_space<vmem_shared>>
      tpu.wait_indirect_dma semaphore(%arg12 : memref<!tpu.dma_semaphore, #tpu.memory_space<semaphore_mem>>) src(%arg7 : memref<1000x16xf32, #tpu.memory_space<vmem>>) dst(%dma_wait3A_57 : memref<10000x16xf32, #tpu.memory_space<vmem_shared>>)
      %add3A_58 = arith.constant 2 : i32
      %add3A_59 = arith.addi %mul3A_29, %add3A_58 : i32
      %lt3A = arith.constant 10 : i32
      %lt3A_60 = arith.cmpi slt, %add3A_59, %lt3A : i32
      %convert_element_type3A_61 = arith.extui %lt3A_60 : i1 to i32
      %cond3A_62 = arith.constant 0 : i32
      %cond3A_63 = arith.cmpi ne, %convert_element_type3A_61, %cond3A_62 : i32
      scf.if %cond3A_63 {
        %add3A_78 = arith.constant 2 : i32
        %add3A_79 = arith.addi %mul3A_29, %add3A_78 : i32
        %mul3A_80 = arith.constant 1000 : i32
        %mul3A_81 = arith.muli %add3A_79, %mul3A_80 : i32
        %add3A_82 = arith.addi %mul3A_2, %mul3A_81 : i32
        %dma_start3A_83 = arith.constant 0 : i32
        %dma_start3A_84 = tpu.memref_slice %arg2[%add3A_82, %dma_start3A_83] : memref<320000x16xf32, #tpu.memory_space<hbm>> -> memref<1000x16xf32, #tpu.memory_space<hbm>>
        %dma_start3A_85 = arith.constant 0 : i32
        %dma_start3A_86 = tpu.memref_slice %arg2[%add3A_82, %dma_start3A_85] : memref<320000x16xf32, #tpu.memory_space<hbm>> -> memref<1000x16xf32, #tpu.memory_space<hbm>>
        tpu.enqueue_dma source(%dma_start3A_86 : memref<1000x16xf32, #tpu.memory_space<hbm>>) target(%arg7 : memref<1000x16xf32, #tpu.memory_space<vmem>>) target_semaphore(%arg10 : memref<!tpu.dma_semaphore, #tpu.memory_space<semaphore_mem>>)
      } else {
      }
      %dma_wait3A_64 = arith.constant 0 : i32
      %dma_wait3A_65 = arith.constant 0 : i32
      %dma_wait3A_66 = tpu.memref_slice %arg6[%dma_wait3A_64, %dma_wait3A_65] : memref<10x1000xi32, #tpu.memory_space<vmem>> -> memref<1x1000xi32, #tpu.memory_space<vmem>>
      %dma_wait3A_67 = tpu.memref_squeeze %dma_wait3A_66 : memref<1x1000xi32, #tpu.memory_space<vmem>> -> memref<1000xi32, #tpu.memory_space<vmem>>
      %dma_wait3A_68 = arith.constant 0 : i32
      %dma_wait3A_69 = arith.constant 0 : i32
      %dma_wait3A_70 = tpu.memref_slice %arg9[%dma_wait3A_68, %dma_wait3A_69] : memref<10000x16xf32, #tpu.memory_space<vmem_shared>> -> memref<10000x16xf32, #tpu.memory_space<vmem_shared>>
      tpu.wait_indirect_dma semaphore(%arg13 : memref<!tpu.dma_semaphore, #tpu.memory_space<semaphore_mem>>) src(%arg8 : memref<1000x16xf32, #tpu.memory_space<vmem>>) dst(%dma_wait3A_70 : memref<10000x16xf32, #tpu.memory_space<vmem_shared>>)
      %add3A_71 = arith.constant 2 : i32
      %add3A_72 = arith.addi %add3A_31, %add3A_71 : i32
      %lt3A_73 = arith.constant 10 : i32
      %lt3A_74 = arith.cmpi slt, %add3A_72, %lt3A_73 : i32
      %convert_element_type3A_75 = arith.extui %lt3A_74 : i1 to i32
      %cond3A_76 = arith.constant 0 : i32
      %cond3A_77 = arith.cmpi ne, %convert_element_type3A_75, %cond3A_76 : i32
      scf.if %cond3A_77 {
        %add3A_78 = arith.constant 2 : i32
        %add3A_79 = arith.addi %add3A_31, %add3A_78 : i32
        %mul3A_80 = arith.constant 1000 : i32
        %mul3A_81 = arith.muli %add3A_79, %mul3A_80 : i32
        %add3A_82 = arith.addi %mul3A_2, %mul3A_81 : i32
        %dma_start3A_83 = arith.constant 0 : i32
        %dma_start3A_84 = tpu.memref_slice %arg2[%add3A_82, %dma_start3A_83] : memref<320000x16xf32, #tpu.memory_space<hbm>> -> memref<1000x16xf32, #tpu.memory_space<hbm>>
        %dma_start3A_85 = arith.constant 0 : i32
        %dma_start3A_86 = tpu.memref_slice %arg2[%add3A_82, %dma_start3A_85] : memref<320000x16xf32, #tpu.memory_space<hbm>> -> memref<1000x16xf32, #tpu.memory_space<hbm>>
        tpu.enqueue_dma source(%dma_start3A_86 : memref<1000x16xf32, #tpu.memory_space<hbm>>) target(%arg8 : memref<1000x16xf32, #tpu.memory_space<vmem>>) target_semaphore(%arg11 : memref<!tpu.dma_semaphore, #tpu.memory_space<semaphore_mem>>)
      } else {
      }
    }
    %scan3A_20 = arith.constant 5 : i32
    %barrier3A_21 = arith.constant 0 : index
    tpu.barrier barrier_id(%barrier3A_21)
    %eq3A_22 = arith.constant 0 : i32
    %eq3A_23 = arith.cmpi eq, %arg1, %eq3A_22 : i32
    %convert_element_type3A_24 = arith.extui %eq3A_23 : i1 to i32
    %cond3A_25 = arith.constant 0 : i32
    %cond3A_26 = arith.cmpi ne, %convert_element_type3A_24, %cond3A_25 : i32
    scf.if %cond3A_26 {
      %mul3A_27 = arith.constant 10000 : i32
      %mul3A_28 = arith.muli %arg0, %mul3A_27 : i32
      "tpu.region"() ({
        %run_scoped3A = tpu.sem_alloc : memref<!tpu.dma_semaphore, #tpu.memory_space<semaphore_mem>>
        %dma_start3A_29 = arith.constant 0 : i32
        %dma_start3A_30 = tpu.memref_slice %arg5[%mul3A_28, %dma_start3A_29] : memref<20000x16xf32, #tpu.memory_space<hbm>> -> memref<10000x16xf32, #tpu.memory_space<hbm>>
        tpu.enqueue_dma source(%arg9 : memref<10000x16xf32, #tpu.memory_space<vmem_shared>>) target(%dma_start3A_30 : memref<10000x16xf32, #tpu.memory_space<hbm>>) target_semaphore(%run_scoped3A : memref<!tpu.dma_semaphore, #tpu.memory_space<semaphore_mem>>)
        %dma_wait3A = arith.constant 0 : i32
        %dma_wait3A_31 = tpu.memref_slice %arg5[%mul3A_28, %dma_wait3A] : memref<20000x16xf32, #tpu.memory_space<hbm>> -> memref<10000x16xf32, #tpu.memory_space<hbm>>
        tpu.wait_dma2 semaphore(%run_scoped3A : memref<!tpu.dma_semaphore, #tpu.memory_space<semaphore_mem>>) src(%arg9 : memref<10000x16xf32, #tpu.memory_space<vmem_shared>>) dst(%dma_wait3A_31 : memref<10000x16xf32, #tpu.memory_space<hbm>>)
        tpu.yield
      }) : () -> ()
    } else {
    }
    return
  }
}

#map = affine_map<(d0, d1) -> (0, 0)>
#map1 = affine_map<(d0, d1) -> (0, 0, 0)>
module attributes {stable_mosaic.version = 14 : i64} {
  func.func @_gather2_body(%arg0: i32, %arg1: i32, %arg2: memref<10000x16xf32, #tpu.memory_space<hbm>>, %arg3: memref<32x10x1000xi32, #tpu.memory_space<hbm>>, %arg4: memref<320000x16xf32, #tpu.memory_space<hbm>>, %arg5: memref<32x10x1000xi32, #tpu.memory_space<hbm>>, %arg6: memref<320000x16xf32, #tpu.memory_space<hbm>>, %arg7: memref<320000x16xf32, #tpu.memory_space<hbm>>, %arg8: memref<10x1000xi32, #tpu.memory_space<vmem>>, %arg9: memref<10x1000xi32, #tpu.memory_space<vmem>>, %arg10: memref<1000x16xf32, #tpu.memory_space<vmem>>, %arg11: memref<1000x16xf32, #tpu.memory_space<vmem>>, %arg12: memref<1000x16xf32, #tpu.memory_space<vmem>>, %arg13: memref<1000x16xf32, #tpu.memory_space<vmem>>, %arg14: memref<!tpu.dma_semaphore, #tpu.memory_space<semaphore_mem>>, %arg15: memref<!tpu.dma_semaphore, #tpu.memory_space<semaphore_mem>>, %arg16: memref<!tpu.dma_semaphore, #tpu.memory_space<semaphore_mem>>, %arg17: memref<!tpu.dma_semaphore, #tpu.memory_space<semaphore_mem>>, %arg18: memref<!tpu.dma_semaphore, #tpu.memory_space<semaphore_mem>>, %arg19: memref<!tpu.dma_semaphore, #tpu.memory_space<semaphore_mem>>, %arg20: memref<!tpu.dma_semaphore, #tpu.memory_space<semaphore_mem>>, %arg21: memref<!tpu.dma_semaphore, #tpu.memory_space<semaphore_mem>>) attributes {dimension_semantics = [#tpu.dimension_semantics<core_parallel>, #tpu.dimension_semantics<subcore_parallel>], iteration_bounds = array<i64: 2, 16>, scalar_prefetch = 0 : i64, scratch_operands = 14 : i64, tpu.core_type = #tpu.core_type<sc_vector_subcore>, window_params = [{transform_indices = #map}, {transform_indices = #map1}, {transform_indices = #map}, {transform_indices = #map1}, {transform_indices = #map}, {transform_indices = #map}]} {
    %mul3A = arith.constant 16 : i32
    %mul3A_0 = arith.muli %arg0, %mul3A : i32
    %add3A = arith.addi %mul3A_0, %arg1 : i32
    %mul3A_1 = arith.constant 10000 : i32
    %mul3A_2 = arith.muli %add3A, %mul3A_1 : i32
    "tpu.region"() ({
      %run_scoped3A = tpu.sem_alloc : memref<!tpu.dma_semaphore, #tpu.memory_space<semaphore_mem>>
      %dma_start3A_35 = arith.constant 0 : i32
      %dma_start3A_36 = arith.constant 0 : i32
      %dma_start3A_37 = tpu.memref_slice %arg3[%add3A, %dma_start3A_35, %dma_start3A_36] : memref<32x10x1000xi32, #tpu.memory_space<hbm>> -> memref<1x10x1000xi32, #tpu.memory_space<hbm>>
      %dma_start3A_38 = tpu.memref_squeeze %dma_start3A_37 : memref<1x10x1000xi32, #tpu.memory_space<hbm>> -> memref<10x1000xi32, #tpu.memory_space<hbm>>
      %dma_start3A_39 = arith.constant 0 : i32
      %dma_start3A_40 = arith.constant 0 : i32
      %dma_start3A_41 = tpu.memref_slice %arg3[%add3A, %dma_start3A_39, %dma_start3A_40] : memref<32x10x1000xi32, #tpu.memory_space<hbm>> -> memref<1x10x1000xi32, #tpu.memory_space<hbm>>
      %dma_start3A_42 = tpu.memref_squeeze %dma_start3A_41 : memref<1x10x1000xi32, #tpu.memory_space<hbm>> -> memref<10x1000xi32, #tpu.memory_space<hbm>>
      tpu.enqueue_dma source(%dma_start3A_42 : memref<10x1000xi32, #tpu.memory_space<hbm>>) target(%arg8 : memref<10x1000xi32, #tpu.memory_space<vmem>>) target_semaphore(%run_scoped3A : memref<!tpu.dma_semaphore, #tpu.memory_space<semaphore_mem>>)
      %dma_wait3A = arith.constant 0 : i32
      %dma_wait3A_43 = arith.constant 0 : i32
      %dma_wait3A_44 = tpu.memref_slice %arg3[%add3A, %dma_wait3A, %dma_wait3A_43] : memref<32x10x1000xi32, #tpu.memory_space<hbm>> -> memref<1x10x1000xi32, #tpu.memory_space<hbm>>
      %dma_wait3A_45 = tpu.memref_squeeze %dma_wait3A_44 : memref<1x10x1000xi32, #tpu.memory_space<hbm>> -> memref<10x1000xi32, #tpu.memory_space<hbm>>
      %dma_wait3A_46 = arith.constant 0 : i32
      %dma_wait3A_47 = arith.constant 0 : i32
      %dma_wait3A_48 = tpu.memref_slice %arg3[%add3A, %dma_wait3A_46, %dma_wait3A_47] : memref<32x10x1000xi32, #tpu.memory_space<hbm>> -> memref<1x10x1000xi32, #tpu.memory_space<hbm>>
      %dma_wait3A_49 = tpu.memref_squeeze %dma_wait3A_48 : memref<1x10x1000xi32, #tpu.memory_space<hbm>> -> memref<10x1000xi32, #tpu.memory_space<hbm>>
      tpu.wait_dma2 semaphore(%run_scoped3A : memref<!tpu.dma_semaphore, #tpu.memory_space<semaphore_mem>>) src(%dma_wait3A_49 : memref<10x1000xi32, #tpu.memory_space<hbm>>) dst(%arg8 : memref<10x1000xi32, #tpu.memory_space<vmem>>)
      tpu.yield
    }) : () -> ()
    "tpu.region"() ({
      %run_scoped3A = tpu.sem_alloc : memref<!tpu.dma_semaphore, #tpu.memory_space<semaphore_mem>>
      %dma_start3A_35 = arith.constant 0 : i32
      %dma_start3A_36 = arith.constant 0 : i32
      %dma_start3A_37 = tpu.memref_slice %arg5[%add3A, %dma_start3A_35, %dma_start3A_36] : memref<32x10x1000xi32, #tpu.memory_space<hbm>> -> memref<1x10x1000xi32, #tpu.memory_space<hbm>>
      %dma_start3A_38 = tpu.memref_squeeze %dma_start3A_37 : memref<1x10x1000xi32, #tpu.memory_space<hbm>> -> memref<10x1000xi32, #tpu.memory_space<hbm>>
      %dma_start3A_39 = arith.constant 0 : i32
      %dma_start3A_40 = arith.constant 0 : i32
      %dma_start3A_41 = tpu.memref_slice %arg5[%add3A, %dma_start3A_39, %dma_start3A_40] : memref<32x10x1000xi32, #tpu.memory_space<hbm>> -> memref<1x10x1000xi32, #tpu.memory_space<hbm>>
      %dma_start3A_42 = tpu.memref_squeeze %dma_start3A_41 : memref<1x10x1000xi32, #tpu.memory_space<hbm>> -> memref<10x1000xi32, #tpu.memory_space<hbm>>
      tpu.enqueue_dma source(%dma_start3A_42 : memref<10x1000xi32, #tpu.memory_space<hbm>>) target(%arg9 : memref<10x1000xi32, #tpu.memory_space<vmem>>) target_semaphore(%run_scoped3A : memref<!tpu.dma_semaphore, #tpu.memory_space<semaphore_mem>>)
      %dma_wait3A = arith.constant 0 : i32
      %dma_wait3A_43 = arith.constant 0 : i32
      %dma_wait3A_44 = tpu.memref_slice %arg5[%add3A, %dma_wait3A, %dma_wait3A_43] : memref<32x10x1000xi32, #tpu.memory_space<hbm>> -> memref<1x10x1000xi32, #tpu.memory_space<hbm>>
      %dma_wait3A_45 = tpu.memref_squeeze %dma_wait3A_44 : memref<1x10x1000xi32, #tpu.memory_space<hbm>> -> memref<10x1000xi32, #tpu.memory_space<hbm>>
      %dma_wait3A_46 = arith.constant 0 : i32
      %dma_wait3A_47 = arith.constant 0 : i32
      %dma_wait3A_48 = tpu.memref_slice %arg5[%add3A, %dma_wait3A_46, %dma_wait3A_47] : memref<32x10x1000xi32, #tpu.memory_space<hbm>> -> memref<1x10x1000xi32, #tpu.memory_space<hbm>>
      %dma_wait3A_49 = tpu.memref_squeeze %dma_wait3A_48 : memref<1x10x1000xi32, #tpu.memory_space<hbm>> -> memref<10x1000xi32, #tpu.memory_space<hbm>>
      tpu.wait_dma2 semaphore(%run_scoped3A : memref<!tpu.dma_semaphore, #tpu.memory_space<semaphore_mem>>) src(%dma_wait3A_49 : memref<10x1000xi32, #tpu.memory_space<hbm>>) dst(%arg9 : memref<10x1000xi32, #tpu.memory_space<vmem>>)
      tpu.yield
    }) : () -> ()
    %dma_start3A = arith.constant 0 : i32
    %dma_start3A_3 = arith.constant 0 : i32
    %dma_start3A_4 = tpu.memref_slice %arg8[%dma_start3A, %dma_start3A_3] : memref<10x1000xi32, #tpu.memory_space<vmem>> -> memref<1x1000xi32, #tpu.memory_space<vmem>>
    %dma_start3A_5 = tpu.memref_squeeze %dma_start3A_4 : memref<1x1000xi32, #tpu.memory_space<vmem>> -> memref<1000xi32, #tpu.memory_space<vmem>>
    %dma_start3A_6 = arith.constant 0 : i32
    %dma_start3A_7 = arith.constant 0 : i32
    %dma_start3A_8 = tpu.memref_slice %arg2[%dma_start3A_6, %dma_start3A_7] : memref<10000x16xf32, #tpu.memory_space<hbm>> -> memref<10000x16xf32, #tpu.memory_space<hbm>>
    tpu.enqueue_indirect_dma source(%dma_start3A_8 : memref<10000x16xf32, #tpu.memory_space<hbm>>) target(%arg10 : memref<1000x16xf32, #tpu.memory_space<vmem>>) offsets(%dma_start3A_5 : memref<1000xi32, #tpu.memory_space<vmem>>) semaphore(%arg14 : memref<!tpu.dma_semaphore, #tpu.memory_space<semaphore_mem>>)
    %dma_start3A_9 = arith.constant 0 : i32
    %dma_start3A_10 = arith.constant 0 : i32
    %dma_start3A_11 = tpu.memref_slice %arg9[%dma_start3A_9, %dma_start3A_10] : memref<10x1000xi32, #tpu.memory_space<vmem>> -> memref<1x1000xi32, #tpu.memory_space<vmem>>
    %dma_start3A_12 = tpu.memref_squeeze %dma_start3A_11 : memref<1x1000xi32, #tpu.memory_space<vmem>> -> memref<1000xi32, #tpu.memory_space<vmem>>
    %dma_start3A_13 = arith.constant 0 : i32
    %dma_start3A_14 = arith.constant 0 : i32
    %dma_start3A_15 = tpu.memref_slice %arg4[%dma_start3A_13, %dma_start3A_14] : memref<320000x16xf32, #tpu.memory_space<hbm>> -> memref<320000x16xf32, #tpu.memory_space<hbm>>
    tpu.enqueue_indirect_dma source(%dma_start3A_15 : memref<320000x16xf32, #tpu.memory_space<hbm>>) target(%arg12 : memref<1000x16xf32, #tpu.memory_space<vmem>>) offsets(%dma_start3A_12 : memref<1000xi32, #tpu.memory_space<vmem>>) semaphore(%arg16 : memref<!tpu.dma_semaphore, #tpu.memory_space<semaphore_mem>>)
    %dma_start3A_16 = arith.constant 1 : i32
    %dma_start3A_17 = arith.constant 0 : i32
    %dma_start3A_18 = tpu.memref_slice %arg8[%dma_start3A_16, %dma_start3A_17] : memref<10x1000xi32, #tpu.memory_space<vmem>> -> memref<1x1000xi32, #tpu.memory_space<vmem>>
    %dma_start3A_19 = tpu.memref_squeeze %dma_start3A_18 : memref<1x1000xi32, #tpu.memory_space<vmem>> -> memref<1000xi32, #tpu.memory_space<vmem>>
    %dma_start3A_20 = arith.constant 0 : i32
    %dma_start3A_21 = arith.constant 0 : i32
    %dma_start3A_22 = tpu.memref_slice %arg2[%dma_start3A_20, %dma_start3A_21] : memref<10000x16xf32, #tpu.memory_space<hbm>> -> memref<10000x16xf32, #tpu.memory_space<hbm>>
    tpu.enqueue_indirect_dma source(%dma_start3A_22 : memref<10000x16xf32, #tpu.memory_space<hbm>>) target(%arg11 : memref<1000x16xf32, #tpu.memory_space<vmem>>) offsets(%dma_start3A_19 : memref<1000xi32, #tpu.memory_space<vmem>>) semaphore(%arg15 : memref<!tpu.dma_semaphore, #tpu.memory_space<semaphore_mem>>)
    %dma_start3A_23 = arith.constant 1 : i32
    %dma_start3A_24 = arith.constant 0 : i32
    %dma_start3A_25 = tpu.memref_slice %arg9[%dma_start3A_23, %dma_start3A_24] : memref<10x1000xi32, #tpu.memory_space<vmem>> -> memref<1x1000xi32, #tpu.memory_space<vmem>>
    %dma_start3A_26 = tpu.memref_squeeze %dma_start3A_25 : memref<1x1000xi32, #tpu.memory_space<vmem>> -> memref<1000xi32, #tpu.memory_space<vmem>>
    %dma_start3A_27 = arith.constant 0 : i32
    %dma_start3A_28 = arith.constant 0 : i32
    %dma_start3A_29 = tpu.memref_slice %arg4[%dma_start3A_27, %dma_start3A_28] : memref<320000x16xf32, #tpu.memory_space<hbm>> -> memref<320000x16xf32, #tpu.memory_space<hbm>>
    tpu.enqueue_indirect_dma source(%dma_start3A_29 : memref<320000x16xf32, #tpu.memory_space<hbm>>) target(%arg13 : memref<1000x16xf32, #tpu.memory_space<vmem>>) offsets(%dma_start3A_26 : memref<1000xi32, #tpu.memory_space<vmem>>) semaphore(%arg17 : memref<!tpu.dma_semaphore, #tpu.memory_space<semaphore_mem>>)
    %scan3A = arith.constant 0 : i32
    %scan3A_30 = arith.constant 0 : i32
    %scan3A_31 = arith.constant 5 : i32
    %scan3A_32 = arith.addi %scan3A_30, %scan3A_31 : i32
    %scan3A_33 = arith.constant 1 : i32
    scf.for %scan3A_35 = %scan3A_30 to %scan3A_32 step %scan3A_33  : i32 {
      %mul3A_36 = arith.constant 2 : i32
      %mul3A_37 = arith.muli %mul3A_36, %scan3A_35 : i32
      %add3A_38 = arith.constant 1 : i32
      %add3A_39 = arith.addi %mul3A_37, %add3A_38 : i32
      %dma_wait3A = arith.constant 0 : i32
      %dma_wait3A_40 = arith.constant 0 : i32
      %dma_wait3A_41 = tpu.memref_slice %arg8[%dma_wait3A, %dma_wait3A_40] : memref<10x1000xi32, #tpu.memory_space<vmem>> -> memref<1x1000xi32, #tpu.memory_space<vmem>>
      %dma_wait3A_42 = tpu.memref_squeeze %dma_wait3A_41 : memref<1x1000xi32, #tpu.memory_space<vmem>> -> memref<1000xi32, #tpu.memory_space<vmem>>
      %dma_wait3A_43 = arith.constant 0 : i32
      %dma_wait3A_44 = arith.constant 0 : i32
      %dma_wait3A_45 = tpu.memref_slice %arg2[%dma_wait3A_43, %dma_wait3A_44] : memref<10000x16xf32, #tpu.memory_space<hbm>> -> memref<10000x16xf32, #tpu.memory_space<hbm>>
      tpu.wait_indirect_dma semaphore(%arg14 : memref<!tpu.dma_semaphore, #tpu.memory_space<semaphore_mem>>) src(%dma_wait3A_45 : memref<10000x16xf32, #tpu.memory_space<hbm>>) dst(%arg10 : memref<1000x16xf32, #tpu.memory_space<vmem>>)
      %dma_wait3A_46 = arith.constant 0 : i32
      %dma_wait3A_47 = arith.constant 0 : i32
      %dma_wait3A_48 = tpu.memref_slice %arg9[%dma_wait3A_46, %dma_wait3A_47] : memref<10x1000xi32, #tpu.memory_space<vmem>> -> memref<1x1000xi32, #tpu.memory_space<vmem>>
      %dma_wait3A_49 = tpu.memref_squeeze %dma_wait3A_48 : memref<1x1000xi32, #tpu.memory_space<vmem>> -> memref<1000xi32, #tpu.memory_space<vmem>>
      %dma_wait3A_50 = arith.constant 0 : i32
      %dma_wait3A_51 = arith.constant 0 : i32
      %dma_wait3A_52 = tpu.memref_slice %arg4[%dma_wait3A_50, %dma_wait3A_51] : memref<320000x16xf32, #tpu.memory_space<hbm>> -> memref<320000x16xf32, #tpu.memory_space<hbm>>
      tpu.wait_indirect_dma semaphore(%arg16 : memref<!tpu.dma_semaphore, #tpu.memory_space<semaphore_mem>>) src(%dma_wait3A_52 : memref<320000x16xf32, #tpu.memory_space<hbm>>) dst(%arg12 : memref<1000x16xf32, #tpu.memory_space<vmem>>)
      %mul3A_53 = arith.constant 1000 : i32
      %mul3A_54 = arith.muli %mul3A_37, %mul3A_53 : i32
      %add3A_55 = arith.addi %mul3A_2, %mul3A_54 : i32
      %dma_start3A_56 = arith.constant 0 : i32
      %dma_start3A_57 = tpu.memref_slice %arg6[%add3A_55, %dma_start3A_56] : memref<320000x16xf32, #tpu.memory_space<hbm>> -> memref<1000x16xf32, #tpu.memory_space<hbm>>
      %dma_start3A_58 = arith.constant 0 : i32
      %dma_start3A_59 = tpu.memref_slice %arg6[%add3A_55, %dma_start3A_58] : memref<320000x16xf32, #tpu.memory_space<hbm>> -> memref<1000x16xf32, #tpu.memory_space<hbm>>
      tpu.enqueue_dma source(%arg10 : memref<1000x16xf32, #tpu.memory_space<vmem>>) target(%dma_start3A_59 : memref<1000x16xf32, #tpu.memory_space<hbm>>) target_semaphore(%arg18 : memref<!tpu.dma_semaphore, #tpu.memory_space<semaphore_mem>>)
      %mul3A_60 = arith.constant 1000 : i32
      %mul3A_61 = arith.muli %mul3A_37, %mul3A_60 : i32
      %add3A_62 = arith.addi %mul3A_2, %mul3A_61 : i32
      %dma_start3A_63 = arith.constant 0 : i32
      %dma_start3A_64 = tpu.memref_slice %arg7[%add3A_62, %dma_start3A_63] : memref<320000x16xf32, #tpu.memory_space<hbm>> -> memref<1000x16xf32, #tpu.memory_space<hbm>>
      %dma_start3A_65 = arith.constant 0 : i32
      %dma_start3A_66 = tpu.memref_slice %arg7[%add3A_62, %dma_start3A_65] : memref<320000x16xf32, #tpu.memory_space<hbm>> -> memref<1000x16xf32, #tpu.memory_space<hbm>>
      tpu.enqueue_dma source(%arg12 : memref<1000x16xf32, #tpu.memory_space<vmem>>) target(%dma_start3A_66 : memref<1000x16xf32, #tpu.memory_space<hbm>>) target_semaphore(%arg20 : memref<!tpu.dma_semaphore, #tpu.memory_space<semaphore_mem>>)
      %dma_wait3A_67 = arith.constant 0 : i32
      %dma_wait3A_68 = arith.constant 0 : i32
      %dma_wait3A_69 = tpu.memref_slice %arg8[%dma_wait3A_67, %dma_wait3A_68] : memref<10x1000xi32, #tpu.memory_space<vmem>> -> memref<1x1000xi32, #tpu.memory_space<vmem>>
      %dma_wait3A_70 = tpu.memref_squeeze %dma_wait3A_69 : memref<1x1000xi32, #tpu.memory_space<vmem>> -> memref<1000xi32, #tpu.memory_space<vmem>>
      %dma_wait3A_71 = arith.constant 0 : i32
      %dma_wait3A_72 = arith.constant 0 : i32
      %dma_wait3A_73 = tpu.memref_slice %arg2[%dma_wait3A_71, %dma_wait3A_72] : memref<10000x16xf32, #tpu.memory_space<hbm>> -> memref<10000x16xf32, #tpu.memory_space<hbm>>
      tpu.wait_indirect_dma semaphore(%arg15 : memref<!tpu.dma_semaphore, #tpu.memory_space<semaphore_mem>>) src(%dma_wait3A_73 : memref<10000x16xf32, #tpu.memory_space<hbm>>) dst(%arg11 : memref<1000x16xf32, #tpu.memory_space<vmem>>)
      %dma_wait3A_74 = arith.constant 0 : i32
      %dma_wait3A_75 = arith.constant 0 : i32
      %dma_wait3A_76 = tpu.memref_slice %arg9[%dma_wait3A_74, %dma_wait3A_75] : memref<10x1000xi32, #tpu.memory_space<vmem>> -> memref<1x1000xi32, #tpu.memory_space<vmem>>
      %dma_wait3A_77 = tpu.memref_squeeze %dma_wait3A_76 : memref<1x1000xi32, #tpu.memory_space<vmem>> -> memref<1000xi32, #tpu.memory_space<vmem>>
      %dma_wait3A_78 = arith.constant 0 : i32
      %dma_wait3A_79 = arith.constant 0 : i32
      %dma_wait3A_80 = tpu.memref_slice %arg4[%dma_wait3A_78, %dma_wait3A_79] : memref<320000x16xf32, #tpu.memory_space<hbm>> -> memref<320000x16xf32, #tpu.memory_space<hbm>>
      tpu.wait_indirect_dma semaphore(%arg17 : memref<!tpu.dma_semaphore, #tpu.memory_space<semaphore_mem>>) src(%dma_wait3A_80 : memref<320000x16xf32, #tpu.memory_space<hbm>>) dst(%arg13 : memref<1000x16xf32, #tpu.memory_space<vmem>>)
      %mul3A_81 = arith.constant 1000 : i32
      %mul3A_82 = arith.muli %add3A_39, %mul3A_81 : i32
      %add3A_83 = arith.addi %mul3A_2, %mul3A_82 : i32
      %dma_start3A_84 = arith.constant 0 : i32
      %dma_start3A_85 = tpu.memref_slice %arg6[%add3A_83, %dma_start3A_84] : memref<320000x16xf32, #tpu.memory_space<hbm>> -> memref<1000x16xf32, #tpu.memory_space<hbm>>
      %dma_start3A_86 = arith.constant 0 : i32
      %dma_start3A_87 = tpu.memref_slice %arg6[%add3A_83, %dma_start3A_86] : memref<320000x16xf32, #tpu.memory_space<hbm>> -> memref<1000x16xf32, #tpu.memory_space<hbm>>
      tpu.enqueue_dma source(%arg11 : memref<1000x16xf32, #tpu.memory_space<vmem>>) target(%dma_start3A_87 : memref<1000x16xf32, #tpu.memory_space<hbm>>) target_semaphore(%arg19 : memref<!tpu.dma_semaphore, #tpu.memory_space<semaphore_mem>>)
      %mul3A_88 = arith.constant 1000 : i32
      %mul3A_89 = arith.muli %add3A_39, %mul3A_88 : i32
      %add3A_90 = arith.addi %mul3A_2, %mul3A_89 : i32
      %dma_start3A_91 = arith.constant 0 : i32
      %dma_start3A_92 = tpu.memref_slice %arg7[%add3A_90, %dma_start3A_91] : memref<320000x16xf32, #tpu.memory_space<hbm>> -> memref<1000x16xf32, #tpu.memory_space<hbm>>
      %dma_start3A_93 = arith.constant 0 : i32
      %dma_start3A_94 = tpu.memref_slice %arg7[%add3A_90, %dma_start3A_93] : memref<320000x16xf32, #tpu.memory_space<hbm>> -> memref<1000x16xf32, #tpu.memory_space<hbm>>
      tpu.enqueue_dma source(%arg13 : memref<1000x16xf32, #tpu.memory_space<vmem>>) target(%dma_start3A_94 : memref<1000x16xf32, #tpu.memory_space<hbm>>) target_semaphore(%arg21 : memref<!tpu.dma_semaphore, #tpu.memory_space<semaphore_mem>>)
      %dma_wait3A_95 = arith.constant 0 : i32
      %dma_wait3A_96 = tpu.memref_slice %arg6[%mul3A_2, %dma_wait3A_95] : memref<320000x16xf32, #tpu.memory_space<hbm>> -> memref<1000x16xf32, #tpu.memory_space<hbm>>
      %dma_wait3A_97 = arith.constant 0 : i32
      %dma_wait3A_98 = tpu.memref_slice %arg6[%mul3A_2, %dma_wait3A_97] : memref<320000x16xf32, #tpu.memory_space<hbm>> -> memref<1000x16xf32, #tpu.memory_space<hbm>>
      tpu.wait_dma2 semaphore(%arg18 : memref<!tpu.dma_semaphore, #tpu.memory_space<semaphore_mem>>) src(%arg10 : memref<1000x16xf32, #tpu.memory_space<vmem>>) dst(%dma_wait3A_98 : memref<1000x16xf32, #tpu.memory_space<hbm>>)
      %dma_wait3A_99 = arith.constant 0 : i32
      %dma_wait3A_100 = tpu.memref_slice %arg7[%mul3A_2, %dma_wait3A_99] : memref<320000x16xf32, #tpu.memory_space<hbm>> -> memref<1000x16xf32, #tpu.memory_space<hbm>>
      %dma_wait3A_101 = arith.constant 0 : i32
      %dma_wait3A_102 = tpu.memref_slice %arg7[%mul3A_2, %dma_wait3A_101] : memref<320000x16xf32, #tpu.memory_space<hbm>> -> memref<1000x16xf32, #tpu.memory_space<hbm>>
      tpu.wait_dma2 semaphore(%arg20 : memref<!tpu.dma_semaphore, #tpu.memory_space<semaphore_mem>>) src(%arg12 : memref<1000x16xf32, #tpu.memory_space<vmem>>) dst(%dma_wait3A_102 : memref<1000x16xf32, #tpu.memory_space<hbm>>)
      %add3A_103 = arith.constant 2 : i32
      %add3A_104 = arith.addi %mul3A_37, %add3A_103 : i32
      %lt3A = arith.constant 10 : i32
      %lt3A_105 = arith.cmpi slt, %add3A_104, %lt3A : i32
      %convert_element_type3A = arith.extui %lt3A_105 : i1 to i32
      %cond3A = arith.constant 0 : i32
      %cond3A_106 = arith.cmpi ne, %convert_element_type3A, %cond3A : i32
      scf.if %cond3A_106 {
        %add3A_122 = arith.constant 2 : i32
        %add3A_123 = arith.addi %mul3A_37, %add3A_122 : i32
        %dma_start3A_124 = arith.constant 0 : i32
        %dma_start3A_125 = tpu.memref_slice %arg8[%add3A_123, %dma_start3A_124] : memref<10x1000xi32, #tpu.memory_space<vmem>> -> memref<1x1000xi32, #tpu.memory_space<vmem>>
        %dma_start3A_126 = tpu.memref_squeeze %dma_start3A_125 : memref<1x1000xi32, #tpu.memory_space<vmem>> -> memref<1000xi32, #tpu.memory_space<vmem>>
        %dma_start3A_127 = arith.constant 0 : i32
        %dma_start3A_128 = arith.constant 0 : i32
        %dma_start3A_129 = tpu.memref_slice %arg2[%dma_start3A_127, %dma_start3A_128] : memref<10000x16xf32, #tpu.memory_space<hbm>> -> memref<10000x16xf32, #tpu.memory_space<hbm>>
        tpu.enqueue_indirect_dma source(%dma_start3A_129 : memref<10000x16xf32, #tpu.memory_space<hbm>>) target(%arg10 : memref<1000x16xf32, #tpu.memory_space<vmem>>) offsets(%dma_start3A_126 : memref<1000xi32, #tpu.memory_space<vmem>>) semaphore(%arg14 : memref<!tpu.dma_semaphore, #tpu.memory_space<semaphore_mem>>)
        %dma_start3A_130 = arith.constant 0 : i32
        %dma_start3A_131 = tpu.memref_slice %arg9[%add3A_123, %dma_start3A_130] : memref<10x1000xi32, #tpu.memory_space<vmem>> -> memref<1x1000xi32, #tpu.memory_space<vmem>>
        %dma_start3A_132 = tpu.memref_squeeze %dma_start3A_131 : memref<1x1000xi32, #tpu.memory_space<vmem>> -> memref<1000xi32, #tpu.memory_space<vmem>>
        %dma_start3A_133 = arith.constant 0 : i32
        %dma_start3A_134 = arith.constant 0 : i32
        %dma_start3A_135 = tpu.memref_slice %arg4[%dma_start3A_133, %dma_start3A_134] : memref<320000x16xf32, #tpu.memory_space<hbm>> -> memref<320000x16xf32, #tpu.memory_space<hbm>>
        tpu.enqueue_indirect_dma source(%dma_start3A_135 : memref<320000x16xf32, #tpu.memory_space<hbm>>) target(%arg12 : memref<1000x16xf32, #tpu.memory_space<vmem>>) offsets(%dma_start3A_132 : memref<1000xi32, #tpu.memory_space<vmem>>) semaphore(%arg16 : memref<!tpu.dma_semaphore, #tpu.memory_space<semaphore_mem>>)
      } else {
      }
      %dma_wait3A_107 = arith.constant 0 : i32
      %dma_wait3A_108 = tpu.memref_slice %arg6[%mul3A_2, %dma_wait3A_107] : memref<320000x16xf32, #tpu.memory_space<hbm>> -> memref<1000x16xf32, #tpu.memory_space<hbm>>
      %dma_wait3A_109 = arith.constant 0 : i32
      %dma_wait3A_110 = tpu.memref_slice %arg6[%mul3A_2, %dma_wait3A_109] : memref<320000x16xf32, #tpu.memory_space<hbm>> -> memref<1000x16xf32, #tpu.memory_space<hbm>>
      tpu.wait_dma2 semaphore(%arg19 : memref<!tpu.dma_semaphore, #tpu.memory_space<semaphore_mem>>) src(%arg11 : memref<1000x16xf32, #tpu.memory_space<vmem>>) dst(%dma_wait3A_110 : memref<1000x16xf32, #tpu.memory_space<hbm>>)
      %dma_wait3A_111 = arith.constant 0 : i32
      %dma_wait3A_112 = tpu.memref_slice %arg7[%mul3A_2, %dma_wait3A_111] : memref<320000x16xf32, #tpu.memory_space<hbm>> -> memref<1000x16xf32, #tpu.memory_space<hbm>>
      %dma_wait3A_113 = arith.constant 0 : i32
      %dma_wait3A_114 = tpu.memref_slice %arg7[%mul3A_2, %dma_wait3A_113] : memref<320000x16xf32, #tpu.memory_space<hbm>> -> memref<1000x16xf32, #tpu.memory_space<hbm>>
      tpu.wait_dma2 semaphore(%arg21 : memref<!tpu.dma_semaphore, #tpu.memory_space<semaphore_mem>>) src(%arg13 : memref<1000x16xf32, #tpu.memory_space<vmem>>) dst(%dma_wait3A_114 : memref<1000x16xf32, #tpu.memory_space<hbm>>)
      %add3A_115 = arith.constant 2 : i32
      %add3A_116 = arith.addi %add3A_39, %add3A_115 : i32
      %lt3A_117 = arith.constant 10 : i32
      %lt3A_118 = arith.cmpi slt, %add3A_116, %lt3A_117 : i32
      %convert_element_type3A_119 = arith.extui %lt3A_118 : i1 to i32
      %cond3A_120 = arith.constant 0 : i32
      %cond3A_121 = arith.cmpi ne, %convert_element_type3A_119, %cond3A_120 : i32
      scf.if %cond3A_121 {
        %add3A_122 = arith.constant 2 : i32
        %add3A_123 = arith.addi %add3A_39, %add3A_122 : i32
        %dma_start3A_124 = arith.constant 0 : i32
        %dma_start3A_125 = tpu.memref_slice %arg8[%add3A_123, %dma_start3A_124] : memref<10x1000xi32, #tpu.memory_space<vmem>> -> memref<1x1000xi32, #tpu.memory_space<vmem>>
        %dma_start3A_126 = tpu.memref_squeeze %dma_start3A_125 : memref<1x1000xi32, #tpu.memory_space<vmem>> -> memref<1000xi32, #tpu.memory_space<vmem>>
        %dma_start3A_127 = arith.constant 0 : i32
        %dma_start3A_128 = arith.constant 0 : i32
        %dma_start3A_129 = tpu.memref_slice %arg2[%dma_start3A_127, %dma_start3A_128] : memref<10000x16xf32, #tpu.memory_space<hbm>> -> memref<10000x16xf32, #tpu.memory_space<hbm>>
        tpu.enqueue_indirect_dma source(%dma_start3A_129 : memref<10000x16xf32, #tpu.memory_space<hbm>>) target(%arg11 : memref<1000x16xf32, #tpu.memory_space<vmem>>) offsets(%dma_start3A_126 : memref<1000xi32, #tpu.memory_space<vmem>>) semaphore(%arg15 : memref<!tpu.dma_semaphore, #tpu.memory_space<semaphore_mem>>)
        %dma_start3A_130 = arith.constant 0 : i32
        %dma_start3A_131 = tpu.memref_slice %arg9[%add3A_123, %dma_start3A_130] : memref<10x1000xi32, #tpu.memory_space<vmem>> -> memref<1x1000xi32, #tpu.memory_space<vmem>>
        %dma_start3A_132 = tpu.memref_squeeze %dma_start3A_131 : memref<1x1000xi32, #tpu.memory_space<vmem>> -> memref<1000xi32, #tpu.memory_space<vmem>>
        %dma_start3A_133 = arith.constant 0 : i32
        %dma_start3A_134 = arith.constant 0 : i32
        %dma_start3A_135 = tpu.memref_slice %arg4[%dma_start3A_133, %dma_start3A_134] : memref<320000x16xf32, #tpu.memory_space<hbm>> -> memref<320000x16xf32, #tpu.memory_space<hbm>>
        tpu.enqueue_indirect_dma source(%dma_start3A_135 : memref<320000x16xf32, #tpu.memory_space<hbm>>) target(%arg13 : memref<1000x16xf32, #tpu.memory_space<vmem>>) offsets(%dma_start3A_132 : memref<1000xi32, #tpu.memory_space<vmem>>) semaphore(%arg17 : memref<!tpu.dma_semaphore, #tpu.memory_space<semaphore_mem>>)
      } else {
      }
    }
    %scan3A_34 = arith.constant 5 : i32
    return
  }
}

#map = affine_map<(d0, d1) -> (0, 0)>
#map1 = affine_map<(d0, d1) -> (0, 0, 0)>
module attributes {stable_mosaic.version = 14 : i64} {
  func.func @_scatter_body(%arg0: i32, %arg1: i32, %arg2: memref<320000x16xf32, #tpu.memory_space<hbm>>, %arg3: memref<32x10x1000xi32, #tpu.memory_space<hbm>>, %arg4: memref<10000x16xf32, #tpu.memory_space<hbm>>, %arg5: memref<20000x16xf32, #tpu.memory_space<hbm>>, %arg6: memref<10x1000xi32, #tpu.memory_space<vmem>>, %arg7: memref<1000x16xf32, #tpu.memory_space<vmem>>, %arg8: memref<1000x16xf32, #tpu.memory_space<vmem>>, %arg9: memref<10000x16xf32, #tpu.memory_space<vmem_shared>>, %arg10: memref<!tpu.dma_semaphore, #tpu.memory_space<semaphore_mem>>, %arg11: memref<!tpu.dma_semaphore, #tpu.memory_space<semaphore_mem>>, %arg12: memref<!tpu.dma_semaphore, #tpu.memory_space<semaphore_mem>>, %arg13: memref<!tpu.dma_semaphore, #tpu.memory_space<semaphore_mem>>) attributes {dimension_semantics = [#tpu.dimension_semantics<core_parallel>, #tpu.dimension_semantics<subcore_parallel>], iteration_bounds = array<i64: 2, 16>, scalar_prefetch = 0 : i64, scratch_operands = 8 : i64, tpu.core_type = #tpu.core_type<sc_vector_subcore>, window_params = [{transform_indices = #map}, {transform_indices = #map1}, {transform_indices = #map}, {transform_indices = #map}]} {
    %mul3A = arith.constant 16 : i32
    %mul3A_0 = arith.muli %arg0, %mul3A : i32
    %add3A = arith.addi %mul3A_0, %arg1 : i32
    %mul3A_1 = arith.constant 10000 : i32
    %mul3A_2 = arith.muli %add3A, %mul3A_1 : i32
    %eq3A = arith.constant 0 : i32
    %eq3A_3 = arith.cmpi eq, %arg1, %eq3A : i32
    %convert_element_type3A = arith.extui %eq3A_3 : i1 to i32
    %cond3A = arith.constant 0 : i32
    %cond3A_4 = arith.cmpi ne, %convert_element_type3A, %cond3A : i32
    scf.if %cond3A_4 {
      "tpu.region"() ({
        %run_scoped3A = tpu.sem_alloc : memref<!tpu.dma_semaphore, #tpu.memory_space<semaphore_mem>>
        tpu.enqueue_dma source(%arg4 : memref<10000x16xf32, #tpu.memory_space<hbm>>) target(%arg9 : memref<10000x16xf32, #tpu.memory_space<vmem_shared>>) target_semaphore(%run_scoped3A : memref<!tpu.dma_semaphore, #tpu.memory_space<semaphore_mem>>)
        tpu.wait_dma2 semaphore(%run_scoped3A : memref<!tpu.dma_semaphore, #tpu.memory_space<semaphore_mem>>) src(%arg4 : memref<10000x16xf32, #tpu.memory_space<hbm>>) dst(%arg9 : memref<10000x16xf32, #tpu.memory_space<vmem_shared>>)
        tpu.yield
      }) : () -> ()
    } else {
    }
    %barrier3A = arith.constant 0 : index
    tpu.barrier barrier_id(%barrier3A)
    "tpu.region"() ({
      %run_scoped3A = tpu.sem_alloc : memref<!tpu.dma_semaphore, #tpu.memory_space<semaphore_mem>>
      %dma_start3A_27 = arith.constant 0 : i32
      %dma_start3A_28 = arith.constant 0 : i32
      %dma_start3A_29 = tpu.memref_slice %arg3[%add3A, %dma_start3A_27, %dma_start3A_28] : memref<32x10x1000xi32, #tpu.memory_space<hbm>> -> memref<1x10x1000xi32, #tpu.memory_space<hbm>>
      %dma_start3A_30 = tpu.memref_squeeze %dma_start3A_29 : memref<1x10x1000xi32, #tpu.memory_space<hbm>> -> memref<10x1000xi32, #tpu.memory_space<hbm>>
      %dma_start3A_31 = arith.constant 0 : i32
      %dma_start3A_32 = arith.constant 0 : i32
      %dma_start3A_33 = tpu.memref_slice %arg3[%add3A, %dma_start3A_31, %dma_start3A_32] : memref<32x10x1000xi32, #tpu.memory_space<hbm>> -> memref<1x10x1000xi32, #tpu.memory_space<hbm>>
      %dma_start3A_34 = tpu.memref_squeeze %dma_start3A_33 : memref<1x10x1000xi32, #tpu.memory_space<hbm>> -> memref<10x1000xi32, #tpu.memory_space<hbm>>
      tpu.enqueue_dma source(%dma_start3A_34 : memref<10x1000xi32, #tpu.memory_space<hbm>>) target(%arg6 : memref<10x1000xi32, #tpu.memory_space<vmem>>) target_semaphore(%run_scoped3A : memref<!tpu.dma_semaphore, #tpu.memory_space<semaphore_mem>>)
      %dma_wait3A = arith.constant 0 : i32
      %dma_wait3A_35 = arith.constant 0 : i32
      %dma_wait3A_36 = tpu.memref_slice %arg3[%add3A, %dma_wait3A, %dma_wait3A_35] : memref<32x10x1000xi32, #tpu.memory_space<hbm>> -> memref<1x10x1000xi32, #tpu.memory_space<hbm>>
      %dma_wait3A_37 = tpu.memref_squeeze %dma_wait3A_36 : memref<1x10x1000xi32, #tpu.memory_space<hbm>> -> memref<10x1000xi32, #tpu.memory_space<hbm>>
      %dma_wait3A_38 = arith.constant 0 : i32
      %dma_wait3A_39 = arith.constant 0 : i32
      %dma_wait3A_40 = tpu.memref_slice %arg3[%add3A, %dma_wait3A_38, %dma_wait3A_39] : memref<32x10x1000xi32, #tpu.memory_space<hbm>> -> memref<1x10x1000xi32, #tpu.memory_space<hbm>>
      %dma_wait3A_41 = tpu.memref_squeeze %dma_wait3A_40 : memref<1x10x1000xi32, #tpu.memory_space<hbm>> -> memref<10x1000xi32, #tpu.memory_space<hbm>>
      tpu.wait_dma2 semaphore(%run_scoped3A : memref<!tpu.dma_semaphore, #tpu.memory_space<semaphore_mem>>) src(%dma_wait3A_41 : memref<10x1000xi32, #tpu.memory_space<hbm>>) dst(%arg6 : memref<10x1000xi32, #tpu.memory_space<vmem>>)
      tpu.yield
    }) : () -> ()
    %add3A_5 = arith.constant 0 : i32
    %add3A_6 = arith.addi %mul3A_2, %add3A_5 : i32
    %dma_start3A = arith.constant 0 : i32
    %dma_start3A_7 = tpu.memref_slice %arg2[%add3A_6, %dma_start3A] : memref<320000x16xf32, #tpu.memory_space<hbm>> -> memref<1000x16xf32, #tpu.memory_space<hbm>>
    %dma_start3A_8 = arith.constant 0 : i32
    %dma_start3A_9 = tpu.memref_slice %arg2[%add3A_6, %dma_start3A_8] : memref<320000x16xf32, #tpu.memory_space<hbm>> -> memref<1000x16xf32, #tpu.memory_space<hbm>>
    tpu.enqueue_dma source(%dma_start3A_9 : memref<1000x16xf32, #tpu.memory_space<hbm>>) target(%arg7 : memref<1000x16xf32, #tpu.memory_space<vmem>>) target_semaphore(%arg10 : memref<!tpu.dma_semaphore, #tpu.memory_space<semaphore_mem>>)
    %add3A_10 = arith.constant 1000 : i32
    %add3A_11 = arith.addi %mul3A_2, %add3A_10 : i32
    %dma_start3A_12 = arith.constant 0 : i32
    %dma_start3A_13 = tpu.memref_slice %arg2[%add3A_11, %dma_start3A_12] : memref<320000x16xf32, #tpu.memory_space<hbm>> -> memref<1000x16xf32, #tpu.memory_space<hbm>>
    %dma_start3A_14 = arith.constant 0 : i32
    %dma_start3A_15 = tpu.memref_slice %arg2[%add3A_11, %dma_start3A_14] : memref<320000x16xf32, #tpu.memory_space<hbm>> -> memref<1000x16xf32, #tpu.memory_space<hbm>>
    tpu.enqueue_dma source(%dma_start3A_15 : memref<1000x16xf32, #tpu.memory_space<hbm>>) target(%arg8 : memref<1000x16xf32, #tpu.memory_space<vmem>>) target_semaphore(%arg11 : memref<!tpu.dma_semaphore, #tpu.memory_space<semaphore_mem>>)
    %scan3A = arith.constant 0 : i32
    %scan3A_16 = arith.constant 0 : i32
    %scan3A_17 = arith.constant 5 : i32
    %scan3A_18 = arith.addi %scan3A_16, %scan3A_17 : i32
    %scan3A_19 = arith.constant 1 : i32
    scf.for %scan3A_27 = %scan3A_16 to %scan3A_18 step %scan3A_19  : i32 {
      %mul3A_28 = arith.constant 2 : i32
      %mul3A_29 = arith.muli %mul3A_28, %scan3A_27 : i32
      %add3A_30 = arith.constant 1 : i32
      %add3A_31 = arith.addi %mul3A_29, %add3A_30 : i32
      %dma_wait3A = arith.constant 0 : i32
      %dma_wait3A_32 = tpu.memref_slice %arg2[%mul3A_2, %dma_wait3A] : memref<320000x16xf32, #tpu.memory_space<hbm>> -> memref<1000x16xf32, #tpu.memory_space<hbm>>
      %dma_wait3A_33 = arith.constant 0 : i32
      %dma_wait3A_34 = tpu.memref_slice %arg2[%mul3A_2, %dma_wait3A_33] : memref<320000x16xf32, #tpu.memory_space<hbm>> -> memref<1000x16xf32, #tpu.memory_space<hbm>>
      tpu.wait_dma2 semaphore(%arg10 : memref<!tpu.dma_semaphore, #tpu.memory_space<semaphore_mem>>) src(%dma_wait3A_34 : memref<1000x16xf32, #tpu.memory_space<hbm>>) dst(%arg7 : memref<1000x16xf32, #tpu.memory_space<vmem>>)
      %dma_start3A_35 = arith.constant 0 : i32
      %dma_start3A_36 = tpu.memref_slice %arg6[%mul3A_29, %dma_start3A_35] : memref<10x1000xi32, #tpu.memory_space<vmem>> -> memref<1x1000xi32, #tpu.memory_space<vmem>>
      %dma_start3A_37 = tpu.memref_squeeze %dma_start3A_36 : memref<1x1000xi32, #tpu.memory_space<vmem>> -> memref<1000xi32, #tpu.memory_space<vmem>>
      %dma_start3A_38 = arith.constant 0 : i32
      %dma_start3A_39 = arith.constant 0 : i32
      %dma_start3A_40 = tpu.memref_slice %arg9[%dma_start3A_38, %dma_start3A_39] : memref<10000x16xf32, #tpu.memory_space<vmem_shared>> -> memref<10000x16xf32, #tpu.memory_space<vmem_shared>>
      tpu.enqueue_indirect_dma source(%arg7 : memref<1000x16xf32, #tpu.memory_space<vmem>>) target(%dma_start3A_40 : memref<10000x16xf32, #tpu.memory_space<vmem_shared>>) offsets(%dma_start3A_37 : memref<1000xi32, #tpu.memory_space<vmem>>) semaphore(%arg12 : memref<!tpu.dma_semaphore, #tpu.memory_space<semaphore_mem>>) {add = true}
      %dma_wait3A_41 = arith.constant 0 : i32
      %dma_wait3A_42 = tpu.memref_slice %arg2[%mul3A_2, %dma_wait3A_41] : memref<320000x16xf32, #tpu.memory_space<hbm>> -> memref<1000x16xf32, #tpu.memory_space<hbm>>
      %dma_wait3A_43 = arith.constant 0 : i32
      %dma_wait3A_44 = tpu.memref_slice %arg2[%mul3A_2, %dma_wait3A_43] : memref<320000x16xf32, #tpu.memory_space<hbm>> -> memref<1000x16xf32, #tpu.memory_space<hbm>>
      tpu.wait_dma2 semaphore(%arg11 : memref<!tpu.dma_semaphore, #tpu.memory_space<semaphore_mem>>) src(%dma_wait3A_44 : memref<1000x16xf32, #tpu.memory_space<hbm>>) dst(%arg8 : memref<1000x16xf32, #tpu.memory_space<vmem>>)
      %dma_start3A_45 = arith.constant 0 : i32
      %dma_start3A_46 = tpu.memref_slice %arg6[%add3A_31, %dma_start3A_45] : memref<10x1000xi32, #tpu.memory_space<vmem>> -> memref<1x1000xi32, #tpu.memory_space<vmem>>
      %dma_start3A_47 = tpu.memref_squeeze %dma_start3A_46 : memref<1x1000xi32, #tpu.memory_space<vmem>> -> memref<1000xi32, #tpu.memory_space<vmem>>
      %dma_start3A_48 = arith.constant 0 : i32
      %dma_start3A_49 = arith.constant 0 : i32
      %dma_start3A_50 = tpu.memref_slice %arg9[%dma_start3A_48, %dma_start3A_49] : memref<10000x16xf32, #tpu.memory_space<vmem_shared>> -> memref<10000x16xf32, #tpu.memory_space<vmem_shared>>
      tpu.enqueue_indirect_dma source(%arg8 : memref<1000x16xf32, #tpu.memory_space<vmem>>) target(%dma_start3A_50 : memref<10000x16xf32, #tpu.memory_space<vmem_shared>>) offsets(%dma_start3A_47 : memref<1000xi32, #tpu.memory_space<vmem>>) semaphore(%arg13 : memref<!tpu.dma_semaphore, #tpu.memory_space<semaphore_mem>>) {add = true}
      %dma_wait3A_51 = arith.constant 0 : i32
      %dma_wait3A_52 = arith.constant 0 : i32
      %dma_wait3A_53 = tpu.memref_slice %arg6[%dma_wait3A_51, %dma_wait3A_52] : memref<10x1000xi32, #tpu.memory_space<vmem>> -> memref<1x1000xi32, #tpu.memory_space<vmem>>
      %dma_wait3A_54 = tpu.memref_squeeze %dma_wait3A_53 : memref<1x1000xi32, #tpu.memory_space<vmem>> -> memref<1000xi32, #tpu.memory_space<vmem>>
      %dma_wait3A_55 = arith.constant 0 : i32
      %dma_wait3A_56 = arith.constant 0 : i32
      %dma_wait3A_57 = tpu.memref_slice %arg9[%dma_wait3A_55, %dma_wait3A_56] : memref<10000x16xf32, #tpu.memory_space<vmem_shared>> -> memref<10000x16xf32, #tpu.memory_space<vmem_shared>>
      tpu.wait_indirect_dma semaphore(%arg12 : memref<!tpu.dma_semaphore, #tpu.memory_space<semaphore_mem>>) src(%arg7 : memref<1000x16xf32, #tpu.memory_space<vmem>>) dst(%dma_wait3A_57 : memref<10000x16xf32, #tpu.memory_space<vmem_shared>>)
      %add3A_58 = arith.constant 2 : i32
      %add3A_59 = arith.addi %mul3A_29, %add3A_58 : i32
      %lt3A = arith.constant 10 : i32
      %lt3A_60 = arith.cmpi slt, %add3A_59, %lt3A : i32
      %convert_element_type3A_61 = arith.extui %lt3A_60 : i1 to i32
      %cond3A_62 = arith.constant 0 : i32
      %cond3A_63 = arith.cmpi ne, %convert_element_type3A_61, %cond3A_62 : i32
      scf.if %cond3A_63 {
        %add3A_78 = arith.constant 2 : i32
        %add3A_79 = arith.addi %mul3A_29, %add3A_78 : i32
        %mul3A_80 = arith.constant 1000 : i32
        %mul3A_81 = arith.muli %add3A_79, %mul3A_80 : i32
        %add3A_82 = arith.addi %mul3A_2, %mul3A_81 : i32
        %dma_start3A_83 = arith.constant 0 : i32
        %dma_start3A_84 = tpu.memref_slice %arg2[%add3A_82, %dma_start3A_83] : memref<320000x16xf32, #tpu.memory_space<hbm>> -> memref<1000x16xf32, #tpu.memory_space<hbm>>
        %dma_start3A_85 = arith.constant 0 : i32
        %dma_start3A_86 = tpu.memref_slice %arg2[%add3A_82, %dma_start3A_85] : memref<320000x16xf32, #tpu.memory_space<hbm>> -> memref<1000x16xf32, #tpu.memory_space<hbm>>
        tpu.enqueue_dma source(%dma_start3A_86 : memref<1000x16xf32, #tpu.memory_space<hbm>>) target(%arg7 : memref<1000x16xf32, #tpu.memory_space<vmem>>) target_semaphore(%arg10 : memref<!tpu.dma_semaphore, #tpu.memory_space<semaphore_mem>>)
      } else {
      }
      %dma_wait3A_64 = arith.constant 0 : i32
      %dma_wait3A_65 = arith.constant 0 : i32
      %dma_wait3A_66 = tpu.memref_slice %arg6[%dma_wait3A_64, %dma_wait3A_65] : memref<10x1000xi32, #tpu.memory_space<vmem>> -> memref<1x1000xi32, #tpu.memory_space<vmem>>
      %dma_wait3A_67 = tpu.memref_squeeze %dma_wait3A_66 : memref<1x1000xi32, #tpu.memory_space<vmem>> -> memref<1000xi32, #tpu.memory_space<vmem>>
      %dma_wait3A_68 = arith.constant 0 : i32
      %dma_wait3A_69 = arith.constant 0 : i32
      %dma_wait3A_70 = tpu.memref_slice %arg9[%dma_wait3A_68, %dma_wait3A_69] : memref<10000x16xf32, #tpu.memory_space<vmem_shared>> -> memref<10000x16xf32, #tpu.memory_space<vmem_shared>>
      tpu.wait_indirect_dma semaphore(%arg13 : memref<!tpu.dma_semaphore, #tpu.memory_space<semaphore_mem>>) src(%arg8 : memref<1000x16xf32, #tpu.memory_space<vmem>>) dst(%dma_wait3A_70 : memref<10000x16xf32, #tpu.memory_space<vmem_shared>>)
      %add3A_71 = arith.constant 2 : i32
      %add3A_72 = arith.addi %add3A_31, %add3A_71 : i32
      %lt3A_73 = arith.constant 10 : i32
      %lt3A_74 = arith.cmpi slt, %add3A_72, %lt3A_73 : i32
      %convert_element_type3A_75 = arith.extui %lt3A_74 : i1 to i32
      %cond3A_76 = arith.constant 0 : i32
      %cond3A_77 = arith.cmpi ne, %convert_element_type3A_75, %cond3A_76 : i32
      scf.if %cond3A_77 {
        %add3A_78 = arith.constant 2 : i32
        %add3A_79 = arith.addi %add3A_31, %add3A_78 : i32
        %mul3A_80 = arith.constant 1000 : i32
        %mul3A_81 = arith.muli %add3A_79, %mul3A_80 : i32
        %add3A_82 = arith.addi %mul3A_2, %mul3A_81 : i32
        %dma_start3A_83 = arith.constant 0 : i32
        %dma_start3A_84 = tpu.memref_slice %arg2[%add3A_82, %dma_start3A_83] : memref<320000x16xf32, #tpu.memory_space<hbm>> -> memref<1000x16xf32, #tpu.memory_space<hbm>>
        %dma_start3A_85 = arith.constant 0 : i32
        %dma_start3A_86 = tpu.memref_slice %arg2[%add3A_82, %dma_start3A_85] : memref<320000x16xf32, #tpu.memory_space<hbm>> -> memref<1000x16xf32, #tpu.memory_space<hbm>>
        tpu.enqueue_dma source(%dma_start3A_86 : memref<1000x16xf32, #tpu.memory_space<hbm>>) target(%arg8 : memref<1000x16xf32, #tpu.memory_space<vmem>>) target_semaphore(%arg11 : memref<!tpu.dma_semaphore, #tpu.memory_space<semaphore_mem>>)
      } else {
      }
    }
    %scan3A_20 = arith.constant 5 : i32
    %barrier3A_21 = arith.constant 0 : index
    tpu.barrier barrier_id(%barrier3A_21)
    %eq3A_22 = arith.constant 0 : i32
    %eq3A_23 = arith.cmpi eq, %arg1, %eq3A_22 : i32
    %convert_element_type3A_24 = arith.extui %eq3A_23 : i1 to i32
    %cond3A_25 = arith.constant 0 : i32
    %cond3A_26 = arith.cmpi ne, %convert_element_type3A_24, %cond3A_25 : i32
    scf.if %cond3A_26 {
      %mul3A_27 = arith.constant 10000 : i32
      %mul3A_28 = arith.muli %arg0, %mul3A_27 : i32
      "tpu.region"() ({
        %run_scoped3A = tpu.sem_alloc : memref<!tpu.dma_semaphore, #tpu.memory_space<semaphore_mem>>
        %dma_start3A_29 = arith.constant 0 : i32
        %dma_start3A_30 = tpu.memref_slice %arg5[%mul3A_28, %dma_start3A_29] : memref<20000x16xf32, #tpu.memory_space<hbm>> -> memref<10000x16xf32, #tpu.memory_space<hbm>>
        tpu.enqueue_dma source(%arg9 : memref<10000x16xf32, #tpu.memory_space<vmem_shared>>) target(%dma_start3A_30 : memref<10000x16xf32, #tpu.memory_space<hbm>>) target_semaphore(%run_scoped3A : memref<!tpu.dma_semaphore, #tpu.memory_space<semaphore_mem>>)
        %dma_wait3A = arith.constant 0 : i32
        %dma_wait3A_31 = tpu.memref_slice %arg5[%mul3A_28, %dma_wait3A] : memref<20000x16xf32, #tpu.memory_space<hbm>> -> memref<10000x16xf32, #tpu.memory_space<hbm>>
        tpu.wait_dma2 semaphore(%run_scoped3A : memref<!tpu.dma_semaphore, #tpu.memory_space<semaphore_mem>>) src(%arg9 : memref<10000x16xf32, #tpu.memory_space<vmem_shared>>) dst(%dma_wait3A_31 : memref<10000x16xf32, #tpu.memory_space<hbm>>)
        tpu.yield
      }) : () -> ()
    } else {
    }
    return
  }
}

#map = affine_map<(d0, d1) -> (0, 0)>
#map1 = affine_map<(d0, d1) -> (0, 0, 0)>
module attributes {stable_mosaic.version = 14 : i64} {
  func.func @_gather2_body(%arg0: i32, %arg1: i32, %arg2: memref<10000x16xf32, #tpu.memory_space<hbm>>, %arg3: memref<32x10x1000xi32, #tpu.memory_space<hbm>>, %arg4: memref<320000x16xf32, #tpu.memory_space<hbm>>, %arg5: memref<32x10x1000xi32, #tpu.memory_space<hbm>>, %arg6: memref<320000x16xf32, #tpu.memory_space<hbm>>, %arg7: memref<320000x16xf32, #tpu.memory_space<hbm>>, %arg8: memref<10x1000xi32, #tpu.memory_space<vmem>>, %arg9: memref<10x1000xi32, #tpu.memory_space<vmem>>, %arg10: memref<1000x16xf32, #tpu.memory_space<vmem>>, %arg11: memref<1000x16xf32, #tpu.memory_space<vmem>>, %arg12: memref<1000x16xf32, #tpu.memory_space<vmem>>, %arg13: memref<1000x16xf32, #tpu.memory_space<vmem>>, %arg14: memref<!tpu.dma_semaphore, #tpu.memory_space<semaphore_mem>>, %arg15: memref<!tpu.dma_semaphore, #tpu.memory_space<semaphore_mem>>, %arg16: memref<!tpu.dma_semaphore, #tpu.memory_space<semaphore_mem>>, %arg17: memref<!tpu.dma_semaphore, #tpu.memory_space<semaphore_mem>>, %arg18: memref<!tpu.dma_semaphore, #tpu.memory_space<semaphore_mem>>, %arg19: memref<!tpu.dma_semaphore, #tpu.memory_space<semaphore_mem>>, %arg20: memref<!tpu.dma_semaphore, #tpu.memory_space<semaphore_mem>>, %arg21: memref<!tpu.dma_semaphore, #tpu.memory_space<semaphore_mem>>) attributes {dimension_semantics = [#tpu.dimension_semantics<core_parallel>, #tpu.dimension_semantics<subcore_parallel>], iteration_bounds = array<i64: 2, 16>, scalar_prefetch = 0 : i64, scratch_operands = 14 : i64, tpu.core_type = #tpu.core_type<sc_vector_subcore>, window_params = [{transform_indices = #map}, {transform_indices = #map1}, {transform_indices = #map}, {transform_indices = #map1}, {transform_indices = #map}, {transform_indices = #map}]} {
    %mul3A = arith.constant 16 : i32
    %mul3A_0 = arith.muli %arg0, %mul3A : i32
    %add3A = arith.addi %mul3A_0, %arg1 : i32
    %mul3A_1 = arith.constant 10000 : i32
    %mul3A_2 = arith.muli %add3A, %mul3A_1 : i32
    "tpu.region"() ({
      %run_scoped3A = tpu.sem_alloc : memref<!tpu.dma_semaphore, #tpu.memory_space<semaphore_mem>>
      %dma_start3A_35 = arith.constant 0 : i32
      %dma_start3A_36 = arith.constant 0 : i32
      %dma_start3A_37 = tpu.memref_slice %arg3[%add3A, %dma_start3A_35, %dma_start3A_36] : memref<32x10x1000xi32, #tpu.memory_space<hbm>> -> memref<1x10x1000xi32, #tpu.memory_space<hbm>>
      %dma_start3A_38 = tpu.memref_squeeze %dma_start3A_37 : memref<1x10x1000xi32, #tpu.memory_space<hbm>> -> memref<10x1000xi32, #tpu.memory_space<hbm>>
      %dma_start3A_39 = arith.constant 0 : i32
      %dma_start3A_40 = arith.constant 0 : i32
      %dma_start3A_41 = tpu.memref_slice %arg3[%add3A, %dma_start3A_39, %dma_start3A_40] : memref<32x10x1000xi32, #tpu.memory_space<hbm>> -> memref<1x10x1000xi32, #tpu.memory_space<hbm>>
      %dma_start3A_42 = tpu.memref_squeeze %dma_start3A_41 : memref<1x10x1000xi32, #tpu.memory_space<hbm>> -> memref<10x1000xi32, #tpu.memory_space<hbm>>
      tpu.enqueue_dma source(%dma_start3A_42 : memref<10x1000xi32, #tpu.memory_space<hbm>>) target(%arg8 : memref<10x1000xi32, #tpu.memory_space<vmem>>) target_semaphore(%run_scoped3A : memref<!tpu.dma_semaphore, #tpu.memory_space<semaphore_mem>>)
      %dma_wait3A = arith.constant 0 : i32
      %dma_wait3A_43 = arith.constant 0 : i32
      %dma_wait3A_44 = tpu.memref_slice %arg3[%add3A, %dma_wait3A, %dma_wait3A_43] : memref<32x10x1000xi32, #tpu.memory_space<hbm>> -> memref<1x10x1000xi32, #tpu.memory_space<hbm>>
      %dma_wait3A_45 = tpu.memref_squeeze %dma_wait3A_44 : memref<1x10x1000xi32, #tpu.memory_space<hbm>> -> memref<10x1000xi32, #tpu.memory_space<hbm>>
      %dma_wait3A_46 = arith.constant 0 : i32
      %dma_wait3A_47 = arith.constant 0 : i32
      %dma_wait3A_48 = tpu.memref_slice %arg3[%add3A, %dma_wait3A_46, %dma_wait3A_47] : memref<32x10x1000xi32, #tpu.memory_space<hbm>> -> memref<1x10x1000xi32, #tpu.memory_space<hbm>>
      %dma_wait3A_49 = tpu.memref_squeeze %dma_wait3A_48 : memref<1x10x1000xi32, #tpu.memory_space<hbm>> -> memref<10x1000xi32, #tpu.memory_space<hbm>>
      tpu.wait_dma2 semaphore(%run_scoped3A : memref<!tpu.dma_semaphore, #tpu.memory_space<semaphore_mem>>) src(%dma_wait3A_49 : memref<10x1000xi32, #tpu.memory_space<hbm>>) dst(%arg8 : memref<10x1000xi32, #tpu.memory_space<vmem>>)
      tpu.yield
    }) : () -> ()
    "tpu.region"() ({
      %run_scoped3A = tpu.sem_alloc : memref<!tpu.dma_semaphore, #tpu.memory_space<semaphore_mem>>
      %dma_start3A_35 = arith.constant 0 : i32
      %dma_start3A_36 = arith.constant 0 : i32
      %dma_start3A_37 = tpu.memref_slice %arg5[%add3A, %dma_start3A_35, %dma_start3A_36] : memref<32x10x1000xi32, #tpu.memory_space<hbm>> -> memref<1x10x1000xi32, #tpu.memory_space<hbm>>
      %dma_start3A_38 = tpu.memref_squeeze %dma_start3A_37 : memref<1x10x1000xi32, #tpu.memory_space<hbm>> -> memref<10x1000xi32, #tpu.memory_space<hbm>>
      %dma_start3A_39 = arith.constant 0 : i32
      %dma_start3A_40 = arith.constant 0 : i32
      %dma_start3A_41 = tpu.memref_slice %arg5[%add3A, %dma_start3A_39, %dma_start3A_40] : memref<32x10x1000xi32, #tpu.memory_space<hbm>> -> memref<1x10x1000xi32, #tpu.memory_space<hbm>>
      %dma_start3A_42 = tpu.memref_squeeze %dma_start3A_41 : memref<1x10x1000xi32, #tpu.memory_space<hbm>> -> memref<10x1000xi32, #tpu.memory_space<hbm>>
      tpu.enqueue_dma source(%dma_start3A_42 : memref<10x1000xi32, #tpu.memory_space<hbm>>) target(%arg9 : memref<10x1000xi32, #tpu.memory_space<vmem>>) target_semaphore(%run_scoped3A : memref<!tpu.dma_semaphore, #tpu.memory_space<semaphore_mem>>)
      %dma_wait3A = arith.constant 0 : i32
      %dma_wait3A_43 = arith.constant 0 : i32
      %dma_wait3A_44 = tpu.memref_slice %arg5[%add3A, %dma_wait3A, %dma_wait3A_43] : memref<32x10x1000xi32, #tpu.memory_space<hbm>> -> memref<1x10x1000xi32, #tpu.memory_space<hbm>>
      %dma_wait3A_45 = tpu.memref_squeeze %dma_wait3A_44 : memref<1x10x1000xi32, #tpu.memory_space<hbm>> -> memref<10x1000xi32, #tpu.memory_space<hbm>>
      %dma_wait3A_46 = arith.constant 0 : i32
      %dma_wait3A_47 = arith.constant 0 : i32
      %dma_wait3A_48 = tpu.memref_slice %arg5[%add3A, %dma_wait3A_46, %dma_wait3A_47] : memref<32x10x1000xi32, #tpu.memory_space<hbm>> -> memref<1x10x1000xi32, #tpu.memory_space<hbm>>
      %dma_wait3A_49 = tpu.memref_squeeze %dma_wait3A_48 : memref<1x10x1000xi32, #tpu.memory_space<hbm>> -> memref<10x1000xi32, #tpu.memory_space<hbm>>
      tpu.wait_dma2 semaphore(%run_scoped3A : memref<!tpu.dma_semaphore, #tpu.memory_space<semaphore_mem>>) src(%dma_wait3A_49 : memref<10x1000xi32, #tpu.memory_space<hbm>>) dst(%arg9 : memref<10x1000xi32, #tpu.memory_space<vmem>>)
      tpu.yield
    }) : () -> ()
    %dma_start3A = arith.constant 0 : i32
    %dma_start3A_3 = arith.constant 0 : i32
    %dma_start3A_4 = tpu.memref_slice %arg8[%dma_start3A, %dma_start3A_3] : memref<10x1000xi32, #tpu.memory_space<vmem>> -> memref<1x1000xi32, #tpu.memory_space<vmem>>
    %dma_start3A_5 = tpu.memref_squeeze %dma_start3A_4 : memref<1x1000xi32, #tpu.memory_space<vmem>> -> memref<1000xi32, #tpu.memory_space<vmem>>
    %dma_start3A_6 = arith.constant 0 : i32
    %dma_start3A_7 = arith.constant 0 : i32
    %dma_start3A_8 = tpu.memref_slice %arg2[%dma_start3A_6, %dma_start3A_7] : memref<10000x16xf32, #tpu.memory_space<hbm>> -> memref<10000x16xf32, #tpu.memory_space<hbm>>
    tpu.enqueue_indirect_dma source(%dma_start3A_8 : memref<10000x16xf32, #tpu.memory_space<hbm>>) target(%arg10 : memref<1000x16xf32, #tpu.memory_space<vmem>>) offsets(%dma_start3A_5 : memref<1000xi32, #tpu.memory_space<vmem>>) semaphore(%arg14 : memref<!tpu.dma_semaphore, #tpu.memory_space<semaphore_mem>>)
    %dma_start3A_9 = arith.constant 0 : i32
    %dma_start3A_10 = arith.constant 0 : i32
    %dma_start3A_11 = tpu.memref_slice %arg9[%dma_start3A_9, %dma_start3A_10] : memref<10x1000xi32, #tpu.memory_space<vmem>> -> memref<1x1000xi32, #tpu.memory_space<vmem>>
    %dma_start3A_12 = tpu.memref_squeeze %dma_start3A_11 : memref<1x1000xi32, #tpu.memory_space<vmem>> -> memref<1000xi32, #tpu.memory_space<vmem>>
    %dma_start3A_13 = arith.constant 0 : i32
    %dma_start3A_14 = arith.constant 0 : i32
    %dma_start3A_15 = tpu.memref_slice %arg4[%dma_start3A_13, %dma_start3A_14] : memref<320000x16xf32, #tpu.memory_space<hbm>> -> memref<320000x16xf32, #tpu.memory_space<hbm>>
    tpu.enqueue_indirect_dma source(%dma_start3A_15 : memref<320000x16xf32, #tpu.memory_space<hbm>>) target(%arg12 : memref<1000x16xf32, #tpu.memory_space<vmem>>) offsets(%dma_start3A_12 : memref<1000xi32, #tpu.memory_space<vmem>>) semaphore(%arg16 : memref<!tpu.dma_semaphore, #tpu.memory_space<semaphore_mem>>)
    %dma_start3A_16 = arith.constant 1 : i32
    %dma_start3A_17 = arith.constant 0 : i32
    %dma_start3A_18 = tpu.memref_slice %arg8[%dma_start3A_16, %dma_start3A_17] : memref<10x1000xi32, #tpu.memory_space<vmem>> -> memref<1x1000xi32, #tpu.memory_space<vmem>>
    %dma_start3A_19 = tpu.memref_squeeze %dma_start3A_18 : memref<1x1000xi32, #tpu.memory_space<vmem>> -> memref<1000xi32, #tpu.memory_space<vmem>>
    %dma_start3A_20 = arith.constant 0 : i32
    %dma_start3A_21 = arith.constant 0 : i32
    %dma_start3A_22 = tpu.memref_slice %arg2[%dma_start3A_20, %dma_start3A_21] : memref<10000x16xf32, #tpu.memory_space<hbm>> -> memref<10000x16xf32, #tpu.memory_space<hbm>>
    tpu.enqueue_indirect_dma source(%dma_start3A_22 : memref<10000x16xf32, #tpu.memory_space<hbm>>) target(%arg11 : memref<1000x16xf32, #tpu.memory_space<vmem>>) offsets(%dma_start3A_19 : memref<1000xi32, #tpu.memory_space<vmem>>) semaphore(%arg15 : memref<!tpu.dma_semaphore, #tpu.memory_space<semaphore_mem>>)
    %dma_start3A_23 = arith.constant 1 : i32
    %dma_start3A_24 = arith.constant 0 : i32
    %dma_start3A_25 = tpu.memref_slice %arg9[%dma_start3A_23, %dma_start3A_24] : memref<10x1000xi32, #tpu.memory_space<vmem>> -> memref<1x1000xi32, #tpu.memory_space<vmem>>
    %dma_start3A_26 = tpu.memref_squeeze %dma_start3A_25 : memref<1x1000xi32, #tpu.memory_space<vmem>> -> memref<1000xi32, #tpu.memory_space<vmem>>
    %dma_start3A_27 = arith.constant 0 : i32
    %dma_start3A_28 = arith.constant 0 : i32
    %dma_start3A_29 = tpu.memref_slice %arg4[%dma_start3A_27, %dma_start3A_28] : memref<320000x16xf32, #tpu.memory_space<hbm>> -> memref<320000x16xf32, #tpu.memory_space<hbm>>
    tpu.enqueue_indirect_dma source(%dma_start3A_29 : memref<320000x16xf32, #tpu.memory_space<hbm>>) target(%arg13 : memref<1000x16xf32, #tpu.memory_space<vmem>>) offsets(%dma_start3A_26 : memref<1000xi32, #tpu.memory_space<vmem>>) semaphore(%arg17 : memref<!tpu.dma_semaphore, #tpu.memory_space<semaphore_mem>>)
    %scan3A = arith.constant 0 : i32
    %scan3A_30 = arith.constant 0 : i32
    %scan3A_31 = arith.constant 5 : i32
    %scan3A_32 = arith.addi %scan3A_30, %scan3A_31 : i32
    %scan3A_33 = arith.constant 1 : i32
    scf.for %scan3A_35 = %scan3A_30 to %scan3A_32 step %scan3A_33  : i32 {
      %mul3A_36 = arith.constant 2 : i32
      %mul3A_37 = arith.muli %mul3A_36, %scan3A_35 : i32
      %add3A_38 = arith.constant 1 : i32
      %add3A_39 = arith.addi %mul3A_37, %add3A_38 : i32
      %dma_wait3A = arith.constant 0 : i32
      %dma_wait3A_40 = arith.constant 0 : i32
      %dma_wait3A_41 = tpu.memref_slice %arg8[%dma_wait3A, %dma_wait3A_40] : memref<10x1000xi32, #tpu.memory_space<vmem>> -> memref<1x1000xi32, #tpu.memory_space<vmem>>
      %dma_wait3A_42 = tpu.memref_squeeze %dma_wait3A_41 : memref<1x1000xi32, #tpu.memory_space<vmem>> -> memref<1000xi32, #tpu.memory_space<vmem>>
      %dma_wait3A_43 = arith.constant 0 : i32
      %dma_wait3A_44 = arith.constant 0 : i32
      %dma_wait3A_45 = tpu.memref_slice %arg2[%dma_wait3A_43, %dma_wait3A_44] : memref<10000x16xf32, #tpu.memory_space<hbm>> -> memref<10000x16xf32, #tpu.memory_space<hbm>>
      tpu.wait_indirect_dma semaphore(%arg14 : memref<!tpu.dma_semaphore, #tpu.memory_space<semaphore_mem>>) src(%dma_wait3A_45 : memref<10000x16xf32, #tpu.memory_space<hbm>>) dst(%arg10 : memref<1000x16xf32, #tpu.memory_space<vmem>>)
      %dma_wait3A_46 = arith.constant 0 : i32
      %dma_wait3A_47 = arith.constant 0 : i32
      %dma_wait3A_48 = tpu.memref_slice %arg9[%dma_wait3A_46, %dma_wait3A_47] : memref<10x1000xi32, #tpu.memory_space<vmem>> -> memref<1x1000xi32, #tpu.memory_space<vmem>>
      %dma_wait3A_49 = tpu.memref_squeeze %dma_wait3A_48 : memref<1x1000xi32, #tpu.memory_space<vmem>> -> memref<1000xi32, #tpu.memory_space<vmem>>
      %dma_wait3A_50 = arith.constant 0 : i32
      %dma_wait3A_51 = arith.constant 0 : i32
      %dma_wait3A_52 = tpu.memref_slice %arg4[%dma_wait3A_50, %dma_wait3A_51] : memref<320000x16xf32, #tpu.memory_space<hbm>> -> memref<320000x16xf32, #tpu.memory_space<hbm>>
      tpu.wait_indirect_dma semaphore(%arg16 : memref<!tpu.dma_semaphore, #tpu.memory_space<semaphore_mem>>) src(%dma_wait3A_52 : memref<320000x16xf32, #tpu.memory_space<hbm>>) dst(%arg12 : memref<1000x16xf32, #tpu.memory_space<vmem>>)
      %mul3A_53 = arith.constant 1000 : i32
      %mul3A_54 = arith.muli %mul3A_37, %mul3A_53 : i32
      %add3A_55 = arith.addi %mul3A_2, %mul3A_54 : i32
      %dma_start3A_56 = arith.constant 0 : i32
      %dma_start3A_57 = tpu.memref_slice %arg6[%add3A_55, %dma_start3A_56] : memref<320000x16xf32, #tpu.memory_space<hbm>> -> memref<1000x16xf32, #tpu.memory_space<hbm>>
      %dma_start3A_58 = arith.constant 0 : i32
      %dma_start3A_59 = tpu.memref_slice %arg6[%add3A_55, %dma_start3A_58] : memref<320000x16xf32, #tpu.memory_space<hbm>> -> memref<1000x16xf32, #tpu.memory_space<hbm>>
      tpu.enqueue_dma source(%arg10 : memref<1000x16xf32, #tpu.memory_space<vmem>>) target(%dma_start3A_59 : memref<1000x16xf32, #tpu.memory_space<hbm>>) target_semaphore(%arg18 : memref<!tpu.dma_semaphore, #tpu.memory_space<semaphore_mem>>)
      %mul3A_60 = arith.constant 1000 : i32
      %mul3A_61 = arith.muli %mul3A_37, %mul3A_60 : i32
      %add3A_62 = arith.addi %mul3A_2, %mul3A_61 : i32
      %dma_start3A_63 = arith.constant 0 : i32
      %dma_start3A_64 = tpu.memref_slice %arg7[%add3A_62, %dma_start3A_63] : memref<320000x16xf32, #tpu.memory_space<hbm>> -> memref<1000x16xf32, #tpu.memory_space<hbm>>
      %dma_start3A_65 = arith.constant 0 : i32
      %dma_start3A_66 = tpu.memref_slice %arg7[%add3A_62, %dma_start3A_65] : memref<320000x16xf32, #tpu.memory_space<hbm>> -> memref<1000x16xf32, #tpu.memory_space<hbm>>
      tpu.enqueue_dma source(%arg12 : memref<1000x16xf32, #tpu.memory_space<vmem>>) target(%dma_start3A_66 : memref<1000x16xf32, #tpu.memory_space<hbm>>) target_semaphore(%arg20 : memref<!tpu.dma_semaphore, #tpu.memory_space<semaphore_mem>>)
      %dma_wait3A_67 = arith.constant 0 : i32
      %dma_wait3A_68 = arith.constant 0 : i32
      %dma_wait3A_69 = tpu.memref_slice %arg8[%dma_wait3A_67, %dma_wait3A_68] : memref<10x1000xi32, #tpu.memory_space<vmem>> -> memref<1x1000xi32, #tpu.memory_space<vmem>>
      %dma_wait3A_70 = tpu.memref_squeeze %dma_wait3A_69 : memref<1x1000xi32, #tpu.memory_space<vmem>> -> memref<1000xi32, #tpu.memory_space<vmem>>
      %dma_wait3A_71 = arith.constant 0 : i32
      %dma_wait3A_72 = arith.constant 0 : i32
      %dma_wait3A_73 = tpu.memref_slice %arg2[%dma_wait3A_71, %dma_wait3A_72] : memref<10000x16xf32, #tpu.memory_space<hbm>> -> memref<10000x16xf32, #tpu.memory_space<hbm>>
      tpu.wait_indirect_dma semaphore(%arg15 : memref<!tpu.dma_semaphore, #tpu.memory_space<semaphore_mem>>) src(%dma_wait3A_73 : memref<10000x16xf32, #tpu.memory_space<hbm>>) dst(%arg11 : memref<1000x16xf32, #tpu.memory_space<vmem>>)
      %dma_wait3A_74 = arith.constant 0 : i32
      %dma_wait3A_75 = arith.constant 0 : i32
      %dma_wait3A_76 = tpu.memref_slice %arg9[%dma_wait3A_74, %dma_wait3A_75] : memref<10x1000xi32, #tpu.memory_space<vmem>> -> memref<1x1000xi32, #tpu.memory_space<vmem>>
      %dma_wait3A_77 = tpu.memref_squeeze %dma_wait3A_76 : memref<1x1000xi32, #tpu.memory_space<vmem>> -> memref<1000xi32, #tpu.memory_space<vmem>>
      %dma_wait3A_78 = arith.constant 0 : i32
      %dma_wait3A_79 = arith.constant 0 : i32
      %dma_wait3A_80 = tpu.memref_slice %arg4[%dma_wait3A_78, %dma_wait3A_79] : memref<320000x16xf32, #tpu.memory_space<hbm>> -> memref<320000x16xf32, #tpu.memory_space<hbm>>
      tpu.wait_indirect_dma semaphore(%arg17 : memref<!tpu.dma_semaphore, #tpu.memory_space<semaphore_mem>>) src(%dma_wait3A_80 : memref<320000x16xf32, #tpu.memory_space<hbm>>) dst(%arg13 : memref<1000x16xf32, #tpu.memory_space<vmem>>)
      %mul3A_81 = arith.constant 1000 : i32
      %mul3A_82 = arith.muli %add3A_39, %mul3A_81 : i32
      %add3A_83 = arith.addi %mul3A_2, %mul3A_82 : i32
      %dma_start3A_84 = arith.constant 0 : i32
      %dma_start3A_85 = tpu.memref_slice %arg6[%add3A_83, %dma_start3A_84] : memref<320000x16xf32, #tpu.memory_space<hbm>> -> memref<1000x16xf32, #tpu.memory_space<hbm>>
      %dma_start3A_86 = arith.constant 0 : i32
      %dma_start3A_87 = tpu.memref_slice %arg6[%add3A_83, %dma_start3A_86] : memref<320000x16xf32, #tpu.memory_space<hbm>> -> memref<1000x16xf32, #tpu.memory_space<hbm>>
      tpu.enqueue_dma source(%arg11 : memref<1000x16xf32, #tpu.memory_space<vmem>>) target(%dma_start3A_87 : memref<1000x16xf32, #tpu.memory_space<hbm>>) target_semaphore(%arg19 : memref<!tpu.dma_semaphore, #tpu.memory_space<semaphore_mem>>)
      %mul3A_88 = arith.constant 1000 : i32
      %mul3A_89 = arith.muli %add3A_39, %mul3A_88 : i32
      %add3A_90 = arith.addi %mul3A_2, %mul3A_89 : i32
      %dma_start3A_91 = arith.constant 0 : i32
      %dma_start3A_92 = tpu.memref_slice %arg7[%add3A_90, %dma_start3A_91] : memref<320000x16xf32, #tpu.memory_space<hbm>> -> memref<1000x16xf32, #tpu.memory_space<hbm>>
      %dma_start3A_93 = arith.constant 0 : i32
      %dma_start3A_94 = tpu.memref_slice %arg7[%add3A_90, %dma_start3A_93] : memref<320000x16xf32, #tpu.memory_space<hbm>> -> memref<1000x16xf32, #tpu.memory_space<hbm>>
      tpu.enqueue_dma source(%arg13 : memref<1000x16xf32, #tpu.memory_space<vmem>>) target(%dma_start3A_94 : memref<1000x16xf32, #tpu.memory_space<hbm>>) target_semaphore(%arg21 : memref<!tpu.dma_semaphore, #tpu.memory_space<semaphore_mem>>)
      %dma_wait3A_95 = arith.constant 0 : i32
      %dma_wait3A_96 = tpu.memref_slice %arg6[%mul3A_2, %dma_wait3A_95] : memref<320000x16xf32, #tpu.memory_space<hbm>> -> memref<1000x16xf32, #tpu.memory_space<hbm>>
      %dma_wait3A_97 = arith.constant 0 : i32
      %dma_wait3A_98 = tpu.memref_slice %arg6[%mul3A_2, %dma_wait3A_97] : memref<320000x16xf32, #tpu.memory_space<hbm>> -> memref<1000x16xf32, #tpu.memory_space<hbm>>
      tpu.wait_dma2 semaphore(%arg18 : memref<!tpu.dma_semaphore, #tpu.memory_space<semaphore_mem>>) src(%arg10 : memref<1000x16xf32, #tpu.memory_space<vmem>>) dst(%dma_wait3A_98 : memref<1000x16xf32, #tpu.memory_space<hbm>>)
      %dma_wait3A_99 = arith.constant 0 : i32
      %dma_wait3A_100 = tpu.memref_slice %arg7[%mul3A_2, %dma_wait3A_99] : memref<320000x16xf32, #tpu.memory_space<hbm>> -> memref<1000x16xf32, #tpu.memory_space<hbm>>
      %dma_wait3A_101 = arith.constant 0 : i32
      %dma_wait3A_102 = tpu.memref_slice %arg7[%mul3A_2, %dma_wait3A_101] : memref<320000x16xf32, #tpu.memory_space<hbm>> -> memref<1000x16xf32, #tpu.memory_space<hbm>>
      tpu.wait_dma2 semaphore(%arg20 : memref<!tpu.dma_semaphore, #tpu.memory_space<semaphore_mem>>) src(%arg12 : memref<1000x16xf32, #tpu.memory_space<vmem>>) dst(%dma_wait3A_102 : memref<1000x16xf32, #tpu.memory_space<hbm>>)
      %add3A_103 = arith.constant 2 : i32
      %add3A_104 = arith.addi %mul3A_37, %add3A_103 : i32
      %lt3A = arith.constant 10 : i32
      %lt3A_105 = arith.cmpi slt, %add3A_104, %lt3A : i32
      %convert_element_type3A = arith.extui %lt3A_105 : i1 to i32
      %cond3A = arith.constant 0 : i32
      %cond3A_106 = arith.cmpi ne, %convert_element_type3A, %cond3A : i32
      scf.if %cond3A_106 {
        %add3A_122 = arith.constant 2 : i32
        %add3A_123 = arith.addi %mul3A_37, %add3A_122 : i32
        %dma_start3A_124 = arith.constant 0 : i32
        %dma_start3A_125 = tpu.memref_slice %arg8[%add3A_123, %dma_start3A_124] : memref<10x1000xi32, #tpu.memory_space<vmem>> -> memref<1x1000xi32, #tpu.memory_space<vmem>>
        %dma_start3A_126 = tpu.memref_squeeze %dma_start3A_125 : memref<1x1000xi32, #tpu.memory_space<vmem>> -> memref<1000xi32, #tpu.memory_space<vmem>>
        %dma_start3A_127 = arith.constant 0 : i32
        %dma_start3A_128 = arith.constant 0 : i32
        %dma_start3A_129 = tpu.memref_slice %arg2[%dma_start3A_127, %dma_start3A_128] : memref<10000x16xf32, #tpu.memory_space<hbm>> -> memref<10000x16xf32, #tpu.memory_space<hbm>>
        tpu.enqueue_indirect_dma source(%dma_start3A_129 : memref<10000x16xf32, #tpu.memory_space<hbm>>) target(%arg10 : memref<1000x16xf32, #tpu.memory_space<vmem>>) offsets(%dma_start3A_126 : memref<1000xi32, #tpu.memory_space<vmem>>) semaphore(%arg14 : memref<!tpu.dma_semaphore, #tpu.memory_space<semaphore_mem>>)
        %dma_start3A_130 = arith.constant 0 : i32
        %dma_start3A_131 = tpu.memref_slice %arg9[%add3A_123, %dma_start3A_130] : memref<10x1000xi32, #tpu.memory_space<vmem>> -> memref<1x1000xi32, #tpu.memory_space<vmem>>
        %dma_start3A_132 = tpu.memref_squeeze %dma_start3A_131 : memref<1x1000xi32, #tpu.memory_space<vmem>> -> memref<1000xi32, #tpu.memory_space<vmem>>
        %dma_start3A_133 = arith.constant 0 : i32
        %dma_start3A_134 = arith.constant 0 : i32
        %dma_start3A_135 = tpu.memref_slice %arg4[%dma_start3A_133, %dma_start3A_134] : memref<320000x16xf32, #tpu.memory_space<hbm>> -> memref<320000x16xf32, #tpu.memory_space<hbm>>
        tpu.enqueue_indirect_dma source(%dma_start3A_135 : memref<320000x16xf32, #tpu.memory_space<hbm>>) target(%arg12 : memref<1000x16xf32, #tpu.memory_space<vmem>>) offsets(%dma_start3A_132 : memref<1000xi32, #tpu.memory_space<vmem>>) semaphore(%arg16 : memref<!tpu.dma_semaphore, #tpu.memory_space<semaphore_mem>>)
      } else {
      }
      %dma_wait3A_107 = arith.constant 0 : i32
      %dma_wait3A_108 = tpu.memref_slice %arg6[%mul3A_2, %dma_wait3A_107] : memref<320000x16xf32, #tpu.memory_space<hbm>> -> memref<1000x16xf32, #tpu.memory_space<hbm>>
      %dma_wait3A_109 = arith.constant 0 : i32
      %dma_wait3A_110 = tpu.memref_slice %arg6[%mul3A_2, %dma_wait3A_109] : memref<320000x16xf32, #tpu.memory_space<hbm>> -> memref<1000x16xf32, #tpu.memory_space<hbm>>
      tpu.wait_dma2 semaphore(%arg19 : memref<!tpu.dma_semaphore, #tpu.memory_space<semaphore_mem>>) src(%arg11 : memref<1000x16xf32, #tpu.memory_space<vmem>>) dst(%dma_wait3A_110 : memref<1000x16xf32, #tpu.memory_space<hbm>>)
      %dma_wait3A_111 = arith.constant 0 : i32
      %dma_wait3A_112 = tpu.memref_slice %arg7[%mul3A_2, %dma_wait3A_111] : memref<320000x16xf32, #tpu.memory_space<hbm>> -> memref<1000x16xf32, #tpu.memory_space<hbm>>
      %dma_wait3A_113 = arith.constant 0 : i32
      %dma_wait3A_114 = tpu.memref_slice %arg7[%mul3A_2, %dma_wait3A_113] : memref<320000x16xf32, #tpu.memory_space<hbm>> -> memref<1000x16xf32, #tpu.memory_space<hbm>>
      tpu.wait_dma2 semaphore(%arg21 : memref<!tpu.dma_semaphore, #tpu.memory_space<semaphore_mem>>) src(%arg13 : memref<1000x16xf32, #tpu.memory_space<vmem>>) dst(%dma_wait3A_114 : memref<1000x16xf32, #tpu.memory_space<hbm>>)
      %add3A_115 = arith.constant 2 : i32
      %add3A_116 = arith.addi %add3A_39, %add3A_115 : i32
      %lt3A_117 = arith.constant 10 : i32
      %lt3A_118 = arith.cmpi slt, %add3A_116, %lt3A_117 : i32
      %convert_element_type3A_119 = arith.extui %lt3A_118 : i1 to i32
      %cond3A_120 = arith.constant 0 : i32
      %cond3A_121 = arith.cmpi ne, %convert_element_type3A_119, %cond3A_120 : i32
      scf.if %cond3A_121 {
        %add3A_122 = arith.constant 2 : i32
        %add3A_123 = arith.addi %add3A_39, %add3A_122 : i32
        %dma_start3A_124 = arith.constant 0 : i32
        %dma_start3A_125 = tpu.memref_slice %arg8[%add3A_123, %dma_start3A_124] : memref<10x1000xi32, #tpu.memory_space<vmem>> -> memref<1x1000xi32, #tpu.memory_space<vmem>>
        %dma_start3A_126 = tpu.memref_squeeze %dma_start3A_125 : memref<1x1000xi32, #tpu.memory_space<vmem>> -> memref<1000xi32, #tpu.memory_space<vmem>>
        %dma_start3A_127 = arith.constant 0 : i32
        %dma_start3A_128 = arith.constant 0 : i32
        %dma_start3A_129 = tpu.memref_slice %arg2[%dma_start3A_127, %dma_start3A_128] : memref<10000x16xf32, #tpu.memory_space<hbm>> -> memref<10000x16xf32, #tpu.memory_space<hbm>>
        tpu.enqueue_indirect_dma source(%dma_start3A_129 : memref<10000x16xf32, #tpu.memory_space<hbm>>) target(%arg11 : memref<1000x16xf32, #tpu.memory_space<vmem>>) offsets(%dma_start3A_126 : memref<1000xi32, #tpu.memory_space<vmem>>) semaphore(%arg15 : memref<!tpu.dma_semaphore, #tpu.memory_space<semaphore_mem>>)
        %dma_start3A_130 = arith.constant 0 : i32
        %dma_start3A_131 = tpu.memref_slice %arg9[%add3A_123, %dma_start3A_130] : memref<10x1000xi32, #tpu.memory_space<vmem>> -> memref<1x1000xi32, #tpu.memory_space<vmem>>
        %dma_start3A_132 = tpu.memref_squeeze %dma_start3A_131 : memref<1x1000xi32, #tpu.memory_space<vmem>> -> memref<1000xi32, #tpu.memory_space<vmem>>
        %dma_start3A_133 = arith.constant 0 : i32
        %dma_start3A_134 = arith.constant 0 : i32
        %dma_start3A_135 = tpu.memref_slice %arg4[%dma_start3A_133, %dma_start3A_134] : memref<320000x16xf32, #tpu.memory_space<hbm>> -> memref<320000x16xf32, #tpu.memory_space<hbm>>
        tpu.enqueue_indirect_dma source(%dma_start3A_135 : memref<320000x16xf32, #tpu.memory_space<hbm>>) target(%arg13 : memref<1000x16xf32, #tpu.memory_space<vmem>>) offsets(%dma_start3A_132 : memref<1000xi32, #tpu.memory_space<vmem>>) semaphore(%arg17 : memref<!tpu.dma_semaphore, #tpu.memory_space<semaphore_mem>>)
      } else {
      }
    }
    %scan3A_34 = arith.constant 5 : i32
    return
  }
}

#map = affine_map<(d0, d1) -> (0, 0)>
#map1 = affine_map<(d0, d1) -> (0, 0, 0)>
module attributes {stable_mosaic.version = 14 : i64} {
  func.func @_scatter_body(%arg0: i32, %arg1: i32, %arg2: memref<320000x16xf32, #tpu.memory_space<hbm>>, %arg3: memref<32x10x1000xi32, #tpu.memory_space<hbm>>, %arg4: memref<10000x16xf32, #tpu.memory_space<hbm>>, %arg5: memref<20000x16xf32, #tpu.memory_space<hbm>>, %arg6: memref<10x1000xi32, #tpu.memory_space<vmem>>, %arg7: memref<1000x16xf32, #tpu.memory_space<vmem>>, %arg8: memref<1000x16xf32, #tpu.memory_space<vmem>>, %arg9: memref<10000x16xf32, #tpu.memory_space<vmem_shared>>, %arg10: memref<!tpu.dma_semaphore, #tpu.memory_space<semaphore_mem>>, %arg11: memref<!tpu.dma_semaphore, #tpu.memory_space<semaphore_mem>>, %arg12: memref<!tpu.dma_semaphore, #tpu.memory_space<semaphore_mem>>, %arg13: memref<!tpu.dma_semaphore, #tpu.memory_space<semaphore_mem>>) attributes {dimension_semantics = [#tpu.dimension_semantics<core_parallel>, #tpu.dimension_semantics<subcore_parallel>], iteration_bounds = array<i64: 2, 16>, scalar_prefetch = 0 : i64, scratch_operands = 8 : i64, tpu.core_type = #tpu.core_type<sc_vector_subcore>, window_params = [{transform_indices = #map}, {transform_indices = #map1}, {transform_indices = #map}, {transform_indices = #map}]} {
    %mul3A = arith.constant 16 : i32
    %mul3A_0 = arith.muli %arg0, %mul3A : i32
    %add3A = arith.addi %mul3A_0, %arg1 : i32
    %mul3A_1 = arith.constant 10000 : i32
    %mul3A_2 = arith.muli %add3A, %mul3A_1 : i32
    %eq3A = arith.constant 0 : i32
    %eq3A_3 = arith.cmpi eq, %arg1, %eq3A : i32
    %convert_element_type3A = arith.extui %eq3A_3 : i1 to i32
    %cond3A = arith.constant 0 : i32
    %cond3A_4 = arith.cmpi ne, %convert_element_type3A, %cond3A : i32
    scf.if %cond3A_4 {
      "tpu.region"() ({
        %run_scoped3A = tpu.sem_alloc : memref<!tpu.dma_semaphore, #tpu.memory_space<semaphore_mem>>
        tpu.enqueue_dma source(%arg4 : memref<10000x16xf32, #tpu.memory_space<hbm>>) target(%arg9 : memref<10000x16xf32, #tpu.memory_space<vmem_shared>>) target_semaphore(%run_scoped3A : memref<!tpu.dma_semaphore, #tpu.memory_space<semaphore_mem>>)
        tpu.wait_dma2 semaphore(%run_scoped3A : memref<!tpu.dma_semaphore, #tpu.memory_space<semaphore_mem>>) src(%arg4 : memref<10000x16xf32, #tpu.memory_space<hbm>>) dst(%arg9 : memref<10000x16xf32, #tpu.memory_space<vmem_shared>>)
        tpu.yield
      }) : () -> ()
    } else {
    }
    %barrier3A = arith.constant 0 : index
    tpu.barrier barrier_id(%barrier3A)
    "tpu.region"() ({
      %run_scoped3A = tpu.sem_alloc : memref<!tpu.dma_semaphore, #tpu.memory_space<semaphore_mem>>
      %dma_start3A_27 = arith.constant 0 : i32
      %dma_start3A_28 = arith.constant 0 : i32
      %dma_start3A_29 = tpu.memref_slice %arg3[%add3A, %dma_start3A_27, %dma_start3A_28] : memref<32x10x1000xi32, #tpu.memory_space<hbm>> -> memref<1x10x1000xi32, #tpu.memory_space<hbm>>
      %dma_start3A_30 = tpu.memref_squeeze %dma_start3A_29 : memref<1x10x1000xi32, #tpu.memory_space<hbm>> -> memref<10x1000xi32, #tpu.memory_space<hbm>>
      %dma_start3A_31 = arith.constant 0 : i32
      %dma_start3A_32 = arith.constant 0 : i32
      %dma_start3A_33 = tpu.memref_slice %arg3[%add3A, %dma_start3A_31, %dma_start3A_32] : memref<32x10x1000xi32, #tpu.memory_space<hbm>> -> memref<1x10x1000xi32, #tpu.memory_space<hbm>>
      %dma_start3A_34 = tpu.memref_squeeze %dma_start3A_33 : memref<1x10x1000xi32, #tpu.memory_space<hbm>> -> memref<10x1000xi32, #tpu.memory_space<hbm>>
      tpu.enqueue_dma source(%dma_start3A_34 : memref<10x1000xi32, #tpu.memory_space<hbm>>) target(%arg6 : memref<10x1000xi32, #tpu.memory_space<vmem>>) target_semaphore(%run_scoped3A : memref<!tpu.dma_semaphore, #tpu.memory_space<semaphore_mem>>)
      %dma_wait3A = arith.constant 0 : i32
      %dma_wait3A_35 = arith.constant 0 : i32
      %dma_wait3A_36 = tpu.memref_slice %arg3[%add3A, %dma_wait3A, %dma_wait3A_35] : memref<32x10x1000xi32, #tpu.memory_space<hbm>> -> memref<1x10x1000xi32, #tpu.memory_space<hbm>>
      %dma_wait3A_37 = tpu.memref_squeeze %dma_wait3A_36 : memref<1x10x1000xi32, #tpu.memory_space<hbm>> -> memref<10x1000xi32, #tpu.memory_space<hbm>>
      %dma_wait3A_38 = arith.constant 0 : i32
      %dma_wait3A_39 = arith.constant 0 : i32
      %dma_wait3A_40 = tpu.memref_slice %arg3[%add3A, %dma_wait3A_38, %dma_wait3A_39] : memref<32x10x1000xi32, #tpu.memory_space<hbm>> -> memref<1x10x1000xi32, #tpu.memory_space<hbm>>
      %dma_wait3A_41 = tpu.memref_squeeze %dma_wait3A_40 : memref<1x10x1000xi32, #tpu.memory_space<hbm>> -> memref<10x1000xi32, #tpu.memory_space<hbm>>
      tpu.wait_dma2 semaphore(%run_scoped3A : memref<!tpu.dma_semaphore, #tpu.memory_space<semaphore_mem>>) src(%dma_wait3A_41 : memref<10x1000xi32, #tpu.memory_space<hbm>>) dst(%arg6 : memref<10x1000xi32, #tpu.memory_space<vmem>>)
      tpu.yield
    }) : () -> ()
    %add3A_5 = arith.constant 0 : i32
    %add3A_6 = arith.addi %mul3A_2, %add3A_5 : i32
    %dma_start3A = arith.constant 0 : i32
    %dma_start3A_7 = tpu.memref_slice %arg2[%add3A_6, %dma_start3A] : memref<320000x16xf32, #tpu.memory_space<hbm>> -> memref<1000x16xf32, #tpu.memory_space<hbm>>
    %dma_start3A_8 = arith.constant 0 : i32
    %dma_start3A_9 = tpu.memref_slice %arg2[%add3A_6, %dma_start3A_8] : memref<320000x16xf32, #tpu.memory_space<hbm>> -> memref<1000x16xf32, #tpu.memory_space<hbm>>
    tpu.enqueue_dma source(%dma_start3A_9 : memref<1000x16xf32, #tpu.memory_space<hbm>>) target(%arg7 : memref<1000x16xf32, #tpu.memory_space<vmem>>) target_semaphore(%arg10 : memref<!tpu.dma_semaphore, #tpu.memory_space<semaphore_mem>>)
    %add3A_10 = arith.constant 1000 : i32
    %add3A_11 = arith.addi %mul3A_2, %add3A_10 : i32
    %dma_start3A_12 = arith.constant 0 : i32
    %dma_start3A_13 = tpu.memref_slice %arg2[%add3A_11, %dma_start3A_12] : memref<320000x16xf32, #tpu.memory_space<hbm>> -> memref<1000x16xf32, #tpu.memory_space<hbm>>
    %dma_start3A_14 = arith.constant 0 : i32
    %dma_start3A_15 = tpu.memref_slice %arg2[%add3A_11, %dma_start3A_14] : memref<320000x16xf32, #tpu.memory_space<hbm>> -> memref<1000x16xf32, #tpu.memory_space<hbm>>
    tpu.enqueue_dma source(%dma_start3A_15 : memref<1000x16xf32, #tpu.memory_space<hbm>>) target(%arg8 : memref<1000x16xf32, #tpu.memory_space<vmem>>) target_semaphore(%arg11 : memref<!tpu.dma_semaphore, #tpu.memory_space<semaphore_mem>>)
    %scan3A = arith.constant 0 : i32
    %scan3A_16 = arith.constant 0 : i32
    %scan3A_17 = arith.constant 5 : i32
    %scan3A_18 = arith.addi %scan3A_16, %scan3A_17 : i32
    %scan3A_19 = arith.constant 1 : i32
    scf.for %scan3A_27 = %scan3A_16 to %scan3A_18 step %scan3A_19  : i32 {
      %mul3A_28 = arith.constant 2 : i32
      %mul3A_29 = arith.muli %mul3A_28, %scan3A_27 : i32
      %add3A_30 = arith.constant 1 : i32
      %add3A_31 = arith.addi %mul3A_29, %add3A_30 : i32
      %dma_wait3A = arith.constant 0 : i32
      %dma_wait3A_32 = tpu.memref_slice %arg2[%mul3A_2, %dma_wait3A] : memref<320000x16xf32, #tpu.memory_space<hbm>> -> memref<1000x16xf32, #tpu.memory_space<hbm>>
      %dma_wait3A_33 = arith.constant 0 : i32
      %dma_wait3A_34 = tpu.memref_slice %arg2[%mul3A_2, %dma_wait3A_33] : memref<320000x16xf32, #tpu.memory_space<hbm>> -> memref<1000x16xf32, #tpu.memory_space<hbm>>
      tpu.wait_dma2 semaphore(%arg10 : memref<!tpu.dma_semaphore, #tpu.memory_space<semaphore_mem>>) src(%dma_wait3A_34 : memref<1000x16xf32, #tpu.memory_space<hbm>>) dst(%arg7 : memref<1000x16xf32, #tpu.memory_space<vmem>>)
      %dma_start3A_35 = arith.constant 0 : i32
      %dma_start3A_36 = tpu.memref_slice %arg6[%mul3A_29, %dma_start3A_35] : memref<10x1000xi32, #tpu.memory_space<vmem>> -> memref<1x1000xi32, #tpu.memory_space<vmem>>
      %dma_start3A_37 = tpu.memref_squeeze %dma_start3A_36 : memref<1x1000xi32, #tpu.memory_space<vmem>> -> memref<1000xi32, #tpu.memory_space<vmem>>
      %dma_start3A_38 = arith.constant 0 : i32
      %dma_start3A_39 = arith.constant 0 : i32
      %dma_start3A_40 = tpu.memref_slice %arg9[%dma_start3A_38, %dma_start3A_39] : memref<10000x16xf32, #tpu.memory_space<vmem_shared>> -> memref<10000x16xf32, #tpu.memory_space<vmem_shared>>
      tpu.enqueue_indirect_dma source(%arg7 : memref<1000x16xf32, #tpu.memory_space<vmem>>) target(%dma_start3A_40 : memref<10000x16xf32, #tpu.memory_space<vmem_shared>>) offsets(%dma_start3A_37 : memref<1000xi32, #tpu.memory_space<vmem>>) semaphore(%arg12 : memref<!tpu.dma_semaphore, #tpu.memory_space<semaphore_mem>>) {add = true}
      %dma_wait3A_41 = arith.constant 0 : i32
      %dma_wait3A_42 = tpu.memref_slice %arg2[%mul3A_2, %dma_wait3A_41] : memref<320000x16xf32, #tpu.memory_space<hbm>> -> memref<1000x16xf32, #tpu.memory_space<hbm>>
      %dma_wait3A_43 = arith.constant 0 : i32
      %dma_wait3A_44 = tpu.memref_slice %arg2[%mul3A_2, %dma_wait3A_43] : memref<320000x16xf32, #tpu.memory_space<hbm>> -> memref<1000x16xf32, #tpu.memory_space<hbm>>
      tpu.wait_dma2 semaphore(%arg11 : memref<!tpu.dma_semaphore, #tpu.memory_space<semaphore_mem>>) src(%dma_wait3A_44 : memref<1000x16xf32, #tpu.memory_space<hbm>>) dst(%arg8 : memref<1000x16xf32, #tpu.memory_space<vmem>>)
      %dma_start3A_45 = arith.constant 0 : i32
      %dma_start3A_46 = tpu.memref_slice %arg6[%add3A_31, %dma_start3A_45] : memref<10x1000xi32, #tpu.memory_space<vmem>> -> memref<1x1000xi32, #tpu.memory_space<vmem>>
      %dma_start3A_47 = tpu.memref_squeeze %dma_start3A_46 : memref<1x1000xi32, #tpu.memory_space<vmem>> -> memref<1000xi32, #tpu.memory_space<vmem>>
      %dma_start3A_48 = arith.constant 0 : i32
      %dma_start3A_49 = arith.constant 0 : i32
      %dma_start3A_50 = tpu.memref_slice %arg9[%dma_start3A_48, %dma_start3A_49] : memref<10000x16xf32, #tpu.memory_space<vmem_shared>> -> memref<10000x16xf32, #tpu.memory_space<vmem_shared>>
      tpu.enqueue_indirect_dma source(%arg8 : memref<1000x16xf32, #tpu.memory_space<vmem>>) target(%dma_start3A_50 : memref<10000x16xf32, #tpu.memory_space<vmem_shared>>) offsets(%dma_start3A_47 : memref<1000xi32, #tpu.memory_space<vmem>>) semaphore(%arg13 : memref<!tpu.dma_semaphore, #tpu.memory_space<semaphore_mem>>) {add = true}
      %dma_wait3A_51 = arith.constant 0 : i32
      %dma_wait3A_52 = arith.constant 0 : i32
      %dma_wait3A_53 = tpu.memref_slice %arg6[%dma_wait3A_51, %dma_wait3A_52] : memref<10x1000xi32, #tpu.memory_space<vmem>> -> memref<1x1000xi32, #tpu.memory_space<vmem>>
      %dma_wait3A_54 = tpu.memref_squeeze %dma_wait3A_53 : memref<1x1000xi32, #tpu.memory_space<vmem>> -> memref<1000xi32, #tpu.memory_space<vmem>>
      %dma_wait3A_55 = arith.constant 0 : i32
      %dma_wait3A_56 = arith.constant 0 : i32
      %dma_wait3A_57 = tpu.memref_slice %arg9[%dma_wait3A_55, %dma_wait3A_56] : memref<10000x16xf32, #tpu.memory_space<vmem_shared>> -> memref<10000x16xf32, #tpu.memory_space<vmem_shared>>
      tpu.wait_indirect_dma semaphore(%arg12 : memref<!tpu.dma_semaphore, #tpu.memory_space<semaphore_mem>>) src(%arg7 : memref<1000x16xf32, #tpu.memory_space<vmem>>) dst(%dma_wait3A_57 : memref<10000x16xf32, #tpu.memory_space<vmem_shared>>)
      %add3A_58 = arith.constant 2 : i32
      %add3A_59 = arith.addi %mul3A_29, %add3A_58 : i32
      %lt3A = arith.constant 10 : i32
      %lt3A_60 = arith.cmpi slt, %add3A_59, %lt3A : i32
      %convert_element_type3A_61 = arith.extui %lt3A_60 : i1 to i32
      %cond3A_62 = arith.constant 0 : i32
      %cond3A_63 = arith.cmpi ne, %convert_element_type3A_61, %cond3A_62 : i32
      scf.if %cond3A_63 {
        %add3A_78 = arith.constant 2 : i32
        %add3A_79 = arith.addi %mul3A_29, %add3A_78 : i32
        %mul3A_80 = arith.constant 1000 : i32
        %mul3A_81 = arith.muli %add3A_79, %mul3A_80 : i32
        %add3A_82 = arith.addi %mul3A_2, %mul3A_81 : i32
        %dma_start3A_83 = arith.constant 0 : i32
        %dma_start3A_84 = tpu.memref_slice %arg2[%add3A_82, %dma_start3A_83] : memref<320000x16xf32, #tpu.memory_space<hbm>> -> memref<1000x16xf32, #tpu.memory_space<hbm>>
        %dma_start3A_85 = arith.constant 0 : i32
        %dma_start3A_86 = tpu.memref_slice %arg2[%add3A_82, %dma_start3A_85] : memref<320000x16xf32, #tpu.memory_space<hbm>> -> memref<1000x16xf32, #tpu.memory_space<hbm>>
        tpu.enqueue_dma source(%dma_start3A_86 : memref<1000x16xf32, #tpu.memory_space<hbm>>) target(%arg7 : memref<1000x16xf32, #tpu.memory_space<vmem>>) target_semaphore(%arg10 : memref<!tpu.dma_semaphore, #tpu.memory_space<semaphore_mem>>)
      } else {
      }
      %dma_wait3A_64 = arith.constant 0 : i32
      %dma_wait3A_65 = arith.constant 0 : i32
      %dma_wait3A_66 = tpu.memref_slice %arg6[%dma_wait3A_64, %dma_wait3A_65] : memref<10x1000xi32, #tpu.memory_space<vmem>> -> memref<1x1000xi32, #tpu.memory_space<vmem>>
      %dma_wait3A_67 = tpu.memref_squeeze %dma_wait3A_66 : memref<1x1000xi32, #tpu.memory_space<vmem>> -> memref<1000xi32, #tpu.memory_space<vmem>>
      %dma_wait3A_68 = arith.constant 0 : i32
      %dma_wait3A_69 = arith.constant 0 : i32
      %dma_wait3A_70 = tpu.memref_slice %arg9[%dma_wait3A_68, %dma_wait3A_69] : memref<10000x16xf32, #tpu.memory_space<vmem_shared>> -> memref<10000x16xf32, #tpu.memory_space<vmem_shared>>
      tpu.wait_indirect_dma semaphore(%arg13 : memref<!tpu.dma_semaphore, #tpu.memory_space<semaphore_mem>>) src(%arg8 : memref<1000x16xf32, #tpu.memory_space<vmem>>) dst(%dma_wait3A_70 : memref<10000x16xf32, #tpu.memory_space<vmem_shared>>)
      %add3A_71 = arith.constant 2 : i32
      %add3A_72 = arith.addi %add3A_31, %add3A_71 : i32
      %lt3A_73 = arith.constant 10 : i32
      %lt3A_74 = arith.cmpi slt, %add3A_72, %lt3A_73 : i32
      %convert_element_type3A_75 = arith.extui %lt3A_74 : i1 to i32
      %cond3A_76 = arith.constant 0 : i32
      %cond3A_77 = arith.cmpi ne, %convert_element_type3A_75, %cond3A_76 : i32
      scf.if %cond3A_77 {
        %add3A_78 = arith.constant 2 : i32
        %add3A_79 = arith.addi %add3A_31, %add3A_78 : i32
        %mul3A_80 = arith.constant 1000 : i32
        %mul3A_81 = arith.muli %add3A_79, %mul3A_80 : i32
        %add3A_82 = arith.addi %mul3A_2, %mul3A_81 : i32
        %dma_start3A_83 = arith.constant 0 : i32
        %dma_start3A_84 = tpu.memref_slice %arg2[%add3A_82, %dma_start3A_83] : memref<320000x16xf32, #tpu.memory_space<hbm>> -> memref<1000x16xf32, #tpu.memory_space<hbm>>
        %dma_start3A_85 = arith.constant 0 : i32
        %dma_start3A_86 = tpu.memref_slice %arg2[%add3A_82, %dma_start3A_85] : memref<320000x16xf32, #tpu.memory_space<hbm>> -> memref<1000x16xf32, #tpu.memory_space<hbm>>
        tpu.enqueue_dma source(%dma_start3A_86 : memref<1000x16xf32, #tpu.memory_space<hbm>>) target(%arg8 : memref<1000x16xf32, #tpu.memory_space<vmem>>) target_semaphore(%arg11 : memref<!tpu.dma_semaphore, #tpu.memory_space<semaphore_mem>>)
      } else {
      }
    }
    %scan3A_20 = arith.constant 5 : i32
    %barrier3A_21 = arith.constant 0 : index
    tpu.barrier barrier_id(%barrier3A_21)
    %eq3A_22 = arith.constant 0 : i32
    %eq3A_23 = arith.cmpi eq, %arg1, %eq3A_22 : i32
    %convert_element_type3A_24 = arith.extui %eq3A_23 : i1 to i32
    %cond3A_25 = arith.constant 0 : i32
    %cond3A_26 = arith.cmpi ne, %convert_element_type3A_24, %cond3A_25 : i32
    scf.if %cond3A_26 {
      %mul3A_27 = arith.constant 10000 : i32
      %mul3A_28 = arith.muli %arg0, %mul3A_27 : i32
      "tpu.region"() ({
        %run_scoped3A = tpu.sem_alloc : memref<!tpu.dma_semaphore, #tpu.memory_space<semaphore_mem>>
        %dma_start3A_29 = arith.constant 0 : i32
        %dma_start3A_30 = tpu.memref_slice %arg5[%mul3A_28, %dma_start3A_29] : memref<20000x16xf32, #tpu.memory_space<hbm>> -> memref<10000x16xf32, #tpu.memory_space<hbm>>
        tpu.enqueue_dma source(%arg9 : memref<10000x16xf32, #tpu.memory_space<vmem_shared>>) target(%dma_start3A_30 : memref<10000x16xf32, #tpu.memory_space<hbm>>) target_semaphore(%run_scoped3A : memref<!tpu.dma_semaphore, #tpu.memory_space<semaphore_mem>>)
        %dma_wait3A = arith.constant 0 : i32
        %dma_wait3A_31 = tpu.memref_slice %arg5[%mul3A_28, %dma_wait3A] : memref<20000x16xf32, #tpu.memory_space<hbm>> -> memref<10000x16xf32, #tpu.memory_space<hbm>>
        tpu.wait_dma2 semaphore(%run_scoped3A : memref<!tpu.dma_semaphore, #tpu.memory_space<semaphore_mem>>) src(%arg9 : memref<10000x16xf32, #tpu.memory_space<vmem_shared>>) dst(%dma_wait3A_31 : memref<10000x16xf32, #tpu.memory_space<hbm>>)
        tpu.yield
      }) : () -> ()
    } else {
    }
    return
  }
}

#map = affine_map<(d0, d1) -> (0, 0)>
#map1 = affine_map<(d0, d1) -> (0, 0, 0)>
module attributes {stable_mosaic.version = 14 : i64} {
  func.func @_gather2_body(%arg0: i32, %arg1: i32, %arg2: memref<10000x16xf32, #tpu.memory_space<hbm>>, %arg3: memref<32x10x1000xi32, #tpu.memory_space<hbm>>, %arg4: memref<320000x16xf32, #tpu.memory_space<hbm>>, %arg5: memref<32x10x1000xi32, #tpu.memory_space<hbm>>, %arg6: memref<320000x16xf32, #tpu.memory_space<hbm>>, %arg7: memref<320000x16xf32, #tpu.memory_space<hbm>>, %arg8: memref<10x1000xi32, #tpu.memory_space<vmem>>, %arg9: memref<10x1000xi32, #tpu.memory_space<vmem>>, %arg10: memref<1000x16xf32, #tpu.memory_space<vmem>>, %arg11: memref<1000x16xf32, #tpu.memory_space<vmem>>, %arg12: memref<1000x16xf32, #tpu.memory_space<vmem>>, %arg13: memref<1000x16xf32, #tpu.memory_space<vmem>>, %arg14: memref<!tpu.dma_semaphore, #tpu.memory_space<semaphore_mem>>, %arg15: memref<!tpu.dma_semaphore, #tpu.memory_space<semaphore_mem>>, %arg16: memref<!tpu.dma_semaphore, #tpu.memory_space<semaphore_mem>>, %arg17: memref<!tpu.dma_semaphore, #tpu.memory_space<semaphore_mem>>, %arg18: memref<!tpu.dma_semaphore, #tpu.memory_space<semaphore_mem>>, %arg19: memref<!tpu.dma_semaphore, #tpu.memory_space<semaphore_mem>>, %arg20: memref<!tpu.dma_semaphore, #tpu.memory_space<semaphore_mem>>, %arg21: memref<!tpu.dma_semaphore, #tpu.memory_space<semaphore_mem>>) attributes {dimension_semantics = [#tpu.dimension_semantics<core_parallel>, #tpu.dimension_semantics<subcore_parallel>], iteration_bounds = array<i64: 2, 16>, scalar_prefetch = 0 : i64, scratch_operands = 14 : i64, tpu.core_type = #tpu.core_type<sc_vector_subcore>, window_params = [{transform_indices = #map}, {transform_indices = #map1}, {transform_indices = #map}, {transform_indices = #map1}, {transform_indices = #map}, {transform_indices = #map}]} {
    %mul3A = arith.constant 16 : i32
    %mul3A_0 = arith.muli %arg0, %mul3A : i32
    %add3A = arith.addi %mul3A_0, %arg1 : i32
    %mul3A_1 = arith.constant 10000 : i32
    %mul3A_2 = arith.muli %add3A, %mul3A_1 : i32
    "tpu.region"() ({
      %run_scoped3A = tpu.sem_alloc : memref<!tpu.dma_semaphore, #tpu.memory_space<semaphore_mem>>
      %dma_start3A_35 = arith.constant 0 : i32
      %dma_start3A_36 = arith.constant 0 : i32
      %dma_start3A_37 = tpu.memref_slice %arg3[%add3A, %dma_start3A_35, %dma_start3A_36] : memref<32x10x1000xi32, #tpu.memory_space<hbm>> -> memref<1x10x1000xi32, #tpu.memory_space<hbm>>
      %dma_start3A_38 = tpu.memref_squeeze %dma_start3A_37 : memref<1x10x1000xi32, #tpu.memory_space<hbm>> -> memref<10x1000xi32, #tpu.memory_space<hbm>>
      %dma_start3A_39 = arith.constant 0 : i32
      %dma_start3A_40 = arith.constant 0 : i32
      %dma_start3A_41 = tpu.memref_slice %arg3[%add3A, %dma_start3A_39, %dma_start3A_40] : memref<32x10x1000xi32, #tpu.memory_space<hbm>> -> memref<1x10x1000xi32, #tpu.memory_space<hbm>>
      %dma_start3A_42 = tpu.memref_squeeze %dma_start3A_41 : memref<1x10x1000xi32, #tpu.memory_space<hbm>> -> memref<10x1000xi32, #tpu.memory_space<hbm>>
      tpu.enqueue_dma source(%dma_start3A_42 : memref<10x1000xi32, #tpu.memory_space<hbm>>) target(%arg8 : memref<10x1000xi32, #tpu.memory_space<vmem>>) target_semaphore(%run_scoped3A : memref<!tpu.dma_semaphore, #tpu.memory_space<semaphore_mem>>)
      %dma_wait3A = arith.constant 0 : i32
      %dma_wait3A_43 = arith.constant 0 : i32
      %dma_wait3A_44 = tpu.memref_slice %arg3[%add3A, %dma_wait3A, %dma_wait3A_43] : memref<32x10x1000xi32, #tpu.memory_space<hbm>> -> memref<1x10x1000xi32, #tpu.memory_space<hbm>>
      %dma_wait3A_45 = tpu.memref_squeeze %dma_wait3A_44 : memref<1x10x1000xi32, #tpu.memory_space<hbm>> -> memref<10x1000xi32, #tpu.memory_space<hbm>>
      %dma_wait3A_46 = arith.constant 0 : i32
      %dma_wait3A_47 = arith.constant 0 : i32
      %dma_wait3A_48 = tpu.memref_slice %arg3[%add3A, %dma_wait3A_46, %dma_wait3A_47] : memref<32x10x1000xi32, #tpu.memory_space<hbm>> -> memref<1x10x1000xi32, #tpu.memory_space<hbm>>
      %dma_wait3A_49 = tpu.memref_squeeze %dma_wait3A_48 : memref<1x10x1000xi32, #tpu.memory_space<hbm>> -> memref<10x1000xi32, #tpu.memory_space<hbm>>
      tpu.wait_dma2 semaphore(%run_scoped3A : memref<!tpu.dma_semaphore, #tpu.memory_space<semaphore_mem>>) src(%dma_wait3A_49 : memref<10x1000xi32, #tpu.memory_space<hbm>>) dst(%arg8 : memref<10x1000xi32, #tpu.memory_space<vmem>>)
      tpu.yield
    }) : () -> ()
    "tpu.region"() ({
      %run_scoped3A = tpu.sem_alloc : memref<!tpu.dma_semaphore, #tpu.memory_space<semaphore_mem>>
      %dma_start3A_35 = arith.constant 0 : i32
      %dma_start3A_36 = arith.constant 0 : i32
      %dma_start3A_37 = tpu.memref_slice %arg5[%add3A, %dma_start3A_35, %dma_start3A_36] : memref<32x10x1000xi32, #tpu.memory_space<hbm>> -> memref<1x10x1000xi32, #tpu.memory_space<hbm>>
      %dma_start3A_38 = tpu.memref_squeeze %dma_start3A_37 : memref<1x10x1000xi32, #tpu.memory_space<hbm>> -> memref<10x1000xi32, #tpu.memory_space<hbm>>
      %dma_start3A_39 = arith.constant 0 : i32
      %dma_start3A_40 = arith.constant 0 : i32
      %dma_start3A_41 = tpu.memref_slice %arg5[%add3A, %dma_start3A_39, %dma_start3A_40] : memref<32x10x1000xi32, #tpu.memory_space<hbm>> -> memref<1x10x1000xi32, #tpu.memory_space<hbm>>
      %dma_start3A_42 = tpu.memref_squeeze %dma_start3A_41 : memref<1x10x1000xi32, #tpu.memory_space<hbm>> -> memref<10x1000xi32, #tpu.memory_space<hbm>>
      tpu.enqueue_dma source(%dma_start3A_42 : memref<10x1000xi32, #tpu.memory_space<hbm>>) target(%arg9 : memref<10x1000xi32, #tpu.memory_space<vmem>>) target_semaphore(%run_scoped3A : memref<!tpu.dma_semaphore, #tpu.memory_space<semaphore_mem>>)
      %dma_wait3A = arith.constant 0 : i32
      %dma_wait3A_43 = arith.constant 0 : i32
      %dma_wait3A_44 = tpu.memref_slice %arg5[%add3A, %dma_wait3A, %dma_wait3A_43] : memref<32x10x1000xi32, #tpu.memory_space<hbm>> -> memref<1x10x1000xi32, #tpu.memory_space<hbm>>
      %dma_wait3A_45 = tpu.memref_squeeze %dma_wait3A_44 : memref<1x10x1000xi32, #tpu.memory_space<hbm>> -> memref<10x1000xi32, #tpu.memory_space<hbm>>
      %dma_wait3A_46 = arith.constant 0 : i32
      %dma_wait3A_47 = arith.constant 0 : i32
      %dma_wait3A_48 = tpu.memref_slice %arg5[%add3A, %dma_wait3A_46, %dma_wait3A_47] : memref<32x10x1000xi32, #tpu.memory_space<hbm>> -> memref<1x10x1000xi32, #tpu.memory_space<hbm>>
      %dma_wait3A_49 = tpu.memref_squeeze %dma_wait3A_48 : memref<1x10x1000xi32, #tpu.memory_space<hbm>> -> memref<10x1000xi32, #tpu.memory_space<hbm>>
      tpu.wait_dma2 semaphore(%run_scoped3A : memref<!tpu.dma_semaphore, #tpu.memory_space<semaphore_mem>>) src(%dma_wait3A_49 : memref<10x1000xi32, #tpu.memory_space<hbm>>) dst(%arg9 : memref<10x1000xi32, #tpu.memory_space<vmem>>)
      tpu.yield
    }) : () -> ()
    %dma_start3A = arith.constant 0 : i32
    %dma_start3A_3 = arith.constant 0 : i32
    %dma_start3A_4 = tpu.memref_slice %arg8[%dma_start3A, %dma_start3A_3] : memref<10x1000xi32, #tpu.memory_space<vmem>> -> memref<1x1000xi32, #tpu.memory_space<vmem>>
    %dma_start3A_5 = tpu.memref_squeeze %dma_start3A_4 : memref<1x1000xi32, #tpu.memory_space<vmem>> -> memref<1000xi32, #tpu.memory_space<vmem>>
    %dma_start3A_6 = arith.constant 0 : i32
    %dma_start3A_7 = arith.constant 0 : i32
    %dma_start3A_8 = tpu.memref_slice %arg2[%dma_start3A_6, %dma_start3A_7] : memref<10000x16xf32, #tpu.memory_space<hbm>> -> memref<10000x16xf32, #tpu.memory_space<hbm>>
    tpu.enqueue_indirect_dma source(%dma_start3A_8 : memref<10000x16xf32, #tpu.memory_space<hbm>>) target(%arg10 : memref<1000x16xf32, #tpu.memory_space<vmem>>) offsets(%dma_start3A_5 : memref<1000xi32, #tpu.memory_space<vmem>>) semaphore(%arg14 : memref<!tpu.dma_semaphore, #tpu.memory_space<semaphore_mem>>)
    %dma_start3A_9 = arith.constant 0 : i32
    %dma_start3A_10 = arith.constant 0 : i32
    %dma_start3A_11 = tpu.memref_slice %arg9[%dma_start3A_9, %dma_start3A_10] : memref<10x1000xi32, #tpu.memory_space<vmem>> -> memref<1x1000xi32, #tpu.memory_space<vmem>>
    %dma_start3A_12 = tpu.memref_squeeze %dma_start3A_11 : memref<1x1000xi32, #tpu.memory_space<vmem>> -> memref<1000xi32, #tpu.memory_space<vmem>>
    %dma_start3A_13 = arith.constant 0 : i32
    %dma_start3A_14 = arith.constant 0 : i32
    %dma_start3A_15 = tpu.memref_slice %arg4[%dma_start3A_13, %dma_start3A_14] : memref<320000x16xf32, #tpu.memory_space<hbm>> -> memref<320000x16xf32, #tpu.memory_space<hbm>>
    tpu.enqueue_indirect_dma source(%dma_start3A_15 : memref<320000x16xf32, #tpu.memory_space<hbm>>) target(%arg12 : memref<1000x16xf32, #tpu.memory_space<vmem>>) offsets(%dma_start3A_12 : memref<1000xi32, #tpu.memory_space<vmem>>) semaphore(%arg16 : memref<!tpu.dma_semaphore, #tpu.memory_space<semaphore_mem>>)
    %dma_start3A_16 = arith.constant 1 : i32
    %dma_start3A_17 = arith.constant 0 : i32
    %dma_start3A_18 = tpu.memref_slice %arg8[%dma_start3A_16, %dma_start3A_17] : memref<10x1000xi32, #tpu.memory_space<vmem>> -> memref<1x1000xi32, #tpu.memory_space<vmem>>
    %dma_start3A_19 = tpu.memref_squeeze %dma_start3A_18 : memref<1x1000xi32, #tpu.memory_space<vmem>> -> memref<1000xi32, #tpu.memory_space<vmem>>
    %dma_start3A_20 = arith.constant 0 : i32
    %dma_start3A_21 = arith.constant 0 : i32
    %dma_start3A_22 = tpu.memref_slice %arg2[%dma_start3A_20, %dma_start3A_21] : memref<10000x16xf32, #tpu.memory_space<hbm>> -> memref<10000x16xf32, #tpu.memory_space<hbm>>
    tpu.enqueue_indirect_dma source(%dma_start3A_22 : memref<10000x16xf32, #tpu.memory_space<hbm>>) target(%arg11 : memref<1000x16xf32, #tpu.memory_space<vmem>>) offsets(%dma_start3A_19 : memref<1000xi32, #tpu.memory_space<vmem>>) semaphore(%arg15 : memref<!tpu.dma_semaphore, #tpu.memory_space<semaphore_mem>>)
    %dma_start3A_23 = arith.constant 1 : i32
    %dma_start3A_24 = arith.constant 0 : i32
    %dma_start3A_25 = tpu.memref_slice %arg9[%dma_start3A_23, %dma_start3A_24] : memref<10x1000xi32, #tpu.memory_space<vmem>> -> memref<1x1000xi32, #tpu.memory_space<vmem>>
    %dma_start3A_26 = tpu.memref_squeeze %dma_start3A_25 : memref<1x1000xi32, #tpu.memory_space<vmem>> -> memref<1000xi32, #tpu.memory_space<vmem>>
    %dma_start3A_27 = arith.constant 0 : i32
    %dma_start3A_28 = arith.constant 0 : i32
    %dma_start3A_29 = tpu.memref_slice %arg4[%dma_start3A_27, %dma_start3A_28] : memref<320000x16xf32, #tpu.memory_space<hbm>> -> memref<320000x16xf32, #tpu.memory_space<hbm>>
    tpu.enqueue_indirect_dma source(%dma_start3A_29 : memref<320000x16xf32, #tpu.memory_space<hbm>>) target(%arg13 : memref<1000x16xf32, #tpu.memory_space<vmem>>) offsets(%dma_start3A_26 : memref<1000xi32, #tpu.memory_space<vmem>>) semaphore(%arg17 : memref<!tpu.dma_semaphore, #tpu.memory_space<semaphore_mem>>)
    %scan3A = arith.constant 0 : i32
    %scan3A_30 = arith.constant 0 : i32
    %scan3A_31 = arith.constant 5 : i32
    %scan3A_32 = arith.addi %scan3A_30, %scan3A_31 : i32
    %scan3A_33 = arith.constant 1 : i32
    scf.for %scan3A_35 = %scan3A_30 to %scan3A_32 step %scan3A_33  : i32 {
      %mul3A_36 = arith.constant 2 : i32
      %mul3A_37 = arith.muli %mul3A_36, %scan3A_35 : i32
      %add3A_38 = arith.constant 1 : i32
      %add3A_39 = arith.addi %mul3A_37, %add3A_38 : i32
      %dma_wait3A = arith.constant 0 : i32
      %dma_wait3A_40 = arith.constant 0 : i32
      %dma_wait3A_41 = tpu.memref_slice %arg8[%dma_wait3A, %dma_wait3A_40] : memref<10x1000xi32, #tpu.memory_space<vmem>> -> memref<1x1000xi32, #tpu.memory_space<vmem>>
      %dma_wait3A_42 = tpu.memref_squeeze %dma_wait3A_41 : memref<1x1000xi32, #tpu.memory_space<vmem>> -> memref<1000xi32, #tpu.memory_space<vmem>>
      %dma_wait3A_43 = arith.constant 0 : i32
      %dma_wait3A_44 = arith.constant 0 : i32
      %dma_wait3A_45 = tpu.memref_slice %arg2[%dma_wait3A_43, %dma_wait3A_44] : memref<10000x16xf32, #tpu.memory_space<hbm>> -> memref<10000x16xf32, #tpu.memory_space<hbm>>
      tpu.wait_indirect_dma semaphore(%arg14 : memref<!tpu.dma_semaphore, #tpu.memory_space<semaphore_mem>>) src(%dma_wait3A_45 : memref<10000x16xf32, #tpu.memory_space<hbm>>) dst(%arg10 : memref<1000x16xf32, #tpu.memory_space<vmem>>)
      %dma_wait3A_46 = arith.constant 0 : i32
      %dma_wait3A_47 = arith.constant 0 : i32
      %dma_wait3A_48 = tpu.memref_slice %arg9[%dma_wait3A_46, %dma_wait3A_47] : memref<10x1000xi32, #tpu.memory_space<vmem>> -> memref<1x1000xi32, #tpu.memory_space<vmem>>
      %dma_wait3A_49 = tpu.memref_squeeze %dma_wait3A_48 : memref<1x1000xi32, #tpu.memory_space<vmem>> -> memref<1000xi32, #tpu.memory_space<vmem>>
      %dma_wait3A_50 = arith.constant 0 : i32
      %dma_wait3A_51 = arith.constant 0 : i32
      %dma_wait3A_52 = tpu.memref_slice %arg4[%dma_wait3A_50, %dma_wait3A_51] : memref<320000x16xf32, #tpu.memory_space<hbm>> -> memref<320000x16xf32, #tpu.memory_space<hbm>>
      tpu.wait_indirect_dma semaphore(%arg16 : memref<!tpu.dma_semaphore, #tpu.memory_space<semaphore_mem>>) src(%dma_wait3A_52 : memref<320000x16xf32, #tpu.memory_space<hbm>>) dst(%arg12 : memref<1000x16xf32, #tpu.memory_space<vmem>>)
      %mul3A_53 = arith.constant 1000 : i32
      %mul3A_54 = arith.muli %mul3A_37, %mul3A_53 : i32
      %add3A_55 = arith.addi %mul3A_2, %mul3A_54 : i32
      %dma_start3A_56 = arith.constant 0 : i32
      %dma_start3A_57 = tpu.memref_slice %arg6[%add3A_55, %dma_start3A_56] : memref<320000x16xf32, #tpu.memory_space<hbm>> -> memref<1000x16xf32, #tpu.memory_space<hbm>>
      %dma_start3A_58 = arith.constant 0 : i32
      %dma_start3A_59 = tpu.memref_slice %arg6[%add3A_55, %dma_start3A_58] : memref<320000x16xf32, #tpu.memory_space<hbm>> -> memref<1000x16xf32, #tpu.memory_space<hbm>>
      tpu.enqueue_dma source(%arg10 : memref<1000x16xf32, #tpu.memory_space<vmem>>) target(%dma_start3A_59 : memref<1000x16xf32, #tpu.memory_space<hbm>>) target_semaphore(%arg18 : memref<!tpu.dma_semaphore, #tpu.memory_space<semaphore_mem>>)
      %mul3A_60 = arith.constant 1000 : i32
      %mul3A_61 = arith.muli %mul3A_37, %mul3A_60 : i32
      %add3A_62 = arith.addi %mul3A_2, %mul3A_61 : i32
      %dma_start3A_63 = arith.constant 0 : i32
      %dma_start3A_64 = tpu.memref_slice %arg7[%add3A_62, %dma_start3A_63] : memref<320000x16xf32, #tpu.memory_space<hbm>> -> memref<1000x16xf32, #tpu.memory_space<hbm>>
      %dma_start3A_65 = arith.constant 0 : i32
      %dma_start3A_66 = tpu.memref_slice %arg7[%add3A_62, %dma_start3A_65] : memref<320000x16xf32, #tpu.memory_space<hbm>> -> memref<1000x16xf32, #tpu.memory_space<hbm>>
      tpu.enqueue_dma source(%arg12 : memref<1000x16xf32, #tpu.memory_space<vmem>>) target(%dma_start3A_66 : memref<1000x16xf32, #tpu.memory_space<hbm>>) target_semaphore(%arg20 : memref<!tpu.dma_semaphore, #tpu.memory_space<semaphore_mem>>)
      %dma_wait3A_67 = arith.constant 0 : i32
      %dma_wait3A_68 = arith.constant 0 : i32
      %dma_wait3A_69 = tpu.memref_slice %arg8[%dma_wait3A_67, %dma_wait3A_68] : memref<10x1000xi32, #tpu.memory_space<vmem>> -> memref<1x1000xi32, #tpu.memory_space<vmem>>
      %dma_wait3A_70 = tpu.memref_squeeze %dma_wait3A_69 : memref<1x1000xi32, #tpu.memory_space<vmem>> -> memref<1000xi32, #tpu.memory_space<vmem>>
      %dma_wait3A_71 = arith.constant 0 : i32
      %dma_wait3A_72 = arith.constant 0 : i32
      %dma_wait3A_73 = tpu.memref_slice %arg2[%dma_wait3A_71, %dma_wait3A_72] : memref<10000x16xf32, #tpu.memory_space<hbm>> -> memref<10000x16xf32, #tpu.memory_space<hbm>>
      tpu.wait_indirect_dma semaphore(%arg15 : memref<!tpu.dma_semaphore, #tpu.memory_space<semaphore_mem>>) src(%dma_wait3A_73 : memref<10000x16xf32, #tpu.memory_space<hbm>>) dst(%arg11 : memref<1000x16xf32, #tpu.memory_space<vmem>>)
      %dma_wait3A_74 = arith.constant 0 : i32
      %dma_wait3A_75 = arith.constant 0 : i32
      %dma_wait3A_76 = tpu.memref_slice %arg9[%dma_wait3A_74, %dma_wait3A_75] : memref<10x1000xi32, #tpu.memory_space<vmem>> -> memref<1x1000xi32, #tpu.memory_space<vmem>>
      %dma_wait3A_77 = tpu.memref_squeeze %dma_wait3A_76 : memref<1x1000xi32, #tpu.memory_space<vmem>> -> memref<1000xi32, #tpu.memory_space<vmem>>
      %dma_wait3A_78 = arith.constant 0 : i32
      %dma_wait3A_79 = arith.constant 0 : i32
      %dma_wait3A_80 = tpu.memref_slice %arg4[%dma_wait3A_78, %dma_wait3A_79] : memref<320000x16xf32, #tpu.memory_space<hbm>> -> memref<320000x16xf32, #tpu.memory_space<hbm>>
      tpu.wait_indirect_dma semaphore(%arg17 : memref<!tpu.dma_semaphore, #tpu.memory_space<semaphore_mem>>) src(%dma_wait3A_80 : memref<320000x16xf32, #tpu.memory_space<hbm>>) dst(%arg13 : memref<1000x16xf32, #tpu.memory_space<vmem>>)
      %mul3A_81 = arith.constant 1000 : i32
      %mul3A_82 = arith.muli %add3A_39, %mul3A_81 : i32
      %add3A_83 = arith.addi %mul3A_2, %mul3A_82 : i32
      %dma_start3A_84 = arith.constant 0 : i32
      %dma_start3A_85 = tpu.memref_slice %arg6[%add3A_83, %dma_start3A_84] : memref<320000x16xf32, #tpu.memory_space<hbm>> -> memref<1000x16xf32, #tpu.memory_space<hbm>>
      %dma_start3A_86 = arith.constant 0 : i32
      %dma_start3A_87 = tpu.memref_slice %arg6[%add3A_83, %dma_start3A_86] : memref<320000x16xf32, #tpu.memory_space<hbm>> -> memref<1000x16xf32, #tpu.memory_space<hbm>>
      tpu.enqueue_dma source(%arg11 : memref<1000x16xf32, #tpu.memory_space<vmem>>) target(%dma_start3A_87 : memref<1000x16xf32, #tpu.memory_space<hbm>>) target_semaphore(%arg19 : memref<!tpu.dma_semaphore, #tpu.memory_space<semaphore_mem>>)
      %mul3A_88 = arith.constant 1000 : i32
      %mul3A_89 = arith.muli %add3A_39, %mul3A_88 : i32
      %add3A_90 = arith.addi %mul3A_2, %mul3A_89 : i32
      %dma_start3A_91 = arith.constant 0 : i32
      %dma_start3A_92 = tpu.memref_slice %arg7[%add3A_90, %dma_start3A_91] : memref<320000x16xf32, #tpu.memory_space<hbm>> -> memref<1000x16xf32, #tpu.memory_space<hbm>>
      %dma_start3A_93 = arith.constant 0 : i32
      %dma_start3A_94 = tpu.memref_slice %arg7[%add3A_90, %dma_start3A_93] : memref<320000x16xf32, #tpu.memory_space<hbm>> -> memref<1000x16xf32, #tpu.memory_space<hbm>>
      tpu.enqueue_dma source(%arg13 : memref<1000x16xf32, #tpu.memory_space<vmem>>) target(%dma_start3A_94 : memref<1000x16xf32, #tpu.memory_space<hbm>>) target_semaphore(%arg21 : memref<!tpu.dma_semaphore, #tpu.memory_space<semaphore_mem>>)
      %dma_wait3A_95 = arith.constant 0 : i32
      %dma_wait3A_96 = tpu.memref_slice %arg6[%mul3A_2, %dma_wait3A_95] : memref<320000x16xf32, #tpu.memory_space<hbm>> -> memref<1000x16xf32, #tpu.memory_space<hbm>>
      %dma_wait3A_97 = arith.constant 0 : i32
      %dma_wait3A_98 = tpu.memref_slice %arg6[%mul3A_2, %dma_wait3A_97] : memref<320000x16xf32, #tpu.memory_space<hbm>> -> memref<1000x16xf32, #tpu.memory_space<hbm>>
      tpu.wait_dma2 semaphore(%arg18 : memref<!tpu.dma_semaphore, #tpu.memory_space<semaphore_mem>>) src(%arg10 : memref<1000x16xf32, #tpu.memory_space<vmem>>) dst(%dma_wait3A_98 : memref<1000x16xf32, #tpu.memory_space<hbm>>)
      %dma_wait3A_99 = arith.constant 0 : i32
      %dma_wait3A_100 = tpu.memref_slice %arg7[%mul3A_2, %dma_wait3A_99] : memref<320000x16xf32, #tpu.memory_space<hbm>> -> memref<1000x16xf32, #tpu.memory_space<hbm>>
      %dma_wait3A_101 = arith.constant 0 : i32
      %dma_wait3A_102 = tpu.memref_slice %arg7[%mul3A_2, %dma_wait3A_101] : memref<320000x16xf32, #tpu.memory_space<hbm>> -> memref<1000x16xf32, #tpu.memory_space<hbm>>
      tpu.wait_dma2 semaphore(%arg20 : memref<!tpu.dma_semaphore, #tpu.memory_space<semaphore_mem>>) src(%arg12 : memref<1000x16xf32, #tpu.memory_space<vmem>>) dst(%dma_wait3A_102 : memref<1000x16xf32, #tpu.memory_space<hbm>>)
      %add3A_103 = arith.constant 2 : i32
      %add3A_104 = arith.addi %mul3A_37, %add3A_103 : i32
      %lt3A = arith.constant 10 : i32
      %lt3A_105 = arith.cmpi slt, %add3A_104, %lt3A : i32
      %convert_element_type3A = arith.extui %lt3A_105 : i1 to i32
      %cond3A = arith.constant 0 : i32
      %cond3A_106 = arith.cmpi ne, %convert_element_type3A, %cond3A : i32
      scf.if %cond3A_106 {
        %add3A_122 = arith.constant 2 : i32
        %add3A_123 = arith.addi %mul3A_37, %add3A_122 : i32
        %dma_start3A_124 = arith.constant 0 : i32
        %dma_start3A_125 = tpu.memref_slice %arg8[%add3A_123, %dma_start3A_124] : memref<10x1000xi32, #tpu.memory_space<vmem>> -> memref<1x1000xi32, #tpu.memory_space<vmem>>
        %dma_start3A_126 = tpu.memref_squeeze %dma_start3A_125 : memref<1x1000xi32, #tpu.memory_space<vmem>> -> memref<1000xi32, #tpu.memory_space<vmem>>
        %dma_start3A_127 = arith.constant 0 : i32
        %dma_start3A_128 = arith.constant 0 : i32
        %dma_start3A_129 = tpu.memref_slice %arg2[%dma_start3A_127, %dma_start3A_128] : memref<10000x16xf32, #tpu.memory_space<hbm>> -> memref<10000x16xf32, #tpu.memory_space<hbm>>
        tpu.enqueue_indirect_dma source(%dma_start3A_129 : memref<10000x16xf32, #tpu.memory_space<hbm>>) target(%arg10 : memref<1000x16xf32, #tpu.memory_space<vmem>>) offsets(%dma_start3A_126 : memref<1000xi32, #tpu.memory_space<vmem>>) semaphore(%arg14 : memref<!tpu.dma_semaphore, #tpu.memory_space<semaphore_mem>>)
        %dma_start3A_130 = arith.constant 0 : i32
        %dma_start3A_131 = tpu.memref_slice %arg9[%add3A_123, %dma_start3A_130] : memref<10x1000xi32, #tpu.memory_space<vmem>> -> memref<1x1000xi32, #tpu.memory_space<vmem>>
        %dma_start3A_132 = tpu.memref_squeeze %dma_start3A_131 : memref<1x1000xi32, #tpu.memory_space<vmem>> -> memref<1000xi32, #tpu.memory_space<vmem>>
        %dma_start3A_133 = arith.constant 0 : i32
        %dma_start3A_134 = arith.constant 0 : i32
        %dma_start3A_135 = tpu.memref_slice %arg4[%dma_start3A_133, %dma_start3A_134] : memref<320000x16xf32, #tpu.memory_space<hbm>> -> memref<320000x16xf32, #tpu.memory_space<hbm>>
        tpu.enqueue_indirect_dma source(%dma_start3A_135 : memref<320000x16xf32, #tpu.memory_space<hbm>>) target(%arg12 : memref<1000x16xf32, #tpu.memory_space<vmem>>) offsets(%dma_start3A_132 : memref<1000xi32, #tpu.memory_space<vmem>>) semaphore(%arg16 : memref<!tpu.dma_semaphore, #tpu.memory_space<semaphore_mem>>)
      } else {
      }
      %dma_wait3A_107 = arith.constant 0 : i32
      %dma_wait3A_108 = tpu.memref_slice %arg6[%mul3A_2, %dma_wait3A_107] : memref<320000x16xf32, #tpu.memory_space<hbm>> -> memref<1000x16xf32, #tpu.memory_space<hbm>>
      %dma_wait3A_109 = arith.constant 0 : i32
      %dma_wait3A_110 = tpu.memref_slice %arg6[%mul3A_2, %dma_wait3A_109] : memref<320000x16xf32, #tpu.memory_space<hbm>> -> memref<1000x16xf32, #tpu.memory_space<hbm>>
      tpu.wait_dma2 semaphore(%arg19 : memref<!tpu.dma_semaphore, #tpu.memory_space<semaphore_mem>>) src(%arg11 : memref<1000x16xf32, #tpu.memory_space<vmem>>) dst(%dma_wait3A_110 : memref<1000x16xf32, #tpu.memory_space<hbm>>)
      %dma_wait3A_111 = arith.constant 0 : i32
      %dma_wait3A_112 = tpu.memref_slice %arg7[%mul3A_2, %dma_wait3A_111] : memref<320000x16xf32, #tpu.memory_space<hbm>> -> memref<1000x16xf32, #tpu.memory_space<hbm>>
      %dma_wait3A_113 = arith.constant 0 : i32
      %dma_wait3A_114 = tpu.memref_slice %arg7[%mul3A_2, %dma_wait3A_113] : memref<320000x16xf32, #tpu.memory_space<hbm>> -> memref<1000x16xf32, #tpu.memory_space<hbm>>
      tpu.wait_dma2 semaphore(%arg21 : memref<!tpu.dma_semaphore, #tpu.memory_space<semaphore_mem>>) src(%arg13 : memref<1000x16xf32, #tpu.memory_space<vmem>>) dst(%dma_wait3A_114 : memref<1000x16xf32, #tpu.memory_space<hbm>>)
      %add3A_115 = arith.constant 2 : i32
      %add3A_116 = arith.addi %add3A_39, %add3A_115 : i32
      %lt3A_117 = arith.constant 10 : i32
      %lt3A_118 = arith.cmpi slt, %add3A_116, %lt3A_117 : i32
      %convert_element_type3A_119 = arith.extui %lt3A_118 : i1 to i32
      %cond3A_120 = arith.constant 0 : i32
      %cond3A_121 = arith.cmpi ne, %convert_element_type3A_119, %cond3A_120 : i32
      scf.if %cond3A_121 {
        %add3A_122 = arith.constant 2 : i32
        %add3A_123 = arith.addi %add3A_39, %add3A_122 : i32
        %dma_start3A_124 = arith.constant 0 : i32
        %dma_start3A_125 = tpu.memref_slice %arg8[%add3A_123, %dma_start3A_124] : memref<10x1000xi32, #tpu.memory_space<vmem>> -> memref<1x1000xi32, #tpu.memory_space<vmem>>
        %dma_start3A_126 = tpu.memref_squeeze %dma_start3A_125 : memref<1x1000xi32, #tpu.memory_space<vmem>> -> memref<1000xi32, #tpu.memory_space<vmem>>
        %dma_start3A_127 = arith.constant 0 : i32
        %dma_start3A_128 = arith.constant 0 : i32
        %dma_start3A_129 = tpu.memref_slice %arg2[%dma_start3A_127, %dma_start3A_128] : memref<10000x16xf32, #tpu.memory_space<hbm>> -> memref<10000x16xf32, #tpu.memory_space<hbm>>
        tpu.enqueue_indirect_dma source(%dma_start3A_129 : memref<10000x16xf32, #tpu.memory_space<hbm>>) target(%arg11 : memref<1000x16xf32, #tpu.memory_space<vmem>>) offsets(%dma_start3A_126 : memref<1000xi32, #tpu.memory_space<vmem>>) semaphore(%arg15 : memref<!tpu.dma_semaphore, #tpu.memory_space<semaphore_mem>>)
        %dma_start3A_130 = arith.constant 0 : i32
        %dma_start3A_131 = tpu.memref_slice %arg9[%add3A_123, %dma_start3A_130] : memref<10x1000xi32, #tpu.memory_space<vmem>> -> memref<1x1000xi32, #tpu.memory_space<vmem>>
        %dma_start3A_132 = tpu.memref_squeeze %dma_start3A_131 : memref<1x1000xi32, #tpu.memory_space<vmem>> -> memref<1000xi32, #tpu.memory_space<vmem>>
        %dma_start3A_133 = arith.constant 0 : i32
        %dma_start3A_134 = arith.constant 0 : i32
        %dma_start3A_135 = tpu.memref_slice %arg4[%dma_start3A_133, %dma_start3A_134] : memref<320000x16xf32, #tpu.memory_space<hbm>> -> memref<320000x16xf32, #tpu.memory_space<hbm>>
        tpu.enqueue_indirect_dma source(%dma_start3A_135 : memref<320000x16xf32, #tpu.memory_space<hbm>>) target(%arg13 : memref<1000x16xf32, #tpu.memory_space<vmem>>) offsets(%dma_start3A_132 : memref<1000xi32, #tpu.memory_space<vmem>>) semaphore(%arg17 : memref<!tpu.dma_semaphore, #tpu.memory_space<semaphore_mem>>)
      } else {
      }
    }
    %scan3A_34 = arith.constant 5 : i32
    return
  }
}

#map = affine_map<(d0, d1) -> (0, 0)>
#map1 = affine_map<(d0, d1) -> (0, 0, 0)>
module attributes {stable_mosaic.version = 14 : i64} {
  func.func @_scatter_body(%arg0: i32, %arg1: i32, %arg2: memref<320000x16xf32, #tpu.memory_space<hbm>>, %arg3: memref<32x10x1000xi32, #tpu.memory_space<hbm>>, %arg4: memref<10000x16xf32, #tpu.memory_space<hbm>>, %arg5: memref<20000x16xf32, #tpu.memory_space<hbm>>, %arg6: memref<10x1000xi32, #tpu.memory_space<vmem>>, %arg7: memref<1000x16xf32, #tpu.memory_space<vmem>>, %arg8: memref<1000x16xf32, #tpu.memory_space<vmem>>, %arg9: memref<10000x16xf32, #tpu.memory_space<vmem_shared>>, %arg10: memref<!tpu.dma_semaphore, #tpu.memory_space<semaphore_mem>>, %arg11: memref<!tpu.dma_semaphore, #tpu.memory_space<semaphore_mem>>, %arg12: memref<!tpu.dma_semaphore, #tpu.memory_space<semaphore_mem>>, %arg13: memref<!tpu.dma_semaphore, #tpu.memory_space<semaphore_mem>>) attributes {dimension_semantics = [#tpu.dimension_semantics<core_parallel>, #tpu.dimension_semantics<subcore_parallel>], iteration_bounds = array<i64: 2, 16>, scalar_prefetch = 0 : i64, scratch_operands = 8 : i64, tpu.core_type = #tpu.core_type<sc_vector_subcore>, window_params = [{transform_indices = #map}, {transform_indices = #map1}, {transform_indices = #map}, {transform_indices = #map}]} {
    %mul3A = arith.constant 16 : i32
    %mul3A_0 = arith.muli %arg0, %mul3A : i32
    %add3A = arith.addi %mul3A_0, %arg1 : i32
    %mul3A_1 = arith.constant 10000 : i32
    %mul3A_2 = arith.muli %add3A, %mul3A_1 : i32
    %eq3A = arith.constant 0 : i32
    %eq3A_3 = arith.cmpi eq, %arg1, %eq3A : i32
    %convert_element_type3A = arith.extui %eq3A_3 : i1 to i32
    %cond3A = arith.constant 0 : i32
    %cond3A_4 = arith.cmpi ne, %convert_element_type3A, %cond3A : i32
    scf.if %cond3A_4 {
      "tpu.region"() ({
        %run_scoped3A = tpu.sem_alloc : memref<!tpu.dma_semaphore, #tpu.memory_space<semaphore_mem>>
        tpu.enqueue_dma source(%arg4 : memref<10000x16xf32, #tpu.memory_space<hbm>>) target(%arg9 : memref<10000x16xf32, #tpu.memory_space<vmem_shared>>) target_semaphore(%run_scoped3A : memref<!tpu.dma_semaphore, #tpu.memory_space<semaphore_mem>>)
        tpu.wait_dma2 semaphore(%run_scoped3A : memref<!tpu.dma_semaphore, #tpu.memory_space<semaphore_mem>>) src(%arg4 : memref<10000x16xf32, #tpu.memory_space<hbm>>) dst(%arg9 : memref<10000x16xf32, #tpu.memory_space<vmem_shared>>)
        tpu.yield
      }) : () -> ()
    } else {
    }
    %barrier3A = arith.constant 0 : index
    tpu.barrier barrier_id(%barrier3A)
    "tpu.region"() ({
      %run_scoped3A = tpu.sem_alloc : memref<!tpu.dma_semaphore, #tpu.memory_space<semaphore_mem>>
      %dma_start3A_27 = arith.constant 0 : i32
      %dma_start3A_28 = arith.constant 0 : i32
      %dma_start3A_29 = tpu.memref_slice %arg3[%add3A, %dma_start3A_27, %dma_start3A_28] : memref<32x10x1000xi32, #tpu.memory_space<hbm>> -> memref<1x10x1000xi32, #tpu.memory_space<hbm>>
      %dma_start3A_30 = tpu.memref_squeeze %dma_start3A_29 : memref<1x10x1000xi32, #tpu.memory_space<hbm>> -> memref<10x1000xi32, #tpu.memory_space<hbm>>
      %dma_start3A_31 = arith.constant 0 : i32
      %dma_start3A_32 = arith.constant 0 : i32
      %dma_start3A_33 = tpu.memref_slice %arg3[%add3A, %dma_start3A_31, %dma_start3A_32] : memref<32x10x1000xi32, #tpu.memory_space<hbm>> -> memref<1x10x1000xi32, #tpu.memory_space<hbm>>
      %dma_start3A_34 = tpu.memref_squeeze %dma_start3A_33 : memref<1x10x1000xi32, #tpu.memory_space<hbm>> -> memref<10x1000xi32, #tpu.memory_space<hbm>>
      tpu.enqueue_dma source(%dma_start3A_34 : memref<10x1000xi32, #tpu.memory_space<hbm>>) target(%arg6 : memref<10x1000xi32, #tpu.memory_space<vmem>>) target_semaphore(%run_scoped3A : memref<!tpu.dma_semaphore, #tpu.memory_space<semaphore_mem>>)
      %dma_wait3A = arith.constant 0 : i32
      %dma_wait3A_35 = arith.constant 0 : i32
      %dma_wait3A_36 = tpu.memref_slice %arg3[%add3A, %dma_wait3A, %dma_wait3A_35] : memref<32x10x1000xi32, #tpu.memory_space<hbm>> -> memref<1x10x1000xi32, #tpu.memory_space<hbm>>
      %dma_wait3A_37 = tpu.memref_squeeze %dma_wait3A_36 : memref<1x10x1000xi32, #tpu.memory_space<hbm>> -> memref<10x1000xi32, #tpu.memory_space<hbm>>
      %dma_wait3A_38 = arith.constant 0 : i32
      %dma_wait3A_39 = arith.constant 0 : i32
      %dma_wait3A_40 = tpu.memref_slice %arg3[%add3A, %dma_wait3A_38, %dma_wait3A_39] : memref<32x10x1000xi32, #tpu.memory_space<hbm>> -> memref<1x10x1000xi32, #tpu.memory_space<hbm>>
      %dma_wait3A_41 = tpu.memref_squeeze %dma_wait3A_40 : memref<1x10x1000xi32, #tpu.memory_space<hbm>> -> memref<10x1000xi32, #tpu.memory_space<hbm>>
      tpu.wait_dma2 semaphore(%run_scoped3A : memref<!tpu.dma_semaphore, #tpu.memory_space<semaphore_mem>>) src(%dma_wait3A_41 : memref<10x1000xi32, #tpu.memory_space<hbm>>) dst(%arg6 : memref<10x1000xi32, #tpu.memory_space<vmem>>)
      tpu.yield
    }) : () -> ()
    %add3A_5 = arith.constant 0 : i32
    %add3A_6 = arith.addi %mul3A_2, %add3A_5 : i32
    %dma_start3A = arith.constant 0 : i32
    %dma_start3A_7 = tpu.memref_slice %arg2[%add3A_6, %dma_start3A] : memref<320000x16xf32, #tpu.memory_space<hbm>> -> memref<1000x16xf32, #tpu.memory_space<hbm>>
    %dma_start3A_8 = arith.constant 0 : i32
    %dma_start3A_9 = tpu.memref_slice %arg2[%add3A_6, %dma_start3A_8] : memref<320000x16xf32, #tpu.memory_space<hbm>> -> memref<1000x16xf32, #tpu.memory_space<hbm>>
    tpu.enqueue_dma source(%dma_start3A_9 : memref<1000x16xf32, #tpu.memory_space<hbm>>) target(%arg7 : memref<1000x16xf32, #tpu.memory_space<vmem>>) target_semaphore(%arg10 : memref<!tpu.dma_semaphore, #tpu.memory_space<semaphore_mem>>)
    %add3A_10 = arith.constant 1000 : i32
    %add3A_11 = arith.addi %mul3A_2, %add3A_10 : i32
    %dma_start3A_12 = arith.constant 0 : i32
    %dma_start3A_13 = tpu.memref_slice %arg2[%add3A_11, %dma_start3A_12] : memref<320000x16xf32, #tpu.memory_space<hbm>> -> memref<1000x16xf32, #tpu.memory_space<hbm>>
    %dma_start3A_14 = arith.constant 0 : i32
    %dma_start3A_15 = tpu.memref_slice %arg2[%add3A_11, %dma_start3A_14] : memref<320000x16xf32, #tpu.memory_space<hbm>> -> memref<1000x16xf32, #tpu.memory_space<hbm>>
    tpu.enqueue_dma source(%dma_start3A_15 : memref<1000x16xf32, #tpu.memory_space<hbm>>) target(%arg8 : memref<1000x16xf32, #tpu.memory_space<vmem>>) target_semaphore(%arg11 : memref<!tpu.dma_semaphore, #tpu.memory_space<semaphore_mem>>)
    %scan3A = arith.constant 0 : i32
    %scan3A_16 = arith.constant 0 : i32
    %scan3A_17 = arith.constant 5 : i32
    %scan3A_18 = arith.addi %scan3A_16, %scan3A_17 : i32
    %scan3A_19 = arith.constant 1 : i32
    scf.for %scan3A_27 = %scan3A_16 to %scan3A_18 step %scan3A_19  : i32 {
      %mul3A_28 = arith.constant 2 : i32
      %mul3A_29 = arith.muli %mul3A_28, %scan3A_27 : i32
      %add3A_30 = arith.constant 1 : i32
      %add3A_31 = arith.addi %mul3A_29, %add3A_30 : i32
      %dma_wait3A = arith.constant 0 : i32
      %dma_wait3A_32 = tpu.memref_slice %arg2[%mul3A_2, %dma_wait3A] : memref<320000x16xf32, #tpu.memory_space<hbm>> -> memref<1000x16xf32, #tpu.memory_space<hbm>>
      %dma_wait3A_33 = arith.constant 0 : i32
      %dma_wait3A_34 = tpu.memref_slice %arg2[%mul3A_2, %dma_wait3A_33] : memref<320000x16xf32, #tpu.memory_space<hbm>> -> memref<1000x16xf32, #tpu.memory_space<hbm>>
      tpu.wait_dma2 semaphore(%arg10 : memref<!tpu.dma_semaphore, #tpu.memory_space<semaphore_mem>>) src(%dma_wait3A_34 : memref<1000x16xf32, #tpu.memory_space<hbm>>) dst(%arg7 : memref<1000x16xf32, #tpu.memory_space<vmem>>)
      %dma_start3A_35 = arith.constant 0 : i32
      %dma_start3A_36 = tpu.memref_slice %arg6[%mul3A_29, %dma_start3A_35] : memref<10x1000xi32, #tpu.memory_space<vmem>> -> memref<1x1000xi32, #tpu.memory_space<vmem>>
      %dma_start3A_37 = tpu.memref_squeeze %dma_start3A_36 : memref<1x1000xi32, #tpu.memory_space<vmem>> -> memref<1000xi32, #tpu.memory_space<vmem>>
      %dma_start3A_38 = arith.constant 0 : i32
      %dma_start3A_39 = arith.constant 0 : i32
      %dma_start3A_40 = tpu.memref_slice %arg9[%dma_start3A_38, %dma_start3A_39] : memref<10000x16xf32, #tpu.memory_space<vmem_shared>> -> memref<10000x16xf32, #tpu.memory_space<vmem_shared>>
      tpu.enqueue_indirect_dma source(%arg7 : memref<1000x16xf32, #tpu.memory_space<vmem>>) target(%dma_start3A_40 : memref<10000x16xf32, #tpu.memory_space<vmem_shared>>) offsets(%dma_start3A_37 : memref<1000xi32, #tpu.memory_space<vmem>>) semaphore(%arg12 : memref<!tpu.dma_semaphore, #tpu.memory_space<semaphore_mem>>) {add = true}
      %dma_wait3A_41 = arith.constant 0 : i32
      %dma_wait3A_42 = tpu.memref_slice %arg2[%mul3A_2, %dma_wait3A_41] : memref<320000x16xf32, #tpu.memory_space<hbm>> -> memref<1000x16xf32, #tpu.memory_space<hbm>>
      %dma_wait3A_43 = arith.constant 0 : i32
      %dma_wait3A_44 = tpu.memref_slice %arg2[%mul3A_2, %dma_wait3A_43] : memref<320000x16xf32, #tpu.memory_space<hbm>> -> memref<1000x16xf32, #tpu.memory_space<hbm>>
      tpu.wait_dma2 semaphore(%arg11 : memref<!tpu.dma_semaphore, #tpu.memory_space<semaphore_mem>>) src(%dma_wait3A_44 : memref<1000x16xf32, #tpu.memory_space<hbm>>) dst(%arg8 : memref<1000x16xf32, #tpu.memory_space<vmem>>)
      %dma_start3A_45 = arith.constant 0 : i32
      %dma_start3A_46 = tpu.memref_slice %arg6[%add3A_31, %dma_start3A_45] : memref<10x1000xi32, #tpu.memory_space<vmem>> -> memref<1x1000xi32, #tpu.memory_space<vmem>>
      %dma_start3A_47 = tpu.memref_squeeze %dma_start3A_46 : memref<1x1000xi32, #tpu.memory_space<vmem>> -> memref<1000xi32, #tpu.memory_space<vmem>>
      %dma_start3A_48 = arith.constant 0 : i32
      %dma_start3A_49 = arith.constant 0 : i32
      %dma_start3A_50 = tpu.memref_slice %arg9[%dma_start3A_48, %dma_start3A_49] : memref<10000x16xf32, #tpu.memory_space<vmem_shared>> -> memref<10000x16xf32, #tpu.memory_space<vmem_shared>>
      tpu.enqueue_indirect_dma source(%arg8 : memref<1000x16xf32, #tpu.memory_space<vmem>>) target(%dma_start3A_50 : memref<10000x16xf32, #tpu.memory_space<vmem_shared>>) offsets(%dma_start3A_47 : memref<1000xi32, #tpu.memory_space<vmem>>) semaphore(%arg13 : memref<!tpu.dma_semaphore, #tpu.memory_space<semaphore_mem>>) {add = true}
      %dma_wait3A_51 = arith.constant 0 : i32
      %dma_wait3A_52 = arith.constant 0 : i32
      %dma_wait3A_53 = tpu.memref_slice %arg6[%dma_wait3A_51, %dma_wait3A_52] : memref<10x1000xi32, #tpu.memory_space<vmem>> -> memref<1x1000xi32, #tpu.memory_space<vmem>>
      %dma_wait3A_54 = tpu.memref_squeeze %dma_wait3A_53 : memref<1x1000xi32, #tpu.memory_space<vmem>> -> memref<1000xi32, #tpu.memory_space<vmem>>
      %dma_wait3A_55 = arith.constant 0 : i32
      %dma_wait3A_56 = arith.constant 0 : i32
      %dma_wait3A_57 = tpu.memref_slice %arg9[%dma_wait3A_55, %dma_wait3A_56] : memref<10000x16xf32, #tpu.memory_space<vmem_shared>> -> memref<10000x16xf32, #tpu.memory_space<vmem_shared>>
      tpu.wait_indirect_dma semaphore(%arg12 : memref<!tpu.dma_semaphore, #tpu.memory_space<semaphore_mem>>) src(%arg7 : memref<1000x16xf32, #tpu.memory_space<vmem>>) dst(%dma_wait3A_57 : memref<10000x16xf32, #tpu.memory_space<vmem_shared>>)
      %add3A_58 = arith.constant 2 : i32
      %add3A_59 = arith.addi %mul3A_29, %add3A_58 : i32
      %lt3A = arith.constant 10 : i32
      %lt3A_60 = arith.cmpi slt, %add3A_59, %lt3A : i32
      %convert_element_type3A_61 = arith.extui %lt3A_60 : i1 to i32
      %cond3A_62 = arith.constant 0 : i32
      %cond3A_63 = arith.cmpi ne, %convert_element_type3A_61, %cond3A_62 : i32
      scf.if %cond3A_63 {
        %add3A_78 = arith.constant 2 : i32
        %add3A_79 = arith.addi %mul3A_29, %add3A_78 : i32
        %mul3A_80 = arith.constant 1000 : i32
        %mul3A_81 = arith.muli %add3A_79, %mul3A_80 : i32
        %add3A_82 = arith.addi %mul3A_2, %mul3A_81 : i32
        %dma_start3A_83 = arith.constant 0 : i32
        %dma_start3A_84 = tpu.memref_slice %arg2[%add3A_82, %dma_start3A_83] : memref<320000x16xf32, #tpu.memory_space<hbm>> -> memref<1000x16xf32, #tpu.memory_space<hbm>>
        %dma_start3A_85 = arith.constant 0 : i32
        %dma_start3A_86 = tpu.memref_slice %arg2[%add3A_82, %dma_start3A_85] : memref<320000x16xf32, #tpu.memory_space<hbm>> -> memref<1000x16xf32, #tpu.memory_space<hbm>>
        tpu.enqueue_dma source(%dma_start3A_86 : memref<1000x16xf32, #tpu.memory_space<hbm>>) target(%arg7 : memref<1000x16xf32, #tpu.memory_space<vmem>>) target_semaphore(%arg10 : memref<!tpu.dma_semaphore, #tpu.memory_space<semaphore_mem>>)
      } else {
      }
      %dma_wait3A_64 = arith.constant 0 : i32
      %dma_wait3A_65 = arith.constant 0 : i32
      %dma_wait3A_66 = tpu.memref_slice %arg6[%dma_wait3A_64, %dma_wait3A_65] : memref<10x1000xi32, #tpu.memory_space<vmem>> -> memref<1x1000xi32, #tpu.memory_space<vmem>>
      %dma_wait3A_67 = tpu.memref_squeeze %dma_wait3A_66 : memref<1x1000xi32, #tpu.memory_space<vmem>> -> memref<1000xi32, #tpu.memory_space<vmem>>
      %dma_wait3A_68 = arith.constant 0 : i32
      %dma_wait3A_69 = arith.constant 0 : i32
      %dma_wait3A_70 = tpu.memref_slice %arg9[%dma_wait3A_68, %dma_wait3A_69] : memref<10000x16xf32, #tpu.memory_space<vmem_shared>> -> memref<10000x16xf32, #tpu.memory_space<vmem_shared>>
      tpu.wait_indirect_dma semaphore(%arg13 : memref<!tpu.dma_semaphore, #tpu.memory_space<semaphore_mem>>) src(%arg8 : memref<1000x16xf32, #tpu.memory_space<vmem>>) dst(%dma_wait3A_70 : memref<10000x16xf32, #tpu.memory_space<vmem_shared>>)
      %add3A_71 = arith.constant 2 : i32
      %add3A_72 = arith.addi %add3A_31, %add3A_71 : i32
      %lt3A_73 = arith.constant 10 : i32
      %lt3A_74 = arith.cmpi slt, %add3A_72, %lt3A_73 : i32
      %convert_element_type3A_75 = arith.extui %lt3A_74 : i1 to i32
      %cond3A_76 = arith.constant 0 : i32
      %cond3A_77 = arith.cmpi ne, %convert_element_type3A_75, %cond3A_76 : i32
      scf.if %cond3A_77 {
        %add3A_78 = arith.constant 2 : i32
        %add3A_79 = arith.addi %add3A_31, %add3A_78 : i32
        %mul3A_80 = arith.constant 1000 : i32
        %mul3A_81 = arith.muli %add3A_79, %mul3A_80 : i32
        %add3A_82 = arith.addi %mul3A_2, %mul3A_81 : i32
        %dma_start3A_83 = arith.constant 0 : i32
        %dma_start3A_84 = tpu.memref_slice %arg2[%add3A_82, %dma_start3A_83] : memref<320000x16xf32, #tpu.memory_space<hbm>> -> memref<1000x16xf32, #tpu.memory_space<hbm>>
        %dma_start3A_85 = arith.constant 0 : i32
        %dma_start3A_86 = tpu.memref_slice %arg2[%add3A_82, %dma_start3A_85] : memref<320000x16xf32, #tpu.memory_space<hbm>> -> memref<1000x16xf32, #tpu.memory_space<hbm>>
        tpu.enqueue_dma source(%dma_start3A_86 : memref<1000x16xf32, #tpu.memory_space<hbm>>) target(%arg8 : memref<1000x16xf32, #tpu.memory_space<vmem>>) target_semaphore(%arg11 : memref<!tpu.dma_semaphore, #tpu.memory_space<semaphore_mem>>)
      } else {
      }
    }
    %scan3A_20 = arith.constant 5 : i32
    %barrier3A_21 = arith.constant 0 : index
    tpu.barrier barrier_id(%barrier3A_21)
    %eq3A_22 = arith.constant 0 : i32
    %eq3A_23 = arith.cmpi eq, %arg1, %eq3A_22 : i32
    %convert_element_type3A_24 = arith.extui %eq3A_23 : i1 to i32
    %cond3A_25 = arith.constant 0 : i32
    %cond3A_26 = arith.cmpi ne, %convert_element_type3A_24, %cond3A_25 : i32
    scf.if %cond3A_26 {
      %mul3A_27 = arith.constant 10000 : i32
      %mul3A_28 = arith.muli %arg0, %mul3A_27 : i32
      "tpu.region"() ({
        %run_scoped3A = tpu.sem_alloc : memref<!tpu.dma_semaphore, #tpu.memory_space<semaphore_mem>>
        %dma_start3A_29 = arith.constant 0 : i32
        %dma_start3A_30 = tpu.memref_slice %arg5[%mul3A_28, %dma_start3A_29] : memref<20000x16xf32, #tpu.memory_space<hbm>> -> memref<10000x16xf32, #tpu.memory_space<hbm>>
        tpu.enqueue_dma source(%arg9 : memref<10000x16xf32, #tpu.memory_space<vmem_shared>>) target(%dma_start3A_30 : memref<10000x16xf32, #tpu.memory_space<hbm>>) target_semaphore(%run_scoped3A : memref<!tpu.dma_semaphore, #tpu.memory_space<semaphore_mem>>)
        %dma_wait3A = arith.constant 0 : i32
        %dma_wait3A_31 = tpu.memref_slice %arg5[%mul3A_28, %dma_wait3A] : memref<20000x16xf32, #tpu.memory_space<hbm>> -> memref<10000x16xf32, #tpu.memory_space<hbm>>
        tpu.wait_dma2 semaphore(%run_scoped3A : memref<!tpu.dma_semaphore, #tpu.memory_space<semaphore_mem>>) src(%arg9 : memref<10000x16xf32, #tpu.memory_space<vmem_shared>>) dst(%dma_wait3A_31 : memref<10000x16xf32, #tpu.memory_space<hbm>>)
        tpu.yield
      }) : () -> ()
    } else {
    }
    return
  }
}

module attributes {stable_mosaic.version = 14 : i64} {
  func.func @_prologue_body(%arg0: i32, %arg1: memref<2000x128xf32, #tpu.memory_space<vmem>>, %arg2: memref<128x16xf32, #tpu.memory_space<vmem>>, %arg3: memref<1x16xf32, #tpu.memory_space<vmem>>, %arg4: memref<16x16xf32, #tpu.memory_space<vmem>>, %arg5: memref<2000x16xf32, #tpu.memory_space<vmem>>, %arg6: memref<128x128xf32, #tpu.memory_space<vmem>>, %arg7: memref<128x128xf32, #tpu.memory_space<vmem>>) attributes {dimension_semantics = [#tpu.dimension_semantics<arbitrary>], iteration_bounds = array<i64: 5>, scalar_prefetch = 0 : i64, scratch_operands = 0 : i64, tpu.core_type = #tpu.core_type<tc>, window_params = [{transform_indices = @transform_0, window_bounds = array<i64: 2000, 128>}, {pipeline_mode = #tpu.pipeline_mode<synchronous>, transform_indices = @transform_1, window_bounds = array<i64: 128, 16>}, {pipeline_mode = #tpu.pipeline_mode<synchronous>, transform_indices = @transform_2, window_bounds = array<i64: 1, 16>}, {pipeline_mode = #tpu.pipeline_mode<synchronous>, transform_indices = @transform_3, window_bounds = array<i64: 16, 16>}, {transform_indices = @transform_4, window_bounds = array<i64: 2000, 16>}, {pipeline_mode = #tpu.pipeline_mode<synchronous>, transform_indices = @transform_5, window_bounds = array<i64: 128, 128>}, {pipeline_mode = #tpu.pipeline_mode<synchronous>, transform_indices = @transform_6, window_bounds = array<i64: 128, 128>}]} {
    %get3A = arith.constant 0 : index
    %get3A_0 = arith.constant 0 : index
    %get3A_1 = vector.load %arg1[%get3A, %get3A_0] : memref<2000x128xf32, #tpu.memory_space<vmem>>, vector<2000x128xf32>
    %get3A_2 = arith.constant 0 : index
    %get3A_3 = arith.constant 0 : index
    %get3A_4 = vector.load %arg2[%get3A_2, %get3A_3] : memref<128x16xf32, #tpu.memory_space<vmem>>, vector<128x16xf32>
    %dot_general3A = arith.constant dense<0.000000e+00> : vector<2000x16xf32>
    %dot_general3A_5 = tpu.matmul %get3A_1, %get3A_4, %dot_general3A {dimension_numbers = #tpu.dot_dimension_numbers<[1], [0], [0], [1], [0, 0, 1, 1], [], []>, transpose_lhs_hint = false} : vector<2000x128xf32>, vector<128x16xf32>, vector<2000x16xf32> -> vector<2000x16xf32>
    %get3A_6 = arith.constant 0 : index
    %get3A_7 = arith.constant 0 : index
    %get3A_8 = vector.load %arg3[%get3A_6, %get3A_7] : memref<1x16xf32, #tpu.memory_space<vmem>>, vector<1x16xf32>
    %add3A = vector.broadcast %get3A_8 : vector<1x16xf32> to vector<2000x16xf32>
    %add3A_9 = arith.addf %dot_general3A_5, %add3A : vector<2000x16xf32>
    %reduce_max3A = arith.constant dense<0xFF800000> : vector<2000xf32>
    %reduce_max3A_10 = vector.multi_reduction <maximumf>, %add3A_9, %reduce_max3A [1] : vector<2000x16xf32> to vector<2000xf32>
    %broadcast_in_dim3A = vector.shape_cast %reduce_max3A_10 : vector<2000xf32> to vector<2000x1xf32>
    %sub3A = vector.broadcast %broadcast_in_dim3A : vector<2000x1xf32> to vector<2000x16xf32>
    %sub3A_11 = arith.subf %add3A_9, %sub3A : vector<2000x16xf32>
    %exp3A = math.exp %sub3A_11 : vector<2000x16xf32>
    %reduce_sum3A = arith.constant dense<0.000000e+00> : vector<2000xf32>
    %reduce_sum3A_12 = vector.multi_reduction <add>, %exp3A, %reduce_sum3A [1] : vector<2000x16xf32> to vector<2000xf32>
    %broadcast_in_dim3A_13 = vector.shape_cast %reduce_sum3A_12 : vector<2000xf32> to vector<2000x1xf32>
    %log3A = math.log %broadcast_in_dim3A_13 : vector<2000x1xf32>
    %add3A_14 = arith.addf %log3A, %broadcast_in_dim3A : vector<2000x1xf32>
    %sub3A_15 = vector.broadcast %add3A_14 : vector<2000x1xf32> to vector<2000x16xf32>
    %sub3A_16 = arith.subf %add3A_9, %sub3A_15 : vector<2000x16xf32>
    %swap3A = arith.constant 0 : index
    %swap3A_17 = arith.constant 0 : index
    %swap3A_18 = vector.load %arg5[%swap3A, %swap3A_17] : memref<2000x16xf32, #tpu.memory_space<vmem>>, vector<2000x16xf32>
    tpu.vector_store %arg5[%swap3A, %swap3A_17], %sub3A_16 {strides = array<i32>} : memref<2000x16xf32, #tpu.memory_space<vmem>>, vector<2000x16xf32>,
    %eq3A = arith.constant 0 : i32
    %eq3A_19 = arith.cmpi eq, %arg0, %eq3A : i32
    %convert_element_type3A = arith.extui %eq3A_19 : i1 to i32
    %cond3A = arith.constant 0 : i32
    %cond3A_20 = arith.cmpi ne, %convert_element_type3A, %cond3A : i32
    scf.if %cond3A_20 {
      %get3A_21 = arith.constant 0 : index
      %get3A_22 = arith.constant 0 : index
      %get3A_23 = vector.load %arg4[%get3A_21, %get3A_22] : memref<16x16xf32, #tpu.memory_space<vmem>>, vector<16x16xf32>
      %mul3A = arith.mulf %get3A_23, %get3A_23 : vector<16x16xf32>
      %reduce_sum3A_24 = arith.constant dense<0.000000e+00> : vector<16xf32>
      %reduce_sum3A_25 = vector.multi_reduction <add>, %mul3A, %reduce_sum3A_24 [1] : vector<16x16xf32> to vector<16xf32>
      %broadcast_in_dim3A_26 = vector.shape_cast %reduce_sum3A_25 : vector<16xf32> to vector<16x1xf32>
      %transpose3A = tpu.transpose %broadcast_in_dim3A_26, [1, 0] : vector<16x1xf32> -> vector<1x16xf32>
      %add3A_27 = vector.broadcast %broadcast_in_dim3A_26 : vector<16x1xf32> to vector<16x16xf32>
      %add3A_28 = vector.broadcast %transpose3A : vector<1x16xf32> to vector<16x16xf32>
      %add3A_29 = arith.addf %add3A_27, %add3A_28 : vector<16x16xf32>
      %transpose3A_30 = tpu.transpose %get3A_23, [1, 0] : vector<16x16xf32> -> vector<16x16xf32>
      %dot_general3A_31 = arith.constant dense<0.000000e+00> : vector<16x16xf32>
      %dot_general3A_32 = tpu.matmul %get3A_23, %transpose3A_30, %dot_general3A_31 {dimension_numbers = #tpu.dot_dimension_numbers<[1], [0], [0], [1], [0, 0, 1, 1], [], []>, transpose_lhs_hint = false} : vector<16x16xf32>, vector<16x16xf32>, vector<16x16xf32> -> vector<16x16xf32>
      %mul3A_33 = arith.constant 2.000000e+00 : f32
      %mul3A_34 = vector.broadcast %mul3A_33 : f32 to vector<16x16xf32>
      %mul3A_35 = arith.mulf %mul3A_34, %dot_general3A_32 : vector<16x16xf32>
      %sub3A_36 = arith.subf %add3A_29, %mul3A_35 : vector<16x16xf32>
      %neg3A = arith.constant 0.000000e+00 : f32
      %neg3A_37 = vector.broadcast %neg3A : f32 to vector<16x16xf32>
      %neg3A_38 = arith.subf %neg3A_37, %sub3A_36 : vector<16x16xf32>
      %exp3A_39 = math.exp %neg3A_38 : vector<16x16xf32>
      %concatenate3A = tpu.concatenate %exp3A_39, %exp3A_39, %exp3A_39, %exp3A_39, %exp3A_39, %exp3A_39, %exp3A_39, %exp3A_39 in 1 : vector<16x16xf32>, vector<16x16xf32>, vector<16x16xf32>, vector<16x16xf32>, vector<16x16xf32>, vector<16x16xf32>, vector<16x16xf32>, vector<16x16xf32> -> vector<16x128xf32>
      %concatenate3A_40 = tpu.concatenate %concatenate3A, %concatenate3A, %concatenate3A, %concatenate3A, %concatenate3A, %concatenate3A, %concatenate3A, %concatenate3A in 0 : vector<16x128xf32>, vector<16x128xf32>, vector<16x128xf32>, vector<16x128xf32>, vector<16x128xf32>, vector<16x128xf32>, vector<16x128xf32>, vector<16x128xf32> -> vector<128x128xf32>
      %iota3A = tpu.iota {dimensions = array<i32: 0>} : vector<128x128xi32>
      %jit3A = arith.constant 16 : i32
      %div3A = vector.broadcast %jit3A : i32 to vector<128x128xi32>
      %div3A_41 = arith.divsi %iota3A, %div3A : vector<128x128xi32>
      %sign3A = arith.constant 0 : i32
      %sign3A_42 = vector.broadcast %sign3A : i32 to vector<128x128xi32>
      %sign3A_43 = arith.cmpi sgt, %iota3A, %sign3A_42 : vector<128x128xi32>
      %sign3A_44 = arith.extui %sign3A_43 : vector<128x128xi1> to vector<128x128xi32>
      %sign3A_45 = arith.constant 0 : i32
      %sign3A_46 = vector.broadcast %sign3A_45 : i32 to vector<128x128xi32>
      %sign3A_47 = arith.cmpi slt, %iota3A, %sign3A_46 : vector<128x128xi32>
      %sign3A_48 = arith.extui %sign3A_47 : vector<128x128xi1> to vector<128x128xi32>
      %sign3A_49 = arith.subi %sign3A_44, %sign3A_48 : vector<128x128xi32>
      %sign3A_50 = arith.constant 0 : i32
      %sign3A_51 = arith.cmpi sgt, %jit3A, %sign3A_50 : i32
      %sign3A_52 = arith.extui %sign3A_51 : i1 to i32
      %sign3A_53 = arith.constant 0 : i32
      %sign3A_54 = arith.cmpi slt, %jit3A, %sign3A_53 : i32
      %sign3A_55 = arith.extui %sign3A_54 : i1 to i32
      %sign3A_56 = arith.subi %sign3A_52, %sign3A_55 : i32
      %ne3A = vector.broadcast %sign3A_56 : i32 to vector<128x128xi32>
      %ne3A_57 = arith.cmpi ne, %sign3A_49, %ne3A : vector<128x128xi32>
      %rem3A = vector.broadcast %jit3A : i32 to vector<128x128xi32>
      %rem3A_58 = arith.remsi %iota3A, %rem3A : vector<128x128xi32>
      %ne3A_59 = arith.constant 0 : i32
      %ne3A_60 = vector.broadcast %ne3A_59 : i32 to vector<128x128xi32>
      %ne3A_61 = arith.cmpi ne, %rem3A_58, %ne3A_60 : vector<128x128xi32>
      %and3A = arith.andi %ne3A_57, %ne3A_61 : vector<128x128xi1>
      %sub3A_62 = arith.constant 1 : i32
      %sub3A_63 = vector.broadcast %sub3A_62 : i32 to vector<128x128xi32>
      %sub3A_64 = arith.subi %div3A_41, %sub3A_63 : vector<128x128xi32>
      %select_n3A = arith.select %and3A, %sub3A_64, %div3A_41 : vector<128x128xi1>, vector<128x128xi32>
      %iota3A_65 = tpu.iota {dimensions = array<i32: 1>} : vector<128x128xi32>
      %jit3A_66 = arith.constant 16 : i32
      %div3A_67 = vector.broadcast %jit3A_66 : i32 to vector<128x128xi32>
      %div3A_68 = arith.divsi %iota3A_65, %div3A_67 : vector<128x128xi32>
      %sign3A_69 = arith.constant 0 : i32
      %sign3A_70 = vector.broadcast %sign3A_69 : i32 to vector<128x128xi32>
      %sign3A_71 = arith.cmpi sgt, %iota3A_65, %sign3A_70 : vector<128x128xi32>
      %sign3A_72 = arith.extui %sign3A_71 : vector<128x128xi1> to vector<128x128xi32>
      %sign3A_73 = arith.constant 0 : i32
      %sign3A_74 = vector.broadcast %sign3A_73 : i32 to vector<128x128xi32>
      %sign3A_75 = arith.cmpi slt, %iota3A_65, %sign3A_74 : vector<128x128xi32>
      %sign3A_76 = arith.extui %sign3A_75 : vector<128x128xi1> to vector<128x128xi32>
      %sign3A_77 = arith.subi %sign3A_72, %sign3A_76 : vector<128x128xi32>
      %sign3A_78 = arith.constant 0 : i32
      %sign3A_79 = arith.cmpi sgt, %jit3A_66, %sign3A_78 : i32
      %sign3A_80 = arith.extui %sign3A_79 : i1 to i32
      %sign3A_81 = arith.constant 0 : i32
      %sign3A_82 = arith.cmpi slt, %jit3A_66, %sign3A_81 : i32
      %sign3A_83 = arith.extui %sign3A_82 : i1 to i32
      %sign3A_84 = arith.subi %sign3A_80, %sign3A_83 : i32
      %ne3A_85 = vector.broadcast %sign3A_84 : i32 to vector<128x128xi32>
      %ne3A_86 = arith.cmpi ne, %sign3A_77, %ne3A_85 : vector<128x128xi32>
      %rem3A_87 = vector.broadcast %jit3A_66 : i32 to vector<128x128xi32>
      %rem3A_88 = arith.remsi %iota3A_65, %rem3A_87 : vector<128x128xi32>
      %ne3A_89 = arith.constant 0 : i32
      %ne3A_90 = vector.broadcast %ne3A_89 : i32 to vector<128x128xi32>
      %ne3A_91 = arith.cmpi ne, %rem3A_88, %ne3A_90 : vector<128x128xi32>
      %and3A_92 = arith.andi %ne3A_86, %ne3A_91 : vector<128x128xi1>
      %sub3A_93 = arith.constant 1 : i32
      %sub3A_94 = vector.broadcast %sub3A_93 : i32 to vector<128x128xi32>
      %sub3A_95 = arith.subi %div3A_68, %sub3A_94 : vector<128x128xi32>
      %select_n3A_96 = arith.select %and3A_92, %sub3A_95, %div3A_68 : vector<128x128xi1>, vector<128x128xi32>
      %eq3A_97 = arith.cmpi eq, %select_n3A, %select_n3A_96 : vector<128x128xi32>
      %jit3A_98 = arith.constant 0.000000e+00 : f32
      %broadcast_in_dim3A_99 = vector.broadcast %jit3A_98 : f32 to vector<128x128xf32>
      %select_n3A_100 = arith.select %eq3A_97, %concatenate3A_40, %broadcast_in_dim3A_99 : vector<128x128xi1>, vector<128x128xf32>
      %swap3A_101 = arith.constant 0 : index
      %swap3A_102 = arith.constant 0 : index
      %swap3A_103 = vector.load %arg6[%swap3A_101, %swap3A_102] : memref<128x128xf32, #tpu.memory_space<vmem>>, vector<128x128xf32>
      tpu.vector_store %arg6[%swap3A_101, %swap3A_102], %select_n3A_100 {strides = array<i32>} : memref<128x128xf32, #tpu.memory_space<vmem>>, vector<128x128xf32>,
      %jit3A_104 = arith.constant 1.000000e+00 : f32
      %jit3A_105 = arith.constant 0.000000e+00 : f32
      %broadcast_in_dim3A_106 = vector.broadcast %jit3A_104 : f32 to vector<128x128xf32>
      %broadcast_in_dim3A_107 = vector.broadcast %jit3A_105 : f32 to vector<128x128xf32>
      %select_n3A_108 = arith.select %eq3A_97, %broadcast_in_dim3A_106, %broadcast_in_dim3A_107 : vector<128x128xi1>, vector<128x128xf32>
      %swap3A_109 = arith.constant 0 : index
      %swap3A_110 = arith.constant 0 : index
      %swap3A_111 = vector.load %arg7[%swap3A_109, %swap3A_110] : memref<128x128xf32, #tpu.memory_space<vmem>>, vector<128x128xf32>
      tpu.vector_store %arg7[%swap3A_109, %swap3A_110], %select_n3A_108 {strides = array<i32>} : memref<128x128xf32, #tpu.memory_space<vmem>>, vector<128x128xf32>,
    } else {
    }
    return
  }
  func.func @transform_0(%arg0: i32) -> (i32, i32) {
    %c0_i32 = arith.constant 0 : i32
    %c0_i32_0 = arith.constant 0 : i32
    return %arg0, %c0_i32 : i32, i32
  }
  func.func @transform_1(%arg0: i32) -> (i32, i32) {
    %c0_i32 = arith.constant 0 : i32
    %c0_i32_0 = arith.constant 0 : i32
    %c0_i32_1 = arith.constant 0 : i32
    return %c0_i32, %c0_i32_0 : i32, i32
  }
  func.func @transform_2(%arg0: i32) -> (i32, i32) {
    %c0_i32 = arith.constant 0 : i32
    %c0_i32_0 = arith.constant 0 : i32
    %c0_i32_1 = arith.constant 0 : i32
    return %c0_i32, %c0_i32_0 : i32, i32
  }
  func.func @transform_3(%arg0: i32) -> (i32, i32) {
    %c0_i32 = arith.constant 0 : i32
    %c0_i32_0 = arith.constant 0 : i32
    %c0_i32_1 = arith.constant 0 : i32
    return %c0_i32, %c0_i32_0 : i32, i32
  }
  func.func @transform_4(%arg0: i32) -> (i32, i32) {
    %c0_i32 = arith.constant 0 : i32
    %c0_i32_0 = arith.constant 0 : i32
    return %arg0, %c0_i32 : i32, i32
  }
  func.func @transform_5(%arg0: i32) -> (i32, i32) {
    %c0_i32 = arith.constant 0 : i32
    %c0_i32_0 = arith.constant 0 : i32
    %c0_i32_1 = arith.constant 0 : i32
    return %c0_i32, %c0_i32_0 : i32, i32
  }
  func.func @transform_6(%arg0: i32) -> (i32, i32) {
    %c0_i32 = arith.constant 0 : i32
    %c0_i32_0 = arith.constant 0 : i32
    %c0_i32_1 = arith.constant 0 : i32
    return %c0_i32, %c0_i32_0 : i32, i32
  }
}

module attributes {stable_mosaic.version = 14 : i64} {
  func.func @_edge_body1(%arg0: i32, %arg1: memref<4000x128xf32, #tpu.memory_space<vmem>>, %arg2: memref<128x128xf32, #tpu.memory_space<vmem>>, %arg3: memref<128x128xf32, #tpu.memory_space<vmem>>, %arg4: memref<4000x128xf32, #tpu.memory_space<vmem>>) attributes {dimension_semantics = [#tpu.dimension_semantics<arbitrary>], iteration_bounds = array<i64: 10>, scalar_prefetch = 0 : i64, scratch_operands = 0 : i64, tpu.core_type = #tpu.core_type<tc>, window_params = [{transform_indices = @transform_0, window_bounds = array<i64: 4000, 128>}, {pipeline_mode = #tpu.pipeline_mode<synchronous>, transform_indices = @transform_1, window_bounds = array<i64: 128, 128>}, {pipeline_mode = #tpu.pipeline_mode<synchronous>, transform_indices = @transform_2, window_bounds = array<i64: 128, 128>}, {transform_indices = @transform_3, window_bounds = array<i64: 4000, 128>}]} {
    %get3A = arith.constant 0 : index
    %get3A_0 = arith.constant 0 : index
    %get3A_1 = vector.load %arg1[%get3A, %get3A_0] : memref<4000x128xf32, #tpu.memory_space<vmem>>, vector<4000x128xf32>
    %sub3A = arith.constant 4.400000e+01 : f32
    %sub3A_2 = vector.broadcast %sub3A : f32 to vector<4000x128xf32>
    %sub3A_3 = arith.subf %get3A_1, %sub3A_2 : vector<4000x128xf32>
    %exp3A = math.exp %sub3A_3 : vector<4000x128xf32>
    %get3A_4 = arith.constant 0 : index
    %get3A_5 = arith.constant 0 : index
    %get3A_6 = vector.load %arg2[%get3A_4, %get3A_5] : memref<128x128xf32, #tpu.memory_space<vmem>>, vector<128x128xf32>
    %dot_general3A = arith.constant dense<0.000000e+00> : vector<4000x128xf32>
    %dot_general3A_7 = tpu.matmul %exp3A, %get3A_6, %dot_general3A {dimension_numbers = #tpu.dot_dimension_numbers<[1], [0], [0], [1], [0, 0, 1, 1], [], []>, transpose_lhs_hint = false} : vector<4000x128xf32>, vector<128x128xf32>, vector<4000x128xf32> -> vector<4000x128xf32>
    %max3A = arith.constant 9.99999991E-38 : f32
    %max3A_8 = vector.broadcast %max3A : f32 to vector<4000x128xf32>
    %max3A_9 = arith.maximumf %dot_general3A_7, %max3A_8 : vector<4000x128xf32>
    %get3A_10 = arith.constant 0 : index
    %get3A_11 = arith.constant 0 : index
    %get3A_12 = vector.load %arg3[%get3A_10, %get3A_11] : memref<128x128xf32, #tpu.memory_space<vmem>>, vector<128x128xf32>
    %dot_general3A_13 = arith.constant dense<0.000000e+00> : vector<4000x128xf32>
    %dot_general3A_14 = tpu.matmul %max3A_9, %get3A_12, %dot_general3A_13 {dimension_numbers = #tpu.dot_dimension_numbers<[1], [0], [0], [1], [0, 0, 1, 1], [], []>, transpose_lhs_hint = false} : vector<4000x128xf32>, vector<128x128xf32>, vector<4000x128xf32> -> vector<4000x128xf32>
    %div3A = arith.divf %max3A_9, %dot_general3A_14 : vector<4000x128xf32>
    %log3A = math.log %div3A : vector<4000x128xf32>
    %swap3A = arith.constant 0 : index
    %swap3A_15 = arith.constant 0 : index
    %swap3A_16 = vector.load %arg4[%swap3A, %swap3A_15] : memref<4000x128xf32, #tpu.memory_space<vmem>>, vector<4000x128xf32>
    tpu.vector_store %arg4[%swap3A, %swap3A_15], %log3A {strides = array<i32>} : memref<4000x128xf32, #tpu.memory_space<vmem>>, vector<4000x128xf32>,
    return
  }
  func.func @transform_0(%arg0: i32) -> (i32, i32) {
    %c0_i32 = arith.constant 0 : i32
    %c0_i32_0 = arith.constant 0 : i32
    return %arg0, %c0_i32 : i32, i32
  }
  func.func @transform_1(%arg0: i32) -> (i32, i32) {
    %c0_i32 = arith.constant 0 : i32
    %c0_i32_0 = arith.constant 0 : i32
    %c0_i32_1 = arith.constant 0 : i32
    return %c0_i32, %c0_i32_0 : i32, i32
  }
  func.func @transform_2(%arg0: i32) -> (i32, i32) {
    %c0_i32 = arith.constant 0 : i32
    %c0_i32_0 = arith.constant 0 : i32
    %c0_i32_1 = arith.constant 0 : i32
    return %c0_i32, %c0_i32_0 : i32, i32
  }
  func.func @transform_3(%arg0: i32) -> (i32, i32) {
    %c0_i32 = arith.constant 0 : i32
    %c0_i32_0 = arith.constant 0 : i32
    return %arg0, %c0_i32 : i32, i32
  }
}

module attributes {stable_mosaic.version = 14 : i64} {
  func.func @_combine_body(%arg0: i32, %arg1: memref<1x1250x128xf32, #tpu.memory_space<vmem>>, %arg2: memref<1x1250x128xf32, #tpu.memory_space<vmem>>, %arg3: memref<1250x128xf32, #tpu.memory_space<vmem>>, %arg4: memref<128x128xf32, #tpu.memory_space<vmem>>, %arg5: memref<1250x128xf32, #tpu.memory_space<vmem>>) attributes {dimension_semantics = [#tpu.dimension_semantics<arbitrary>], iteration_bounds = array<i64: 1>, scalar_prefetch = 0 : i64, scratch_operands = 0 : i64, tpu.core_type = #tpu.core_type<tc>, window_params = [{transform_indices = @transform_0, window_bounds = array<i64: 1, 1250, 128>}, {transform_indices = @transform_1, window_bounds = array<i64: 1, 1250, 128>}, {pipeline_mode = #tpu.pipeline_mode<synchronous>, transform_indices = @transform_2, window_bounds = array<i64: 1250, 128>}, {pipeline_mode = #tpu.pipeline_mode<synchronous>, transform_indices = @transform_3, window_bounds = array<i64: 128, 128>}, {pipeline_mode = #tpu.pipeline_mode<synchronous>, transform_indices = @transform_4, window_bounds = array<i64: 1250, 128>}]} {
    %get3A = arith.constant 0 : index
    %get3A_0 = arith.constant 0 : index
    %get3A_1 = arith.constant 0 : index
    %get3A_2 = vector.load %arg1[%get3A, %get3A_0, %get3A_1] : memref<1x1250x128xf32, #tpu.memory_space<vmem>>, vector<1x1250x128xf32>
    %get3A_3 = vector.shape_cast %get3A_2 : vector<1x1250x128xf32> to vector<1250x128xf32>
    %get3A_4 = arith.constant 0 : index
    %get3A_5 = arith.constant 0 : index
    %get3A_6 = arith.constant 0 : index
    %get3A_7 = vector.load %arg2[%get3A_4, %get3A_5, %get3A_6] : memref<1x1250x128xf32, #tpu.memory_space<vmem>>, vector<1x1250x128xf32>
    %get3A_8 = vector.shape_cast %get3A_7 : vector<1x1250x128xf32> to vector<1250x128xf32>
    %add3A = arith.addf %get3A_3, %get3A_8 : vector<1250x128xf32>
    %get3A_9 = arith.constant 0 : index
    %get3A_10 = arith.constant 0 : index
    %get3A_11 = vector.load %arg3[%get3A_9, %get3A_10] : memref<1250x128xf32, #tpu.memory_space<vmem>>, vector<1250x128xf32>
    %add3A_12 = arith.addf %add3A, %get3A_11 : vector<1250x128xf32>
    %slice3A = vector.extract_strided_slice %add3A_12 {offsets = [0, 0], sizes = [1250, 16], strides = [1, 1]} : vector<1250x128xf32> to vector<1250x16xf32>
    %reduce_max3A = arith.constant dense<0xFF800000> : vector<1250xf32>
    %reduce_max3A_13 = vector.multi_reduction <maximumf>, %slice3A, %reduce_max3A [1] : vector<1250x16xf32> to vector<1250xf32>
    %broadcast_in_dim3A = vector.shape_cast %reduce_max3A_13 : vector<1250xf32> to vector<1250x1xf32>
    %slice3A_14 = vector.extract_strided_slice %add3A_12 {offsets = [0, 16], sizes = [1250, 16], strides = [1, 1]} : vector<1250x128xf32> to vector<1250x16xf32>
    %reduce_max3A_15 = arith.constant dense<0xFF800000> : vector<1250xf32>
    %reduce_max3A_16 = vector.multi_reduction <maximumf>, %slice3A_14, %reduce_max3A_15 [1] : vector<1250x16xf32> to vector<1250xf32>
    %broadcast_in_dim3A_17 = vector.shape_cast %reduce_max3A_16 : vector<1250xf32> to vector<1250x1xf32>
    %slice3A_18 = vector.extract_strided_slice %add3A_12 {offsets = [0, 32], sizes = [1250, 16], strides = [1, 1]} : vector<1250x128xf32> to vector<1250x16xf32>
    %reduce_max3A_19 = arith.constant dense<0xFF800000> : vector<1250xf32>
    %reduce_max3A_20 = vector.multi_reduction <maximumf>, %slice3A_18, %reduce_max3A_19 [1] : vector<1250x16xf32> to vector<1250xf32>
    %broadcast_in_dim3A_21 = vector.shape_cast %reduce_max3A_20 : vector<1250xf32> to vector<1250x1xf32>
    %slice3A_22 = vector.extract_strided_slice %add3A_12 {offsets = [0, 48], sizes = [1250, 16], strides = [1, 1]} : vector<1250x128xf32> to vector<1250x16xf32>
    %reduce_max3A_23 = arith.constant dense<0xFF800000> : vector<1250xf32>
    %reduce_max3A_24 = vector.multi_reduction <maximumf>, %slice3A_22, %reduce_max3A_23 [1] : vector<1250x16xf32> to vector<1250xf32>
    %broadcast_in_dim3A_25 = vector.shape_cast %reduce_max3A_24 : vector<1250xf32> to vector<1250x1xf32>
    %slice3A_26 = vector.extract_strided_slice %add3A_12 {offsets = [0, 64], sizes = [1250, 16], strides = [1, 1]} : vector<1250x128xf32> to vector<1250x16xf32>
    %reduce_max3A_27 = arith.constant dense<0xFF800000> : vector<1250xf32>
    %reduce_max3A_28 = vector.multi_reduction <maximumf>, %slice3A_26, %reduce_max3A_27 [1] : vector<1250x16xf32> to vector<1250xf32>
    %broadcast_in_dim3A_29 = vector.shape_cast %reduce_max3A_28 : vector<1250xf32> to vector<1250x1xf32>
    %slice3A_30 = vector.extract_strided_slice %add3A_12 {offsets = [0, 80], sizes = [1250, 16], strides = [1, 1]} : vector<1250x128xf32> to vector<1250x16xf32>
    %reduce_max3A_31 = arith.constant dense<0xFF800000> : vector<1250xf32>
    %reduce_max3A_32 = vector.multi_reduction <maximumf>, %slice3A_30, %reduce_max3A_31 [1] : vector<1250x16xf32> to vector<1250xf32>
    %broadcast_in_dim3A_33 = vector.shape_cast %reduce_max3A_32 : vector<1250xf32> to vector<1250x1xf32>
    %slice3A_34 = vector.extract_strided_slice %add3A_12 {offsets = [0, 96], sizes = [1250, 16], strides = [1, 1]} : vector<1250x128xf32> to vector<1250x16xf32>
    %reduce_max3A_35 = arith.constant dense<0xFF800000> : vector<1250xf32>
    %reduce_max3A_36 = vector.multi_reduction <maximumf>, %slice3A_34, %reduce_max3A_35 [1] : vector<1250x16xf32> to vector<1250xf32>
    %broadcast_in_dim3A_37 = vector.shape_cast %reduce_max3A_36 : vector<1250xf32> to vector<1250x1xf32>
    %slice3A_38 = vector.extract_strided_slice %add3A_12 {offsets = [0, 112], sizes = [1250, 16], strides = [1, 1]} : vector<1250x128xf32> to vector<1250x16xf32>
    %reduce_max3A_39 = arith.constant dense<0xFF800000> : vector<1250xf32>
    %reduce_max3A_40 = vector.multi_reduction <maximumf>, %slice3A_38, %reduce_max3A_39 [1] : vector<1250x16xf32> to vector<1250xf32>
    %broadcast_in_dim3A_41 = vector.shape_cast %reduce_max3A_40 : vector<1250xf32> to vector<1250x1xf32>
    %broadcast_in_dim3A_42 = vector.shape_cast %broadcast_in_dim3A : vector<1250x1xf32> to vector<1250x1xf32>
    %broadcast_in_dim3A_43 = vector.broadcast %broadcast_in_dim3A_42 : vector<1250x1xf32> to vector<1250x16xf32>
    %broadcast_in_dim3A_44 = vector.shape_cast %broadcast_in_dim3A_17 : vector<1250x1xf32> to vector<1250x1xf32>
    %broadcast_in_dim3A_45 = vector.broadcast %broadcast_in_dim3A_44 : vector<1250x1xf32> to vector<1250x16xf32>
    %broadcast_in_dim3A_46 = vector.shape_cast %broadcast_in_dim3A_21 : vector<1250x1xf32> to vector<1250x1xf32>
    %broadcast_in_dim3A_47 = vector.broadcast %broadcast_in_dim3A_46 : vector<1250x1xf32> to vector<1250x16xf32>
    %broadcast_in_dim3A_48 = vector.shape_cast %broadcast_in_dim3A_25 : vector<1250x1xf32> to vector<1250x1xf32>
    %broadcast_in_dim3A_49 = vector.broadcast %broadcast_in_dim3A_48 : vector<1250x1xf32> to vector<1250x16xf32>
    %broadcast_in_dim3A_50 = vector.shape_cast %broadcast_in_dim3A_29 : vector<1250x1xf32> to vector<1250x1xf32>
    %broadcast_in_dim3A_51 = vector.broadcast %broadcast_in_dim3A_50 : vector<1250x1xf32> to vector<1250x16xf32>
    %broadcast_in_dim3A_52 = vector.shape_cast %broadcast_in_dim3A_33 : vector<1250x1xf32> to vector<1250x1xf32>
    %broadcast_in_dim3A_53 = vector.broadcast %broadcast_in_dim3A_52 : vector<1250x1xf32> to vector<1250x16xf32>
    %broadcast_in_dim3A_54 = vector.shape_cast %broadcast_in_dim3A_37 : vector<1250x1xf32> to vector<1250x1xf32>
    %broadcast_in_dim3A_55 = vector.broadcast %broadcast_in_dim3A_54 : vector<1250x1xf32> to vector<1250x16xf32>
    %broadcast_in_dim3A_56 = vector.shape_cast %broadcast_in_dim3A_41 : vector<1250x1xf32> to vector<1250x1xf32>
    %broadcast_in_dim3A_57 = vector.broadcast %broadcast_in_dim3A_56 : vector<1250x1xf32> to vector<1250x16xf32>
    %concatenate3A = tpu.concatenate %broadcast_in_dim3A_43, %broadcast_in_dim3A_45, %broadcast_in_dim3A_47, %broadcast_in_dim3A_49, %broadcast_in_dim3A_51, %broadcast_in_dim3A_53, %broadcast_in_dim3A_55, %broadcast_in_dim3A_57 in 1 : vector<1250x16xf32>, vector<1250x16xf32>, vector<1250x16xf32>, vector<1250x16xf32>, vector<1250x16xf32>, vector<1250x16xf32>, vector<1250x16xf32>, vector<1250x16xf32> -> vector<1250x128xf32>
    %sub3A = arith.subf %add3A_12, %concatenate3A : vector<1250x128xf32>
    %exp3A = math.exp %sub3A : vector<1250x128xf32>
    %get3A_58 = arith.constant 0 : index
    %get3A_59 = arith.constant 0 : index
    %get3A_60 = vector.load %arg4[%get3A_58, %get3A_59] : memref<128x128xf32, #tpu.memory_space<vmem>>, vector<128x128xf32>
    %dot_general3A = arith.constant dense<0.000000e+00> : vector<1250x128xf32>
    %dot_general3A_61 = tpu.matmul %exp3A, %get3A_60, %dot_general3A {dimension_numbers = #tpu.dot_dimension_numbers<[1], [0], [0], [1], [0, 0, 1, 1], [], []>, transpose_lhs_hint = false} : vector<1250x128xf32>, vector<128x128xf32>, vector<1250x128xf32> -> vector<1250x128xf32>
    %sub3A_62 = arith.subf %add3A_12, %concatenate3A : vector<1250x128xf32>
    %log3A = math.log %dot_general3A_61 : vector<1250x128xf32>
    %sub3A_63 = arith.subf %sub3A_62, %log3A : vector<1250x128xf32>
    %swap3A = arith.constant 0 : index
    %swap3A_64 = arith.constant 0 : index
    %swap3A_65 = vector.load %arg5[%swap3A, %swap3A_64] : memref<1250x128xf32, #tpu.memory_space<vmem>>, vector<1250x128xf32>
    tpu.vector_store %arg5[%swap3A, %swap3A_64], %sub3A_63 {strides = array<i32>} : memref<1250x128xf32, #tpu.memory_space<vmem>>, vector<1250x128xf32>,
    return
  }
  func.func @transform_0(%arg0: i32) -> (i32, i32, i32) {
    %c0_i32 = arith.constant 0 : i32
    %c0_i32_0 = arith.constant 0 : i32
    %c0_i32_1 = arith.constant 0 : i32
    %c0_i32_2 = arith.constant 0 : i32
    return %c0_i32, %c0_i32_0, %c0_i32_1 : i32, i32, i32
  }
  func.func @transform_1(%arg0: i32) -> (i32, i32, i32) {
    %c1_i32 = arith.constant 1 : i32
    %c0_i32 = arith.constant 0 : i32
    %c0_i32_0 = arith.constant 0 : i32
    %c0_i32_1 = arith.constant 0 : i32
    return %c1_i32, %c0_i32, %c0_i32_0 : i32, i32, i32
  }
  func.func @transform_2(%arg0: i32) -> (i32, i32) {
    %c0_i32 = arith.constant 0 : i32
    %c0_i32_0 = arith.constant 0 : i32
    %c0_i32_1 = arith.constant 0 : i32
    return %c0_i32, %c0_i32_0 : i32, i32
  }
  func.func @transform_3(%arg0: i32) -> (i32, i32) {
    %c0_i32 = arith.constant 0 : i32
    %c0_i32_0 = arith.constant 0 : i32
    %c0_i32_1 = arith.constant 0 : i32
    return %c0_i32, %c0_i32_0 : i32, i32
  }
  func.func @transform_4(%arg0: i32) -> (i32, i32) {
    %c0_i32 = arith.constant 0 : i32
    %c0_i32_0 = arith.constant 0 : i32
    %c0_i32_1 = arith.constant 0 : i32
    return %c0_i32, %c0_i32_0 : i32, i32
  }
}

module attributes {stable_mosaic.version = 14 : i64} {
  func.func @_edge_body2(%arg0: i32, %arg1: memref<4000x128xf32, #tpu.memory_space<vmem>>, %arg2: memref<4000x128xf32, #tpu.memory_space<vmem>>, %arg3: memref<128x128xf32, #tpu.memory_space<vmem>>, %arg4: memref<128x128xf32, #tpu.memory_space<vmem>>, %arg5: memref<4000x128xf32, #tpu.memory_space<vmem>>) attributes {dimension_semantics = [#tpu.dimension_semantics<arbitrary>], iteration_bounds = array<i64: 10>, scalar_prefetch = 0 : i64, scratch_operands = 0 : i64, tpu.core_type = #tpu.core_type<tc>, window_params = [{transform_indices = @transform_0, window_bounds = array<i64: 4000, 128>}, {transform_indices = @transform_1, window_bounds = array<i64: 4000, 128>}, {pipeline_mode = #tpu.pipeline_mode<synchronous>, transform_indices = @transform_2, window_bounds = array<i64: 128, 128>}, {pipeline_mode = #tpu.pipeline_mode<synchronous>, transform_indices = @transform_3, window_bounds = array<i64: 128, 128>}, {transform_indices = @transform_4, window_bounds = array<i64: 4000, 128>}]} {
    %get3A = arith.constant 0 : index
    %get3A_0 = arith.constant 0 : index
    %get3A_1 = vector.load %arg1[%get3A, %get3A_0] : memref<4000x128xf32, #tpu.memory_space<vmem>>, vector<4000x128xf32>
    %get3A_2 = arith.constant 0 : index
    %get3A_3 = arith.constant 0 : index
    %get3A_4 = vector.load %arg2[%get3A_2, %get3A_3] : memref<4000x128xf32, #tpu.memory_space<vmem>>, vector<4000x128xf32>
    %sub3A = arith.subf %get3A_1, %get3A_4 : vector<4000x128xf32>
    %sub3A_5 = arith.constant 4.400000e+01 : f32
    %sub3A_6 = vector.broadcast %sub3A_5 : f32 to vector<4000x128xf32>
    %sub3A_7 = arith.subf %sub3A, %sub3A_6 : vector<4000x128xf32>
    %exp3A = math.exp %sub3A_7 : vector<4000x128xf32>
    %get3A_8 = arith.constant 0 : index
    %get3A_9 = arith.constant 0 : index
    %get3A_10 = vector.load %arg3[%get3A_8, %get3A_9] : memref<128x128xf32, #tpu.memory_space<vmem>>, vector<128x128xf32>
    %dot_general3A = arith.constant dense<0.000000e+00> : vector<4000x128xf32>
    %dot_general3A_11 = tpu.matmul %exp3A, %get3A_10, %dot_general3A {dimension_numbers = #tpu.dot_dimension_numbers<[1], [0], [0], [1], [0, 0, 1, 1], [], []>, transpose_lhs_hint = false} : vector<4000x128xf32>, vector<128x128xf32>, vector<4000x128xf32> -> vector<4000x128xf32>
    %max3A = arith.constant 9.99999991E-38 : f32
    %max3A_12 = vector.broadcast %max3A : f32 to vector<4000x128xf32>
    %max3A_13 = arith.maximumf %dot_general3A_11, %max3A_12 : vector<4000x128xf32>
    %get3A_14 = arith.constant 0 : index
    %get3A_15 = arith.constant 0 : index
    %get3A_16 = vector.load %arg4[%get3A_14, %get3A_15] : memref<128x128xf32, #tpu.memory_space<vmem>>, vector<128x128xf32>
    %dot_general3A_17 = arith.constant dense<0.000000e+00> : vector<4000x128xf32>
    %dot_general3A_18 = tpu.matmul %max3A_13, %get3A_16, %dot_general3A_17 {dimension_numbers = #tpu.dot_dimension_numbers<[1], [0], [0], [1], [0, 0, 1, 1], [], []>, transpose_lhs_hint = false} : vector<4000x128xf32>, vector<128x128xf32>, vector<4000x128xf32> -> vector<4000x128xf32>
    %div3A = arith.divf %max3A_13, %dot_general3A_18 : vector<4000x128xf32>
    %log3A = math.log %div3A : vector<4000x128xf32>
    %swap3A = arith.constant 0 : index
    %swap3A_19 = arith.constant 0 : index
    %swap3A_20 = vector.load %arg5[%swap3A, %swap3A_19] : memref<4000x128xf32, #tpu.memory_space<vmem>>, vector<4000x128xf32>
    tpu.vector_store %arg5[%swap3A, %swap3A_19], %log3A {strides = array<i32>} : memref<4000x128xf32, #tpu.memory_space<vmem>>, vector<4000x128xf32>,
    return
  }
  func.func @transform_0(%arg0: i32) -> (i32, i32) {
    %c0_i32 = arith.constant 0 : i32
    %c0_i32_0 = arith.constant 0 : i32
    return %arg0, %c0_i32 : i32, i32
  }
  func.func @transform_1(%arg0: i32) -> (i32, i32) {
    %c0_i32 = arith.constant 0 : i32
    %c0_i32_0 = arith.constant 0 : i32
    return %arg0, %c0_i32 : i32, i32
  }
  func.func @transform_2(%arg0: i32) -> (i32, i32) {
    %c0_i32 = arith.constant 0 : i32
    %c0_i32_0 = arith.constant 0 : i32
    %c0_i32_1 = arith.constant 0 : i32
    return %c0_i32, %c0_i32_0 : i32, i32
  }
  func.func @transform_3(%arg0: i32) -> (i32, i32) {
    %c0_i32 = arith.constant 0 : i32
    %c0_i32_0 = arith.constant 0 : i32
    %c0_i32_1 = arith.constant 0 : i32
    return %c0_i32, %c0_i32_0 : i32, i32
  }
  func.func @transform_4(%arg0: i32) -> (i32, i32) {
    %c0_i32 = arith.constant 0 : i32
    %c0_i32_0 = arith.constant 0 : i32
    return %arg0, %c0_i32 : i32, i32
  }
}

</mosaic_0001>

<sc_bundles>
// kernel: kernel.23.cloned.1.call-start
scs
__scs_entry_jumppad:
0x0: {  	(pc) =	sbr.rel $0x88, $3  }
0x1: {  	(tag) =	ssettag $0x0;
	lr =	simm.s32 $0x1  }
0x2: {  	[smem:$0x3F9B] =	sst lr;
	_ =	strace $0xD0000000  }
0x3: {  	_ = 	snop  }
0x4: {  	_ = 	snop  }
0x5: {  	_ = 	snop  }
0x6: {  	_ = 	snop  }
0x7: {  	_ = 	snop  }
__scs_overlays_trampoline_lowered:
0x8: {  	[smem:$0x3FAA] =	sst s0  }
0x9: {  	[smem:$0x3FAB] =	sst s1  }
0xa: {  	[smem:$0x3FAC] =	sst s2  }
0xb: {  	[smem:$0x3FAD] =	sst s3  }
0xc: {  	[smem:$0x3FAE] =	sst s4  }
0xd: {  	[smem:$0x3FAF] =	sst s5  }
0xe: {  	[smem:$0x3FB0] =	sst s6  }
0xf: {  	[smem:$0x3FB1] =	sst s7  }
0x10: {  	[smem:$0x3FB2] =	sst s8  }
0x11: {  	[smem:$0x3FB3] =	sst s9;
	s0 =	simm.s32 @!p0 $0x0  }
0x12: {  	s1 =	sld [smem:$0x3F99];
	s0 =	simm.s32 @p0 $0x1  }
0x13: {  	[smem:$0x3FB4] =	sst s0;
	s0 =	simm.s32 @!p1 $0x0  }
0x14: {  	s2 =	sld [smem:$0x3F98];
	s0 =	simm.s32 @p1 $0x1  }
0x15: {  	[smem:$0x3FB5] =	sst s0;
	s0 =	simm.s32 @!p2 $0x0  }
0x16: {  	s3 =	sld [smem:$0x3FDB];
	s0 =	simm.s32 @p2 $0x1  }
0x17: {  	s4 =	simm.s32 $0x1BF5;
	[smem:$0x3FB7] =	sst s0  }
0x18: {  	s0 =	sld [smem:$0x3F9A];
	_ =	swait.ge [sflag:s4], $0x0  }
0x19: {  	s7 =	sld [smem:$0x3F9B]  }
0x1a: {  	s8 =	sadd.s32 $0xFFFFE003, lr  }
0x1b: {  	s9 =	sadd.s32 $0xFFFFFEF7, lr;
	s5 =	simm.s32 $0xFFFFFFFF;
	p2 =	slt.u32 s8, $0xFFFFF086  }
0x1c: {  	p1 =	slt.u32 s9, $0xF7A;
	s5 =	simm.s32 @!p2 $0x0  }
0x1d: {  	s5 =	simm.s32 @p1 $0x1;
	p0 =	seq.s32 s7, s2  }
0x1e: {  	s7 =	smul.u32 @!p0 $0xF7A, s2;
	p2 =	seq.s32 @!p0 s5, $0x0  }
0x1f: {  	s9 =	smul.u32 $0xF7A, s1;
	s8 =	simm.s32 @!p0 $0x1BF5;
	p2 =	por !p2, p0  }
0x20: {  	[sflag:s8] =	ssyncset.s32 @!p0 $0xFFFFF086;
	s6 =	sadd.s32 @!p0 s3, s7;
	s7 =	simm.s32 @!p0 $0x108  }
0x21: {  	s3 =	sadd.s32 s3, s9;
	s6 =	sadd.s32 @!p0 $0x88, s6;
	s7 =	simm.s32 @p2 $0x1082  }
0x22: {  	[simem:s7], [sflag:s8] =	dma.local @!p0 [hbm:s6], $0xF7A  }
0x23: {  	s9 =	sor.u32 $0xD0000000, s2;
	s6 =	simm.s32 $0x108;
	_ =	swait.ge @!p0 [sflag:s8], $0x0  }
0x24: {  	s3 =	sadd.s32 $0x88, s3;
	s6 =	simm.s32 @!p1 $0x1082;
	[sflag:s4] =	ssyncset.s32 $0xFFFFF086  }
0x25: {  	[simem:s6], [sflag:s4] =	dma.local [hbm:s3], $0xF7A  }
0x26: {  	[smem:$0x3F9B] =	sst s1;
	(tag) =	ssettag s2;
	_ =	strace s9  }
0x27: {  	s1 =	sld [smem:$0x3FAB]  }
0x28: {  	s2 =	sld [smem:$0x3FAC]  }
0x29: {  	s4 =	sld [smem:$0x3FAE]  }
0x2a: {  	p0 =	seq.s32 s5, $0x0;
	s5 =	sld [smem:$0x3FAF]  }
0x2b: {  	s6 =	sld [smem:$0x3FB0]  }
0x2c: {  	s7 =	sld [smem:$0x3FB1]  }
0x2d: {  	s3 =	simm.s32 $0x108;
	s8 =	sld [smem:$0x3FB2]  }
0x2e: {  	s3 =	simm.s32 @!p0 $0x1082;
	s9 =	sld [smem:$0x3FB3]  }
0x2f: {  	lr =	sadd.s32 s0, s3;
	s0 =	sld [smem:$0x3FAA]  }
0x30: {  	s3 =	sld [smem:$0x3FAD]  }
0x31: {  	[smem:$0x3FB6] =	sst s10  }
0x32: {  	s10 =	sld [smem:$0x3FB4];
	_ =	sdelay $0x3  }
0x33: {  	p0 =	seq.s32 s10, $0x1;
	s10 =	sld [smem:$0x3FB6];
	_ =	sdelay $0x3  }
0x34: {  	[smem:$0x3FB6] =	sst s10  }
0x35: {  	s10 =	sld [smem:$0x3FB5];
	_ =	sdelay $0x3  }
0x36: {  	p1 =	seq.s32 s10, $0x1;
	s10 =	sld [smem:$0x3FB6];
	_ =	sdelay $0x3  }
0x37: {  	[smem:$0x3FB6] =	sst s10  }
0x38: {  	s10 =	sld [smem:$0x3FB7]  }
0x39: {  	_ = 	snop;
	(pc) =	sbr.ind lr, $3  }
0x3a: {  	_ = 	snop  }
0x3b: {  	_ = 	snop  }
0x3c: {  	p2 =	seq.s32 s10, $0x1;
	s10 =	sld [smem:$0x3FB6]  }
0x3d: {  	_ =	shalt  }
0x3e: {  	_ =	shalt  }
0x3f: {  	_ =	shalt  }
0x40: {  	_ =	shalt  }
0x41: {  	_ =	shalt  }
0x42: {  	_ =	shalt  }
0x43: {  	_ =	shalt  }
0x44: {  	_ =	shalt  }
0x45: {  	_ =	shalt  }
0x46: {  	_ =	shalt  }
0x47: {  	_ =	shalt  }
0x48: {  	_ =	shalt  }
0x49: {  	_ =	shalt  }
0x4a: {  	_ =	shalt  }
0x4b: {  	_ =	shalt  }
0x4c: {  	_ =	shalt  }
0x4d: {  	_ =	shalt  }
0x4e: {  	_ =	shalt  }
0x4f: {  	_ =	shalt  }
0x50: {  	_ =	shalt  }
0x51: {  	_ =	shalt  }
0x52: {  	_ =	shalt  }
0x53: {  	_ =	shalt  }
0x54: {  	_ =	shalt  }
0x55: {  	_ =	shalt  }
0x56: {  	_ =	shalt  }
0x57: {  	_ =	shalt  }
0x58: {  	_ =	shalt  }
0x59: {  	_ =	shalt  }
0x5a: {  	_ =	shalt  }
0x5b: {  	_ =	shalt  }
0x5c: {  	_ =	shalt  }
0x5d: {  	_ =	shalt  }
0x5e: {  	_ =	shalt  }
0x5f: {  	_ =	shalt  }
0x60: {  	_ =	shalt  }
0x61: {  	_ =	shalt  }
0x62: {  	_ =	shalt  }
0x63: {  	_ =	shalt  }
0x64: {  	_ =	shalt  }
0x65: {  	_ =	shalt  }
0x66: {  	_ =	shalt  }
0x67: {  	_ =	shalt  }
0x68: {  	_ =	shalt  }
0x69: {  	_ =	shalt  }
0x6a: {  	_ =	shalt  }
0x6b: {  	_ =	shalt  }
0x6c: {  	_ =	shalt  }
0x6d: {  	_ =	shalt  }
0x6e: {  	_ =	shalt  }
0x6f: {  	_ =	shalt  }
0x70: {  	_ =	shalt  }
0x71: {  	_ =	shalt  }
0x72: {  	_ =	shalt  }
0x73: {  	_ =	shalt  }
0x74: {  	_ =	shalt  }
0x75: {  	_ =	shalt  }
0x76: {  	_ =	shalt  }
0x77: {  	_ =	shalt  }
0x78: {  	_ =	shalt  }
0x79: {  	_ =	shalt  }
0x7a: {  	_ =	shalt  }
0x7b: {  	_ =	shalt  }
0x7c: {  	_ =	shalt  }
0x7d: {  	_ =	shalt  }
0x7e: {  	_ =	shalt  }
0x7f: {  	_ =	shalt  }
0x80: {  	_ =	shalt  }
0x81: {  	_ =	shalt  }
0x82: {  	_ =	shalt  }
0x83: {  	_ =	shalt  }
0x84: {  	_ =	shalt  }
0x85: {  	_ =	shalt  }
0x86: {  	_ =	shalt  }
0x87: {  	_ =	shalt  }
.Lfunc_end0:
.L_simem_size_0:
called_computation_lowered:
.L_overlay_start_0:
0x88: {  	s2 =	sld [smem:$0x3FD9]  }
0x89: {  	s3 =	sld [smem:$0x3FFE];
	_ =	sdelay $0x1  }
0x8a: {  	s1 =	srdreg.scid  }
0x8b: {  	s0 =	sand.u32 $0x1, s1  }
0x8c: {  	s17 =	sshll.u32 s0, $0xA;
	s2 =	sadd.s32 s3, s2  }
0x8d: {  	s2 =	sadd.s32 s2, s17  }
0x8e: {  	[smem:$0x3FC2] =	sst s2  }
0x8f: {  	_ = 	snop  }
0x90: {  	s2 =	sld [smem:$0x3FD0];
	(tm) =	ssettm $0x1  }
0x91: {  	s18 =	sld [smem:$0x3FFB];
	_ =	sdelay $0x3  }
0x92: {  	_ =	strace s18  }
0x93: {  	s3 =	sld [smem:$0x3FFC];
	_ =	sdelay $0x3  }
0x94: {  	_ =	strace s3  }
0x95: {  	s3 =	sld [smem:$0x3FFD];
	_ =	sdelay $0x3  }
0x96: {  	_ =	strace s3  }
0x97: {  	_ =	strace $0x8FFFFFFF  }
0x98: {  	s19 =	sld [smem:$0x3FDB];
	_ =	sdelay $0x1  }
0x99: {  	s4 =	simm.s32 $_scs_section_size  }
0x9a: {  	s5 =	simm.s32 $_size__tile_overlayer_lowered;
	s6 =	simm.s32 $_tile_overlayer_lowered  }
0x9b: {  	s22 =	simm.s32 $0x1BFF;
	s21 =	sshll.u32 s6, $0x1;
	s3 =	sadd.s32 s4, s19  }
0x9c: {  	s7 =	simm.s32 $0x0;
	s20 =	sshll.u32 s5, $0x1;
	s5 =	sadd.s32 s21, s3  }
0x9d: {  	[timem:s7], [sflag:s22] =	dma.local [hbm:s5], s20  }
0x9e: {  	_ =	swait.ge [sflag:s22], s20  }
0x9f: {  	s4 =	ssub.s32 $0x0, s20;
	[sflag:s22] =	ssyncset.done $0x0  }
0xa0: {  	[sflag:s22] =	ssyncadd.s32 s4;
	_ =	sdelay $0x1  }
0xa1: {  	s23 =	simm.s32 $0x1B8B  }
0xa2: {  	_ =	swait.ge [sflag:s23], $0x1  }
0xa3: {  	[sflag:s23] =	ssyncset.done $0x0  }
0xa4: {  	s25 =	simm.s32 $0x1B8E;
	s24 =	sld [smem:$0x3FFE];
	[sflag:s23] =	ssyncadd.s32 $0xFFFFFFFF  }
0xa5: {  	s26 =	simm.s32 $execute0_lowered;
	[smem:$0x3FD2] =	sst s25  }
0xa6: {  	s5 =	sshll.u32 s26, $0x1;
	_ =	strace $0x80000046;
	[dreg:$0x1] =	wrdreg $0xFFFFFFFF  }
0xa7: {  	s28 =	simm.s32 $_size_execute0_lowered;
	s3 =	sadd.s32 s3, s5;
	[dreg:$0x0] =	wrdreg $0x0  }
0xa8: {  	s5 =	sshll.u32 s28, $0x1;
	[dreg:$0x2] =	wrdreg s3  }
0xa9: {  	[dreg:$0x3] =	wrdreg s5  }
0xaa: {  	[dreg:$0x4] =	wrdreg $0xC0  }
0xab: {  	_ =	task [dreg:s7], $0x5FFFF  }
0xac: {  	[dreg:$0x1] =	wrdreg $0xFFFFFFFF  }
0xad: {  	[dreg:$0x0] =	wrdreg $0x60  }
0xae: {  	[dreg:$0x2] =	wrdreg s2  }
0xaf: {  	[dreg:$0x3] =	wrdreg s24  }
0xb0: {  	[dreg:$0x4] =	wrdreg $0x9  }
0xb1: {  	_ =	task.clear_ibuf [dreg:s7], $0x5FFFF;
	_ =	strace $0x90000046  }
0xb2: {  	s29 =	simm.s32 $0x9;
	_ =	strace $0x80000048  }
0xb3: {  	_ =	swait.ge [sflag:s29], $0x1  }
0xb4: {  	[sflag:s29] =	ssyncadd.s32 $0xFFFFFFFF  }
0xb5: {  	_ =	strace $0x90000048  }
0xb6: {  	_ =	sfence  }
0xb7: {  	s30 =	sld [smem:$0x0];
	_ =	sdelay $0x2  }
0xb8: {  	s31 =	sshll.u32 s1, $0xD;
	s1 =	sshrl.u32 s1, $0x2  }
0xb9: {  	s3 =	sand.u32 $0x4000, s31;
	s1 =	sadd.s32 s1, s30  }
0xba: {  	s0 =	sor.u32 s3, s0;
	s1 =	sshll.u32 s1, $0x11  }
0xbb: {  	s0 =	sor.u32 s1, s0  }
0xbc: {  	s0 =	sadd.s32 $0x8F2B, s0  }
0xbd: {  	[sflag:s0] =	ssyncadd.remote.s32 $0x1  }
0xbe: {  	_ =	sfence.sel $0xFFFF  }
0xbf: {  	[dreg:$0x0] =	wrdreg $0xFFFFFFFF;
	(pc) =	sbr.abs _section_cstart, $3  }
0xc0: {  	[dreg:$0x1] =	wrdreg $0xFFFFFFFF  }
0xc1: {  	_ =	task.clear_ibuf [dreg:s7], $0x2FFFF;
	_ =	strace $0x9FFFFFFF  }
0xc2: {  	(tm) =	ssettm $0x7FFFFFFF  }
0xc3: {  	_ =	shalt  }
tec
execute0_lowered:
.L_overlay_start_1:
0x0: {  	(tag) =	ssettag $0x1  }
0x1: {  	s0 =	srdreg.scid  }
0x2: {  	s30 =	sand.u32 $0x1, s0  }
0x3: {  	s0 =	stileid.u32;
	s1 =	sshll.u32 s30, $0x4  }
0x4: {  	s7 =	sor.u32 s0, s1  }
0x5: {  	s4 =	smul.u32 $0x4E2, s7  }
0x6: {  	s9 =	rddreg [dreg:$0x1]  }
0x7: {  	s2 =	rddreg [dreg:$0x0];
	s3 =	simm.s32 $0x0;
	s4 =	sadd.s32 s4, s9  }
0x8: {  	[smem:$0x7FF] =	sst s3;
	s4 =	sadd.s32 $0x4A00, s4  }
0x9: {  	_ =	strace $0x80000047;
	[dreg:$0x3] =	wrdreg s4  }
0xa: {  	s4 =	simm.s32 $0x5;
	s5 =	rddreg [dreg:$0x3]  }
0xb: {  	[tilespmem:s3], [sflag:$0x5] =	stream.linear.gather [hbm4b:s5+s3], $0x2710, $0x38;
	[tilespmem:$0xA410] =	vst v63  }
0xc: {  	_ =	swait.ge [sflag:s4], $0x2710  }
0xd: {  	[sflag:s4] =	ssyncset.done $0x0  }
0xe: {  	s6 =	simm.s32 $0x2710;
	s5 =	simm.s32 $0x3E8;
	[sflag:s4] =	ssyncadd.s32 $0xFFFFD8F0  }
0xf: {  	[tilespmem:s6], [sflag:$0x1] =	stream.indirect.gather [hbm4b:s2+s5], $0x10, s3, s5, $0xb8;
	[tilespmem:$0xA410] =	vst v63  }
0x10: {  	s8 =	simm.s32 $0x1;
	s10 =	smul.u32 $0x4E20, s7;
	s7 =	simm.s32 $0x6590  }
0x11: {  	[tilespmem:s7], [sflag:$0x2] =	stream.indirect.gather [hbm4b:s2+s5], $0x10, s5, s5, $0xb8;
	[tilespmem:$0xA410] =	vst v63  }
0x12: {  	_ =	swait.ge [sflag:s8], $0x3E80  }
0x13: {  	s31 =	sadd.s32 s10, s9;
	[sflag:s8] =	ssyncset.done $0x0  }
0x14: {  	s10 =	simm.s32 $0x2;
	s9 =	sadd.s32 $0x18600, s31;
	[sflag:s8] =	ssyncadd.s32 $0xFFFFC180  }
0x15: {  	[hbm4b:s9+s3] =	stream.linear.scatter [tilespmem:s6], [sflag:$0x3], $0x3E80, $0x38;
	[tilespmem:$0xA410] =	vst v63  }
0x16: {  	_ =	swait.ge [sflag:s10], $0x3E80  }
0x17: {  	[sflag:s10] =	ssyncset.done $0x0  }
0x18: {  	s12 =	simm.s32 $0x3;
	s11 =	sadd.s32 $0x18DD0, s31;
	[sflag:s10] =	ssyncadd.s32 $0xFFFFC180  }
0x19: {  	[hbm4b:s11+s3] =	stream.linear.scatter [tilespmem:s7], [sflag:$0x4], $0x3E80, $0x38;
	[tilespmem:$0xA410] =	vst v63  }
0x1a: {  	_ =	swait.ge [sflag:s12], $0x3E80  }
0x1b: {  	[sflag:s12] =	ssyncset.done $0x0  }
0x1c: {  	s14 =	simm.s32 $0x7D0;
	s13 =	simm.s32 $0x4;
	[sflag:s12] =	ssyncadd.s32 $0xFFFFC180  }
0x1d: {  	[tilespmem:s6], [sflag:$0x1] =	stream.indirect.gather [hbm4b:s2+s5], $0x10, s14, s5, $0xb8;
	[tilespmem:$0xA410] =	vst v63  }
0x1e: {  	_ =	swait.ge [sflag:s13], $0x3E80  }
0x1f: {  	[sflag:s13] =	ssyncset.done $0x0  }
0x20: {  	s15 =	simm.s32 $0xBB8;
	[sflag:s13] =	ssyncadd.s32 $0xFFFFC180  }
0x21: {  	[tilespmem:s7], [sflag:$0x2] =	stream.indirect.gather [hbm4b:s2+s5], $0x10, s15, s5, $0xb8;
	[tilespmem:$0xA410] =	vst v63  }
0x22: {  	_ =	swait.ge [sflag:s8], $0x3E80  }
0x23: {  	[sflag:s8] =	ssyncset.done $0x0  }
0x24: {  	s16 =	sadd.s32 $0x195A0, s31;
	[sflag:s8] =	ssyncadd.s32 $0xFFFFC180  }
0x25: {  	[hbm4b:s16+s3] =	stream.linear.scatter [tilespmem:s6], [sflag:$0x3], $0x3E80, $0x38;
	[tilespmem:$0xA410] =	vst v63  }
0x26: {  	_ =	swait.ge [sflag:s10], $0x3E80  }
0x27: {  	[sflag:s10] =	ssyncset.done $0x0  }
0x28: {  	s17 =	sadd.s32 $0x19D70, s31;
	[sflag:s10] =	ssyncadd.s32 $0xFFFFC180  }
0x29: {  	[hbm4b:s17+s3] =	stream.linear.scatter [tilespmem:s7], [sflag:$0x4], $0x3E80, $0x38;
	[tilespmem:$0xA410] =	vst v63  }
0x2a: {  	_ =	swait.ge [sflag:s12], $0x3E80  }
0x2b: {  	[sflag:s12] =	ssyncset.done $0x0  }
0x2c: {  	s18 =	simm.s32 $0xFA0;
	[sflag:s12] =	ssyncadd.s32 $0xFFFFC180  }
0x2d: {  	[tilespmem:s6], [sflag:$0x1] =	stream.indirect.gather [hbm4b:s2+s5], $0x10, s18, s5, $0xb8;
	[tilespmem:$0xA410] =	vst v63  }
0x2e: {  	_ =	swait.ge [sflag:s13], $0x3E80  }
0x2f: {  	[sflag:s13] =	ssyncset.done $0x0  }
0x30: {  	s19 =	simm.s32 $0x1388;
	[sflag:s13] =	ssyncadd.s32 $0xFFFFC180  }
0x31: {  	[tilespmem:s7], [sflag:$0x2] =	stream.indirect.gather [hbm4b:s2+s5], $0x10, s19, s5, $0xb8;
	[tilespmem:$0xA410] =	vst v63  }
0x32: {  	_ =	swait.ge [sflag:s8], $0x3E80  }
0x33: {  	[sflag:s8] =	ssyncset.done $0x0  }
0x34: {  	s20 =	sadd.s32 $0x1A540, s31;
	[sflag:s8] =	ssyncadd.s32 $0xFFFFC180  }
0x35: {  	[hbm4b:s20+s3] =	stream.linear.scatter [tilespmem:s6], [sflag:$0x3], $0x3E80, $0x38;
	[tilespmem:$0xA410] =	vst v63  }
0x36: {  	_ =	swait.ge [sflag:s10], $0x3E80  }
0x37: {  	[sflag:s10] =	ssyncset.done $0x0  }
0x38: {  	s21 =	sadd.s32 $0x1AD10, s31;
	[sflag:s10] =	ssyncadd.s32 $0xFFFFC180  }
0x39: {  	[hbm4b:s21+s3] =	stream.linear.scatter [tilespmem:s7], [sflag:$0x4], $0x3E80, $0x38;
	[tilespmem:$0xA410] =	vst v63  }
0x3a: {  	_ =	swait.ge [sflag:s12], $0x3E80  }
0x3b: {  	[sflag:s12] =	ssyncset.done $0x0  }
0x3c: {  	s22 =	simm.s32 $0x1770;
	[sflag:s12] =	ssyncadd.s32 $0xFFFFC180  }
0x3d: {  	[tilespmem:s6], [sflag:$0x1] =	stream.indirect.gather [hbm4b:s2+s5], $0x10, s22, s5, $0xb8;
	[tilespmem:$0xA410] =	vst v63  }
0x3e: {  	_ =	swait.ge [sflag:s13], $0x3E80  }
0x3f: {  	[sflag:s13] =	ssyncset.done $0x0  }
0x40: {  	s23 =	simm.s32 $0x1B58;
	[sflag:s13] =	ssyncadd.s32 $0xFFFFC180  }
0x41: {  	[tilespmem:s7], [sflag:$0x2] =	stream.indirect.gather [hbm4b:s2+s5], $0x10, s23, s5, $0xb8;
	[tilespmem:$0xA410] =	vst v63  }
0x42: {  	_ =	swait.ge [sflag:s8], $0x3E80  }
0x43: {  	[sflag:s8] =	ssyncset.done $0x0  }
0x44: {  	s24 =	sadd.s32 $0x1B4E0, s31;
	[sflag:s8] =	ssyncadd.s32 $0xFFFFC180  }
0x45: {  	[hbm4b:s24+s3] =	stream.linear.scatter [tilespmem:s6], [sflag:$0x3], $0x3E80, $0x38;
	[tilespmem:$0xA410] =	vst v63  }
0x46: {  	_ =	swait.ge [sflag:s10], $0x3E80  }
0x47: {  	[sflag:s10] =	ssyncset.done $0x0  }
0x48: {  	s25 =	sadd.s32 $0x1BCB0, s31;
	[sflag:s10] =	ssyncadd.s32 $0xFFFFC180  }
0x49: {  	[hbm4b:s25+s3] =	stream.linear.scatter [tilespmem:s7], [sflag:$0x4], $0x3E80, $0x38;
	[tilespmem:$0xA410] =	vst v63  }
0x4a: {  	_ =	swait.ge [sflag:s12], $0x3E80  }
0x4b: {  	[sflag:s12] =	ssyncset.done $0x0  }
0x4c: {  	s26 =	simm.s32 $0x1F40;
	[sflag:s12] =	ssyncadd.s32 $0xFFFFC180  }
0x4d: {  	[tilespmem:s6], [sflag:$0x1] =	stream.indirect.gather [hbm4b:s2+s5], $0x10, s26, s5, $0xb8;
	[tilespmem:$0xA410] =	vst v63  }
0x4e: {  	_ =	swait.ge [sflag:s13], $0x3E80  }
0x4f: {  	[sflag:s13] =	ssyncset.done $0x0  }
0x50: {  	s28 =	simm.s32 $0x2328;
	[sflag:s13] =	ssyncadd.s32 $0xFFFFC180  }
0x51: {  	[tilespmem:s7], [sflag:$0x2] =	stream.indirect.gather [hbm4b:s2+s5], $0x10, s28, s5, $0xb8;
	[tilespmem:$0xA410] =	vst v63  }
0x52: {  	_ =	swait.ge [sflag:s8], $0x3E80  }
0x53: {  	s1 =	ssub.s32 $0x2, s30;
	s29 =	sadd.s32 $0x1C480, s31;
	[sflag:s8] =	ssyncset.done $0x0  }
0x54: {  	s30 =	sadd.s32 $0x1CC50, s31;
	s31 =	sshrl.u32 s1, $0x1;
	[sflag:s8] =	ssyncadd.s32 $0xFFFFC180  }
0x55: {  	[hbm4b:s29+s3] =	stream.linear.scatter [tilespmem:s6], [sflag:$0x3], $0x3E80, $0x38;
	[tilespmem:$0xA410] =	vst v63  }
0x56: {  	s1 =	ssub.s32 s1, s31;
	_ =	swait.ge [sflag:s10], $0x3E80  }
0x57: {  	s1 =	smax.u32 s1, $0x1;
	[sflag:s10] =	ssyncset.done $0x0  }
0x58: {  	p0 =	sne.s32 s1, $0x1;
	[sflag:s10] =	ssyncadd.s32 $0xFFFFC180  }
0x59: {  	[hbm4b:s30+s3] =	stream.linear.scatter [tilespmem:s7], [sflag:$0x4], $0x3E80, $0x38;
	[tilespmem:$0xA410] =	vst v63  }
.Ltmp0:
0x5a: {  	_ =	swait.ge [sflag:s12], $0x3E80;
	(pc) =	sbr.rel @!p0 .LBB2_2-.Ltmp0, $4  }
0x5b: {  	[sflag:s12] =	ssyncset.done $0x0  }
0x5c: {  	[sflag:s12] =	ssyncadd.s32 $0xFFFFC180  }
0x5d: {  	_ =	swait.ge [sflag:s13], $0x3E80  }
0x5e: {  	s31 =	sadd.s32 $0xFFFFFFFF, s1;
	[sflag:s13] =	ssyncset.done $0x0  }
.LBB2_1:
0x5f: {  	s1 =	rddreg [dreg:$0x3];
	[sflag:s13] =	ssyncadd.s32 $0xFFFFC180  }
0x60: {  	[tilespmem:s3], [sflag:$0x5] =	stream.linear.gather [hbm4b:s1+s3], $0x2710, $0x38;
	[tilespmem:$0xA410] =	vst v63  }
0x61: {  	_ =	swait.ge [sflag:s4], $0x2710  }
0x62: {  	[sflag:s4] =	ssyncset.done $0x0  }
0x63: {  	[sflag:s4] =	ssyncadd.s32 $0xFFFFD8F0  }
0x64: {  	[tilespmem:s6], [sflag:$0x1] =	stream.indirect.gather [hbm4b:s2+s5], $0x10, s3, s5, $0xb8;
	[tilespmem:$0xA410] =	vst v63  }
0x65: {  	_ = 	snop  }
0x66: {  	[tilespmem:s7], [sflag:$0x2] =	stream.indirect.gather [hbm4b:s2+s5], $0x10, s5, s5, $0xb8;
	[tilespmem:$0xA410] =	vst v63  }
0x67: {  	_ =	swait.ge [sflag:s8], $0x3E80  }
0x68: {  	[sflag:s8] =	ssyncset.done $0x0  }
0x69: {  	[sflag:s8] =	ssyncadd.s32 $0xFFFFC180  }
0x6a: {  	[hbm4b:s9+s3] =	stream.linear.scatter [tilespmem:s6], [sflag:$0x3], $0x3E80, $0x38;
	[tilespmem:$0xA410] =	vst v63  }
0x6b: {  	_ =	swait.ge [sflag:s10], $0x3E80  }
0x6c: {  	[sflag:s10] =	ssyncset.done $0x0  }
0x6d: {  	[sflag:s10] =	ssyncadd.s32 $0xFFFFC180  }
0x6e: {  	[hbm4b:s11+s3] =	stream.linear.scatter [tilespmem:s7], [sflag:$0x4], $0x3E80, $0x38;
	[tilespmem:$0xA410] =	vst v63  }
0x6f: {  	_ =	swait.ge [sflag:s12], $0x3E80  }
0x70: {  	[sflag:s12] =	ssyncset.done $0x0  }
0x71: {  	[sflag:s12] =	ssyncadd.s32 $0xFFFFC180  }
0x72: {  	[tilespmem:s6], [sflag:$0x1] =	stream.indirect.gather [hbm4b:s2+s5], $0x10, s14, s5, $0xb8;
	[tilespmem:$0xA410] =	vst v63  }
0x73: {  	_ =	swait.ge [sflag:s13], $0x3E80  }
0x74: {  	[sflag:s13] =	ssyncset.done $0x0  }
0x75: {  	[sflag:s13] =	ssyncadd.s32 $0xFFFFC180  }
0x76: {  	[tilespmem:s7], [sflag:$0x2] =	stream.indirect.gather [hbm4b:s2+s5], $0x10, s15, s5, $0xb8;
	[tilespmem:$0xA410] =	vst v63  }
0x77: {  	_ =	swait.ge [sflag:s8], $0x3E80  }
0x78: {  	[sflag:s8] =	ssyncset.done $0x0  }
0x79: {  	[sflag:s8] =	ssyncadd.s32 $0xFFFFC180  }
0x7a: {  	[hbm4b:s16+s3] =	stream.linear.scatter [tilespmem:s6], [sflag:$0x3], $0x3E80, $0x38;
	[tilespmem:$0xA410] =	vst v63  }
0x7b: {  	_ =	swait.ge [sflag:s10], $0x3E80  }
0x7c: {  	[sflag:s10] =	ssyncset.done $0x0  }
0x7d: {  	[sflag:s10] =	ssyncadd.s32 $0xFFFFC180  }
0x7e: {  	[hbm4b:s17+s3] =	stream.linear.scatter [tilespmem:s7], [sflag:$0x4], $0x3E80, $0x38;
	[tilespmem:$0xA410] =	vst v63  }
0x7f: {  	_ =	swait.ge [sflag:s12], $0x3E80  }
0x80: {  	[sflag:s12] =	ssyncset.done $0x0  }
0x81: {  	[sflag:s12] =	ssyncadd.s32 $0xFFFFC180  }
0x82: {  	[tilespmem:s6], [sflag:$0x1] =	stream.indirect.gather [hbm4b:s2+s5], $0x10, s18, s5, $0xb8;
	[tilespmem:$0xA410] =	vst v63  }
0x83: {  	_ =	swait.ge [sflag:s13], $0x3E80  }
0x84: {  	[sflag:s13] =	ssyncset.done $0x0  }
0x85: {  	[sflag:s13] =	ssyncadd.s32 $0xFFFFC180  }
0x86: {  	[tilespmem:s7], [sflag:$0x2] =	stream.indirect.gather [hbm4b:s2+s5], $0x10, s19, s5, $0xb8;
	[tilespmem:$0xA410] =	vst v63  }
0x87: {  	_ =	swait.ge [sflag:s8], $0x3E80  }
0x88: {  	[sflag:s8] =	ssyncset.done $0x0  }
0x89: {  	[sflag:s8] =	ssyncadd.s32 $0xFFFFC180  }
0x8a: {  	[hbm4b:s20+s3] =	stream.linear.scatter [tilespmem:s6], [sflag:$0x3], $0x3E80, $0x38;
	[tilespmem:$0xA410] =	vst v63  }
0x8b: {  	_ =	swait.ge [sflag:s10], $0x3E80  }
0x8c: {  	[sflag:s10] =	ssyncset.done $0x0  }
0x8d: {  	[sflag:s10] =	ssyncadd.s32 $0xFFFFC180  }
0x8e: {  	[hbm4b:s21+s3] =	stream.linear.scatter [tilespmem:s7], [sflag:$0x4], $0x3E80, $0x38;
	[tilespmem:$0xA410] =	vst v63  }
0x8f: {  	_ =	swait.ge [sflag:s12], $0x3E80  }
0x90: {  	[sflag:s12] =	ssyncset.done $0x0  }
0x91: {  	[sflag:s12] =	ssyncadd.s32 $0xFFFFC180  }
0x92: {  	[tilespmem:s6], [sflag:$0x1] =	stream.indirect.gather [hbm4b:s2+s5], $0x10, s22, s5, $0xb8;
	[tilespmem:$0xA410] =	vst v63  }
0x93: {  	_ =	swait.ge [sflag:s13], $0x3E80  }
0x94: {  	[sflag:s13] =	ssyncset.done $0x0  }
0x95: {  	[sflag:s13] =	ssyncadd.s32 $0xFFFFC180  }
0x96: {  	[tilespmem:s7], [sflag:$0x2] =	stream.indirect.gather [hbm4b:s2+s5], $0x10, s23, s5, $0xb8;
	[tilespmem:$0xA410] =	vst v63  }
0x97: {  	_ =	swait.ge [sflag:s8], $0x3E80  }
0x98: {  	[sflag:s8] =	ssyncset.done $0x0  }
0x99: {  	[sflag:s8] =	ssyncadd.s32 $0xFFFFC180  }
0x9a: {  	[hbm4b:s24+s3] =	stream.linear.scatter [tilespmem:s6], [sflag:$0x3], $0x3E80, $0x38;
	[tilespmem:$0xA410] =	vst v63  }
0x9b: {  	_ =	swait.ge [sflag:s10], $0x3E80  }
0x9c: {  	[sflag:s10] =	ssyncset.done $0x0  }
0x9d: {  	[sflag:s10] =	ssyncadd.s32 $0xFFFFC180  }
0x9e: {  	[hbm4b:s25+s3] =	stream.linear.scatter [tilespmem:s7], [sflag:$0x4], $0x3E80, $0x38;
	[tilespmem:$0xA410] =	vst v63  }
0x9f: {  	_ =	swait.ge [sflag:s12], $0x3E80  }
0xa0: {  	[sflag:s12] =	ssyncset.done $0x0  }
0xa1: {  	[sflag:s12] =	ssyncadd.s32 $0xFFFFC180  }
0xa2: {  	[tilespmem:s6], [sflag:$0x1] =	stream.indirect.gather [hbm4b:s2+s5], $0x10, s26, s5, $0xb8;
	[tilespmem:$0xA410] =	vst v63  }
0xa3: {  	_ =	swait.ge [sflag:s13], $0x3E80  }
0xa4: {  	[sflag:s13] =	ssyncset.done $0x0  }
0xa5: {  	[sflag:s13] =	ssyncadd.s32 $0xFFFFC180  }
0xa6: {  	[tilespmem:s7], [sflag:$0x2] =	stream.indirect.gather [hbm4b:s2+s5], $0x10, s28, s5, $0xb8;
	[tilespmem:$0xA410] =	vst v63  }
0xa7: {  	_ =	swait.ge [sflag:s8], $0x3E80  }
0xa8: {  	[sflag:s8] =	ssyncset.done $0x0  }
0xa9: {  	[sflag:s8] =	ssyncadd.s32 $0xFFFFC180  }
0xaa: {  	[hbm4b:s29+s3] =	stream.linear.scatter [tilespmem:s6], [sflag:$0x3], $0x3E80, $0x38;
	[tilespmem:$0xA410] =	vst v63  }
0xab: {  	_ =	swait.ge [sflag:s10], $0x3E80  }
0xac: {  	[sflag:s10] =	ssyncset.done $0x0  }
0xad: {  	p0 =	sne.s32 s31, $0x1;
	[sflag:s10] =	ssyncadd.s32 $0xFFFFC180  }
0xae: {  	[hbm4b:s30+s3] =	stream.linear.scatter [tilespmem:s7], [sflag:$0x4], $0x3E80, $0x38;
	[tilespmem:$0xA410] =	vst v63  }
.Ltmp1:
0xaf: {  	_ =	swait.ge [sflag:s12], $0x3E80;
	(pc) =	sbr.rel @p0 .LBB2_1-.Ltmp1, $4  }
0xb0: {  	[sflag:s12] =	ssyncset.done $0x0  }
0xb1: {  	[sflag:s12] =	ssyncadd.s32 $0xFFFFC180  }
0xb2: {  	_ =	swait.ge [sflag:s13], $0x3E80  }
0xb3: {  	s31 =	sadd.s32 $0xFFFFFFFF, s31;
	[sflag:s13] =	ssyncset.done $0x0  }
.LBB2_2:
0xb4: {  	[sflag:s13] =	ssyncadd.s32 $0xFFFFC180  }
0xb5: {  	_ =	sfence.sel $0x180000  }
0xb6: {  	[bflag:$0x0] =	sbarrier.arrive $0xFFFF  }
0xb7: {  	_ =	strace $0x90000047  }
0xb8: {  	[bflag:$0x2] =	sbarrier.arrive $0xFFFF  }
0xb9: {  	p0 =	sne.s32 s0, $0x0;
	s0 =	rddreg [dreg:$0x2]  }
0xba: {  	s0 =	sadd.s32 @!p0 $0x100000, s0  }
0xbb: {  	[sflag:s0] =	ssyncadd.tile.s32 @!p0 $0x1;
	_ =	shalt  }
.Lfunc_end2:
_tile_overlayer_lowered:
.L_overlay_start_2:
0xbc: {  	(tag) =	ssettag $0x2  }
0xbd: {  	s0 =	rddreg [dreg:$0x0];
	s2 =	stileid.u32  }
0xbe: {  	s1 =	rddreg [dreg:$0x1];
	p0 =	sne.s32 s2, $0x0  }
0xbf: {  	s3 =	rddreg [dreg:$0x2];
	[bflag:$0x3] =	sbarrier.arrive $0xFFFF;
	s2 =	simm.s32 @!p0 $0x1C05  }
0xc0: {  	[timem:s3], [sflag:s2] =	dma.local @!p0 [hbm:s0], s1  }
0xc1: {  	s0 =	simm.s32 @!p0 $0x5  }
0xc2: {  	_ =	swait.ge @!p0 [sflag:s0], s1  }
0xc3: {  	s1 =	ssub.s32 @!p0 $0x0, s1;
	[sflag:s0] =	ssyncset.done @!p0 $0x0  }
0xc4: {  	[sflag:s0] =	ssyncadd.s32 @!p0 s1  }
0xc5: {  	[bflag:$0x3] =	sbarrier.arrive $0xFFFF  }
0xc6: {  	_ =	shalt  }

// kernel: kernel.26.cloned.1.call-start
scs
__scs_entry_jumppad:
0x0: {  	(pc) =	sbr.rel $0x88, $3  }
0x1: {  	(tag) =	ssettag $0x0;
	lr =	simm.s32 $0x1  }
0x2: {  	[smem:$0x3F9B] =	sst lr;
	_ =	strace $0xD0000000  }
0x3: {  	_ = 	snop  }
0x4: {  	_ = 	snop  }
0x5: {  	_ = 	snop  }
0x6: {  	_ = 	snop  }
0x7: {  	_ = 	snop  }
__scs_overlays_trampoline_lowered:
0x8: {  	[smem:$0x3FAA] =	sst s0  }
0x9: {  	[smem:$0x3FAB] =	sst s1  }
0xa: {  	[smem:$0x3FAC] =	sst s2  }
0xb: {  	[smem:$0x3FAD] =	sst s3  }
0xc: {  	[smem:$0x3FAE] =	sst s4  }
0xd: {  	[smem:$0x3FAF] =	sst s5  }
0xe: {  	[smem:$0x3FB0] =	sst s6  }
0xf: {  	[smem:$0x3FB1] =	sst s7  }
0x10: {  	[smem:$0x3FB2] =	sst s8  }
0x11: {  	[smem:$0x3FB3] =	sst s9;
	s0 =	simm.s32 @!p0 $0x0  }
0x12: {  	s1 =	sld [smem:$0x3F99];
	s0 =	simm.s32 @p0 $0x1  }
0x13: {  	[smem:$0x3FB4] =	sst s0;
	s0 =	simm.s32 @!p1 $0x0  }
0x14: {  	s2 =	sld [smem:$0x3F98];
	s0 =	simm.s32 @p1 $0x1  }
0x15: {  	[smem:$0x3FB5] =	sst s0;
	s0 =	simm.s32 @!p2 $0x0  }
0x16: {  	s3 =	sld [smem:$0x3FDB];
	s0 =	simm.s32 @p2 $0x1  }
0x17: {  	s4 =	simm.s32 $0x1BF5;
	[smem:$0x3FB7] =	sst s0  }
0x18: {  	s0 =	sld [smem:$0x3F9A];
	_ =	swait.ge [sflag:s4], $0x0  }
0x19: {  	s7 =	sld [smem:$0x3F9B]  }
0x1a: {  	s8 =	sadd.s32 $0xFFFFE003, lr  }
0x1b: {  	s9 =	sadd.s32 $0xFFFFFEF7, lr;
	s5 =	simm.s32 $0xFFFFFFFF;
	p2 =	slt.u32 s8, $0xFFFFF086  }
0x1c: {  	p1 =	slt.u32 s9, $0xF7A;
	s5 =	simm.s32 @!p2 $0x0  }
0x1d: {  	s5 =	simm.s32 @p1 $0x1;
	p0 =	seq.s32 s7, s2  }
0x1e: {  	s7 =	smul.u32 @!p0 $0xF7A, s2;
	p2 =	seq.s32 @!p0 s5, $0x0  }
0x1f: {  	s9 =	smul.u32 $0xF7A, s1;
	s8 =	simm.s32 @!p0 $0x1BF5;
	p2 =	por !p2, p0  }
0x20: {  	[sflag:s8] =	ssyncset.s32 @!p0 $0xFFFFF086;
	s6 =	sadd.s32 @!p0 s3, s7;
	s7 =	simm.s32 @!p0 $0x108  }
0x21: {  	s3 =	sadd.s32 s3, s9;
	s6 =	sadd.s32 @!p0 $0x88, s6;
	s7 =	simm.s32 @p2 $0x1082  }
0x22: {  	[simem:s7], [sflag:s8] =	dma.local @!p0 [hbm:s6], $0xF7A  }
0x23: {  	s9 =	sor.u32 $0xD0000000, s2;
	s6 =	simm.s32 $0x108;
	_ =	swait.ge @!p0 [sflag:s8], $0x0  }
0x24: {  	s3 =	sadd.s32 $0x88, s3;
	s6 =	simm.s32 @!p1 $0x1082;
	[sflag:s4] =	ssyncset.s32 $0xFFFFF086  }
0x25: {  	[simem:s6], [sflag:s4] =	dma.local [hbm:s3], $0xF7A  }
0x26: {  	[smem:$0x3F9B] =	sst s1;
	(tag) =	ssettag s2;
	_ =	strace s9  }
0x27: {  	s1 =	sld [smem:$0x3FAB]  }
0x28: {  	s2 =	sld [smem:$0x3FAC]  }
0x29: {  	s4 =	sld [smem:$0x3FAE]  }
0x2a: {  	p0 =	seq.s32 s5, $0x0;
	s5 =	sld [smem:$0x3FAF]  }
0x2b: {  	s6 =	sld [smem:$0x3FB0]  }
0x2c: {  	s7 =	sld [smem:$0x3FB1]  }
0x2d: {  	s3 =	simm.s32 $0x108;
	s8 =	sld [smem:$0x3FB2]  }
0x2e: {  	s3 =	simm.s32 @!p0 $0x1082;
	s9 =	sld [smem:$0x3FB3]  }
0x2f: {  	lr =	sadd.s32 s0, s3;
	s0 =	sld [smem:$0x3FAA]  }
0x30: {  	s3 =	sld [smem:$0x3FAD]  }
0x31: {  	[smem:$0x3FB6] =	sst s10  }
0x32: {  	s10 =	sld [smem:$0x3FB4];
	_ =	sdelay $0x3  }
0x33: {  	p0 =	seq.s32 s10, $0x1;
	s10 =	sld [smem:$0x3FB6];
	_ =	sdelay $0x3  }
0x34: {  	[smem:$0x3FB6] =	sst s10  }
0x35: {  	s10 =	sld [smem:$0x3FB5];
	_ =	sdelay $0x3  }
0x36: {  	p1 =	seq.s32 s10, $0x1;
	s10 =	sld [smem:$0x3FB6];
	_ =	sdelay $0x3  }
0x37: {  	[smem:$0x3FB6] =	sst s10  }
0x38: {  	s10 =	sld [smem:$0x3FB7]  }
0x39: {  	_ = 	snop;
	(pc) =	sbr.ind lr, $3  }
0x3a: {  	_ = 	snop  }
0x3b: {  	_ = 	snop  }
0x3c: {  	p2 =	seq.s32 s10, $0x1;
	s10 =	sld [smem:$0x3FB6]  }
0x3d: {  	_ =	shalt  }
0x3e: {  	_ =	shalt  }
0x3f: {  	_ =	shalt  }
0x40: {  	_ =	shalt  }
0x41: {  	_ =	shalt  }
0x42: {  	_ =	shalt  }
0x43: {  	_ =	shalt  }
0x44: {  	_ =	shalt  }
0x45: {  	_ =	shalt  }
0x46: {  	_ =	shalt  }
0x47: {  	_ =	shalt  }
0x48: {  	_ =	shalt  }
0x49: {  	_ =	shalt  }
0x4a: {  	_ =	shalt  }
0x4b: {  	_ =	shalt  }
0x4c: {  	_ =	shalt  }
0x4d: {  	_ =	shalt  }
0x4e: {  	_ =	shalt  }
0x4f: {  	_ =	shalt  }
0x50: {  	_ =	shalt  }
0x51: {  	_ =	shalt  }
0x52: {  	_ =	shalt  }
0x53: {  	_ =	shalt  }
0x54: {  	_ =	shalt  }
0x55: {  	_ =	shalt  }
0x56: {  	_ =	shalt  }
0x57: {  	_ =	shalt  }
0x58: {  	_ =	shalt  }
0x59: {  	_ =	shalt  }
0x5a: {  	_ =	shalt  }
0x5b: {  	_ =	shalt  }
0x5c: {  	_ =	shalt  }
0x5d: {  	_ =	shalt  }
0x5e: {  	_ =	shalt  }
0x5f: {  	_ =	shalt  }
0x60: {  	_ =	shalt  }
0x61: {  	_ =	shalt  }
0x62: {  	_ =	shalt  }
0x63: {  	_ =	shalt  }
0x64: {  	_ =	shalt  }
0x65: {  	_ =	shalt  }
0x66: {  	_ =	shalt  }
0x67: {  	_ =	shalt  }
0x68: {  	_ =	shalt  }
0x69: {  	_ =	shalt  }
0x6a: {  	_ =	shalt  }
0x6b: {  	_ =	shalt  }
0x6c: {  	_ =	shalt  }
0x6d: {  	_ =	shalt  }
0x6e: {  	_ =	shalt  }
0x6f: {  	_ =	shalt  }
0x70: {  	_ =	shalt  }
0x71: {  	_ =	shalt  }
0x72: {  	_ =	shalt  }
0x73: {  	_ =	shalt  }
0x74: {  	_ =	shalt  }
0x75: {  	_ =	shalt  }
0x76: {  	_ =	shalt  }
0x77: {  	_ =	shalt  }
0x78: {  	_ =	shalt  }
0x79: {  	_ =	shalt  }
0x7a: {  	_ =	shalt  }
0x7b: {  	_ =	shalt  }
0x7c: {  	_ =	shalt  }
0x7d: {  	_ =	shalt  }
0x7e: {  	_ =	shalt  }
0x7f: {  	_ =	shalt  }
0x80: {  	_ =	shalt  }
0x81: {  	_ =	shalt  }
0x82: {  	_ =	shalt  }
0x83: {  	_ =	shalt  }
0x84: {  	_ =	shalt  }
0x85: {  	_ =	shalt  }
0x86: {  	_ =	shalt  }
0x87: {  	_ =	shalt  }
.Lfunc_end0:
.L_simem_size_0:
called_computation.1_lowered:
.L_overlay_start_0:
0x88: {  	s2 =	sld [smem:$0x3FD9]  }
0x89: {  	s3 =	sld [smem:$0x3FFE];
	_ =	sdelay $0x1  }
0x8a: {  	s1 =	srdreg.scid  }
0x8b: {  	s0 =	sand.u32 $0x1, s1  }
0x8c: {  	s17 =	sshll.u32 s0, $0xA;
	s2 =	sadd.s32 s3, s2  }
0x8d: {  	s2 =	sadd.s32 s2, s17  }
0x8e: {  	[smem:$0x3FC2] =	sst s2  }
0x8f: {  	_ = 	snop  }
0x90: {  	s2 =	sld [smem:$0x3FD0];
	(tm) =	ssettm $0x1  }
0x91: {  	s18 =	sld [smem:$0x3FFB];
	_ =	sdelay $0x3  }
0x92: {  	_ =	strace s18  }
0x93: {  	s3 =	sld [smem:$0x3FFC];
	_ =	sdelay $0x3  }
0x94: {  	_ =	strace s3  }
0x95: {  	s3 =	sld [smem:$0x3FFD];
	_ =	sdelay $0x3  }
0x96: {  	_ =	strace s3  }
0x97: {  	_ =	strace $0x8FFFFFFF  }
0x98: {  	s19 =	sld [smem:$0x3FDB];
	_ =	sdelay $0x1  }
0x99: {  	s4 =	simm.s32 $_scs_section_size  }
0x9a: {  	s5 =	simm.s32 $_size__tile_overlayer_lowered;
	s6 =	simm.s32 $_tile_overlayer_lowered  }
0x9b: {  	s22 =	simm.s32 $0x1BFF;
	s21 =	sshll.u32 s6, $0x1;
	s3 =	sadd.s32 s4, s19  }
0x9c: {  	s7 =	simm.s32 $0x0;
	s20 =	sshll.u32 s5, $0x1;
	s5 =	sadd.s32 s21, s3  }
0x9d: {  	[timem:s7], [sflag:s22] =	dma.local [hbm:s5], s20  }
0x9e: {  	_ =	swait.ge [sflag:s22], s20  }
0x9f: {  	s4 =	ssub.s32 $0x0, s20;
	[sflag:s22] =	ssyncset.done $0x0  }
0xa0: {  	[sflag:s22] =	ssyncadd.s32 s4;
	_ =	sdelay $0x1  }
0xa1: {  	s23 =	simm.s32 $0x1B8B  }
0xa2: {  	_ =	swait.ge [sflag:s23], $0x1  }
0xa3: {  	[sflag:s23] =	ssyncset.done $0x0  }
0xa4: {  	s25 =	simm.s32 $0x1B8E;
	s24 =	sld [smem:$0x3FFE];
	[sflag:s23] =	ssyncadd.s32 $0xFFFFFFFF  }
0xa5: {  	s26 =	simm.s32 $execute0_lowered;
	[smem:$0x3FD2] =	sst s25  }
0xa6: {  	s5 =	sshll.u32 s26, $0x1;
	_ =	strace $0x80000049;
	[dreg:$0x1] =	wrdreg $0xFFFFFFFF  }
0xa7: {  	s28 =	simm.s32 $_size_execute0_lowered;
	s3 =	sadd.s32 s3, s5;
	[dreg:$0x0] =	wrdreg $0x0  }
0xa8: {  	s5 =	sshll.u32 s28, $0x1;
	[dreg:$0x2] =	wrdreg s3  }
0xa9: {  	[dreg:$0x3] =	wrdreg s5  }
0xaa: {  	[dreg:$0x4] =	wrdreg $0xC0  }
0xab: {  	_ =	task [dreg:s7], $0x5FFFF  }
0xac: {  	[dreg:$0x1] =	wrdreg $0xFFFFFFFF  }
0xad: {  	[dreg:$0x0] =	wrdreg $0x60  }
0xae: {  	[dreg:$0x2] =	wrdreg s24  }
0xaf: {  	[dreg:$0x3] =	wrdreg s2  }
0xb0: {  	[dreg:$0x4] =	wrdreg $0xA4100  }
0xb1: {  	[dreg:$0x5] =	wrdreg $0x9  }
0xb2: {  	_ =	task.clear_ibuf [dreg:s7], $0x6FFFF;
	_ =	strace $0x90000049  }
0xb3: {  	s29 =	simm.s32 $0x9;
	_ =	strace $0x8000004B  }
0xb4: {  	_ =	swait.ge [sflag:s29], $0x1  }
0xb5: {  	[sflag:s29] =	ssyncadd.s32 $0xFFFFFFFF  }
0xb6: {  	_ =	strace $0x9000004B  }
0xb7: {  	_ =	sfence  }
0xb8: {  	s30 =	sld [smem:$0x0];
	_ =	sdelay $0x2  }
0xb9: {  	s31 =	sshll.u32 s1, $0xD;
	s1 =	sshrl.u32 s1, $0x2  }
0xba: {  	s3 =	sand.u32 $0x4000, s31;
	s1 =	sadd.s32 s1, s30  }
0xbb: {  	s0 =	sor.u32 s3, s0;
	s1 =	sshll.u32 s1, $0x11  }
0xbc: {  	s0 =	sor.u32 s1, s0  }
0xbd: {  	s0 =	sadd.s32 $0x8F2B, s0  }
0xbe: {  	[sflag:s0] =	ssyncadd.remote.s32 $0x1  }
0xbf: {  	_ =	sfence.sel $0xFFFF  }
0xc0: {  	[dreg:$0x0] =	wrdreg $0xFFFFFFFF;
	(pc) =	sbr.abs _section_cstart, $3  }
0xc1: {  	[dreg:$0x1] =	wrdreg $0xFFFFFFFF  }
0xc2: {  	_ =	task.clear_ibuf [dreg:s7], $0x2FFFF;
	_ =	strace $0x9FFFFFFF  }
0xc3: {  	(tm) =	ssettm $0x7FFFFFFF  }
tec
execute0_lowered:
.L_overlay_start_1:
0x0: {  	(tag) =	ssettag $0x1  }
0x1: {  	s0 =	srdreg.scid  }
0x2: {  	s3 =	rddreg [dreg:$0x0];
	s31 =	sand.u32 $0x1, s0  }
0x3: {  	s1 =	rddreg [dreg:$0x1];
	s4 =	stileid.u32;
	s0 =	sshll.u32 s31, $0x4  }
0x4: {  	[dreg:$0x4] =	wrdreg s1;
	s5 =	sor.u32 s4, s0  }
0x5: {  	s2 =	simm.s32 $0x0;
	s1 =	rddreg [dreg:$0x2];
	s6 =	smul.u32 $0x4E2, s5  }
0x6: {  	[smem:$0x7FF] =	sst s2;
	s9 =	sadd.s32 $0x18600, s3;
	s8 =	smul.u32 $0x4E20, s31  }
0x7: {  	_ =	strace $0x8000004A;
	s7 =	smul.u32 $0x27100, s5;
	s6 =	sadd.s32 s6, s3  }
0x8: {  	s5 =	smul.u32 $0x4E20, s5;
	s3 =	sadd.s32 s8, s3;
	s6 =	sadd.s32 $0xE800, s6  }
0x9: {  	s7 =	sshrl.u32 s7, $0x3;
	s25 =	sadd.s32 $0xB4A00, s3;
	[dreg:$0x5] =	wrdreg s6  }
0xa: {  	p0 =	sne.s32 s4, $0x0;
	s7 =	sadd.s32 s9, s7;
	[dreg:$0x7] =	wrdreg s25  }
0xb: {  	s3 =	sadd.s32 s9, s5;
	s24 =	sadd.s32 $0x7D0, s7;
	s7 =	rddreg [dreg:$0x4]  }
0xc: {  	s4 =	simm.s32 @!p0 $0x5;
	s5 =	sadd.s32 $0xFA0, s3;
	[dreg:$0x6] =	wrdreg s24  }
0xd: {  	s6 =	simm.s32 @!p0 $0x1C05;
	[dreg:$0x8] =	wrdreg s5;
	s5 =	sshrl.u32 @!p0 s1, $0x3  }
0xe: {  	[spmem:s5], [sflag:s6] =	dma.local @!p0 [hbm:s7], $0x4E20  }
0xf: {  	_ =	swait.ge @!p0 [sflag:s4], $0x4E20  }
0x10: {  	[sflag:s4] =	ssyncset.done @!p0 $0x0  }
0x11: {  	[sflag:s4] =	ssyncadd.s32 @!p0 $0xFFFFB1E0  }
0x12: {  	[bflag:$0x0] =	sbarrier.arrive $0xFFFF  }
0x13: {  	s7 =	simm.s32 $0x5;
	s26 =	rddreg [dreg:$0x5]  }
0x14: {  	[tilespmem:s2], [sflag:$0x5] =	stream.linear.gather [hbm4b:s26+s2], $0x2710, $0x38;
	[tilespmem:$0xCB20] =	vst v63  }
0x15: {  	_ =	swait.ge [sflag:s7], $0x2710  }
0x16: {  	[sflag:s7] =	ssyncset.done $0x0  }
0x17: {  	s8 =	simm.s32 $0x2710;
	[sflag:s7] =	ssyncadd.s32 $0xFFFFD8F0  }
0x18: {  	[tilespmem:s8], [sflag:$0x1] =	stream.linear.gather [hbm4b:s3+s2], $0x3E80, $0x38;
	[tilespmem:$0xCB20] =	vst v63  }
0x19: {  	s10 =	simm.s32 $0x1;
	s9 =	simm.s32 $0x6590;
	s11 =	rddreg [dreg:$0x6]  }
0x1a: {  	[tilespmem:s9], [sflag:$0x2] =	stream.linear.gather [hbm4b:s11+s2], $0x3E80, $0x38;
	[tilespmem:$0xCB20] =	vst v63  }
0x1b: {  	_ =	swait.ge [sflag:s10], $0x3E80  }
0x1c: {  	[sflag:s10] =	ssyncset.done $0x0  }
0x1d: {  	s12 =	simm.s32 $0x2;
	s11 =	simm.s32 $0x3E8;
	[sflag:s10] =	ssyncadd.s32 $0xFFFFC180  }
0x1e: {  	[spmem:s1] =	stream.indirect.scatter.add.f32 [tilespmem:s8], [sflag:$0x3], $0x10, s2, s11, $0xb8;
	[tilespmem:$0xCB20] =	vst v63  }
0x1f: {  	_ =	swait.ge [sflag:s12], $0x3E80  }
0x20: {  	[sflag:s12] =	ssyncset.done $0x0  }
0x21: {  	s13 =	simm.s32 $0x3;
	[sflag:s12] =	ssyncadd.s32 $0xFFFFC180  }
0x22: {  	[spmem:s1] =	stream.indirect.scatter.add.f32 [tilespmem:s9], [sflag:$0x4], $0x10, s11, s11, $0xb8;
	[tilespmem:$0xCB20] =	vst v63  }
0x23: {  	_ =	swait.ge [sflag:s13], $0x3E80  }
0x24: {  	[sflag:s13] =	ssyncset.done $0x0  }
0x25: {  	s14 =	simm.s32 $0x4;
	s15 =	rddreg [dreg:$0x8];
	[sflag:s13] =	ssyncadd.s32 $0xFFFFC180  }
0x26: {  	[tilespmem:s8], [sflag:$0x1] =	stream.linear.gather [hbm4b:s15+s2], $0x3E80, $0x38;
	[tilespmem:$0xCB20] =	vst v63  }
0x27: {  	_ =	swait.ge [sflag:s14], $0x3E80  }
0x28: {  	[sflag:s14] =	ssyncset.done $0x0  }
0x29: {  	s15 =	sadd.s32 $0x1770, s3;
	[sflag:s14] =	ssyncadd.s32 $0xFFFFC180  }
0x2a: {  	[tilespmem:s9], [sflag:$0x2] =	stream.linear.gather [hbm4b:s15+s2], $0x3E80, $0x38;
	[tilespmem:$0xCB20] =	vst v63  }
0x2b: {  	_ =	swait.ge [sflag:s10], $0x3E80  }
0x2c: {  	[sflag:s10] =	ssyncset.done $0x0  }
0x2d: {  	s16 =	simm.s32 $0x7D0;
	[sflag:s10] =	ssyncadd.s32 $0xFFFFC180  }
0x2e: {  	[spmem:s1] =	stream.indirect.scatter.add.f32 [tilespmem:s8], [sflag:$0x3], $0x10, s16, s11, $0xb8;
	[tilespmem:$0xCB20] =	vst v63  }
0x2f: {  	_ =	swait.ge [sflag:s12], $0x3E80  }
0x30: {  	[sflag:s12] =	ssyncset.done $0x0  }
0x31: {  	s17 =	simm.s32 $0xBB8;
	[sflag:s12] =	ssyncadd.s32 $0xFFFFC180  }
0x32: {  	[spmem:s1] =	stream.indirect.scatter.add.f32 [tilespmem:s9], [sflag:$0x4], $0x10, s17, s11, $0xb8;
	[tilespmem:$0xCB20] =	vst v63  }
0x33: {  	_ =	swait.ge [sflag:s13], $0x3E80  }
0x34: {  	[sflag:s13] =	ssyncset.done $0x0  }
0x35: {  	s18 =	sadd.s32 $0x1F40, s3;
	[sflag:s13] =	ssyncadd.s32 $0xFFFFC180  }
0x36: {  	[tilespmem:s8], [sflag:$0x1] =	stream.linear.gather [hbm4b:s18+s2], $0x3E80, $0x38;
	[tilespmem:$0xCB20] =	vst v63  }
0x37: {  	_ =	swait.ge [sflag:s14], $0x3E80  }
0x38: {  	[sflag:s14] =	ssyncset.done $0x0  }
0x39: {  	s19 =	sadd.s32 $0x2710, s3;
	[sflag:s14] =	ssyncadd.s32 $0xFFFFC180  }
0x3a: {  	[tilespmem:s9], [sflag:$0x2] =	stream.linear.gather [hbm4b:s19+s2], $0x3E80, $0x38;
	[tilespmem:$0xCB20] =	vst v63  }
0x3b: {  	_ =	swait.ge [sflag:s10], $0x3E80  }
0x3c: {  	[sflag:s10] =	ssyncset.done $0x0  }
0x3d: {  	s20 =	simm.s32 $0xFA0;
	[sflag:s10] =	ssyncadd.s32 $0xFFFFC180  }
0x3e: {  	[spmem:s1] =	stream.indirect.scatter.add.f32 [tilespmem:s8], [sflag:$0x3], $0x10, s20, s11, $0xb8;
	[tilespmem:$0xCB20] =	vst v63  }
0x3f: {  	_ =	swait.ge [sflag:s12], $0x3E80  }
0x40: {  	[sflag:s12] =	ssyncset.done $0x0  }
0x41: {  	s21 =	simm.s32 $0x1388;
	[sflag:s12] =	ssyncadd.s32 $0xFFFFC180  }
0x42: {  	[spmem:s1] =	stream.indirect.scatter.add.f32 [tilespmem:s9], [sflag:$0x4], $0x10, s21, s11, $0xb8;
	[tilespmem:$0xCB20] =	vst v63  }
0x43: {  	_ =	swait.ge [sflag:s13], $0x3E80  }
0x44: {  	[sflag:s13] =	ssyncset.done $0x0  }
0x45: {  	s22 =	sadd.s32 $0x2EE0, s3;
	[sflag:s13] =	ssyncadd.s32 $0xFFFFC180  }
0x46: {  	[tilespmem:s8], [sflag:$0x1] =	stream.linear.gather [hbm4b:s22+s2], $0x3E80, $0x38;
	[tilespmem:$0xCB20] =	vst v63  }
0x47: {  	_ =	swait.ge [sflag:s14], $0x3E80  }
0x48: {  	[sflag:s14] =	ssyncset.done $0x0  }
0x49: {  	s23 =	sadd.s32 $0x36B0, s3;
	[sflag:s14] =	ssyncadd.s32 $0xFFFFC180  }
0x4a: {  	[tilespmem:s9], [sflag:$0x2] =	stream.linear.gather [hbm4b:s23+s2], $0x3E80, $0x38;
	[tilespmem:$0xCB20] =	vst v63  }
0x4b: {  	_ =	swait.ge [sflag:s10], $0x3E80  }
0x4c: {  	[sflag:s10] =	ssyncset.done $0x0  }
0x4d: {  	s24 =	simm.s32 $0x1770;
	[sflag:s10] =	ssyncadd.s32 $0xFFFFC180  }
0x4e: {  	[spmem:s1] =	stream.indirect.scatter.add.f32 [tilespmem:s8], [sflag:$0x3], $0x10, s24, s11, $0xb8;
	[tilespmem:$0xCB20] =	vst v63  }
0x4f: {  	_ =	swait.ge [sflag:s12], $0x3E80  }
0x50: {  	[sflag:s12] =	ssyncset.done $0x0  }
0x51: {  	s25 =	simm.s32 $0x1B58;
	[sflag:s12] =	ssyncadd.s32 $0xFFFFC180  }
0x52: {  	[spmem:s1] =	stream.indirect.scatter.add.f32 [tilespmem:s9], [sflag:$0x4], $0x10, s25, s11, $0xb8;
	[tilespmem:$0xCB20] =	vst v63  }
0x53: {  	_ =	swait.ge [sflag:s13], $0x3E80  }
0x54: {  	[sflag:s13] =	ssyncset.done $0x0  }
0x55: {  	s26 =	sadd.s32 $0x3E80, s3;
	[sflag:s13] =	ssyncadd.s32 $0xFFFFC180  }
0x56: {  	[tilespmem:s8], [sflag:$0x1] =	stream.linear.gather [hbm4b:s26+s2], $0x3E80, $0x38;
	[tilespmem:$0xCB20] =	vst v63  }
0x57: {  	_ =	swait.ge [sflag:s14], $0x3E80  }
0x58: {  	[sflag:s14] =	ssyncset.done $0x0  }
0x59: {  	s28 =	sadd.s32 $0x4650, s3;
	[sflag:s14] =	ssyncadd.s32 $0xFFFFC180  }
0x5a: {  	[tilespmem:s9], [sflag:$0x2] =	stream.linear.gather [hbm4b:s28+s2], $0x3E80, $0x38;
	[tilespmem:$0xCB20] =	vst v63  }
0x5b: {  	_ =	swait.ge [sflag:s10], $0x3E80  }
0x5c: {  	[sflag:s10] =	ssyncset.done $0x0  }
0x5d: {  	s29 =	simm.s32 $0x1F40;
	[sflag:s10] =	ssyncadd.s32 $0xFFFFC180  }
0x5e: {  	[spmem:s1] =	stream.indirect.scatter.add.f32 [tilespmem:s8], [sflag:$0x3], $0x10, s29, s11, $0xb8;
	[tilespmem:$0xCB20] =	vst v63  }
0x5f: {  	_ =	swait.ge [sflag:s12], $0x3E80  }
0x60: {  	[sflag:s12] =	ssyncset.done $0x0  }
0x61: {  	s30 =	simm.s32 $0x2328;
	[sflag:s12] =	ssyncadd.s32 $0xFFFFC180  }
0x62: {  	[spmem:s1] =	stream.indirect.scatter.add.f32 [tilespmem:s9], [sflag:$0x4], $0x10, s30, s11, $0xb8;
	[tilespmem:$0xCB20] =	vst v63  }
0x63: {  	_ =	swait.ge [sflag:s13], $0x3E80  }
0x64: {  	[sflag:s13] =	ssyncset.done $0x0  }
0x65: {  	[sflag:s13] =	ssyncadd.s32 $0xFFFFC180  }
0x66: {  	_ =	swait.ge [sflag:s14], $0x3E80  }
0x67: {  	[sflag:s14] =	ssyncset.done $0x0  }
0x68: {  	[sflag:s14] =	ssyncadd.s32 $0xFFFFC180  }
0x69: {  	[bflag:$0x0] =	sbarrier.arrive $0xFFFF  }
0x6a: {  	s31 =	ssub.s32 $0x2, s31;
	s0 =	rddreg [dreg:$0x7]  }
0x6b: {  	[dreg:$0x9] =	wrdreg s0;
	s0 =	sshrl.u32 s31, $0x1  }
0x6c: {  	s0 =	ssub.s32 s31, s0;
	s31 =	rddreg [dreg:$0x9]  }
0x6d: {  	[hbm:s31], [sflag:s6] =	dma.local @!p0 [spmem:s5], $0x4E20  }
0x6e: {  	s0 =	smax.u32 s0, $0x1  }
0x6f: {  	s31 =	sadd.s32 $0xFFFFFFFF, s0  }
0x70: {  	p1 =	sne.s32 s31, $0x0  }
.Ltmp0:
0x71: {  	_ = 	snop;
	(pc) =	sbr.rel @!p1 .LBB2_2-.Ltmp0, $2  }
0x72: {  	_ =	sdelay $0x2  }
0x73: {  	_ =	swait.ge @!p0 [sflag:s4], $0x4E20  }
.LBB2_1:
0x74: {  	[sflag:s4] =	ssyncset.done @!p0 $0x0  }
0x75: {  	s0 =	rddreg [dreg:$0x4];
	[sflag:s4] =	ssyncadd.s32 @!p0 $0xFFFFB1E0  }
0x76: {  	[spmem:s5], [sflag:s6] =	dma.local @!p0 [hbm:s0], $0x4E20  }
0x77: {  	_ =	swait.ge @!p0 [sflag:s4], $0x4E20  }
0x78: {  	[sflag:s4] =	ssyncset.done @!p0 $0x0  }
0x79: {  	[sflag:s4] =	ssyncadd.s32 @!p0 $0xFFFFB1E0  }
0x7a: {  	[bflag:$0x0] =	sbarrier.arrive $0xFFFF  }
0x7b: {  	s0 =	rddreg [dreg:$0x5]  }
0x7c: {  	[tilespmem:s2], [sflag:$0x5] =	stream.linear.gather [hbm4b:s0+s2], $0x2710, $0x38;
	[tilespmem:$0xCB20] =	vst v63  }
0x7d: {  	_ =	swait.ge [sflag:s7], $0x2710  }
0x7e: {  	[sflag:s7] =	ssyncset.done $0x0  }
0x7f: {  	[sflag:s7] =	ssyncadd.s32 $0xFFFFD8F0  }
0x80: {  	[tilespmem:s8], [sflag:$0x1] =	stream.linear.gather [hbm4b:s3+s2], $0x3E80, $0x38;
	[tilespmem:$0xCB20] =	vst v63  }
0x81: {  	s0 =	rddreg [dreg:$0x6]  }
0x82: {  	[tilespmem:s9], [sflag:$0x2] =	stream.linear.gather [hbm4b:s0+s2], $0x3E80, $0x38;
	[tilespmem:$0xCB20] =	vst v63  }
0x83: {  	_ =	swait.ge [sflag:s10], $0x3E80  }
0x84: {  	[sflag:s10] =	ssyncset.done $0x0  }
0x85: {  	[sflag:s10] =	ssyncadd.s32 $0xFFFFC180  }
0x86: {  	[spmem:s1] =	stream.indirect.scatter.add.f32 [tilespmem:s8], [sflag:$0x3], $0x10, s2, s11, $0xb8;
	[tilespmem:$0xCB20] =	vst v63  }
0x87: {  	_ =	swait.ge [sflag:s12], $0x3E80  }
0x88: {  	[sflag:s12] =	ssyncset.done $0x0  }
0x89: {  	[sflag:s12] =	ssyncadd.s32 $0xFFFFC180  }
0x8a: {  	[spmem:s1] =	stream.indirect.scatter.add.f32 [tilespmem:s9], [sflag:$0x4], $0x10, s11, s11, $0xb8;
	[tilespmem:$0xCB20] =	vst v63  }
0x8b: {  	_ =	swait.ge [sflag:s13], $0x3E80  }
0x8c: {  	[sflag:s13] =	ssyncset.done $0x0  }
0x8d: {  	s0 =	rddreg [dreg:$0x8];
	[sflag:s13] =	ssyncadd.s32 $0xFFFFC180  }
0x8e: {  	[tilespmem:s8], [sflag:$0x1] =	stream.linear.gather [hbm4b:s0+s2], $0x3E80, $0x38;
	[tilespmem:$0xCB20] =	vst v63  }
0x8f: {  	_ =	swait.ge [sflag:s14], $0x3E80  }
0x90: {  	[sflag:s14] =	ssyncset.done $0x0  }
0x91: {  	[sflag:s14] =	ssyncadd.s32 $0xFFFFC180  }
0x92: {  	[tilespmem:s9], [sflag:$0x2] =	stream.linear.gather [hbm4b:s15+s2], $0x3E80, $0x38;
	[tilespmem:$0xCB20] =	vst v63  }
0x93: {  	_ =	swait.ge [sflag:s10], $0x3E80  }
0x94: {  	[sflag:s10] =	ssyncset.done $0x0  }
0x95: {  	[sflag:s10] =	ssyncadd.s32 $0xFFFFC180  }
0x96: {  	[spmem:s1] =	stream.indirect.scatter.add.f32 [tilespmem:s8], [sflag:$0x3], $0x10, s16, s11, $0xb8;
	[tilespmem:$0xCB20] =	vst v63  }
0x97: {  	_ =	swait.ge [sflag:s12], $0x3E80  }
0x98: {  	[sflag:s12] =	ssyncset.done $0x0  }
0x99: {  	[sflag:s12] =	ssyncadd.s32 $0xFFFFC180  }
0x9a: {  	[spmem:s1] =	stream.indirect.scatter.add.f32 [tilespmem:s9], [sflag:$0x4], $0x10, s17, s11, $0xb8;
	[tilespmem:$0xCB20] =	vst v63  }
0x9b: {  	_ =	swait.ge [sflag:s13], $0x3E80  }
0x9c: {  	[sflag:s13] =	ssyncset.done $0x0  }
0x9d: {  	[sflag:s13] =	ssyncadd.s32 $0xFFFFC180  }
0x9e: {  	[tilespmem:s8], [sflag:$0x1] =	stream.linear.gather [hbm4b:s18+s2], $0x3E80, $0x38;
	[tilespmem:$0xCB20] =	vst v63  }
0x9f: {  	_ =	swait.ge [sflag:s14], $0x3E80  }
0xa0: {  	[sflag:s14] =	ssyncset.done $0x0  }
0xa1: {  	[sflag:s14] =	ssyncadd.s32 $0xFFFFC180  }
0xa2: {  	[tilespmem:s9], [sflag:$0x2] =	stream.linear.gather [hbm4b:s19+s2], $0x3E80, $0x38;
	[tilespmem:$0xCB20] =	vst v63  }
0xa3: {  	_ =	swait.ge [sflag:s10], $0x3E80  }
0xa4: {  	[sflag:s10] =	ssyncset.done $0x0  }
0xa5: {  	[sflag:s10] =	ssyncadd.s32 $0xFFFFC180  }
0xa6: {  	[spmem:s1] =	stream.indirect.scatter.add.f32 [tilespmem:s8], [sflag:$0x3], $0x10, s20, s11, $0xb8;
	[tilespmem:$0xCB20] =	vst v63  }
0xa7: {  	_ =	swait.ge [sflag:s12], $0x3E80  }
0xa8: {  	[sflag:s12] =	ssyncset.done $0x0  }
0xa9: {  	[sflag:s12] =	ssyncadd.s32 $0xFFFFC180  }
0xaa: {  	[spmem:s1] =	stream.indirect.scatter.add.f32 [tilespmem:s9], [sflag:$0x4], $0x10, s21, s11, $0xb8;
	[tilespmem:$0xCB20] =	vst v63  }
0xab: {  	_ =	swait.ge [sflag:s13], $0x3E80  }
0xac: {  	[sflag:s13] =	ssyncset.done $0x0  }
0xad: {  	[sflag:s13] =	ssyncadd.s32 $0xFFFFC180  }
0xae: {  	[tilespmem:s8], [sflag:$0x1] =	stream.linear.gather [hbm4b:s22+s2], $0x3E80, $0x38;
	[tilespmem:$0xCB20] =	vst v63  }
0xaf: {  	_ =	swait.ge [sflag:s14], $0x3E80  }
0xb0: {  	[sflag:s14] =	ssyncset.done $0x0  }
0xb1: {  	[sflag:s14] =	ssyncadd.s32 $0xFFFFC180  }
0xb2: {  	[tilespmem:s9], [sflag:$0x2] =	stream.linear.gather [hbm4b:s23+s2], $0x3E80, $0x38;
	[tilespmem:$0xCB20] =	vst v63  }
0xb3: {  	_ =	swait.ge [sflag:s10], $0x3E80  }
0xb4: {  	[sflag:s10] =	ssyncset.done $0x0  }
0xb5: {  	[sflag:s10] =	ssyncadd.s32 $0xFFFFC180  }
0xb6: {  	[spmem:s1] =	stream.indirect.scatter.add.f32 [tilespmem:s8], [sflag:$0x3], $0x10, s24, s11, $0xb8;
	[tilespmem:$0xCB20] =	vst v63  }
0xb7: {  	_ =	swait.ge [sflag:s12], $0x3E80  }
0xb8: {  	[sflag:s12] =	ssyncset.done $0x0  }
0xb9: {  	[sflag:s12] =	ssyncadd.s32 $0xFFFFC180  }
0xba: {  	[spmem:s1] =	stream.indirect.scatter.add.f32 [tilespmem:s9], [sflag:$0x4], $0x10, s25, s11, $0xb8;
	[tilespmem:$0xCB20] =	vst v63  }
0xbb: {  	_ =	swait.ge [sflag:s13], $0x3E80  }
0xbc: {  	[sflag:s13] =	ssyncset.done $0x0  }
0xbd: {  	[sflag:s13] =	ssyncadd.s32 $0xFFFFC180  }
0xbe: {  	[tilespmem:s8], [sflag:$0x1] =	stream.linear.gather [hbm4b:s26+s2], $0x3E80, $0x38;
	[tilespmem:$0xCB20] =	vst v63  }
0xbf: {  	_ =	swait.ge [sflag:s14], $0x3E80  }
0xc0: {  	[sflag:s14] =	ssyncset.done $0x0  }
0xc1: {  	[sflag:s14] =	ssyncadd.s32 $0xFFFFC180  }
0xc2: {  	[tilespmem:s9], [sflag:$0x2] =	stream.linear.gather [hbm4b:s28+s2], $0x3E80, $0x38;
	[tilespmem:$0xCB20] =	vst v63  }
0xc3: {  	_ =	swait.ge [sflag:s10], $0x3E80  }
0xc4: {  	[sflag:s10] =	ssyncset.done $0x0  }
0xc5: {  	[sflag:s10] =	ssyncadd.s32 $0xFFFFC180  }
0xc6: {  	[spmem:s1] =	stream.indirect.scatter.add.f32 [tilespmem:s8], [sflag:$0x3], $0x10, s29, s11, $0xb8;
	[tilespmem:$0xCB20] =	vst v63  }
0xc7: {  	_ =	swait.ge [sflag:s12], $0x3E80  }
0xc8: {  	[sflag:s12] =	ssyncset.done $0x0  }
0xc9: {  	[sflag:s12] =	ssyncadd.s32 $0xFFFFC180  }
0xca: {  	[spmem:s1] =	stream.indirect.scatter.add.f32 [tilespmem:s9], [sflag:$0x4], $0x10, s30, s11, $0xb8;
	[tilespmem:$0xCB20] =	vst v63  }
0xcb: {  	_ =	swait.ge [sflag:s13], $0x3E80  }
0xcc: {  	[sflag:s13] =	ssyncset.done $0x0  }
0xcd: {  	[sflag:s13] =	ssyncadd.s32 $0xFFFFC180  }
0xce: {  	s31 =	sadd.s32 $0xFFFFFFFF, s31;
	_ =	swait.ge [sflag:s14], $0x3E80  }
0xcf: {  	p1 =	sne.s32 s31, $0x0;
	[sflag:s14] =	ssyncset.done $0x0  }
.Ltmp1:
0xd0: {  	[sflag:s14] =	ssyncadd.s32 $0xFFFFC180;
	(pc) =	sbr.rel @p1 .LBB2_1-.Ltmp1, $4  }
0xd1: {  	[bflag:$0x0] =	sbarrier.arrive $0xFFFF  }
0xd2: {  	s0 =	rddreg [dreg:$0x7]  }
0xd3: {  	[hbm:s0], [sflag:s6] =	dma.local @!p0 [spmem:s5], $0x4E20  }
0xd4: {  	_ =	swait.ge @!p0 [sflag:s4], $0x4E20  }
.LBB2_2:
0xd5: {  	[sflag:s4] =	ssyncset.done @!p0 $0x0  }
0xd6: {  	[sflag:s4] =	ssyncadd.s32 @!p0 $0xFFFFB1E0  }
0xd7: {  	_ =	sfence.sel $0x180000  }
0xd8: {  	[bflag:$0x0] =	sbarrier.arrive $0xFFFF  }
0xd9: {  	_ =	strace $0x9000004A  }
0xda: {  	[bflag:$0x2] =	sbarrier.arrive $0xFFFF  }
0xdb: {  	s0 =	rddreg [dreg:$0x3]  }
0xdc: {  	s0 =	sadd.s32 @!p0 $0x100000, s0  }
0xdd: {  	[sflag:s0] =	ssyncadd.tile.s32 @!p0 $0x1;
	_ =	shalt  }
.Lfunc_end2:
_tile_overlayer_lowered:
.L_overlay_start_2:
0xde: {  	(tag) =	ssettag $0x2  }
0xdf: {  	s0 =	rddreg [dreg:$0x0];
	s2 =	stileid.u32  }
0xe0: {  	s1 =	rddreg [dreg:$0x1];
	p0 =	sne.s32 s2, $0x0  }
0xe1: {  	s3 =	rddreg [dreg:$0x2];
	[bflag:$0x3] =	sbarrier.arrive $0xFFFF;
	s2 =	simm.s32 @!p0 $0x1C05  }
0xe2: {  	[timem:s3], [sflag:s2] =	dma.local @!p0 [hbm:s0], s1  }
0xe3: {  	s0 =	simm.s32 @!p0 $0x5  }
0xe4: {  	_ =	swait.ge @!p0 [sflag:s0], s1  }
0xe5: {  	s1 =	ssub.s32 @!p0 $0x0, s1;
	[sflag:s0] =	ssyncset.done @!p0 $0x0  }
0xe6: {  	[sflag:s0] =	ssyncadd.s32 @!p0 s1  }
0xe7: {  	[bflag:$0x3] =	sbarrier.arrive $0xFFFF  }
0xe8: {  	_ =	shalt  }

// kernel: kernel.29.cloned.1.call-start
scs
__scs_entry_jumppad:
0x0: {  	(pc) =	sbr.rel $0x88, $3  }
0x1: {  	(tag) =	ssettag $0x0;
	lr =	simm.s32 $0x1  }
0x2: {  	[smem:$0x3F9B] =	sst lr;
	_ =	strace $0xD0000000  }
0x3: {  	_ = 	snop  }
0x4: {  	_ = 	snop  }
0x5: {  	_ = 	snop  }
0x6: {  	_ = 	snop  }
0x7: {  	_ = 	snop  }
__scs_overlays_trampoline_lowered:
0x8: {  	[smem:$0x3FAA] =	sst s0  }
0x9: {  	[smem:$0x3FAB] =	sst s1  }
0xa: {  	[smem:$0x3FAC] =	sst s2  }
0xb: {  	[smem:$0x3FAD] =	sst s3  }
0xc: {  	[smem:$0x3FAE] =	sst s4  }
0xd: {  	[smem:$0x3FAF] =	sst s5  }
0xe: {  	[smem:$0x3FB0] =	sst s6  }
0xf: {  	[smem:$0x3FB1] =	sst s7  }
0x10: {  	[smem:$0x3FB2] =	sst s8  }
0x11: {  	[smem:$0x3FB3] =	sst s9;
	s0 =	simm.s32 @!p0 $0x0  }
0x12: {  	s1 =	sld [smem:$0x3F99];
	s0 =	simm.s32 @p0 $0x1  }
0x13: {  	[smem:$0x3FB4] =	sst s0;
	s0 =	simm.s32 @!p1 $0x0  }
0x14: {  	s2 =	sld [smem:$0x3F98];
	s0 =	simm.s32 @p1 $0x1  }
0x15: {  	[smem:$0x3FB5] =	sst s0;
	s0 =	simm.s32 @!p2 $0x0  }
0x16: {  	s3 =	sld [smem:$0x3FDB];
	s0 =	simm.s32 @p2 $0x1  }
0x17: {  	s4 =	simm.s32 $0x1BF5;
	[smem:$0x3FB7] =	sst s0  }
0x18: {  	s0 =	sld [smem:$0x3F9A];
	_ =	swait.ge [sflag:s4], $0x0  }
0x19: {  	s7 =	sld [smem:$0x3F9B]  }
0x1a: {  	s8 =	sadd.s32 $0xFFFFE003, lr  }
0x1b: {  	s9 =	sadd.s32 $0xFFFFFEF7, lr;
	s5 =	simm.s32 $0xFFFFFFFF;
	p2 =	slt.u32 s8, $0xFFFFF086  }
0x1c: {  	p1 =	slt.u32 s9, $0xF7A;
	s5 =	simm.s32 @!p2 $0x0  }
0x1d: {  	s5 =	simm.s32 @p1 $0x1;
	p0 =	seq.s32 s7, s2  }
0x1e: {  	s7 =	smul.u32 @!p0 $0xF7A, s2;
	p2 =	seq.s32 @!p0 s5, $0x0  }
0x1f: {  	s9 =	smul.u32 $0xF7A, s1;
	s8 =	simm.s32 @!p0 $0x1BF5;
	p2 =	por !p2, p0  }
0x20: {  	[sflag:s8] =	ssyncset.s32 @!p0 $0xFFFFF086;
	s6 =	sadd.s32 @!p0 s3, s7;
	s7 =	simm.s32 @!p0 $0x108  }
0x21: {  	s3 =	sadd.s32 s3, s9;
	s6 =	sadd.s32 @!p0 $0x88, s6;
	s7 =	simm.s32 @p2 $0x1082  }
0x22: {  	[simem:s7], [sflag:s8] =	dma.local @!p0 [hbm:s6], $0xF7A  }
0x23: {  	s9 =	sor.u32 $0xD0000000, s2;
	s6 =	simm.s32 $0x108;
	_ =	swait.ge @!p0 [sflag:s8], $0x0  }
0x24: {  	s3 =	sadd.s32 $0x88, s3;
	s6 =	simm.s32 @!p1 $0x1082;
	[sflag:s4] =	ssyncset.s32 $0xFFFFF086  }
0x25: {  	[simem:s6], [sflag:s4] =	dma.local [hbm:s3], $0xF7A  }
0x26: {  	[smem:$0x3F9B] =	sst s1;
	(tag) =	ssettag s2;
	_ =	strace s9  }
0x27: {  	s1 =	sld [smem:$0x3FAB]  }
0x28: {  	s2 =	sld [smem:$0x3FAC]  }
0x29: {  	s4 =	sld [smem:$0x3FAE]  }
0x2a: {  	p0 =	seq.s32 s5, $0x0;
	s5 =	sld [smem:$0x3FAF]  }
0x2b: {  	s6 =	sld [smem:$0x3FB0]  }
0x2c: {  	s7 =	sld [smem:$0x3FB1]  }
0x2d: {  	s3 =	simm.s32 $0x108;
	s8 =	sld [smem:$0x3FB2]  }
0x2e: {  	s3 =	simm.s32 @!p0 $0x1082;
	s9 =	sld [smem:$0x3FB3]  }
0x2f: {  	lr =	sadd.s32 s0, s3;
	s0 =	sld [smem:$0x3FAA]  }
0x30: {  	s3 =	sld [smem:$0x3FAD]  }
0x31: {  	[smem:$0x3FB6] =	sst s10  }
0x32: {  	s10 =	sld [smem:$0x3FB4];
	_ =	sdelay $0x3  }
0x33: {  	p0 =	seq.s32 s10, $0x1;
	s10 =	sld [smem:$0x3FB6];
	_ =	sdelay $0x3  }
0x34: {  	[smem:$0x3FB6] =	sst s10  }
0x35: {  	s10 =	sld [smem:$0x3FB5];
	_ =	sdelay $0x3  }
0x36: {  	p1 =	seq.s32 s10, $0x1;
	s10 =	sld [smem:$0x3FB6];
	_ =	sdelay $0x3  }
0x37: {  	[smem:$0x3FB6] =	sst s10  }
0x38: {  	s10 =	sld [smem:$0x3FB7]  }
0x39: {  	_ = 	snop;
	(pc) =	sbr.ind lr, $3  }
0x3a: {  	_ = 	snop  }
0x3b: {  	_ = 	snop  }
0x3c: {  	p2 =	seq.s32 s10, $0x1;
	s10 =	sld [smem:$0x3FB6]  }
0x3d: {  	_ =	shalt  }
0x3e: {  	_ =	shalt  }
0x3f: {  	_ =	shalt  }
0x40: {  	_ =	shalt  }
0x41: {  	_ =	shalt  }
0x42: {  	_ =	shalt  }
0x43: {  	_ =	shalt  }
0x44: {  	_ =	shalt  }
0x45: {  	_ =	shalt  }
0x46: {  	_ =	shalt  }
0x47: {  	_ =	shalt  }
0x48: {  	_ =	shalt  }
0x49: {  	_ =	shalt  }
0x4a: {  	_ =	shalt  }
0x4b: {  	_ =	shalt  }
0x4c: {  	_ =	shalt  }
0x4d: {  	_ =	shalt  }
0x4e: {  	_ =	shalt  }
0x4f: {  	_ =	shalt  }
0x50: {  	_ =	shalt  }
0x51: {  	_ =	shalt  }
0x52: {  	_ =	shalt  }
0x53: {  	_ =	shalt  }
0x54: {  	_ =	shalt  }
0x55: {  	_ =	shalt  }
0x56: {  	_ =	shalt  }
0x57: {  	_ =	shalt  }
0x58: {  	_ =	shalt  }
0x59: {  	_ =	shalt  }
0x5a: {  	_ =	shalt  }
0x5b: {  	_ =	shalt  }
0x5c: {  	_ =	shalt  }
0x5d: {  	_ =	shalt  }
0x5e: {  	_ =	shalt  }
0x5f: {  	_ =	shalt  }
0x60: {  	_ =	shalt  }
0x61: {  	_ =	shalt  }
0x62: {  	_ =	shalt  }
0x63: {  	_ =	shalt  }
0x64: {  	_ =	shalt  }
0x65: {  	_ =	shalt  }
0x66: {  	_ =	shalt  }
0x67: {  	_ =	shalt  }
0x68: {  	_ =	shalt  }
0x69: {  	_ =	shalt  }
0x6a: {  	_ =	shalt  }
0x6b: {  	_ =	shalt  }
0x6c: {  	_ =	shalt  }
0x6d: {  	_ =	shalt  }
0x6e: {  	_ =	shalt  }
0x6f: {  	_ =	shalt  }
0x70: {  	_ =	shalt  }
0x71: {  	_ =	shalt  }
0x72: {  	_ =	shalt  }
0x73: {  	_ =	shalt  }
0x74: {  	_ =	shalt  }
0x75: {  	_ =	shalt  }
0x76: {  	_ =	shalt  }
0x77: {  	_ =	shalt  }
0x78: {  	_ =	shalt  }
0x79: {  	_ =	shalt  }
0x7a: {  	_ =	shalt  }
0x7b: {  	_ =	shalt  }
0x7c: {  	_ =	shalt  }
0x7d: {  	_ =	shalt  }
0x7e: {  	_ =	shalt  }
0x7f: {  	_ =	shalt  }
0x80: {  	_ =	shalt  }
0x81: {  	_ =	shalt  }
0x82: {  	_ =	shalt  }
0x83: {  	_ =	shalt  }
0x84: {  	_ =	shalt  }
0x85: {  	_ =	shalt  }
0x86: {  	_ =	shalt  }
0x87: {  	_ =	shalt  }
.Lfunc_end0:
.L_simem_size_0:
called_computation.2_lowered:
.L_overlay_start_0:
0x88: {  	s2 =	sld [smem:$0x3FD9]  }
0x89: {  	s3 =	sld [smem:$0x3FFE];
	_ =	sdelay $0x1  }
0x8a: {  	s1 =	srdreg.scid  }
0x8b: {  	s0 =	sand.u32 $0x1, s1  }
0x8c: {  	s17 =	sshll.u32 s0, $0xA;
	s2 =	sadd.s32 s3, s2  }
0x8d: {  	s2 =	sadd.s32 s2, s17  }
0x8e: {  	[smem:$0x3FC2] =	sst s2  }
0x8f: {  	_ = 	snop  }
0x90: {  	s2 =	sld [smem:$0x3FC7];
	(tm) =	ssettm $0x1  }
0x91: {  	s18 =	sld [smem:$0x3FFB];
	_ =	sdelay $0x3  }
0x92: {  	_ =	strace s18  }
0x93: {  	s3 =	sld [smem:$0x3FFC];
	_ =	sdelay $0x3  }
0x94: {  	_ =	strace s3  }
0x95: {  	s3 =	sld [smem:$0x3FFD];
	_ =	sdelay $0x3  }
0x96: {  	_ =	strace s3  }
0x97: {  	_ =	strace $0x8FFFFFFF  }
0x98: {  	s19 =	sld [smem:$0x3FDB];
	_ =	sdelay $0x1  }
0x99: {  	s4 =	simm.s32 $_scs_section_size  }
0x9a: {  	s5 =	simm.s32 $_size__tile_overlayer_lowered;
	s6 =	simm.s32 $_tile_overlayer_lowered  }
0x9b: {  	s22 =	simm.s32 $0x1BFF;
	s21 =	sshll.u32 s6, $0x1;
	s3 =	sadd.s32 s4, s19  }
0x9c: {  	s7 =	simm.s32 $0x0;
	s20 =	sshll.u32 s5, $0x1;
	s5 =	sadd.s32 s21, s3  }
0x9d: {  	[timem:s7], [sflag:s22] =	dma.local [hbm:s5], s20  }
0x9e: {  	_ =	swait.ge [sflag:s22], s20  }
0x9f: {  	s4 =	ssub.s32 $0x0, s20;
	[sflag:s22] =	ssyncset.done $0x0  }
0xa0: {  	[sflag:s22] =	ssyncadd.s32 s4;
	_ =	sdelay $0x1  }
0xa1: {  	s23 =	simm.s32 $0x1B8B  }
0xa2: {  	_ =	swait.ge [sflag:s23], $0x1  }
0xa3: {  	[sflag:s23] =	ssyncset.done $0x0  }
0xa4: {  	s25 =	simm.s32 $0x1B8E;
	s24 =	sld [smem:$0x3FFE];
	[sflag:s23] =	ssyncadd.s32 $0xFFFFFFFF  }
0xa5: {  	s26 =	simm.s32 $execute0_lowered;
	[smem:$0x3FD2] =	sst s25  }
0xa6: {  	s5 =	sshll.u32 s26, $0x1;
	_ =	strace $0x8000004C;
	[dreg:$0x1] =	wrdreg $0xFFFFFFFF  }
0xa7: {  	s28 =	simm.s32 $_size_execute0_lowered;
	s3 =	sadd.s32 s3, s5;
	[dreg:$0x0] =	wrdreg $0x0  }
0xa8: {  	s5 =	sshll.u32 s28, $0x1;
	[dreg:$0x2] =	wrdreg s3  }
0xa9: {  	[dreg:$0x3] =	wrdreg s5  }
0xaa: {  	[dreg:$0x4] =	wrdreg $0xC0  }
0xab: {  	_ =	task [dreg:s7], $0x5FFFF  }
0xac: {  	[dreg:$0x1] =	wrdreg $0xFFFFFFFF  }
0xad: {  	[dreg:$0x0] =	wrdreg $0x60  }
0xae: {  	[dreg:$0x2] =	wrdreg s24  }
0xaf: {  	[dreg:$0x3] =	wrdreg s2  }
0xb0: {  	[dreg:$0x4] =	wrdreg $0x9  }
0xb1: {  	_ =	task.clear_ibuf [dreg:s7], $0x5FFFF;
	_ =	strace $0x9000004C  }
0xb2: {  	s29 =	simm.s32 $0x9;
	_ =	strace $0x8000004E  }
0xb3: {  	_ =	swait.ge [sflag:s29], $0x1  }
0xb4: {  	[sflag:s29] =	ssyncadd.s32 $0xFFFFFFFF  }
0xb5: {  	_ =	strace $0x9000004E  }
0xb6: {  	_ =	sfence  }
0xb7: {  	s30 =	sld [smem:$0x0];
	_ =	sdelay $0x2  }
0xb8: {  	s31 =	sshll.u32 s1, $0xD;
	s1 =	sshrl.u32 s1, $0x2  }
0xb9: {  	s3 =	sand.u32 $0x4000, s31;
	s1 =	sadd.s32 s1, s30  }
0xba: {  	s0 =	sor.u32 s3, s0;
	s1 =	sshll.u32 s1, $0x11  }
0xbb: {  	s0 =	sor.u32 s1, s0  }
0xbc: {  	s0 =	sadd.s32 $0x8F2B, s0  }
0xbd: {  	[sflag:s0] =	ssyncadd.remote.s32 $0x1  }
0xbe: {  	_ =	sfence.sel $0xFFFF  }
0xbf: {  	[dreg:$0x0] =	wrdreg $0xFFFFFFFF;
	(pc) =	sbr.abs _section_cstart, $3  }
0xc0: {  	[dreg:$0x1] =	wrdreg $0xFFFFFFFF  }
0xc1: {  	_ =	task.clear_ibuf [dreg:s7], $0x2FFFF;
	_ =	strace $0x9FFFFFFF  }
0xc2: {  	(tm) =	ssettm $0x7FFFFFFF  }
0xc3: {  	_ =	shalt  }
tec
execute0_lowered:
.L_overlay_start_1:
0x0: {  	(tag) =	ssettag $0x1  }
0x1: {  	s0 =	srdreg.scid  }
0x2: {  	s1 =	rddreg [dreg:$0x0];
	s13 =	stileid.u32  }
0x3: {  	s5 =	rddreg [dreg:$0x1];
	s16 =	simm.s32 $0x2710;
	s17 =	simm.s32 $0x3E8  }
0x4: {  	s18 =	simm.s32 $0x4E20;
	s19 =	simm.s32 $0xCB20;
	s20 =	simm.s32 $0x8CA0  }
0x5: {  	s28 =	simm.s32 $0x5;
	s29 =	simm.s32 $0x7;
	s30 =	simm.s32 $0x6  }
0x6: {  	s31 =	simm.s32 $0x8;
	s0 =	sand.u32 $0x1, s0;
	s12 =	smul.u32 $0x2710, s13  }
0x7: {  	s3 =	sadd.s32 $0xB4A00, s1;
	s14 =	sadd.s32 $0xB9A00, s1;
	s15 =	smul.u32 $0x4E20, s13  }
0x8: {  	s2 =	sshll.u32 s0, $0x4;
	s9 =	ssub.s32 $0x2, s0;
	s10 =	smul.u32 $0x27100, s0  }
0x9: {  	s0 =	smul.u32 $0x4E200, s0;
	s6 =	sor.u32 s13, s2;
	s2 =	simm.s32 $0x0  }
0xa: {  	s11 =	sshrl.u32 s9, $0x1;
	s4 =	smul.u32 $0x2710, s6;
	[smem:$0x7FF] =	sst s2  }
0xb: {  	s6 =	smul.u32 $0x4E20, s6;
	s9 =	ssub.s32 s9, s11;
	s10 =	sadd.s32 s12, s10  }
0xc: {  	_ =	strace $0x8000004D;
	s22 =	smax.u32 s9, $0x1;
	s24 =	sshll.u32 s10, $0x1  }
0xd: {  	s7 =	sshrl.u32 s4, $0x3;
	s4 =	sadd.s32 $0x18600, s1;
	[dreg:$0x6] =	wrdreg s22  }
0xe: {  	s23 =	sadd.s32 $0x3E80, s6;
	s6 =	sadd.s32 $0x4650, s6;
	s22 =	simm.s32 $0x109A0  }
0xf: {  	s8 =	sadd.s32 s7, s1;
	s1 =	sadd.s32 $0x155E00, s1;
	s5 =	sadd.s32 s5, s7  }
0x10: {  	s10 =	sadd.s32 s14, s6;
	s8 =	sadd.s32 $0x4A00, s8;
	[dreg:$0x5] =	wrdreg s5  }
0x11: {  	s9 =	sadd.s32 s1, s23;
	s5 =	sadd.s32 $0x7D0, s24;
	s11 =	sadd.s32 s1, s6  }
0x12: {  	s26 =	sadd.s32 s0, s1;
	s0 =	sadd.s32 s0, s14;
	s24 =	simm.s32 $0x3  }
0x13: {  	[dreg:$0x4] =	wrdreg s8;
	s8 =	sadd.s32 s14, s23;
	s25 =	sadd.s32 s5, s14  }
0x14: {  	s12 =	sadd.s32 s5, s1;
	s13 =	sadd.s32 s15, s26;
	s14 =	sadd.s32 s15, s0  }
0x15: {  	s15 =	simm.s32 $0x9;
	s23 =	simm.s32 $0x1;
	s26 =	simm.s32 $0x4  }
0x16: {  	s1 =	simm.s32 $0x0;
	[dreg:$0x3] =	wrdreg s25;
	s25 =	simm.s32 $0x2  }
.LBB2_1:
0x17: {  	s0 =	rddreg [dreg:$0x4]  }
0x18: {  	[tilespmem:s2], [sflag:$0x9] =	stream.linear.gather [hbm4b:s0+s2], $0x2710, $0x38;
	[tilespmem:$0x14820] =	vst v63  }
0x19: {  	_ =	swait.ge [sflag:s15], $0x2710  }
0x1a: {  	[sflag:s15] =	ssyncset.done $0x0  }
0x1b: {  	s21 =	rddreg [dreg:$0x5];
	[sflag:s15] =	ssyncadd.s32 $0xFFFFD8F0  }
0x1c: {  	[tilespmem:s16], [sflag:$0x9] =	stream.linear.gather [hbm4b:s21+s2], $0x2710, $0x38;
	[tilespmem:$0x14820] =	vst v63  }
0x1d: {  	_ =	swait.ge [sflag:s15], $0x2710  }
0x1e: {  	[sflag:s15] =	ssyncset.done $0x0  }
0x1f: {  	[sflag:s15] =	ssyncadd.s32 $0xFFFFD8F0  }
0x20: {  	[tilespmem:s18], [sflag:$0x1] =	stream.indirect.gather [hbm4b:s3+s17], $0x10, s2, s17, $0xb8;
	[tilespmem:$0x14820] =	vst v63  }
0x21: {  	_ = 	snop  }
0x22: {  	[tilespmem:s19], [sflag:$0x3] =	stream.indirect.gather [hbm4b:s4+s17], $0x10, s16, s17, $0xb8;
	[tilespmem:$0x14820] =	vst v63  }
0x23: {  	_ = 	snop  }
0x24: {  	[tilespmem:s20], [sflag:$0x2] =	stream.indirect.gather [hbm4b:s3+s17], $0x10, s17, s17, $0xb8;
	[tilespmem:$0x14820] =	vst v63  }
0x25: {  	s5 =	simm.s32 $0x2AF8  }
0x26: {  	[tilespmem:s22], [sflag:$0x4] =	stream.indirect.gather [hbm4b:s4+s17], $0x10, s5, s17, $0xb8;
	[tilespmem:$0x14820] =	vst v63  }
0x27: {  	_ =	swait.ge [sflag:s23], $0x3E80  }
0x28: {  	[sflag:s23] =	ssyncset.done $0x0  }
0x29: {  	[sflag:s23] =	ssyncadd.s32 $0xFFFFC180  }
0x2a: {  	_ =	swait.ge [sflag:s24], $0x3E80  }
0x2b: {  	[sflag:s24] =	ssyncset.done $0x0  }
0x2c: {  	s6 =	sadd.s32 $0x0, s14;
	[sflag:s24] =	ssyncadd.s32 $0xFFFFC180  }
0x2d: {  	[hbm4b:s6+s2] =	stream.linear.scatter [tilespmem:s18], [sflag:$0x5], $0x3E80, $0x38;
	[tilespmem:$0x14820] =	vst v63  }
0x2e: {  	s7 =	sadd.s32 $0x0, s13  }
0x2f: {  	[hbm4b:s7+s2] =	stream.linear.scatter [tilespmem:s19], [sflag:$0x7], $0x3E80, $0x38;
	[tilespmem:$0x14820] =	vst v63  }
0x30: {  	_ =	swait.ge [sflag:s25], $0x3E80  }
0x31: {  	[sflag:s25] =	ssyncset.done $0x0  }
0x32: {  	[sflag:s25] =	ssyncadd.s32 $0xFFFFC180  }
0x33: {  	_ =	swait.ge [sflag:s26], $0x3E80  }
0x34: {  	s21 =	rddreg [dreg:$0x3];
	[sflag:s26] =	ssyncset.done $0x0  }
0x35: {  	[sflag:s26] =	ssyncadd.s32 $0xFFFFC180;
	s0 =	sadd.s32 $0x0, s21  }
0x36: {  	[hbm4b:s0+s2] =	stream.linear.scatter [tilespmem:s20], [sflag:$0x6], $0x3E80, $0x38;
	[tilespmem:$0x14820] =	vst v63  }
0x37: {  	s5 =	sadd.s32 $0x0, s12  }
0x38: {  	[hbm4b:s5+s2] =	stream.linear.scatter [tilespmem:s22], [sflag:$0x8], $0x3E80, $0x38;
	[tilespmem:$0x14820] =	vst v63  }
0x39: {  	_ =	swait.ge [sflag:s28], $0x3E80  }
0x3a: {  	[sflag:s28] =	ssyncset.done $0x0  }
0x3b: {  	[sflag:s28] =	ssyncadd.s32 $0xFFFFC180  }
0x3c: {  	_ =	swait.ge [sflag:s29], $0x3E80  }
0x3d: {  	[sflag:s29] =	ssyncset.done $0x0  }
0x3e: {  	s6 =	simm.s32 $0x7D0;
	[sflag:s29] =	ssyncadd.s32 $0xFFFFC180  }
0x3f: {  	[tilespmem:s18], [sflag:$0x1] =	stream.indirect.gather [hbm4b:s3+s17], $0x10, s6, s17, $0xb8;
	[tilespmem:$0x14820] =	vst v63  }
0x40: {  	s7 =	simm.s32 $0x2EE0  }
0x41: {  	[tilespmem:s19], [sflag:$0x3] =	stream.indirect.gather [hbm4b:s4+s17], $0x10, s7, s17, $0xb8;
	[tilespmem:$0x14820] =	vst v63  }
0x42: {  	_ =	swait.ge [sflag:s30], $0x3E80  }
0x43: {  	[sflag:s30] =	ssyncset.done $0x0  }
0x44: {  	[sflag:s30] =	ssyncadd.s32 $0xFFFFC180  }
0x45: {  	_ =	swait.ge [sflag:s31], $0x3E80  }
0x46: {  	[sflag:s31] =	ssyncset.done $0x0  }
0x47: {  	s21 =	simm.s32 $0xBB8;
	s0 =	simm.s32 $0xFA0;
	[sflag:s31] =	ssyncadd.s32 $0xFFFFC180  }
0x48: {  	[tilespmem:s20], [sflag:$0x2] =	stream.indirect.gather [hbm4b:s3+s17], $0x10, s21, s17, $0xb8;
	[tilespmem:$0x14820] =	vst v63  }
0x49: {  	s5 =	simm.s32 $0x36B0;
	s6 =	simm.s32 $0x32C8;
	s21 =	simm.s32 $0xFA0  }
.LBB2_2:
0x4a: {  	[tilespmem:s22], [sflag:$0x4] =	stream.indirect.gather [hbm4b:s4+s17], $0x10, s6, s17, $0xb8;
	[tilespmem:$0x14820] =	vst v63  }
0x4b: {  	_ =	swait.ge [sflag:s23], $0x3E80  }
0x4c: {  	[sflag:s23] =	ssyncset.done $0x0  }
0x4d: {  	[sflag:s23] =	ssyncadd.s32 $0xFFFFC180  }
0x4e: {  	_ =	swait.ge [sflag:s24], $0x3E80  }
0x4f: {  	s6 =	smov.u32 s0;
	[sflag:s24] =	ssyncset.done $0x0  }
0x50: {  	s7 =	sadd.s32 s6, s14;
	[sflag:s24] =	ssyncadd.s32 $0xFFFFC180  }
0x51: {  	[hbm4b:s7+s2] =	stream.linear.scatter [tilespmem:s18], [sflag:$0x5], $0x3E80, $0x38;
	[tilespmem:$0x14820] =	vst v63  }
0x52: {  	s7 =	sadd.s32 s6, s13  }
0x53: {  	[hbm4b:s7+s2] =	stream.linear.scatter [tilespmem:s19], [sflag:$0x7], $0x3E80, $0x38;
	[tilespmem:$0x14820] =	vst v63  }
0x54: {  	_ =	swait.ge [sflag:s25], $0x3E80  }
0x55: {  	[sflag:s25] =	ssyncset.done $0x0  }
0x56: {  	[sflag:s25] =	ssyncadd.s32 $0xFFFFC180  }
0x57: {  	_ =	swait.ge [sflag:s26], $0x3E80  }
0x58: {  	s7 =	rddreg [dreg:$0x3];
	[sflag:s26] =	ssyncset.done $0x0  }
0x59: {  	[sflag:s26] =	ssyncadd.s32 $0xFFFFC180;
	s7 =	sadd.s32 s6, s7  }
0x5a: {  	[hbm4b:s7+s2] =	stream.linear.scatter [tilespmem:s20], [sflag:$0x6], $0x3E80, $0x38;
	[tilespmem:$0x14820] =	vst v63  }
0x5b: {  	s6 =	sadd.s32 s6, s12  }
0x5c: {  	[hbm4b:s6+s2] =	stream.linear.scatter [tilespmem:s22], [sflag:$0x8], $0x3E80, $0x38;
	[tilespmem:$0x14820] =	vst v63  }
0x5d: {  	_ =	swait.ge [sflag:s28], $0x3E80  }
0x5e: {  	[sflag:s28] =	ssyncset.done $0x0  }
0x5f: {  	[sflag:s28] =	ssyncadd.s32 $0xFFFFC180  }
0x60: {  	_ =	swait.ge [sflag:s29], $0x3E80  }
0x61: {  	[sflag:s29] =	ssyncset.done $0x0  }
0x62: {  	[sflag:s29] =	ssyncadd.s32 $0xFFFFC180  }
0x63: {  	[tilespmem:s18], [sflag:$0x1] =	stream.indirect.gather [hbm4b:s3+s17], $0x10, s21, s17, $0xb8;
	[tilespmem:$0x14820] =	vst v63  }
0x64: {  	_ = 	snop  }
0x65: {  	[tilespmem:s19], [sflag:$0x3] =	stream.indirect.gather [hbm4b:s4+s17], $0x10, s5, s17, $0xb8;
	[tilespmem:$0x14820] =	vst v63  }
0x66: {  	_ =	swait.ge [sflag:s30], $0x3E80  }
0x67: {  	p0 =	sne.s32 s0, $0x2EE0;
	[sflag:s30] =	ssyncset.done $0x0  }
.Ltmp0:
0x68: {  	[sflag:s30] =	ssyncadd.s32 $0xFFFFC180;
	(pc) =	sbr.rel @p0 .LBB2_2-.Ltmp0, $4  }
0x69: {  	s0 =	sadd.s32 $0xFA0, s0;
	_ =	swait.ge [sflag:s31], $0x3E80  }
0x6a: {  	s7 =	sadd.s32 $0x3E8, s21;
	s6 =	sadd.s32 $0x3E8, s5;
	[sflag:s31] =	ssyncset.done $0x0  }
0x6b: {  	s21 =	sadd.s32 $0x7D0, s21;
	s5 =	sadd.s32 $0x7D0, s5;
	[sflag:s31] =	ssyncadd.s32 $0xFFFFC180  }
0x6c: {  	[tilespmem:s20], [sflag:$0x2] =	stream.indirect.gather [hbm4b:s3+s17], $0x10, s7, s17, $0xb8;
	[tilespmem:$0x14820] =	vst v63  }
0x6d: {  	[tilespmem:s22], [sflag:$0x4] =	stream.indirect.gather [hbm4b:s4+s17], $0x10, s6, s17, $0xb8;
	[tilespmem:$0x14820] =	vst v63  }
0x6e: {  	_ =	swait.ge [sflag:s23], $0x3E80  }
0x6f: {  	[sflag:s23] =	ssyncset.done $0x0  }
0x70: {  	[sflag:s23] =	ssyncadd.s32 $0xFFFFC180  }
0x71: {  	_ =	swait.ge [sflag:s24], $0x3E80  }
0x72: {  	[sflag:s24] =	ssyncset.done $0x0  }
0x73: {  	[sflag:s24] =	ssyncadd.s32 $0xFFFFC180  }
0x74: {  	[hbm4b:s8+s2] =	stream.linear.scatter [tilespmem:s18], [sflag:$0x5], $0x3E80, $0x38;
	[tilespmem:$0x14820] =	vst v63  }
0x75: {  	_ = 	snop  }
0x76: {  	[hbm4b:s9+s2] =	stream.linear.scatter [tilespmem:s19], [sflag:$0x7], $0x3E80, $0x38;
	[tilespmem:$0x14820] =	vst v63  }
0x77: {  	_ =	swait.ge [sflag:s25], $0x3E80  }
0x78: {  	[sflag:s25] =	ssyncset.done $0x0  }
0x79: {  	[sflag:s25] =	ssyncadd.s32 $0xFFFFC180  }
0x7a: {  	_ =	swait.ge [sflag:s26], $0x3E80  }
0x7b: {  	[sflag:s26] =	ssyncset.done $0x0  }
0x7c: {  	[sflag:s26] =	ssyncadd.s32 $0xFFFFC180  }
0x7d: {  	[hbm4b:s10+s2] =	stream.linear.scatter [tilespmem:s20], [sflag:$0x6], $0x3E80, $0x38;
	[tilespmem:$0x14820] =	vst v63  }
0x7e: {  	_ = 	snop  }
0x7f: {  	[hbm4b:s11+s2] =	stream.linear.scatter [tilespmem:s22], [sflag:$0x8], $0x3E80, $0x38;
	[tilespmem:$0x14820] =	vst v63  }
0x80: {  	_ =	swait.ge [sflag:s28], $0x3E80  }
0x81: {  	[sflag:s28] =	ssyncset.done $0x0  }
0x82: {  	[sflag:s28] =	ssyncadd.s32 $0xFFFFC180  }
0x83: {  	_ =	swait.ge [sflag:s29], $0x3E80  }
0x84: {  	[sflag:s29] =	ssyncset.done $0x0  }
0x85: {  	[sflag:s29] =	ssyncadd.s32 $0xFFFFC180  }
0x86: {  	_ =	swait.ge [sflag:s30], $0x3E80  }
0x87: {  	[sflag:s30] =	ssyncset.done $0x0  }
0x88: {  	[sflag:s30] =	ssyncadd.s32 $0xFFFFC180  }
0x89: {  	_ =	swait.ge [sflag:s31], $0x3E80  }
0x8a: {  	s1 =	sadd.s32 $0x1, s1;
	s0 =	rddreg [dreg:$0x6]  }
0x8b: {  	p0 =	sne.s32 s1, s0  }
.Ltmp1:
0x8c: {  	_ = 	snop;
	(pc) =	sbr.rel @p0 .LBB2_1-.Ltmp1, $3  }
0x8d: {  	_ =	sdelay $0x1  }
0x8e: {  	[sflag:s31] =	ssyncset.done $0x0  }
0x8f: {  	[sflag:s31] =	ssyncadd.s32 $0xFFFFC180  }
0x90: {  	_ =	sfence.sel $0x180000  }
0x91: {  	[bflag:$0x0] =	sbarrier.arrive $0xFFFF  }
0x92: {  	_ =	strace $0x9000004D  }
0x93: {  	s0 =	stileid.u32;
	[bflag:$0x2] =	sbarrier.arrive $0xFFFF  }
0x94: {  	p0 =	sne.s32 s0, $0x0;
	s0 =	rddreg [dreg:$0x2]  }
0x95: {  	s0 =	sadd.s32 @!p0 $0x100000, s0  }
0x96: {  	[sflag:s0] =	ssyncadd.tile.s32 @!p0 $0x1;
	_ =	shalt  }
.Lfunc_end2:
_tile_overlayer_lowered:
.L_overlay_start_2:
0x97: {  	(tag) =	ssettag $0x2  }
0x98: {  	s0 =	rddreg [dreg:$0x0];
	s2 =	stileid.u32  }
0x99: {  	s1 =	rddreg [dreg:$0x1];
	p0 =	sne.s32 s2, $0x0  }
0x9a: {  	s3 =	rddreg [dreg:$0x2];
	[bflag:$0x3] =	sbarrier.arrive $0xFFFF;
	s2 =	simm.s32 @!p0 $0x1C09  }
0x9b: {  	[timem:s3], [sflag:s2] =	dma.local @!p0 [hbm:s0], s1  }
0x9c: {  	s0 =	simm.s32 @!p0 $0x9  }
0x9d: {  	_ =	swait.ge @!p0 [sflag:s0], s1  }
0x9e: {  	s1 =	ssub.s32 @!p0 $0x0, s1;
	[sflag:s0] =	ssyncset.done @!p0 $0x0  }
0x9f: {  	[sflag:s0] =	ssyncadd.s32 @!p0 s1  }
0xa0: {  	[bflag:$0x3] =	sbarrier.arrive $0xFFFF  }
0xa1: {  	_ =	shalt  }

// kernel: kernel.32.cloned.1.call-start
scs
__scs_entry_jumppad:
0x0: {  	(pc) =	sbr.rel $0x88, $3  }
0x1: {  	(tag) =	ssettag $0x0;
	lr =	simm.s32 $0x1  }
0x2: {  	[smem:$0x3F9B] =	sst lr;
	_ =	strace $0xD0000000  }
0x3: {  	_ = 	snop  }
0x4: {  	_ = 	snop  }
0x5: {  	_ = 	snop  }
0x6: {  	_ = 	snop  }
0x7: {  	_ = 	snop  }
__scs_overlays_trampoline_lowered:
0x8: {  	[smem:$0x3FAA] =	sst s0  }
0x9: {  	[smem:$0x3FAB] =	sst s1  }
0xa: {  	[smem:$0x3FAC] =	sst s2  }
0xb: {  	[smem:$0x3FAD] =	sst s3  }
0xc: {  	[smem:$0x3FAE] =	sst s4  }
0xd: {  	[smem:$0x3FAF] =	sst s5  }
0xe: {  	[smem:$0x3FB0] =	sst s6  }
0xf: {  	[smem:$0x3FB1] =	sst s7  }
0x10: {  	[smem:$0x3FB2] =	sst s8  }
0x11: {  	[smem:$0x3FB3] =	sst s9;
	s0 =	simm.s32 @!p0 $0x0  }
0x12: {  	s1 =	sld [smem:$0x3F99];
	s0 =	simm.s32 @p0 $0x1  }
0x13: {  	[smem:$0x3FB4] =	sst s0;
	s0 =	simm.s32 @!p1 $0x0  }
0x14: {  	s2 =	sld [smem:$0x3F98];
	s0 =	simm.s32 @p1 $0x1  }
0x15: {  	[smem:$0x3FB5] =	sst s0;
	s0 =	simm.s32 @!p2 $0x0  }
0x16: {  	s3 =	sld [smem:$0x3FDB];
	s0 =	simm.s32 @p2 $0x1  }
0x17: {  	s4 =	simm.s32 $0x1BF5;
	[smem:$0x3FB7] =	sst s0  }
0x18: {  	s0 =	sld [smem:$0x3F9A];
	_ =	swait.ge [sflag:s4], $0x0  }
0x19: {  	s7 =	sld [smem:$0x3F9B]  }
0x1a: {  	s8 =	sadd.s32 $0xFFFFE003, lr  }
0x1b: {  	s9 =	sadd.s32 $0xFFFFFEF7, lr;
	s5 =	simm.s32 $0xFFFFFFFF;
	p2 =	slt.u32 s8, $0xFFFFF086  }
0x1c: {  	p1 =	slt.u32 s9, $0xF7A;
	s5 =	simm.s32 @!p2 $0x0  }
0x1d: {  	s5 =	simm.s32 @p1 $0x1;
	p0 =	seq.s32 s7, s2  }
0x1e: {  	s7 =	smul.u32 @!p0 $0xF7A, s2;
	p2 =	seq.s32 @!p0 s5, $0x0  }
0x1f: {  	s9 =	smul.u32 $0xF7A, s1;
	s8 =	simm.s32 @!p0 $0x1BF5;
	p2 =	por !p2, p0  }
0x20: {  	[sflag:s8] =	ssyncset.s32 @!p0 $0xFFFFF086;
	s6 =	sadd.s32 @!p0 s3, s7;
	s7 =	simm.s32 @!p0 $0x108  }
0x21: {  	s3 =	sadd.s32 s3, s9;
	s6 =	sadd.s32 @!p0 $0x88, s6;
	s7 =	simm.s32 @p2 $0x1082  }
0x22: {  	[simem:s7], [sflag:s8] =	dma.local @!p0 [hbm:s6], $0xF7A  }
0x23: {  	s9 =	sor.u32 $0xD0000000, s2;
	s6 =	simm.s32 $0x108;
	_ =	swait.ge @!p0 [sflag:s8], $0x0  }
0x24: {  	s3 =	sadd.s32 $0x88, s3;
	s6 =	simm.s32 @!p1 $0x1082;
	[sflag:s4] =	ssyncset.s32 $0xFFFFF086  }
0x25: {  	[simem:s6], [sflag:s4] =	dma.local [hbm:s3], $0xF7A  }
0x26: {  	[smem:$0x3F9B] =	sst s1;
	(tag) =	ssettag s2;
	_ =	strace s9  }
0x27: {  	s1 =	sld [smem:$0x3FAB]  }
0x28: {  	s2 =	sld [smem:$0x3FAC]  }
0x29: {  	s4 =	sld [smem:$0x3FAE]  }
0x2a: {  	p0 =	seq.s32 s5, $0x0;
	s5 =	sld [smem:$0x3FAF]  }
0x2b: {  	s6 =	sld [smem:$0x3FB0]  }
0x2c: {  	s7 =	sld [smem:$0x3FB1]  }
0x2d: {  	s3 =	simm.s32 $0x108;
	s8 =	sld [smem:$0x3FB2]  }
0x2e: {  	s3 =	simm.s32 @!p0 $0x1082;
	s9 =	sld [smem:$0x3FB3]  }
0x2f: {  	lr =	sadd.s32 s0, s3;
	s0 =	sld [smem:$0x3FAA]  }
0x30: {  	s3 =	sld [smem:$0x3FAD]  }
0x31: {  	[smem:$0x3FB6] =	sst s10  }
0x32: {  	s10 =	sld [smem:$0x3FB4];
	_ =	sdelay $0x3  }
0x33: {  	p0 =	seq.s32 s10, $0x1;
	s10 =	sld [smem:$0x3FB6];
	_ =	sdelay $0x3  }
0x34: {  	[smem:$0x3FB6] =	sst s10  }
0x35: {  	s10 =	sld [smem:$0x3FB5];
	_ =	sdelay $0x3  }
0x36: {  	p1 =	seq.s32 s10, $0x1;
	s10 =	sld [smem:$0x3FB6];
	_ =	sdelay $0x3  }
0x37: {  	[smem:$0x3FB6] =	sst s10  }
0x38: {  	s10 =	sld [smem:$0x3FB7]  }
0x39: {  	_ = 	snop;
	(pc) =	sbr.ind lr, $3  }
0x3a: {  	_ = 	snop  }
0x3b: {  	_ = 	snop  }
0x3c: {  	p2 =	seq.s32 s10, $0x1;
	s10 =	sld [smem:$0x3FB6]  }
0x3d: {  	_ =	shalt  }
0x3e: {  	_ =	shalt  }
0x3f: {  	_ =	shalt  }
0x40: {  	_ =	shalt  }
0x41: {  	_ =	shalt  }
0x42: {  	_ =	shalt  }
0x43: {  	_ =	shalt  }
0x44: {  	_ =	shalt  }
0x45: {  	_ =	shalt  }
0x46: {  	_ =	shalt  }
0x47: {  	_ =	shalt  }
0x48: {  	_ =	shalt  }
0x49: {  	_ =	shalt  }
0x4a: {  	_ =	shalt  }
0x4b: {  	_ =	shalt  }
0x4c: {  	_ =	shalt  }
0x4d: {  	_ =	shalt  }
0x4e: {  	_ =	shalt  }
0x4f: {  	_ =	shalt  }
0x50: {  	_ =	shalt  }
0x51: {  	_ =	shalt  }
0x52: {  	_ =	shalt  }
0x53: {  	_ =	shalt  }
0x54: {  	_ =	shalt  }
0x55: {  	_ =	shalt  }
0x56: {  	_ =	shalt  }
0x57: {  	_ =	shalt  }
0x58: {  	_ =	shalt  }
0x59: {  	_ =	shalt  }
0x5a: {  	_ =	shalt  }
0x5b: {  	_ =	shalt  }
0x5c: {  	_ =	shalt  }
0x5d: {  	_ =	shalt  }
0x5e: {  	_ =	shalt  }
0x5f: {  	_ =	shalt  }
0x60: {  	_ =	shalt  }
0x61: {  	_ =	shalt  }
0x62: {  	_ =	shalt  }
0x63: {  	_ =	shalt  }
0x64: {  	_ =	shalt  }
0x65: {  	_ =	shalt  }
0x66: {  	_ =	shalt  }
0x67: {  	_ =	shalt  }
0x68: {  	_ =	shalt  }
0x69: {  	_ =	shalt  }
0x6a: {  	_ =	shalt  }
0x6b: {  	_ =	shalt  }
0x6c: {  	_ =	shalt  }
0x6d: {  	_ =	shalt  }
0x6e: {  	_ =	shalt  }
0x6f: {  	_ =	shalt  }
0x70: {  	_ =	shalt  }
0x71: {  	_ =	shalt  }
0x72: {  	_ =	shalt  }
0x73: {  	_ =	shalt  }
0x74: {  	_ =	shalt  }
0x75: {  	_ =	shalt  }
0x76: {  	_ =	shalt  }
0x77: {  	_ =	shalt  }
0x78: {  	_ =	shalt  }
0x79: {  	_ =	shalt  }
0x7a: {  	_ =	shalt  }
0x7b: {  	_ =	shalt  }
0x7c: {  	_ =	shalt  }
0x7d: {  	_ =	shalt  }
0x7e: {  	_ =	shalt  }
0x7f: {  	_ =	shalt  }
0x80: {  	_ =	shalt  }
0x81: {  	_ =	shalt  }
0x82: {  	_ =	shalt  }
0x83: {  	_ =	shalt  }
0x84: {  	_ =	shalt  }
0x85: {  	_ =	shalt  }
0x86: {  	_ =	shalt  }
0x87: {  	_ =	shalt  }
.Lfunc_end0:
.L_simem_size_0:
called_computation.3_lowered:
.L_overlay_start_0:
0x88: {  	s2 =	sld [smem:$0x3FD9]  }
0x89: {  	s3 =	sld [smem:$0x3FFE];
	_ =	sdelay $0x1  }
0x8a: {  	s1 =	srdreg.scid  }
0x8b: {  	s0 =	sand.u32 $0x1, s1  }
0x8c: {  	s17 =	sshll.u32 s0, $0xA;
	s2 =	sadd.s32 s3, s2  }
0x8d: {  	s2 =	sadd.s32 s2, s17  }
0x8e: {  	[smem:$0x3FC2] =	sst s2  }
0x8f: {  	_ = 	snop  }
0x90: {  	s2 =	sld [smem:$0x3FD0];
	(tm) =	ssettm $0x1  }
0x91: {  	s18 =	sld [smem:$0x3FFB];
	_ =	sdelay $0x3  }
0x92: {  	_ =	strace s18  }
0x93: {  	s3 =	sld [smem:$0x3FFC];
	_ =	sdelay $0x3  }
0x94: {  	_ =	strace s3  }
0x95: {  	s3 =	sld [smem:$0x3FFD];
	_ =	sdelay $0x3  }
0x96: {  	_ =	strace s3  }
0x97: {  	_ =	strace $0x8FFFFFFF  }
0x98: {  	s19 =	sld [smem:$0x3FDB];
	_ =	sdelay $0x1  }
0x99: {  	s4 =	simm.s32 $_scs_section_size  }
0x9a: {  	s5 =	simm.s32 $_size__tile_overlayer_lowered;
	s6 =	simm.s32 $_tile_overlayer_lowered  }
0x9b: {  	s22 =	simm.s32 $0x1BFF;
	s21 =	sshll.u32 s6, $0x1;
	s3 =	sadd.s32 s4, s19  }
0x9c: {  	s7 =	simm.s32 $0x0;
	s20 =	sshll.u32 s5, $0x1;
	s5 =	sadd.s32 s21, s3  }
0x9d: {  	[timem:s7], [sflag:s22] =	dma.local [hbm:s5], s20  }
0x9e: {  	_ =	swait.ge [sflag:s22], s20  }
0x9f: {  	s4 =	ssub.s32 $0x0, s20;
	[sflag:s22] =	ssyncset.done $0x0  }
0xa0: {  	[sflag:s22] =	ssyncadd.s32 s4;
	_ =	sdelay $0x1  }
0xa1: {  	s23 =	simm.s32 $0x1B8B  }
0xa2: {  	_ =	swait.ge [sflag:s23], $0x1  }
0xa3: {  	[sflag:s23] =	ssyncset.done $0x0  }
0xa4: {  	s25 =	simm.s32 $0x1B8E;
	s24 =	sld [smem:$0x3FFE];
	[sflag:s23] =	ssyncadd.s32 $0xFFFFFFFF  }
0xa5: {  	s26 =	simm.s32 $execute0_lowered;
	[smem:$0x3FD2] =	sst s25  }
0xa6: {  	s5 =	sshll.u32 s26, $0x1;
	_ =	strace $0x8000004F;
	[dreg:$0x1] =	wrdreg $0xFFFFFFFF  }
0xa7: {  	s28 =	simm.s32 $_size_execute0_lowered;
	s3 =	sadd.s32 s3, s5;
	[dreg:$0x0] =	wrdreg $0x0  }
0xa8: {  	s5 =	sshll.u32 s28, $0x1;
	[dreg:$0x2] =	wrdreg s3  }
0xa9: {  	[dreg:$0x3] =	wrdreg s5  }
0xaa: {  	[dreg:$0x4] =	wrdreg $0xC0  }
0xab: {  	_ =	task [dreg:s7], $0x5FFFF  }
0xac: {  	[dreg:$0x1] =	wrdreg $0xFFFFFFFF  }
0xad: {  	[dreg:$0x0] =	wrdreg $0x60  }
0xae: {  	[dreg:$0x2] =	wrdreg s24  }
0xaf: {  	[dreg:$0x3] =	wrdreg s2  }
0xb0: {  	[dreg:$0x4] =	wrdreg $0xA4100  }
0xb1: {  	[dreg:$0x5] =	wrdreg $0x9  }
0xb2: {  	_ =	task.clear_ibuf [dreg:s7], $0x6FFFF;
	_ =	strace $0x9000004F  }
0xb3: {  	s29 =	simm.s32 $0x9;
	_ =	strace $0x80000051  }
0xb4: {  	_ =	swait.ge [sflag:s29], $0x1  }
0xb5: {  	[sflag:s29] =	ssyncadd.s32 $0xFFFFFFFF  }
0xb6: {  	_ =	strace $0x90000051  }
0xb7: {  	_ =	sfence  }
0xb8: {  	s30 =	sld [smem:$0x0];
	_ =	sdelay $0x2  }
0xb9: {  	s31 =	sshll.u32 s1, $0xD;
	s1 =	sshrl.u32 s1, $0x2  }
0xba: {  	s3 =	sand.u32 $0x4000, s31;
	s1 =	sadd.s32 s1, s30  }
0xbb: {  	s0 =	sor.u32 s3, s0;
	s1 =	sshll.u32 s1, $0x11  }
0xbc: {  	s0 =	sor.u32 s1, s0  }
0xbd: {  	s0 =	sadd.s32 $0x8F2B, s0  }
0xbe: {  	[sflag:s0] =	ssyncadd.remote.s32 $0x1  }
0xbf: {  	_ =	sfence.sel $0xFFFF  }
0xc0: {  	[dreg:$0x0] =	wrdreg $0xFFFFFFFF;
	(pc) =	sbr.abs _section_cstart, $3  }
0xc1: {  	[dreg:$0x1] =	wrdreg $0xFFFFFFFF  }
0xc2: {  	_ =	task.clear_ibuf [dreg:s7], $0x2FFFF;
	_ =	strace $0x9FFFFFFF  }
0xc3: {  	(tm) =	ssettm $0x7FFFFFFF  }
tec
execute0_lowered:
.L_overlay_start_1:
0x0: {  	(tag) =	ssettag $0x1  }
0x1: {  	s0 =	srdreg.scid  }
0x2: {  	s3 =	rddreg [dreg:$0x0];
	s31 =	sand.u32 $0x1, s0  }
0x3: {  	s1 =	rddreg [dreg:$0x1];
	s4 =	stileid.u32;
	s0 =	sshll.u32 s31, $0x4  }
0x4: {  	[dreg:$0x4] =	wrdreg s1;
	s5 =	sor.u32 s4, s0  }
0x5: {  	s2 =	simm.s32 $0x0;
	s1 =	rddreg [dreg:$0x2];
	s6 =	smul.u32 $0x4E2, s5  }
0x6: {  	[smem:$0x7FF] =	sst s2;
	s9 =	sadd.s32 $0x18600, s3;
	s8 =	smul.u32 $0x4E20, s31  }
0x7: {  	_ =	strace $0x80000050;
	s7 =	smul.u32 $0x27100, s5;
	s6 =	sadd.s32 s6, s3  }
0x8: {  	s5 =	smul.u32 $0x4E20, s5;
	s3 =	sadd.s32 s8, s3;
	s6 =	sadd.s32 $0xE800, s6  }
0x9: {  	s7 =	sshrl.u32 s7, $0x3;
	s25 =	sadd.s32 $0xB4A00, s3;
	[dreg:$0x5] =	wrdreg s6  }
0xa: {  	p0 =	sne.s32 s4, $0x0;
	s7 =	sadd.s32 s9, s7;
	[dreg:$0x7] =	wrdreg s25  }
0xb: {  	s3 =	sadd.s32 s9, s5;
	s24 =	sadd.s32 $0x7D0, s7;
	s7 =	rddreg [dreg:$0x4]  }
0xc: {  	s4 =	simm.s32 @!p0 $0x5;
	s5 =	sadd.s32 $0xFA0, s3;
	[dreg:$0x6] =	wrdreg s24  }
0xd: {  	s6 =	simm.s32 @!p0 $0x1C05;
	[dreg:$0x8] =	wrdreg s5;
	s5 =	sshrl.u32 @!p0 s1, $0x3  }
0xe: {  	[spmem:s5], [sflag:s6] =	dma.local @!p0 [hbm:s7], $0x4E20  }
0xf: {  	_ =	swait.ge @!p0 [sflag:s4], $0x4E20  }
0x10: {  	[sflag:s4] =	ssyncset.done @!p0 $0x0  }
0x11: {  	[sflag:s4] =	ssyncadd.s32 @!p0 $0xFFFFB1E0  }
0x12: {  	[bflag:$0x0] =	sbarrier.arrive $0xFFFF  }
0x13: {  	s7 =	simm.s32 $0x5;
	s26 =	rddreg [dreg:$0x5]  }
0x14: {  	[tilespmem:s2], [sflag:$0x5] =	stream.linear.gather [hbm4b:s26+s2], $0x2710, $0x38;
	[tilespmem:$0xCB20] =	vst v63  }
0x15: {  	_ =	swait.ge [sflag:s7], $0x2710  }
0x16: {  	[sflag:s7] =	ssyncset.done $0x0  }
0x17: {  	s8 =	simm.s32 $0x2710;
	[sflag:s7] =	ssyncadd.s32 $0xFFFFD8F0  }
0x18: {  	[tilespmem:s8], [sflag:$0x1] =	stream.linear.gather [hbm4b:s3+s2], $0x3E80, $0x38;
	[tilespmem:$0xCB20] =	vst v63  }
0x19: {  	s10 =	simm.s32 $0x1;
	s9 =	simm.s32 $0x6590;
	s11 =	rddreg [dreg:$0x6]  }
0x1a: {  	[tilespmem:s9], [sflag:$0x2] =	stream.linear.gather [hbm4b:s11+s2], $0x3E80, $0x38;
	[tilespmem:$0xCB20] =	vst v63  }
0x1b: {  	_ =	swait.ge [sflag:s10], $0x3E80  }
0x1c: {  	[sflag:s10] =	ssyncset.done $0x0  }
0x1d: {  	s12 =	simm.s32 $0x2;
	s11 =	simm.s32 $0x3E8;
	[sflag:s10] =	ssyncadd.s32 $0xFFFFC180  }
0x1e: {  	[spmem:s1] =	stream.indirect.scatter.add.f32 [tilespmem:s8], [sflag:$0x3], $0x10, s2, s11, $0xb8;
	[tilespmem:$0xCB20] =	vst v63  }
0x1f: {  	_ =	swait.ge [sflag:s12], $0x3E80  }
0x20: {  	[sflag:s12] =	ssyncset.done $0x0  }
0x21: {  	s13 =	simm.s32 $0x3;
	[sflag:s12] =	ssyncadd.s32 $0xFFFFC180  }
0x22: {  	[spmem:s1] =	stream.indirect.scatter.add.f32 [tilespmem:s9], [sflag:$0x4], $0x10, s11, s11, $0xb8;
	[tilespmem:$0xCB20] =	vst v63  }
0x23: {  	_ =	swait.ge [sflag:s13], $0x3E80  }
0x24: {  	[sflag:s13] =	ssyncset.done $0x0  }
0x25: {  	s14 =	simm.s32 $0x4;
	s15 =	rddreg [dreg:$0x8];
	[sflag:s13] =	ssyncadd.s32 $0xFFFFC180  }
0x26: {  	[tilespmem:s8], [sflag:$0x1] =	stream.linear.gather [hbm4b:s15+s2], $0x3E80, $0x38;
	[tilespmem:$0xCB20] =	vst v63  }
0x27: {  	_ =	swait.ge [sflag:s14], $0x3E80  }
0x28: {  	[sflag:s14] =	ssyncset.done $0x0  }
0x29: {  	s15 =	sadd.s32 $0x1770, s3;
	[sflag:s14] =	ssyncadd.s32 $0xFFFFC180  }
0x2a: {  	[tilespmem:s9], [sflag:$0x2] =	stream.linear.gather [hbm4b:s15+s2], $0x3E80, $0x38;
	[tilespmem:$0xCB20] =	vst v63  }
0x2b: {  	_ =	swait.ge [sflag:s10], $0x3E80  }
0x2c: {  	[sflag:s10] =	ssyncset.done $0x0  }
0x2d: {  	s16 =	simm.s32 $0x7D0;
	[sflag:s10] =	ssyncadd.s32 $0xFFFFC180  }
0x2e: {  	[spmem:s1] =	stream.indirect.scatter.add.f32 [tilespmem:s8], [sflag:$0x3], $0x10, s16, s11, $0xb8;
	[tilespmem:$0xCB20] =	vst v63  }
0x2f: {  	_ =	swait.ge [sflag:s12], $0x3E80  }
0x30: {  	[sflag:s12] =	ssyncset.done $0x0  }
0x31: {  	s17 =	simm.s32 $0xBB8;
	[sflag:s12] =	ssyncadd.s32 $0xFFFFC180  }
0x32: {  	[spmem:s1] =	stream.indirect.scatter.add.f32 [tilespmem:s9], [sflag:$0x4], $0x10, s17, s11, $0xb8;
	[tilespmem:$0xCB20] =	vst v63  }
0x33: {  	_ =	swait.ge [sflag:s13], $0x3E80  }
0x34: {  	[sflag:s13] =	ssyncset.done $0x0  }
0x35: {  	s18 =	sadd.s32 $0x1F40, s3;
	[sflag:s13] =	ssyncadd.s32 $0xFFFFC180  }
0x36: {  	[tilespmem:s8], [sflag:$0x1] =	stream.linear.gather [hbm4b:s18+s2], $0x3E80, $0x38;
	[tilespmem:$0xCB20] =	vst v63  }
0x37: {  	_ =	swait.ge [sflag:s14], $0x3E80  }
0x38: {  	[sflag:s14] =	ssyncset.done $0x0  }
0x39: {  	s19 =	sadd.s32 $0x2710, s3;
	[sflag:s14] =	ssyncadd.s32 $0xFFFFC180  }
0x3a: {  	[tilespmem:s9], [sflag:$0x2] =	stream.linear.gather [hbm4b:s19+s2], $0x3E80, $0x38;
	[tilespmem:$0xCB20] =	vst v63  }
0x3b: {  	_ =	swait.ge [sflag:s10], $0x3E80  }
0x3c: {  	[sflag:s10] =	ssyncset.done $0x0  }
0x3d: {  	s20 =	simm.s32 $0xFA0;
	[sflag:s10] =	ssyncadd.s32 $0xFFFFC180  }
0x3e: {  	[spmem:s1] =	stream.indirect.scatter.add.f32 [tilespmem:s8], [sflag:$0x3], $0x10, s20, s11, $0xb8;
	[tilespmem:$0xCB20] =	vst v63  }
0x3f: {  	_ =	swait.ge [sflag:s12], $0x3E80  }
0x40: {  	[sflag:s12] =	ssyncset.done $0x0  }
0x41: {  	s21 =	simm.s32 $0x1388;
	[sflag:s12] =	ssyncadd.s32 $0xFFFFC180  }
0x42: {  	[spmem:s1] =	stream.indirect.scatter.add.f32 [tilespmem:s9], [sflag:$0x4], $0x10, s21, s11, $0xb8;
	[tilespmem:$0xCB20] =	vst v63  }
0x43: {  	_ =	swait.ge [sflag:s13], $0x3E80  }
0x44: {  	[sflag:s13] =	ssyncset.done $0x0  }
0x45: {  	s22 =	sadd.s32 $0x2EE0, s3;
	[sflag:s13] =	ssyncadd.s32 $0xFFFFC180  }
0x46: {  	[tilespmem:s8], [sflag:$0x1] =	stream.linear.gather [hbm4b:s22+s2], $0x3E80, $0x38;
	[tilespmem:$0xCB20] =	vst v63  }
0x47: {  	_ =	swait.ge [sflag:s14], $0x3E80  }
0x48: {  	[sflag:s14] =	ssyncset.done $0x0  }
0x49: {  	s23 =	sadd.s32 $0x36B0, s3;
	[sflag:s14] =	ssyncadd.s32 $0xFFFFC180  }
0x4a: {  	[tilespmem:s9], [sflag:$0x2] =	stream.linear.gather [hbm4b:s23+s2], $0x3E80, $0x38;
	[tilespmem:$0xCB20] =	vst v63  }
0x4b: {  	_ =	swait.ge [sflag:s10], $0x3E80  }
0x4c: {  	[sflag:s10] =	ssyncset.done $0x0  }
0x4d: {  	s24 =	simm.s32 $0x1770;
	[sflag:s10] =	ssyncadd.s32 $0xFFFFC180  }
0x4e: {  	[spmem:s1] =	stream.indirect.scatter.add.f32 [tilespmem:s8], [sflag:$0x3], $0x10, s24, s11, $0xb8;
	[tilespmem:$0xCB20] =	vst v63  }
0x4f: {  	_ =	swait.ge [sflag:s12], $0x3E80  }
0x50: {  	[sflag:s12] =	ssyncset.done $0x0  }
0x51: {  	s25 =	simm.s32 $0x1B58;
	[sflag:s12] =	ssyncadd.s32 $0xFFFFC180  }
0x52: {  	[spmem:s1] =	stream.indirect.scatter.add.f32 [tilespmem:s9], [sflag:$0x4], $0x10, s25, s11, $0xb8;
	[tilespmem:$0xCB20] =	vst v63  }
0x53: {  	_ =	swait.ge [sflag:s13], $0x3E80  }
0x54: {  	[sflag:s13] =	ssyncset.done $0x0  }
0x55: {  	s26 =	sadd.s32 $0x3E80, s3;
	[sflag:s13] =	ssyncadd.s32 $0xFFFFC180  }
0x56: {  	[tilespmem:s8], [sflag:$0x1] =	stream.linear.gather [hbm4b:s26+s2], $0x3E80, $0x38;
	[tilespmem:$0xCB20] =	vst v63  }
0x57: {  	_ =	swait.ge [sflag:s14], $0x3E80  }
0x58: {  	[sflag:s14] =	ssyncset.done $0x0  }
0x59: {  	s28 =	sadd.s32 $0x4650, s3;
	[sflag:s14] =	ssyncadd.s32 $0xFFFFC180  }
0x5a: {  	[tilespmem:s9], [sflag:$0x2] =	stream.linear.gather [hbm4b:s28+s2], $0x3E80, $0x38;
	[tilespmem:$0xCB20] =	vst v63  }
0x5b: {  	_ =	swait.ge [sflag:s10], $0x3E80  }
0x5c: {  	[sflag:s10] =	ssyncset.done $0x0  }
0x5d: {  	s29 =	simm.s32 $0x1F40;
	[sflag:s10] =	ssyncadd.s32 $0xFFFFC180  }
0x5e: {  	[spmem:s1] =	stream.indirect.scatter.add.f32 [tilespmem:s8], [sflag:$0x3], $0x10, s29, s11, $0xb8;
	[tilespmem:$0xCB20] =	vst v63  }
0x5f: {  	_ =	swait.ge [sflag:s12], $0x3E80  }
0x60: {  	[sflag:s12] =	ssyncset.done $0x0  }
0x61: {  	s30 =	simm.s32 $0x2328;
	[sflag:s12] =	ssyncadd.s32 $0xFFFFC180  }
0x62: {  	[spmem:s1] =	stream.indirect.scatter.add.f32 [tilespmem:s9], [sflag:$0x4], $0x10, s30, s11, $0xb8;
	[tilespmem:$0xCB20] =	vst v63  }
0x63: {  	_ =	swait.ge [sflag:s13], $0x3E80  }
0x64: {  	[sflag:s13] =	ssyncset.done $0x0  }
0x65: {  	[sflag:s13] =	ssyncadd.s32 $0xFFFFC180  }
0x66: {  	_ =	swait.ge [sflag:s14], $0x3E80  }
0x67: {  	[sflag:s14] =	ssyncset.done $0x0  }
0x68: {  	[sflag:s14] =	ssyncadd.s32 $0xFFFFC180  }
0x69: {  	[bflag:$0x0] =	sbarrier.arrive $0xFFFF  }
0x6a: {  	s31 =	ssub.s32 $0x2, s31;
	s0 =	rddreg [dreg:$0x7]  }
0x6b: {  	[dreg:$0x9] =	wrdreg s0;
	s0 =	sshrl.u32 s31, $0x1  }
0x6c: {  	s0 =	ssub.s32 s31, s0;
	s31 =	rddreg [dreg:$0x9]  }
0x6d: {  	[hbm:s31], [sflag:s6] =	dma.local @!p0 [spmem:s5], $0x4E20  }
0x6e: {  	s0 =	smax.u32 s0, $0x1  }
0x6f: {  	s31 =	sadd.s32 $0xFFFFFFFF, s0  }
0x70: {  	p1 =	sne.s32 s31, $0x0  }
.Ltmp0:
0x71: {  	_ = 	snop;
	(pc) =	sbr.rel @!p1 .LBB2_2-.Ltmp0, $2  }
0x72: {  	_ =	sdelay $0x2  }
0x73: {  	_ =	swait.ge @!p0 [sflag:s4], $0x4E20  }
.LBB2_1:
0x74: {  	[sflag:s4] =	ssyncset.done @!p0 $0x0  }
0x75: {  	s0 =	rddreg [dreg:$0x4];
	[sflag:s4] =	ssyncadd.s32 @!p0 $0xFFFFB1E0  }
0x76: {  	[spmem:s5], [sflag:s6] =	dma.local @!p0 [hbm:s0], $0x4E20  }
0x77: {  	_ =	swait.ge @!p0 [sflag:s4], $0x4E20  }
0x78: {  	[sflag:s4] =	ssyncset.done @!p0 $0x0  }
0x79: {  	[sflag:s4] =	ssyncadd.s32 @!p0 $0xFFFFB1E0  }
0x7a: {  	[bflag:$0x0] =	sbarrier.arrive $0xFFFF  }
0x7b: {  	s0 =	rddreg [dreg:$0x5]  }
0x7c: {  	[tilespmem:s2], [sflag:$0x5] =	stream.linear.gather [hbm4b:s0+s2], $0x2710, $0x38;
	[tilespmem:$0xCB20] =	vst v63  }
0x7d: {  	_ =	swait.ge [sflag:s7], $0x2710  }
0x7e: {  	[sflag:s7] =	ssyncset.done $0x0  }
0x7f: {  	[sflag:s7] =	ssyncadd.s32 $0xFFFFD8F0  }
0x80: {  	[tilespmem:s8], [sflag:$0x1] =	stream.linear.gather [hbm4b:s3+s2], $0x3E80, $0x38;
	[tilespmem:$0xCB20] =	vst v63  }
0x81: {  	s0 =	rddreg [dreg:$0x6]  }
0x82: {  	[tilespmem:s9], [sflag:$0x2] =	stream.linear.gather [hbm4b:s0+s2], $0x3E80, $0x38;
	[tilespmem:$0xCB20] =	vst v63  }
0x83: {  	_ =	swait.ge [sflag:s10], $0x3E80  }
0x84: {  	[sflag:s10] =	ssyncset.done $0x0  }
0x85: {  	[sflag:s10] =	ssyncadd.s32 $0xFFFFC180  }
0x86: {  	[spmem:s1] =	stream.indirect.scatter.add.f32 [tilespmem:s8], [sflag:$0x3], $0x10, s2, s11, $0xb8;
	[tilespmem:$0xCB20] =	vst v63  }
0x87: {  	_ =	swait.ge [sflag:s12], $0x3E80  }
0x88: {  	[sflag:s12] =	ssyncset.done $0x0  }
0x89: {  	[sflag:s12] =	ssyncadd.s32 $0xFFFFC180  }
0x8a: {  	[spmem:s1] =	stream.indirect.scatter.add.f32 [tilespmem:s9], [sflag:$0x4], $0x10, s11, s11, $0xb8;
	[tilespmem:$0xCB20] =	vst v63  }
0x8b: {  	_ =	swait.ge [sflag:s13], $0x3E80  }
0x8c: {  	[sflag:s13] =	ssyncset.done $0x0  }
0x8d: {  	s0 =	rddreg [dreg:$0x8];
	[sflag:s13] =	ssyncadd.s32 $0xFFFFC180  }
0x8e: {  	[tilespmem:s8], [sflag:$0x1] =	stream.linear.gather [hbm4b:s0+s2], $0x3E80, $0x38;
	[tilespmem:$0xCB20] =	vst v63  }
0x8f: {  	_ =	swait.ge [sflag:s14], $0x3E80  }
0x90: {  	[sflag:s14] =	ssyncset.done $0x0  }
0x91: {  	[sflag:s14] =	ssyncadd.s32 $0xFFFFC180  }
0x92: {  	[tilespmem:s9], [sflag:$0x2] =	stream.linear.gather [hbm4b:s15+s2], $0x3E80, $0x38;
	[tilespmem:$0xCB20] =	vst v63  }
0x93: {  	_ =	swait.ge [sflag:s10], $0x3E80  }
0x94: {  	[sflag:s10] =	ssyncset.done $0x0  }
0x95: {  	[sflag:s10] =	ssyncadd.s32 $0xFFFFC180  }
0x96: {  	[spmem:s1] =	stream.indirect.scatter.add.f32 [tilespmem:s8], [sflag:$0x3], $0x10, s16, s11, $0xb8;
	[tilespmem:$0xCB20] =	vst v63  }
0x97: {  	_ =	swait.ge [sflag:s12], $0x3E80  }
0x98: {  	[sflag:s12] =	ssyncset.done $0x0  }
0x99: {  	[sflag:s12] =	ssyncadd.s32 $0xFFFFC180  }
0x9a: {  	[spmem:s1] =	stream.indirect.scatter.add.f32 [tilespmem:s9], [sflag:$0x4], $0x10, s17, s11, $0xb8;
	[tilespmem:$0xCB20] =	vst v63  }
0x9b: {  	_ =	swait.ge [sflag:s13], $0x3E80  }
0x9c: {  	[sflag:s13] =	ssyncset.done $0x0  }
0x9d: {  	[sflag:s13] =	ssyncadd.s32 $0xFFFFC180  }
0x9e: {  	[tilespmem:s8], [sflag:$0x1] =	stream.linear.gather [hbm4b:s18+s2], $0x3E80, $0x38;
	[tilespmem:$0xCB20] =	vst v63  }
0x9f: {  	_ =	swait.ge [sflag:s14], $0x3E80  }
0xa0: {  	[sflag:s14] =	ssyncset.done $0x0  }
0xa1: {  	[sflag:s14] =	ssyncadd.s32 $0xFFFFC180  }
0xa2: {  	[tilespmem:s9], [sflag:$0x2] =	stream.linear.gather [hbm4b:s19+s2], $0x3E80, $0x38;
	[tilespmem:$0xCB20] =	vst v63  }
0xa3: {  	_ =	swait.ge [sflag:s10], $0x3E80  }
0xa4: {  	[sflag:s10] =	ssyncset.done $0x0  }
0xa5: {  	[sflag:s10] =	ssyncadd.s32 $0xFFFFC180  }
0xa6: {  	[spmem:s1] =	stream.indirect.scatter.add.f32 [tilespmem:s8], [sflag:$0x3], $0x10, s20, s11, $0xb8;
	[tilespmem:$0xCB20] =	vst v63  }
0xa7: {  	_ =	swait.ge [sflag:s12], $0x3E80  }
0xa8: {  	[sflag:s12] =	ssyncset.done $0x0  }
0xa9: {  	[sflag:s12] =	ssyncadd.s32 $0xFFFFC180  }
0xaa: {  	[spmem:s1] =	stream.indirect.scatter.add.f32 [tilespmem:s9], [sflag:$0x4], $0x10, s21, s11, $0xb8;
	[tilespmem:$0xCB20] =	vst v63  }
0xab: {  	_ =	swait.ge [sflag:s13], $0x3E80  }
0xac: {  	[sflag:s13] =	ssyncset.done $0x0  }
0xad: {  	[sflag:s13] =	ssyncadd.s32 $0xFFFFC180  }
0xae: {  	[tilespmem:s8], [sflag:$0x1] =	stream.linear.gather [hbm4b:s22+s2], $0x3E80, $0x38;
	[tilespmem:$0xCB20] =	vst v63  }
0xaf: {  	_ =	swait.ge [sflag:s14], $0x3E80  }
0xb0: {  	[sflag:s14] =	ssyncset.done $0x0  }
0xb1: {  	[sflag:s14] =	ssyncadd.s32 $0xFFFFC180  }
0xb2: {  	[tilespmem:s9], [sflag:$0x2] =	stream.linear.gather [hbm4b:s23+s2], $0x3E80, $0x38;
	[tilespmem:$0xCB20] =	vst v63  }
0xb3: {  	_ =	swait.ge [sflag:s10], $0x3E80  }
0xb4: {  	[sflag:s10] =	ssyncset.done $0x0  }
0xb5: {  	[sflag:s10] =	ssyncadd.s32 $0xFFFFC180  }
0xb6: {  	[spmem:s1] =	stream.indirect.scatter.add.f32 [tilespmem:s8], [sflag:$0x3], $0x10, s24, s11, $0xb8;
	[tilespmem:$0xCB20] =	vst v63  }
0xb7: {  	_ =	swait.ge [sflag:s12], $0x3E80  }
0xb8: {  	[sflag:s12] =	ssyncset.done $0x0  }
0xb9: {  	[sflag:s12] =	ssyncadd.s32 $0xFFFFC180  }
0xba: {  	[spmem:s1] =	stream.indirect.scatter.add.f32 [tilespmem:s9], [sflag:$0x4], $0x10, s25, s11, $0xb8;
	[tilespmem:$0xCB20] =	vst v63  }
0xbb: {  	_ =	swait.ge [sflag:s13], $0x3E80  }
0xbc: {  	[sflag:s13] =	ssyncset.done $0x0  }
0xbd: {  	[sflag:s13] =	ssyncadd.s32 $0xFFFFC180  }
0xbe: {  	[tilespmem:s8], [sflag:$0x1] =	stream.linear.gather [hbm4b:s26+s2], $0x3E80, $0x38;
	[tilespmem:$0xCB20] =	vst v63  }
0xbf: {  	_ =	swait.ge [sflag:s14], $0x3E80  }
0xc0: {  	[sflag:s14] =	ssyncset.done $0x0  }
0xc1: {  	[sflag:s14] =	ssyncadd.s32 $0xFFFFC180  }
0xc2: {  	[tilespmem:s9], [sflag:$0x2] =	stream.linear.gather [hbm4b:s28+s2], $0x3E80, $0x38;
	[tilespmem:$0xCB20] =	vst v63  }
0xc3: {  	_ =	swait.ge [sflag:s10], $0x3E80  }
0xc4: {  	[sflag:s10] =	ssyncset.done $0x0  }
0xc5: {  	[sflag:s10] =	ssyncadd.s32 $0xFFFFC180  }
0xc6: {  	[spmem:s1] =	stream.indirect.scatter.add.f32 [tilespmem:s8], [sflag:$0x3], $0x10, s29, s11, $0xb8;
	[tilespmem:$0xCB20] =	vst v63  }
0xc7: {  	_ =	swait.ge [sflag:s12], $0x3E80  }
0xc8: {  	[sflag:s12] =	ssyncset.done $0x0  }
0xc9: {  	[sflag:s12] =	ssyncadd.s32 $0xFFFFC180  }
0xca: {  	[spmem:s1] =	stream.indirect.scatter.add.f32 [tilespmem:s9], [sflag:$0x4], $0x10, s30, s11, $0xb8;
	[tilespmem:$0xCB20] =	vst v63  }
0xcb: {  	_ =	swait.ge [sflag:s13], $0x3E80  }
0xcc: {  	[sflag:s13] =	ssyncset.done $0x0  }
0xcd: {  	[sflag:s13] =	ssyncadd.s32 $0xFFFFC180  }
0xce: {  	s31 =	sadd.s32 $0xFFFFFFFF, s31;
	_ =	swait.ge [sflag:s14], $0x3E80  }
0xcf: {  	p1 =	sne.s32 s31, $0x0;
	[sflag:s14] =	ssyncset.done $0x0  }
.Ltmp1:
0xd0: {  	[sflag:s14] =	ssyncadd.s32 $0xFFFFC180;
	(pc) =	sbr.rel @p1 .LBB2_1-.Ltmp1, $4  }
0xd1: {  	[bflag:$0x0] =	sbarrier.arrive $0xFFFF  }
0xd2: {  	s0 =	rddreg [dreg:$0x7]  }
0xd3: {  	[hbm:s0], [sflag:s6] =	dma.local @!p0 [spmem:s5], $0x4E20  }
0xd4: {  	_ =	swait.ge @!p0 [sflag:s4], $0x4E20  }
.LBB2_2:
0xd5: {  	[sflag:s4] =	ssyncset.done @!p0 $0x0  }
0xd6: {  	[sflag:s4] =	ssyncadd.s32 @!p0 $0xFFFFB1E0  }
0xd7: {  	_ =	sfence.sel $0x180000  }
0xd8: {  	[bflag:$0x0] =	sbarrier.arrive $0xFFFF  }
0xd9: {  	_ =	strace $0x90000050  }
0xda: {  	[bflag:$0x2] =	sbarrier.arrive $0xFFFF  }
0xdb: {  	s0 =	rddreg [dreg:$0x3]  }
0xdc: {  	s0 =	sadd.s32 @!p0 $0x100000, s0  }
0xdd: {  	[sflag:s0] =	ssyncadd.tile.s32 @!p0 $0x1;
	_ =	shalt  }
.Lfunc_end2:
_tile_overlayer_lowered:
.L_overlay_start_2:
0xde: {  	(tag) =	ssettag $0x2  }
0xdf: {  	s0 =	rddreg [dreg:$0x0];
	s2 =	stileid.u32  }
0xe0: {  	s1 =	rddreg [dreg:$0x1];
	p0 =	sne.s32 s2, $0x0  }
0xe1: {  	s3 =	rddreg [dreg:$0x2];
	[bflag:$0x3] =	sbarrier.arrive $0xFFFF;
	s2 =	simm.s32 @!p0 $0x1C05  }
0xe2: {  	[timem:s3], [sflag:s2] =	dma.local @!p0 [hbm:s0], s1  }
0xe3: {  	s0 =	simm.s32 @!p0 $0x5  }
0xe4: {  	_ =	swait.ge @!p0 [sflag:s0], s1  }
0xe5: {  	s1 =	ssub.s32 @!p0 $0x0, s1;
	[sflag:s0] =	ssyncset.done @!p0 $0x0  }
0xe6: {  	[sflag:s0] =	ssyncadd.s32 @!p0 s1  }
0xe7: {  	[bflag:$0x3] =	sbarrier.arrive $0xFFFF  }
0xe8: {  	_ =	shalt  }

// kernel: kernel.35.cloned.1.call-start
scs
__scs_entry_jumppad:
0x0: {  	(pc) =	sbr.rel $0x88, $3  }
0x1: {  	(tag) =	ssettag $0x0;
	lr =	simm.s32 $0x1  }
0x2: {  	[smem:$0x3F9B] =	sst lr;
	_ =	strace $0xD0000000  }
0x3: {  	_ = 	snop  }
0x4: {  	_ = 	snop  }
0x5: {  	_ = 	snop  }
0x6: {  	_ = 	snop  }
0x7: {  	_ = 	snop  }
__scs_overlays_trampoline_lowered:
0x8: {  	[smem:$0x3FAA] =	sst s0  }
0x9: {  	[smem:$0x3FAB] =	sst s1  }
0xa: {  	[smem:$0x3FAC] =	sst s2  }
0xb: {  	[smem:$0x3FAD] =	sst s3  }
0xc: {  	[smem:$0x3FAE] =	sst s4  }
0xd: {  	[smem:$0x3FAF] =	sst s5  }
0xe: {  	[smem:$0x3FB0] =	sst s6  }
0xf: {  	[smem:$0x3FB1] =	sst s7  }
0x10: {  	[smem:$0x3FB2] =	sst s8  }
0x11: {  	[smem:$0x3FB3] =	sst s9;
	s0 =	simm.s32 @!p0 $0x0  }
0x12: {  	s1 =	sld [smem:$0x3F99];
	s0 =	simm.s32 @p0 $0x1  }
0x13: {  	[smem:$0x3FB4] =	sst s0;
	s0 =	simm.s32 @!p1 $0x0  }
0x14: {  	s2 =	sld [smem:$0x3F98];
	s0 =	simm.s32 @p1 $0x1  }
0x15: {  	[smem:$0x3FB5] =	sst s0;
	s0 =	simm.s32 @!p2 $0x0  }
0x16: {  	s3 =	sld [smem:$0x3FDB];
	s0 =	simm.s32 @p2 $0x1  }
0x17: {  	s4 =	simm.s32 $0x1BF5;
	[smem:$0x3FB7] =	sst s0  }
0x18: {  	s0 =	sld [smem:$0x3F9A];
	_ =	swait.ge [sflag:s4], $0x0  }
0x19: {  	s7 =	sld [smem:$0x3F9B]  }
0x1a: {  	s8 =	sadd.s32 $0xFFFFE003, lr  }
0x1b: {  	s9 =	sadd.s32 $0xFFFFFEF7, lr;
	s5 =	simm.s32 $0xFFFFFFFF;
	p2 =	slt.u32 s8, $0xFFFFF086  }
0x1c: {  	p1 =	slt.u32 s9, $0xF7A;
	s5 =	simm.s32 @!p2 $0x0  }
0x1d: {  	s5 =	simm.s32 @p1 $0x1;
	p0 =	seq.s32 s7, s2  }
0x1e: {  	s7 =	smul.u32 @!p0 $0xF7A, s2;
	p2 =	seq.s32 @!p0 s5, $0x0  }
0x1f: {  	s9 =	smul.u32 $0xF7A, s1;
	s8 =	simm.s32 @!p0 $0x1BF5;
	p2 =	por !p2, p0  }
0x20: {  	[sflag:s8] =	ssyncset.s32 @!p0 $0xFFFFF086;
	s6 =	sadd.s32 @!p0 s3, s7;
	s7 =	simm.s32 @!p0 $0x108  }
0x21: {  	s3 =	sadd.s32 s3, s9;
	s6 =	sadd.s32 @!p0 $0x88, s6;
	s7 =	simm.s32 @p2 $0x1082  }
0x22: {  	[simem:s7], [sflag:s8] =	dma.local @!p0 [hbm:s6], $0xF7A  }
0x23: {  	s9 =	sor.u32 $0xD0000000, s2;
	s6 =	simm.s32 $0x108;
	_ =	swait.ge @!p0 [sflag:s8], $0x0  }
0x24: {  	s3 =	sadd.s32 $0x88, s3;
	s6 =	simm.s32 @!p1 $0x1082;
	[sflag:s4] =	ssyncset.s32 $0xFFFFF086  }
0x25: {  	[simem:s6], [sflag:s4] =	dma.local [hbm:s3], $0xF7A  }
0x26: {  	[smem:$0x3F9B] =	sst s1;
	(tag) =	ssettag s2;
	_ =	strace s9  }
0x27: {  	s1 =	sld [smem:$0x3FAB]  }
0x28: {  	s2 =	sld [smem:$0x3FAC]  }
0x29: {  	s4 =	sld [smem:$0x3FAE]  }
0x2a: {  	p0 =	seq.s32 s5, $0x0;
	s5 =	sld [smem:$0x3FAF]  }
0x2b: {  	s6 =	sld [smem:$0x3FB0]  }
0x2c: {  	s7 =	sld [smem:$0x3FB1]  }
0x2d: {  	s3 =	simm.s32 $0x108;
	s8 =	sld [smem:$0x3FB2]  }
0x2e: {  	s3 =	simm.s32 @!p0 $0x1082;
	s9 =	sld [smem:$0x3FB3]  }
0x2f: {  	lr =	sadd.s32 s0, s3;
	s0 =	sld [smem:$0x3FAA]  }
0x30: {  	s3 =	sld [smem:$0x3FAD]  }
0x31: {  	[smem:$0x3FB6] =	sst s10  }
0x32: {  	s10 =	sld [smem:$0x3FB4];
	_ =	sdelay $0x3  }
0x33: {  	p0 =	seq.s32 s10, $0x1;
	s10 =	sld [smem:$0x3FB6];
	_ =	sdelay $0x3  }
0x34: {  	[smem:$0x3FB6] =	sst s10  }
0x35: {  	s10 =	sld [smem:$0x3FB5];
	_ =	sdelay $0x3  }
0x36: {  	p1 =	seq.s32 s10, $0x1;
	s10 =	sld [smem:$0x3FB6];
	_ =	sdelay $0x3  }
0x37: {  	[smem:$0x3FB6] =	sst s10  }
0x38: {  	s10 =	sld [smem:$0x3FB7]  }
0x39: {  	_ = 	snop;
	(pc) =	sbr.ind lr, $3  }
0x3a: {  	_ = 	snop  }
0x3b: {  	_ = 	snop  }
0x3c: {  	p2 =	seq.s32 s10, $0x1;
	s10 =	sld [smem:$0x3FB6]  }
0x3d: {  	_ =	shalt  }
0x3e: {  	_ =	shalt  }
0x3f: {  	_ =	shalt  }
0x40: {  	_ =	shalt  }
0x41: {  	_ =	shalt  }
0x42: {  	_ =	shalt  }
0x43: {  	_ =	shalt  }
0x44: {  	_ =	shalt  }
0x45: {  	_ =	shalt  }
0x46: {  	_ =	shalt  }
0x47: {  	_ =	shalt  }
0x48: {  	_ =	shalt  }
0x49: {  	_ =	shalt  }
0x4a: {  	_ =	shalt  }
0x4b: {  	_ =	shalt  }
0x4c: {  	_ =	shalt  }
0x4d: {  	_ =	shalt  }
0x4e: {  	_ =	shalt  }
0x4f: {  	_ =	shalt  }
0x50: {  	_ =	shalt  }
0x51: {  	_ =	shalt  }
0x52: {  	_ =	shalt  }
0x53: {  	_ =	shalt  }
0x54: {  	_ =	shalt  }
0x55: {  	_ =	shalt  }
0x56: {  	_ =	shalt  }
0x57: {  	_ =	shalt  }
0x58: {  	_ =	shalt  }
0x59: {  	_ =	shalt  }
0x5a: {  	_ =	shalt  }
0x5b: {  	_ =	shalt  }
0x5c: {  	_ =	shalt  }
0x5d: {  	_ =	shalt  }
0x5e: {  	_ =	shalt  }
0x5f: {  	_ =	shalt  }
0x60: {  	_ =	shalt  }
0x61: {  	_ =	shalt  }
0x62: {  	_ =	shalt  }
0x63: {  	_ =	shalt  }
0x64: {  	_ =	shalt  }
0x65: {  	_ =	shalt  }
0x66: {  	_ =	shalt  }
0x67: {  	_ =	shalt  }
0x68: {  	_ =	shalt  }
0x69: {  	_ =	shalt  }
0x6a: {  	_ =	shalt  }
0x6b: {  	_ =	shalt  }
0x6c: {  	_ =	shalt  }
0x6d: {  	_ =	shalt  }
0x6e: {  	_ =	shalt  }
0x6f: {  	_ =	shalt  }
0x70: {  	_ =	shalt  }
0x71: {  	_ =	shalt  }
0x72: {  	_ =	shalt  }
0x73: {  	_ =	shalt  }
0x74: {  	_ =	shalt  }
0x75: {  	_ =	shalt  }
0x76: {  	_ =	shalt  }
0x77: {  	_ =	shalt  }
0x78: {  	_ =	shalt  }
0x79: {  	_ =	shalt  }
0x7a: {  	_ =	shalt  }
0x7b: {  	_ =	shalt  }
0x7c: {  	_ =	shalt  }
0x7d: {  	_ =	shalt  }
0x7e: {  	_ =	shalt  }
0x7f: {  	_ =	shalt  }
0x80: {  	_ =	shalt  }
0x81: {  	_ =	shalt  }
0x82: {  	_ =	shalt  }
0x83: {  	_ =	shalt  }
0x84: {  	_ =	shalt  }
0x85: {  	_ =	shalt  }
0x86: {  	_ =	shalt  }
0x87: {  	_ =	shalt  }
.Lfunc_end0:
.L_simem_size_0:
called_computation.4_lowered:
.L_overlay_start_0:
0x88: {  	s2 =	sld [smem:$0x3FD9]  }
0x89: {  	s3 =	sld [smem:$0x3FFE];
	_ =	sdelay $0x1  }
0x8a: {  	s1 =	srdreg.scid  }
0x8b: {  	s0 =	sand.u32 $0x1, s1  }
0x8c: {  	s17 =	sshll.u32 s0, $0xA;
	s2 =	sadd.s32 s3, s2  }
0x8d: {  	s2 =	sadd.s32 s2, s17  }
0x8e: {  	[smem:$0x3FC2] =	sst s2  }
0x8f: {  	_ = 	snop  }
0x90: {  	s2 =	sld [smem:$0x3FC7];
	(tm) =	ssettm $0x1  }
0x91: {  	s18 =	sld [smem:$0x3FFB];
	_ =	sdelay $0x3  }
0x92: {  	_ =	strace s18  }
0x93: {  	s3 =	sld [smem:$0x3FFC];
	_ =	sdelay $0x3  }
0x94: {  	_ =	strace s3  }
0x95: {  	s3 =	sld [smem:$0x3FFD];
	_ =	sdelay $0x3  }
0x96: {  	_ =	strace s3  }
0x97: {  	_ =	strace $0x8FFFFFFF  }
0x98: {  	s19 =	sld [smem:$0x3FDB];
	_ =	sdelay $0x1  }
0x99: {  	s4 =	simm.s32 $_scs_section_size  }
0x9a: {  	s5 =	simm.s32 $_size__tile_overlayer_lowered;
	s6 =	simm.s32 $_tile_overlayer_lowered  }
0x9b: {  	s22 =	simm.s32 $0x1BFF;
	s21 =	sshll.u32 s6, $0x1;
	s3 =	sadd.s32 s4, s19  }
0x9c: {  	s7 =	simm.s32 $0x0;
	s20 =	sshll.u32 s5, $0x1;
	s5 =	sadd.s32 s21, s3  }
0x9d: {  	[timem:s7], [sflag:s22] =	dma.local [hbm:s5], s20  }
0x9e: {  	_ =	swait.ge [sflag:s22], s20  }
0x9f: {  	s4 =	ssub.s32 $0x0, s20;
	[sflag:s22] =	ssyncset.done $0x0  }
0xa0: {  	[sflag:s22] =	ssyncadd.s32 s4;
	_ =	sdelay $0x1  }
0xa1: {  	s23 =	simm.s32 $0x1B8B  }
0xa2: {  	_ =	swait.ge [sflag:s23], $0x1  }
0xa3: {  	[sflag:s23] =	ssyncset.done $0x0  }
0xa4: {  	s25 =	simm.s32 $0x1B8E;
	s24 =	sld [smem:$0x3FFE];
	[sflag:s23] =	ssyncadd.s32 $0xFFFFFFFF  }
0xa5: {  	s26 =	simm.s32 $execute0_lowered;
	[smem:$0x3FD2] =	sst s25  }
0xa6: {  	s5 =	sshll.u32 s26, $0x1;
	_ =	strace $0x80000052;
	[dreg:$0x1] =	wrdreg $0xFFFFFFFF  }
0xa7: {  	s28 =	simm.s32 $_size_execute0_lowered;
	s3 =	sadd.s32 s3, s5;
	[dreg:$0x0] =	wrdreg $0x0  }
0xa8: {  	s5 =	sshll.u32 s28, $0x1;
	[dreg:$0x2] =	wrdreg s3  }
0xa9: {  	[dreg:$0x3] =	wrdreg s5  }
0xaa: {  	[dreg:$0x4] =	wrdreg $0xC0  }
0xab: {  	_ =	task [dreg:s7], $0x5FFFF  }
0xac: {  	[dreg:$0x1] =	wrdreg $0xFFFFFFFF  }
0xad: {  	[dreg:$0x0] =	wrdreg $0x60  }
0xae: {  	[dreg:$0x2] =	wrdreg s24  }
0xaf: {  	[dreg:$0x3] =	wrdreg s2  }
0xb0: {  	[dreg:$0x4] =	wrdreg $0x9  }
0xb1: {  	_ =	task.clear_ibuf [dreg:s7], $0x5FFFF;
	_ =	strace $0x90000052  }
0xb2: {  	s29 =	simm.s32 $0x9;
	_ =	strace $0x80000054  }
0xb3: {  	_ =	swait.ge [sflag:s29], $0x1  }
0xb4: {  	[sflag:s29] =	ssyncadd.s32 $0xFFFFFFFF  }
0xb5: {  	_ =	strace $0x90000054  }
0xb6: {  	_ =	sfence  }
0xb7: {  	s30 =	sld [smem:$0x0];
	_ =	sdelay $0x2  }
0xb8: {  	s31 =	sshll.u32 s1, $0xD;
	s1 =	sshrl.u32 s1, $0x2  }
0xb9: {  	s3 =	sand.u32 $0x4000, s31;
	s1 =	sadd.s32 s1, s30  }
0xba: {  	s0 =	sor.u32 s3, s0;
	s1 =	sshll.u32 s1, $0x11  }
0xbb: {  	s0 =	sor.u32 s1, s0  }
0xbc: {  	s0 =	sadd.s32 $0x8F2B, s0  }
0xbd: {  	[sflag:s0] =	ssyncadd.remote.s32 $0x1  }
0xbe: {  	_ =	sfence.sel $0xFFFF  }
0xbf: {  	[dreg:$0x0] =	wrdreg $0xFFFFFFFF;
	(pc) =	sbr.abs _section_cstart, $3  }
0xc0: {  	[dreg:$0x1] =	wrdreg $0xFFFFFFFF  }
0xc1: {  	_ =	task.clear_ibuf [dreg:s7], $0x2FFFF;
	_ =	strace $0x9FFFFFFF  }
0xc2: {  	(tm) =	ssettm $0x7FFFFFFF  }
0xc3: {  	_ =	shalt  }
tec
execute0_lowered:
.L_overlay_start_1:
0x0: {  	(tag) =	ssettag $0x1  }
0x1: {  	s0 =	srdreg.scid  }
0x2: {  	s1 =	rddreg [dreg:$0x0];
	s13 =	stileid.u32  }
0x3: {  	s5 =	rddreg [dreg:$0x1];
	s16 =	simm.s32 $0x2710;
	s17 =	simm.s32 $0x3E8  }
0x4: {  	s18 =	simm.s32 $0x4E20;
	s19 =	simm.s32 $0xCB20;
	s20 =	simm.s32 $0x8CA0  }
0x5: {  	s28 =	simm.s32 $0x5;
	s29 =	simm.s32 $0x7;
	s30 =	simm.s32 $0x6  }
0x6: {  	s31 =	simm.s32 $0x8;
	s0 =	sand.u32 $0x1, s0;
	s12 =	smul.u32 $0x2710, s13  }
0x7: {  	s3 =	sadd.s32 $0xB4A00, s1;
	s14 =	sadd.s32 $0xB9A00, s1;
	s15 =	smul.u32 $0x4E20, s13  }
0x8: {  	s2 =	sshll.u32 s0, $0x4;
	s9 =	ssub.s32 $0x2, s0;
	s10 =	smul.u32 $0x27100, s0  }
0x9: {  	s0 =	smul.u32 $0x4E200, s0;
	s6 =	sor.u32 s13, s2;
	s2 =	simm.s32 $0x0  }
0xa: {  	s11 =	sshrl.u32 s9, $0x1;
	s4 =	smul.u32 $0x2710, s6;
	[smem:$0x7FF] =	sst s2  }
0xb: {  	s6 =	smul.u32 $0x4E20, s6;
	s9 =	ssub.s32 s9, s11;
	s10 =	sadd.s32 s12, s10  }
0xc: {  	_ =	strace $0x80000053;
	s22 =	smax.u32 s9, $0x1;
	s24 =	sshll.u32 s10, $0x1  }
0xd: {  	s7 =	sshrl.u32 s4, $0x3;
	s4 =	sadd.s32 $0x18600, s1;
	[dreg:$0x6] =	wrdreg s22  }
0xe: {  	s23 =	sadd.s32 $0x3E80, s6;
	s6 =	sadd.s32 $0x4650, s6;
	s22 =	simm.s32 $0x109A0  }
0xf: {  	s8 =	sadd.s32 s7, s1;
	s1 =	sadd.s32 $0x155E00, s1;
	s5 =	sadd.s32 s5, s7  }
0x10: {  	s10 =	sadd.s32 s14, s6;
	s8 =	sadd.s32 $0x4A00, s8;
	[dreg:$0x5] =	wrdreg s5  }
0x11: {  	s9 =	sadd.s32 s1, s23;
	s5 =	sadd.s32 $0x7D0, s24;
	s11 =	sadd.s32 s1, s6  }
0x12: {  	s26 =	sadd.s32 s0, s1;
	s0 =	sadd.s32 s0, s14;
	s24 =	simm.s32 $0x3  }
0x13: {  	[dreg:$0x4] =	wrdreg s8;
	s8 =	sadd.s32 s14, s23;
	s25 =	sadd.s32 s5, s14  }
0x14: {  	s12 =	sadd.s32 s5, s1;
	s13 =	sadd.s32 s15, s26;
	s14 =	sadd.s32 s15, s0  }
0x15: {  	s15 =	simm.s32 $0x9;
	s23 =	simm.s32 $0x1;
	s26 =	simm.s32 $0x4  }
0x16: {  	s1 =	simm.s32 $0x0;
	[dreg:$0x3] =	wrdreg s25;
	s25 =	simm.s32 $0x2  }
.LBB2_1:
0x17: {  	s0 =	rddreg [dreg:$0x4]  }
0x18: {  	[tilespmem:s2], [sflag:$0x9] =	stream.linear.gather [hbm4b:s0+s2], $0x2710, $0x38;
	[tilespmem:$0x14820] =	vst v63  }
0x19: {  	_ =	swait.ge [sflag:s15], $0x2710  }
0x1a: {  	[sflag:s15] =	ssyncset.done $0x0  }
0x1b: {  	s21 =	rddreg [dreg:$0x5];
	[sflag:s15] =	ssyncadd.s32 $0xFFFFD8F0  }
0x1c: {  	[tilespmem:s16], [sflag:$0x9] =	stream.linear.gather [hbm4b:s21+s2], $0x2710, $0x38;
	[tilespmem:$0x14820] =	vst v63  }
0x1d: {  	_ =	swait.ge [sflag:s15], $0x2710  }
0x1e: {  	[sflag:s15] =	ssyncset.done $0x0  }
0x1f: {  	[sflag:s15] =	ssyncadd.s32 $0xFFFFD8F0  }
0x20: {  	[tilespmem:s18], [sflag:$0x1] =	stream.indirect.gather [hbm4b:s3+s17], $0x10, s2, s17, $0xb8;
	[tilespmem:$0x14820] =	vst v63  }
0x21: {  	_ = 	snop  }
0x22: {  	[tilespmem:s19], [sflag:$0x3] =	stream.indirect.gather [hbm4b:s4+s17], $0x10, s16, s17, $0xb8;
	[tilespmem:$0x14820] =	vst v63  }
0x23: {  	_ = 	snop  }
0x24: {  	[tilespmem:s20], [sflag:$0x2] =	stream.indirect.gather [hbm4b:s3+s17], $0x10, s17, s17, $0xb8;
	[tilespmem:$0x14820] =	vst v63  }
0x25: {  	s5 =	simm.s32 $0x2AF8  }
0x26: {  	[tilespmem:s22], [sflag:$0x4] =	stream.indirect.gather [hbm4b:s4+s17], $0x10, s5, s17, $0xb8;
	[tilespmem:$0x14820] =	vst v63  }
0x27: {  	_ =	swait.ge [sflag:s23], $0x3E80  }
0x28: {  	[sflag:s23] =	ssyncset.done $0x0  }
0x29: {  	[sflag:s23] =	ssyncadd.s32 $0xFFFFC180  }
0x2a: {  	_ =	swait.ge [sflag:s24], $0x3E80  }
0x2b: {  	[sflag:s24] =	ssyncset.done $0x0  }
0x2c: {  	s6 =	sadd.s32 $0x0, s14;
	[sflag:s24] =	ssyncadd.s32 $0xFFFFC180  }
0x2d: {  	[hbm4b:s6+s2] =	stream.linear.scatter [tilespmem:s18], [sflag:$0x5], $0x3E80, $0x38;
	[tilespmem:$0x14820] =	vst v63  }
0x2e: {  	s7 =	sadd.s32 $0x0, s13  }
0x2f: {  	[hbm4b:s7+s2] =	stream.linear.scatter [tilespmem:s19], [sflag:$0x7], $0x3E80, $0x38;
	[tilespmem:$0x14820] =	vst v63  }
0x30: {  	_ =	swait.ge [sflag:s25], $0x3E80  }
0x31: {  	[sflag:s25] =	ssyncset.done $0x0  }
0x32: {  	[sflag:s25] =	ssyncadd.s32 $0xFFFFC180  }
0x33: {  	_ =	swait.ge [sflag:s26], $0x3E80  }
0x34: {  	s21 =	rddreg [dreg:$0x3];
	[sflag:s26] =	ssyncset.done $0x0  }
0x35: {  	[sflag:s26] =	ssyncadd.s32 $0xFFFFC180;
	s0 =	sadd.s32 $0x0, s21  }
0x36: {  	[hbm4b:s0+s2] =	stream.linear.scatter [tilespmem:s20], [sflag:$0x6], $0x3E80, $0x38;
	[tilespmem:$0x14820] =	vst v63  }
0x37: {  	s5 =	sadd.s32 $0x0, s12  }
0x38: {  	[hbm4b:s5+s2] =	stream.linear.scatter [tilespmem:s22], [sflag:$0x8], $0x3E80, $0x38;
	[tilespmem:$0x14820] =	vst v63  }
0x39: {  	_ =	swait.ge [sflag:s28], $0x3E80  }
0x3a: {  	[sflag:s28] =	ssyncset.done $0x0  }
0x3b: {  	[sflag:s28] =	ssyncadd.s32 $0xFFFFC180  }
0x3c: {  	_ =	swait.ge [sflag:s29], $0x3E80  }
0x3d: {  	[sflag:s29] =	ssyncset.done $0x0  }
0x3e: {  	s6 =	simm.s32 $0x7D0;
	[sflag:s29] =	ssyncadd.s32 $0xFFFFC180  }
0x3f: {  	[tilespmem:s18], [sflag:$0x1] =	stream.indirect.gather [hbm4b:s3+s17], $0x10, s6, s17, $0xb8;
	[tilespmem:$0x14820] =	vst v63  }
0x40: {  	s7 =	simm.s32 $0x2EE0  }
0x41: {  	[tilespmem:s19], [sflag:$0x3] =	stream.indirect.gather [hbm4b:s4+s17], $0x10, s7, s17, $0xb8;
	[tilespmem:$0x14820] =	vst v63  }
0x42: {  	_ =	swait.ge [sflag:s30], $0x3E80  }
0x43: {  	[sflag:s30] =	ssyncset.done $0x0  }
0x44: {  	[sflag:s30] =	ssyncadd.s32 $0xFFFFC180  }
0x45: {  	_ =	swait.ge [sflag:s31], $0x3E80  }
0x46: {  	[sflag:s31] =	ssyncset.done $0x0  }
0x47: {  	s21 =	simm.s32 $0xBB8;
	s0 =	simm.s32 $0xFA0;
	[sflag:s31] =	ssyncadd.s32 $0xFFFFC180  }
0x48: {  	[tilespmem:s20], [sflag:$0x2] =	stream.indirect.gather [hbm4b:s3+s17], $0x10, s21, s17, $0xb8;
	[tilespmem:$0x14820] =	vst v63  }
0x49: {  	s5 =	simm.s32 $0x36B0;
	s6 =	simm.s32 $0x32C8;
	s21 =	simm.s32 $0xFA0  }
.LBB2_2:
0x4a: {  	[tilespmem:s22], [sflag:$0x4] =	stream.indirect.gather [hbm4b:s4+s17], $0x10, s6, s17, $0xb8;
	[tilespmem:$0x14820] =	vst v63  }
0x4b: {  	_ =	swait.ge [sflag:s23], $0x3E80  }
0x4c: {  	[sflag:s23] =	ssyncset.done $0x0  }
0x4d: {  	[sflag:s23] =	ssyncadd.s32 $0xFFFFC180  }
0x4e: {  	_ =	swait.ge [sflag:s24], $0x3E80  }
0x4f: {  	s6 =	smov.u32 s0;
	[sflag:s24] =	ssyncset.done $0x0  }
0x50: {  	s7 =	sadd.s32 s6, s14;
	[sflag:s24] =	ssyncadd.s32 $0xFFFFC180  }
0x51: {  	[hbm4b:s7+s2] =	stream.linear.scatter [tilespmem:s18], [sflag:$0x5], $0x3E80, $0x38;
	[tilespmem:$0x14820] =	vst v63  }
0x52: {  	s7 =	sadd.s32 s6, s13  }
0x53: {  	[hbm4b:s7+s2] =	stream.linear.scatter [tilespmem:s19], [sflag:$0x7], $0x3E80, $0x38;
	[tilespmem:$0x14820] =	vst v63  }
0x54: {  	_ =	swait.ge [sflag:s25], $0x3E80  }
0x55: {  	[sflag:s25] =	ssyncset.done $0x0  }
0x56: {  	[sflag:s25] =	ssyncadd.s32 $0xFFFFC180  }
0x57: {  	_ =	swait.ge [sflag:s26], $0x3E80  }
0x58: {  	s7 =	rddreg [dreg:$0x3];
	[sflag:s26] =	ssyncset.done $0x0  }
0x59: {  	[sflag:s26] =	ssyncadd.s32 $0xFFFFC180;
	s7 =	sadd.s32 s6, s7  }
0x5a: {  	[hbm4b:s7+s2] =	stream.linear.scatter [tilespmem:s20], [sflag:$0x6], $0x3E80, $0x38;
	[tilespmem:$0x14820] =	vst v63  }
0x5b: {  	s6 =	sadd.s32 s6, s12  }
0x5c: {  	[hbm4b:s6+s2] =	stream.linear.scatter [tilespmem:s22], [sflag:$0x8], $0x3E80, $0x38;
	[tilespmem:$0x14820] =	vst v63  }
0x5d: {  	_ =	swait.ge [sflag:s28], $0x3E80  }
0x5e: {  	[sflag:s28] =	ssyncset.done $0x0  }
0x5f: {  	[sflag:s28] =	ssyncadd.s32 $0xFFFFC180  }
0x60: {  	_ =	swait.ge [sflag:s29], $0x3E80  }
0x61: {  	[sflag:s29] =	ssyncset.done $0x0  }
0x62: {  	[sflag:s29] =	ssyncadd.s32 $0xFFFFC180  }
0x63: {  	[tilespmem:s18], [sflag:$0x1] =	stream.indirect.gather [hbm4b:s3+s17], $0x10, s21, s17, $0xb8;
	[tilespmem:$0x14820] =	vst v63  }
0x64: {  	_ = 	snop  }
0x65: {  	[tilespmem:s19], [sflag:$0x3] =	stream.indirect.gather [hbm4b:s4+s17], $0x10, s5, s17, $0xb8;
	[tilespmem:$0x14820] =	vst v63  }
0x66: {  	_ =	swait.ge [sflag:s30], $0x3E80  }
0x67: {  	p0 =	sne.s32 s0, $0x2EE0;
	[sflag:s30] =	ssyncset.done $0x0  }
.Ltmp0:
0x68: {  	[sflag:s30] =	ssyncadd.s32 $0xFFFFC180;
	(pc) =	sbr.rel @p0 .LBB2_2-.Ltmp0, $4  }
0x69: {  	s0 =	sadd.s32 $0xFA0, s0;
	_ =	swait.ge [sflag:s31], $0x3E80  }
0x6a: {  	s7 =	sadd.s32 $0x3E8, s21;
	s6 =	sadd.s32 $0x3E8, s5;
	[sflag:s31] =	ssyncset.done $0x0  }
0x6b: {  	s21 =	sadd.s32 $0x7D0, s21;
	s5 =	sadd.s32 $0x7D0, s5;
	[sflag:s31] =	ssyncadd.s32 $0xFFFFC180  }
0x6c: {  	[tilespmem:s20], [sflag:$0x2] =	stream.indirect.gather [hbm4b:s3+s17], $0x10, s7, s17, $0xb8;
	[tilespmem:$0x14820] =	vst v63  }
0x6d: {  	[tilespmem:s22], [sflag:$0x4] =	stream.indirect.gather [hbm4b:s4+s17], $0x10, s6, s17, $0xb8;
	[tilespmem:$0x14820] =	vst v63  }
0x6e: {  	_ =	swait.ge [sflag:s23], $0x3E80  }
0x6f: {  	[sflag:s23] =	ssyncset.done $0x0  }
0x70: {  	[sflag:s23] =	ssyncadd.s32 $0xFFFFC180  }
0x71: {  	_ =	swait.ge [sflag:s24], $0x3E80  }
0x72: {  	[sflag:s24] =	ssyncset.done $0x0  }
0x73: {  	[sflag:s24] =	ssyncadd.s32 $0xFFFFC180  }
0x74: {  	[hbm4b:s8+s2] =	stream.linear.scatter [tilespmem:s18], [sflag:$0x5], $0x3E80, $0x38;
	[tilespmem:$0x14820] =	vst v63  }
0x75: {  	_ = 	snop  }
0x76: {  	[hbm4b:s9+s2] =	stream.linear.scatter [tilespmem:s19], [sflag:$0x7], $0x3E80, $0x38;
	[tilespmem:$0x14820] =	vst v63  }
0x77: {  	_ =	swait.ge [sflag:s25], $0x3E80  }
0x78: {  	[sflag:s25] =	ssyncset.done $0x0  }
0x79: {  	[sflag:s25] =	ssyncadd.s32 $0xFFFFC180  }
0x7a: {  	_ =	swait.ge [sflag:s26], $0x3E80  }
0x7b: {  	[sflag:s26] =	ssyncset.done $0x0  }
0x7c: {  	[sflag:s26] =	ssyncadd.s32 $0xFFFFC180  }
0x7d: {  	[hbm4b:s10+s2] =	stream.linear.scatter [tilespmem:s20], [sflag:$0x6], $0x3E80, $0x38;
	[tilespmem:$0x14820] =	vst v63  }
0x7e: {  	_ = 	snop  }
0x7f: {  	[hbm4b:s11+s2] =	stream.linear.scatter [tilespmem:s22], [sflag:$0x8], $0x3E80, $0x38;
	[tilespmem:$0x14820] =	vst v63  }
0x80: {  	_ =	swait.ge [sflag:s28], $0x3E80  }
0x81: {  	[sflag:s28] =	ssyncset.done $0x0  }
0x82: {  	[sflag:s28] =	ssyncadd.s32 $0xFFFFC180  }
0x83: {  	_ =	swait.ge [sflag:s29], $0x3E80  }
0x84: {  	[sflag:s29] =	ssyncset.done $0x0  }
0x85: {  	[sflag:s29] =	ssyncadd.s32 $0xFFFFC180  }
0x86: {  	_ =	swait.ge [sflag:s30], $0x3E80  }
0x87: {  	[sflag:s30] =	ssyncset.done $0x0  }
0x88: {  	[sflag:s30] =	ssyncadd.s32 $0xFFFFC180  }
0x89: {  	_ =	swait.ge [sflag:s31], $0x3E80  }
0x8a: {  	s1 =	sadd.s32 $0x1, s1;
	s0 =	rddreg [dreg:$0x6]  }
0x8b: {  	p0 =	sne.s32 s1, s0  }
.Ltmp1:
0x8c: {  	_ = 	snop;
	(pc) =	sbr.rel @p0 .LBB2_1-.Ltmp1, $3  }
0x8d: {  	_ =	sdelay $0x1  }
0x8e: {  	[sflag:s31] =	ssyncset.done $0x0  }
0x8f: {  	[sflag:s31] =	ssyncadd.s32 $0xFFFFC180  }
0x90: {  	_ =	sfence.sel $0x180000  }
0x91: {  	[bflag:$0x0] =	sbarrier.arrive $0xFFFF  }
0x92: {  	_ =	strace $0x90000053  }
0x93: {  	s0 =	stileid.u32;
	[bflag:$0x2] =	sbarrier.arrive $0xFFFF  }
0x94: {  	p0 =	sne.s32 s0, $0x0;
	s0 =	rddreg [dreg:$0x2]  }
0x95: {  	s0 =	sadd.s32 @!p0 $0x100000, s0  }
0x96: {  	[sflag:s0] =	ssyncadd.tile.s32 @!p0 $0x1;
	_ =	shalt  }
.Lfunc_end2:
_tile_overlayer_lowered:
.L_overlay_start_2:
0x97: {  	(tag) =	ssettag $0x2  }
0x98: {  	s0 =	rddreg [dreg:$0x0];
	s2 =	stileid.u32  }
0x99: {  	s1 =	rddreg [dreg:$0x1];
	p0 =	sne.s32 s2, $0x0  }
0x9a: {  	s3 =	rddreg [dreg:$0x2];
	[bflag:$0x3] =	sbarrier.arrive $0xFFFF;
	s2 =	simm.s32 @!p0 $0x1C09  }
0x9b: {  	[timem:s3], [sflag:s2] =	dma.local @!p0 [hbm:s0], s1  }
0x9c: {  	s0 =	simm.s32 @!p0 $0x9  }
0x9d: {  	_ =	swait.ge @!p0 [sflag:s0], s1  }
0x9e: {  	s1 =	ssub.s32 @!p0 $0x0, s1;
	[sflag:s0] =	ssyncset.done @!p0 $0x0  }
0x9f: {  	[sflag:s0] =	ssyncadd.s32 @!p0 s1  }
0xa0: {  	[bflag:$0x3] =	sbarrier.arrive $0xFFFF  }
0xa1: {  	_ =	shalt  }

// kernel: kernel.38.cloned.1.call-start
scs
__scs_entry_jumppad:
0x0: {  	(pc) =	sbr.rel $0x88, $3  }
0x1: {  	(tag) =	ssettag $0x0;
	lr =	simm.s32 $0x1  }
0x2: {  	[smem:$0x3F9B] =	sst lr;
	_ =	strace $0xD0000000  }
0x3: {  	_ = 	snop  }
0x4: {  	_ = 	snop  }
0x5: {  	_ = 	snop  }
0x6: {  	_ = 	snop  }
0x7: {  	_ = 	snop  }
__scs_overlays_trampoline_lowered:
0x8: {  	[smem:$0x3FAA] =	sst s0  }
0x9: {  	[smem:$0x3FAB] =	sst s1  }
0xa: {  	[smem:$0x3FAC] =	sst s2  }
0xb: {  	[smem:$0x3FAD] =	sst s3  }
0xc: {  	[smem:$0x3FAE] =	sst s4  }
0xd: {  	[smem:$0x3FAF] =	sst s5  }
0xe: {  	[smem:$0x3FB0] =	sst s6  }
0xf: {  	[smem:$0x3FB1] =	sst s7  }
0x10: {  	[smem:$0x3FB2] =	sst s8  }
0x11: {  	[smem:$0x3FB3] =	sst s9;
	s0 =	simm.s32 @!p0 $0x0  }
0x12: {  	s1 =	sld [smem:$0x3F99];
	s0 =	simm.s32 @p0 $0x1  }
0x13: {  	[smem:$0x3FB4] =	sst s0;
	s0 =	simm.s32 @!p1 $0x0  }
0x14: {  	s2 =	sld [smem:$0x3F98];
	s0 =	simm.s32 @p1 $0x1  }
0x15: {  	[smem:$0x3FB5] =	sst s0;
	s0 =	simm.s32 @!p2 $0x0  }
0x16: {  	s3 =	sld [smem:$0x3FDB];
	s0 =	simm.s32 @p2 $0x1  }
0x17: {  	s4 =	simm.s32 $0x1BF5;
	[smem:$0x3FB7] =	sst s0  }
0x18: {  	s0 =	sld [smem:$0x3F9A];
	_ =	swait.ge [sflag:s4], $0x0  }
0x19: {  	s7 =	sld [smem:$0x3F9B]  }
0x1a: {  	s8 =	sadd.s32 $0xFFFFE003, lr  }
0x1b: {  	s9 =	sadd.s32 $0xFFFFFEF7, lr;
	s5 =	simm.s32 $0xFFFFFFFF;
	p2 =	slt.u32 s8, $0xFFFFF086  }
0x1c: {  	p1 =	slt.u32 s9, $0xF7A;
	s5 =	simm.s32 @!p2 $0x0  }
0x1d: {  	s5 =	simm.s32 @p1 $0x1;
	p0 =	seq.s32 s7, s2  }
0x1e: {  	s7 =	smul.u32 @!p0 $0xF7A, s2;
	p2 =	seq.s32 @!p0 s5, $0x0  }
0x1f: {  	s9 =	smul.u32 $0xF7A, s1;
	s8 =	simm.s32 @!p0 $0x1BF5;
	p2 =	por !p2, p0  }
0x20: {  	[sflag:s8] =	ssyncset.s32 @!p0 $0xFFFFF086;
	s6 =	sadd.s32 @!p0 s3, s7;
	s7 =	simm.s32 @!p0 $0x108  }
0x21: {  	s3 =	sadd.s32 s3, s9;
	s6 =	sadd.s32 @!p0 $0x88, s6;
	s7 =	simm.s32 @p2 $0x1082  }
0x22: {  	[simem:s7], [sflag:s8] =	dma.local @!p0 [hbm:s6], $0xF7A  }
0x23: {  	s9 =	sor.u32 $0xD0000000, s2;
	s6 =	simm.s32 $0x108;
	_ =	swait.ge @!p0 [sflag:s8], $0x0  }
0x24: {  	s3 =	sadd.s32 $0x88, s3;
	s6 =	simm.s32 @!p1 $0x1082;
	[sflag:s4] =	ssyncset.s32 $0xFFFFF086  }
0x25: {  	[simem:s6], [sflag:s4] =	dma.local [hbm:s3], $0xF7A  }
0x26: {  	[smem:$0x3F9B] =	sst s1;
	(tag) =	ssettag s2;
	_ =	strace s9  }
0x27: {  	s1 =	sld [smem:$0x3FAB]  }
0x28: {  	s2 =	sld [smem:$0x3FAC]  }
0x29: {  	s4 =	sld [smem:$0x3FAE]  }
0x2a: {  	p0 =	seq.s32 s5, $0x0;
	s5 =	sld [smem:$0x3FAF]  }
0x2b: {  	s6 =	sld [smem:$0x3FB0]  }
0x2c: {  	s7 =	sld [smem:$0x3FB1]  }
0x2d: {  	s3 =	simm.s32 $0x108;
	s8 =	sld [smem:$0x3FB2]  }
0x2e: {  	s3 =	simm.s32 @!p0 $0x1082;
	s9 =	sld [smem:$0x3FB3]  }
0x2f: {  	lr =	sadd.s32 s0, s3;
	s0 =	sld [smem:$0x3FAA]  }
0x30: {  	s3 =	sld [smem:$0x3FAD]  }
0x31: {  	[smem:$0x3FB6] =	sst s10  }
0x32: {  	s10 =	sld [smem:$0x3FB4];
	_ =	sdelay $0x3  }
0x33: {  	p0 =	seq.s32 s10, $0x1;
	s10 =	sld [smem:$0x3FB6];
	_ =	sdelay $0x3  }
0x34: {  	[smem:$0x3FB6] =	sst s10  }
0x35: {  	s10 =	sld [smem:$0x3FB5];
	_ =	sdelay $0x3  }
0x36: {  	p1 =	seq.s32 s10, $0x1;
	s10 =	sld [smem:$0x3FB6];
	_ =	sdelay $0x3  }
0x37: {  	[smem:$0x3FB6] =	sst s10  }
0x38: {  	s10 =	sld [smem:$0x3FB7]  }
0x39: {  	_ = 	snop;
	(pc) =	sbr.ind lr, $3  }
0x3a: {  	_ = 	snop  }
0x3b: {  	_ = 	snop  }
0x3c: {  	p2 =	seq.s32 s10, $0x1;
	s10 =	sld [smem:$0x3FB6]  }
0x3d: {  	_ =	shalt  }
0x3e: {  	_ =	shalt  }
0x3f: {  	_ =	shalt  }
0x40: {  	_ =	shalt  }
0x41: {  	_ =	shalt  }
0x42: {  	_ =	shalt  }
0x43: {  	_ =	shalt  }
0x44: {  	_ =	shalt  }
0x45: {  	_ =	shalt  }
0x46: {  	_ =	shalt  }
0x47: {  	_ =	shalt  }
0x48: {  	_ =	shalt  }
0x49: {  	_ =	shalt  }
0x4a: {  	_ =	shalt  }
0x4b: {  	_ =	shalt  }
0x4c: {  	_ =	shalt  }
0x4d: {  	_ =	shalt  }
0x4e: {  	_ =	shalt  }
0x4f: {  	_ =	shalt  }
0x50: {  	_ =	shalt  }
0x51: {  	_ =	shalt  }
0x52: {  	_ =	shalt  }
0x53: {  	_ =	shalt  }
0x54: {  	_ =	shalt  }
0x55: {  	_ =	shalt  }
0x56: {  	_ =	shalt  }
0x57: {  	_ =	shalt  }
0x58: {  	_ =	shalt  }
0x59: {  	_ =	shalt  }
0x5a: {  	_ =	shalt  }
0x5b: {  	_ =	shalt  }
0x5c: {  	_ =	shalt  }
0x5d: {  	_ =	shalt  }
0x5e: {  	_ =	shalt  }
0x5f: {  	_ =	shalt  }
0x60: {  	_ =	shalt  }
0x61: {  	_ =	shalt  }
0x62: {  	_ =	shalt  }
0x63: {  	_ =	shalt  }
0x64: {  	_ =	shalt  }
0x65: {  	_ =	shalt  }
0x66: {  	_ =	shalt  }
0x67: {  	_ =	shalt  }
0x68: {  	_ =	shalt  }
0x69: {  	_ =	shalt  }
0x6a: {  	_ =	shalt  }
0x6b: {  	_ =	shalt  }
0x6c: {  	_ =	shalt  }
0x6d: {  	_ =	shalt  }
0x6e: {  	_ =	shalt  }
0x6f: {  	_ =	shalt  }
0x70: {  	_ =	shalt  }
0x71: {  	_ =	shalt  }
0x72: {  	_ =	shalt  }
0x73: {  	_ =	shalt  }
0x74: {  	_ =	shalt  }
0x75: {  	_ =	shalt  }
0x76: {  	_ =	shalt  }
0x77: {  	_ =	shalt  }
0x78: {  	_ =	shalt  }
0x79: {  	_ =	shalt  }
0x7a: {  	_ =	shalt  }
0x7b: {  	_ =	shalt  }
0x7c: {  	_ =	shalt  }
0x7d: {  	_ =	shalt  }
0x7e: {  	_ =	shalt  }
0x7f: {  	_ =	shalt  }
0x80: {  	_ =	shalt  }
0x81: {  	_ =	shalt  }
0x82: {  	_ =	shalt  }
0x83: {  	_ =	shalt  }
0x84: {  	_ =	shalt  }
0x85: {  	_ =	shalt  }
0x86: {  	_ =	shalt  }
0x87: {  	_ =	shalt  }
.Lfunc_end0:
.L_simem_size_0:
called_computation.5_lowered:
.L_overlay_start_0:
0x88: {  	s2 =	sld [smem:$0x3FD9]  }
0x89: {  	s3 =	sld [smem:$0x3FFE];
	_ =	sdelay $0x1  }
0x8a: {  	s1 =	srdreg.scid  }
0x8b: {  	s0 =	sand.u32 $0x1, s1  }
0x8c: {  	s17 =	sshll.u32 s0, $0xA;
	s2 =	sadd.s32 s3, s2  }
0x8d: {  	s2 =	sadd.s32 s2, s17  }
0x8e: {  	[smem:$0x3FC2] =	sst s2  }
0x8f: {  	_ = 	snop  }
0x90: {  	s2 =	sld [smem:$0x3FD0];
	(tm) =	ssettm $0x1  }
0x91: {  	s18 =	sld [smem:$0x3FFB];
	_ =	sdelay $0x3  }
0x92: {  	_ =	strace s18  }
0x93: {  	s3 =	sld [smem:$0x3FFC];
	_ =	sdelay $0x3  }
0x94: {  	_ =	strace s3  }
0x95: {  	s3 =	sld [smem:$0x3FFD];
	_ =	sdelay $0x3  }
0x96: {  	_ =	strace s3  }
0x97: {  	_ =	strace $0x8FFFFFFF  }
0x98: {  	s19 =	sld [smem:$0x3FDB];
	_ =	sdelay $0x1  }
0x99: {  	s4 =	simm.s32 $_scs_section_size  }
0x9a: {  	s5 =	simm.s32 $_size__tile_overlayer_lowered;
	s6 =	simm.s32 $_tile_overlayer_lowered  }
0x9b: {  	s22 =	simm.s32 $0x1BFF;
	s21 =	sshll.u32 s6, $0x1;
	s3 =	sadd.s32 s4, s19  }
0x9c: {  	s7 =	simm.s32 $0x0;
	s20 =	sshll.u32 s5, $0x1;
	s5 =	sadd.s32 s21, s3  }
0x9d: {  	[timem:s7], [sflag:s22] =	dma.local [hbm:s5], s20  }
0x9e: {  	_ =	swait.ge [sflag:s22], s20  }
0x9f: {  	s4 =	ssub.s32 $0x0, s20;
	[sflag:s22] =	ssyncset.done $0x0  }
0xa0: {  	[sflag:s22] =	ssyncadd.s32 s4;
	_ =	sdelay $0x1  }
0xa1: {  	s23 =	simm.s32 $0x1B8B  }
0xa2: {  	_ =	swait.ge [sflag:s23], $0x1  }
0xa3: {  	[sflag:s23] =	ssyncset.done $0x0  }
0xa4: {  	s25 =	simm.s32 $0x1B8E;
	s24 =	sld [smem:$0x3FFE];
	[sflag:s23] =	ssyncadd.s32 $0xFFFFFFFF  }
0xa5: {  	s26 =	simm.s32 $execute0_lowered;
	[smem:$0x3FD2] =	sst s25  }
0xa6: {  	s5 =	sshll.u32 s26, $0x1;
	_ =	strace $0x80000055;
	[dreg:$0x1] =	wrdreg $0xFFFFFFFF  }
0xa7: {  	s28 =	simm.s32 $_size_execute0_lowered;
	s3 =	sadd.s32 s3, s5;
	[dreg:$0x0] =	wrdreg $0x0  }
0xa8: {  	s5 =	sshll.u32 s28, $0x1;
	[dreg:$0x2] =	wrdreg s3  }
0xa9: {  	[dreg:$0x3] =	wrdreg s5  }
0xaa: {  	[dreg:$0x4] =	wrdreg $0xC0  }
0xab: {  	_ =	task [dreg:s7], $0x5FFFF  }
0xac: {  	[dreg:$0x1] =	wrdreg $0xFFFFFFFF  }
0xad: {  	[dreg:$0x0] =	wrdreg $0x60  }
0xae: {  	[dreg:$0x2] =	wrdreg s24  }
0xaf: {  	[dreg:$0x3] =	wrdreg s2  }
0xb0: {  	[dreg:$0x4] =	wrdreg $0xA4100  }
0xb1: {  	[dreg:$0x5] =	wrdreg $0x9  }
0xb2: {  	_ =	task.clear_ibuf [dreg:s7], $0x6FFFF;
	_ =	strace $0x90000055  }
0xb3: {  	s29 =	simm.s32 $0x9;
	_ =	strace $0x80000057  }
0xb4: {  	_ =	swait.ge [sflag:s29], $0x1  }
0xb5: {  	[sflag:s29] =	ssyncadd.s32 $0xFFFFFFFF  }
0xb6: {  	_ =	strace $0x90000057  }
0xb7: {  	_ =	sfence  }
0xb8: {  	s30 =	sld [smem:$0x0];
	_ =	sdelay $0x2  }
0xb9: {  	s31 =	sshll.u32 s1, $0xD;
	s1 =	sshrl.u32 s1, $0x2  }
0xba: {  	s3 =	sand.u32 $0x4000, s31;
	s1 =	sadd.s32 s1, s30  }
0xbb: {  	s0 =	sor.u32 s3, s0;
	s1 =	sshll.u32 s1, $0x11  }
0xbc: {  	s0 =	sor.u32 s1, s0  }
0xbd: {  	s0 =	sadd.s32 $0x8F2B, s0  }
0xbe: {  	[sflag:s0] =	ssyncadd.remote.s32 $0x1  }
0xbf: {  	_ =	sfence.sel $0xFFFF  }
0xc0: {  	[dreg:$0x0] =	wrdreg $0xFFFFFFFF;
	(pc) =	sbr.abs _section_cstart, $3  }
0xc1: {  	[dreg:$0x1] =	wrdreg $0xFFFFFFFF  }
0xc2: {  	_ =	task.clear_ibuf [dreg:s7], $0x2FFFF;
	_ =	strace $0x9FFFFFFF  }
0xc3: {  	(tm) =	ssettm $0x7FFFFFFF  }
tec
execute0_lowered:
.L_overlay_start_1:
0x0: {  	(tag) =	ssettag $0x1  }
0x1: {  	s0 =	srdreg.scid  }
0x2: {  	s3 =	rddreg [dreg:$0x0];
	s31 =	sand.u32 $0x1, s0  }
0x3: {  	s1 =	rddreg [dreg:$0x1];
	s4 =	stileid.u32;
	s0 =	sshll.u32 s31, $0x4  }
0x4: {  	[dreg:$0x4] =	wrdreg s1;
	s5 =	sor.u32 s4, s0  }
0x5: {  	s2 =	simm.s32 $0x0;
	s1 =	rddreg [dreg:$0x2];
	s6 =	smul.u32 $0x4E2, s5  }
0x6: {  	[smem:$0x7FF] =	sst s2;
	s9 =	sadd.s32 $0x18600, s3;
	s8 =	smul.u32 $0x4E20, s31  }
0x7: {  	_ =	strace $0x80000056;
	s7 =	smul.u32 $0x27100, s5;
	s6 =	sadd.s32 s6, s3  }
0x8: {  	s5 =	smul.u32 $0x4E20, s5;
	s3 =	sadd.s32 s8, s3;
	s6 =	sadd.s32 $0xE800, s6  }
0x9: {  	s7 =	sshrl.u32 s7, $0x3;
	s25 =	sadd.s32 $0xB4A00, s3;
	[dreg:$0x5] =	wrdreg s6  }
0xa: {  	p0 =	sne.s32 s4, $0x0;
	s7 =	sadd.s32 s9, s7;
	[dreg:$0x7] =	wrdreg s25  }
0xb: {  	s3 =	sadd.s32 s9, s5;
	s24 =	sadd.s32 $0x7D0, s7;
	s7 =	rddreg [dreg:$0x4]  }
0xc: {  	s4 =	simm.s32 @!p0 $0x5;
	s5 =	sadd.s32 $0xFA0, s3;
	[dreg:$0x6] =	wrdreg s24  }
0xd: {  	s6 =	simm.s32 @!p0 $0x1C05;
	[dreg:$0x8] =	wrdreg s5;
	s5 =	sshrl.u32 @!p0 s1, $0x3  }
0xe: {  	[spmem:s5], [sflag:s6] =	dma.local @!p0 [hbm:s7], $0x4E20  }
0xf: {  	_ =	swait.ge @!p0 [sflag:s4], $0x4E20  }
0x10: {  	[sflag:s4] =	ssyncset.done @!p0 $0x0  }
0x11: {  	[sflag:s4] =	ssyncadd.s32 @!p0 $0xFFFFB1E0  }
0x12: {  	[bflag:$0x0] =	sbarrier.arrive $0xFFFF  }
0x13: {  	s7 =	simm.s32 $0x5;
	s26 =	rddreg [dreg:$0x5]  }
0x14: {  	[tilespmem:s2], [sflag:$0x5] =	stream.linear.gather [hbm4b:s26+s2], $0x2710, $0x38;
	[tilespmem:$0xCB20] =	vst v63  }
0x15: {  	_ =	swait.ge [sflag:s7], $0x2710  }
0x16: {  	[sflag:s7] =	ssyncset.done $0x0  }
0x17: {  	s8 =	simm.s32 $0x2710;
	[sflag:s7] =	ssyncadd.s32 $0xFFFFD8F0  }
0x18: {  	[tilespmem:s8], [sflag:$0x1] =	stream.linear.gather [hbm4b:s3+s2], $0x3E80, $0x38;
	[tilespmem:$0xCB20] =	vst v63  }
0x19: {  	s10 =	simm.s32 $0x1;
	s9 =	simm.s32 $0x6590;
	s11 =	rddreg [dreg:$0x6]  }
0x1a: {  	[tilespmem:s9], [sflag:$0x2] =	stream.linear.gather [hbm4b:s11+s2], $0x3E80, $0x38;
	[tilespmem:$0xCB20] =	vst v63  }
0x1b: {  	_ =	swait.ge [sflag:s10], $0x3E80  }
0x1c: {  	[sflag:s10] =	ssyncset.done $0x0  }
0x1d: {  	s12 =	simm.s32 $0x2;
	s11 =	simm.s32 $0x3E8;
	[sflag:s10] =	ssyncadd.s32 $0xFFFFC180  }
0x1e: {  	[spmem:s1] =	stream.indirect.scatter.add.f32 [tilespmem:s8], [sflag:$0x3], $0x10, s2, s11, $0xb8;
	[tilespmem:$0xCB20] =	vst v63  }
0x1f: {  	_ =	swait.ge [sflag:s12], $0x3E80  }
0x20: {  	[sflag:s12] =	ssyncset.done $0x0  }
0x21: {  	s13 =	simm.s32 $0x3;
	[sflag:s12] =	ssyncadd.s32 $0xFFFFC180  }
0x22: {  	[spmem:s1] =	stream.indirect.scatter.add.f32 [tilespmem:s9], [sflag:$0x4], $0x10, s11, s11, $0xb8;
	[tilespmem:$0xCB20] =	vst v63  }
0x23: {  	_ =	swait.ge [sflag:s13], $0x3E80  }
0x24: {  	[sflag:s13] =	ssyncset.done $0x0  }
0x25: {  	s14 =	simm.s32 $0x4;
	s15 =	rddreg [dreg:$0x8];
	[sflag:s13] =	ssyncadd.s32 $0xFFFFC180  }
0x26: {  	[tilespmem:s8], [sflag:$0x1] =	stream.linear.gather [hbm4b:s15+s2], $0x3E80, $0x38;
	[tilespmem:$0xCB20] =	vst v63  }
0x27: {  	_ =	swait.ge [sflag:s14], $0x3E80  }
0x28: {  	[sflag:s14] =	ssyncset.done $0x0  }
0x29: {  	s15 =	sadd.s32 $0x1770, s3;
	[sflag:s14] =	ssyncadd.s32 $0xFFFFC180  }
0x2a: {  	[tilespmem:s9], [sflag:$0x2] =	stream.linear.gather [hbm4b:s15+s2], $0x3E80, $0x38;
	[tilespmem:$0xCB20] =	vst v63  }
0x2b: {  	_ =	swait.ge [sflag:s10], $0x3E80  }
0x2c: {  	[sflag:s10] =	ssyncset.done $0x0  }
0x2d: {  	s16 =	simm.s32 $0x7D0;
	[sflag:s10] =	ssyncadd.s32 $0xFFFFC180  }
0x2e: {  	[spmem:s1] =	stream.indirect.scatter.add.f32 [tilespmem:s8], [sflag:$0x3], $0x10, s16, s11, $0xb8;
	[tilespmem:$0xCB20] =	vst v63  }
0x2f: {  	_ =	swait.ge [sflag:s12], $0x3E80  }
0x30: {  	[sflag:s12] =	ssyncset.done $0x0  }
0x31: {  	s17 =	simm.s32 $0xBB8;
	[sflag:s12] =	ssyncadd.s32 $0xFFFFC180  }
0x32: {  	[spmem:s1] =	stream.indirect.scatter.add.f32 [tilespmem:s9], [sflag:$0x4], $0x10, s17, s11, $0xb8;
	[tilespmem:$0xCB20] =	vst v63  }
0x33: {  	_ =	swait.ge [sflag:s13], $0x3E80  }
0x34: {  	[sflag:s13] =	ssyncset.done $0x0  }
0x35: {  	s18 =	sadd.s32 $0x1F40, s3;
	[sflag:s13] =	ssyncadd.s32 $0xFFFFC180  }
0x36: {  	[tilespmem:s8], [sflag:$0x1] =	stream.linear.gather [hbm4b:s18+s2], $0x3E80, $0x38;
	[tilespmem:$0xCB20] =	vst v63  }
0x37: {  	_ =	swait.ge [sflag:s14], $0x3E80  }
0x38: {  	[sflag:s14] =	ssyncset.done $0x0  }
0x39: {  	s19 =	sadd.s32 $0x2710, s3;
	[sflag:s14] =	ssyncadd.s32 $0xFFFFC180  }
0x3a: {  	[tilespmem:s9], [sflag:$0x2] =	stream.linear.gather [hbm4b:s19+s2], $0x3E80, $0x38;
	[tilespmem:$0xCB20] =	vst v63  }
0x3b: {  	_ =	swait.ge [sflag:s10], $0x3E80  }
0x3c: {  	[sflag:s10] =	ssyncset.done $0x0  }
0x3d: {  	s20 =	simm.s32 $0xFA0;
	[sflag:s10] =	ssyncadd.s32 $0xFFFFC180  }
0x3e: {  	[spmem:s1] =	stream.indirect.scatter.add.f32 [tilespmem:s8], [sflag:$0x3], $0x10, s20, s11, $0xb8;
	[tilespmem:$0xCB20] =	vst v63  }
0x3f: {  	_ =	swait.ge [sflag:s12], $0x3E80  }
0x40: {  	[sflag:s12] =	ssyncset.done $0x0  }
0x41: {  	s21 =	simm.s32 $0x1388;
	[sflag:s12] =	ssyncadd.s32 $0xFFFFC180  }
0x42: {  	[spmem:s1] =	stream.indirect.scatter.add.f32 [tilespmem:s9], [sflag:$0x4], $0x10, s21, s11, $0xb8;
	[tilespmem:$0xCB20] =	vst v63  }
0x43: {  	_ =	swait.ge [sflag:s13], $0x3E80  }
0x44: {  	[sflag:s13] =	ssyncset.done $0x0  }
0x45: {  	s22 =	sadd.s32 $0x2EE0, s3;
	[sflag:s13] =	ssyncadd.s32 $0xFFFFC180  }
0x46: {  	[tilespmem:s8], [sflag:$0x1] =	stream.linear.gather [hbm4b:s22+s2], $0x3E80, $0x38;
	[tilespmem:$0xCB20] =	vst v63  }
0x47: {  	_ =	swait.ge [sflag:s14], $0x3E80  }
0x48: {  	[sflag:s14] =	ssyncset.done $0x0  }
0x49: {  	s23 =	sadd.s32 $0x36B0, s3;
	[sflag:s14] =	ssyncadd.s32 $0xFFFFC180  }
0x4a: {  	[tilespmem:s9], [sflag:$0x2] =	stream.linear.gather [hbm4b:s23+s2], $0x3E80, $0x38;
	[tilespmem:$0xCB20] =	vst v63  }
0x4b: {  	_ =	swait.ge [sflag:s10], $0x3E80  }
0x4c: {  	[sflag:s10] =	ssyncset.done $0x0  }
0x4d: {  	s24 =	simm.s32 $0x1770;
	[sflag:s10] =	ssyncadd.s32 $0xFFFFC180  }
0x4e: {  	[spmem:s1] =	stream.indirect.scatter.add.f32 [tilespmem:s8], [sflag:$0x3], $0x10, s24, s11, $0xb8;
	[tilespmem:$0xCB20] =	vst v63  }
0x4f: {  	_ =	swait.ge [sflag:s12], $0x3E80  }
0x50: {  	[sflag:s12] =	ssyncset.done $0x0  }
0x51: {  	s25 =	simm.s32 $0x1B58;
	[sflag:s12] =	ssyncadd.s32 $0xFFFFC180  }
0x52: {  	[spmem:s1] =	stream.indirect.scatter.add.f32 [tilespmem:s9], [sflag:$0x4], $0x10, s25, s11, $0xb8;
	[tilespmem:$0xCB20] =	vst v63  }
0x53: {  	_ =	swait.ge [sflag:s13], $0x3E80  }
0x54: {  	[sflag:s13] =	ssyncset.done $0x0  }
0x55: {  	s26 =	sadd.s32 $0x3E80, s3;
	[sflag:s13] =	ssyncadd.s32 $0xFFFFC180  }
0x56: {  	[tilespmem:s8], [sflag:$0x1] =	stream.linear.gather [hbm4b:s26+s2], $0x3E80, $0x38;
	[tilespmem:$0xCB20] =	vst v63  }
0x57: {  	_ =	swait.ge [sflag:s14], $0x3E80  }
0x58: {  	[sflag:s14] =	ssyncset.done $0x0  }
0x59: {  	s28 =	sadd.s32 $0x4650, s3;
	[sflag:s14] =	ssyncadd.s32 $0xFFFFC180  }
0x5a: {  	[tilespmem:s9], [sflag:$0x2] =	stream.linear.gather [hbm4b:s28+s2], $0x3E80, $0x38;
	[tilespmem:$0xCB20] =	vst v63  }
0x5b: {  	_ =	swait.ge [sflag:s10], $0x3E80  }
0x5c: {  	[sflag:s10] =	ssyncset.done $0x0  }
0x5d: {  	s29 =	simm.s32 $0x1F40;
	[sflag:s10] =	ssyncadd.s32 $0xFFFFC180  }
0x5e: {  	[spmem:s1] =	stream.indirect.scatter.add.f32 [tilespmem:s8], [sflag:$0x3], $0x10, s29, s11, $0xb8;
	[tilespmem:$0xCB20] =	vst v63  }
0x5f: {  	_ =	swait.ge [sflag:s12], $0x3E80  }
0x60: {  	[sflag:s12] =	ssyncset.done $0x0  }
0x61: {  	s30 =	simm.s32 $0x2328;
	[sflag:s12] =	ssyncadd.s32 $0xFFFFC180  }
0x62: {  	[spmem:s1] =	stream.indirect.scatter.add.f32 [tilespmem:s9], [sflag:$0x4], $0x10, s30, s11, $0xb8;
	[tilespmem:$0xCB20] =	vst v63  }
0x63: {  	_ =	swait.ge [sflag:s13], $0x3E80  }
0x64: {  	[sflag:s13] =	ssyncset.done $0x0  }
0x65: {  	[sflag:s13] =	ssyncadd.s32 $0xFFFFC180  }
0x66: {  	_ =	swait.ge [sflag:s14], $0x3E80  }
0x67: {  	[sflag:s14] =	ssyncset.done $0x0  }
0x68: {  	[sflag:s14] =	ssyncadd.s32 $0xFFFFC180  }
0x69: {  	[bflag:$0x0] =	sbarrier.arrive $0xFFFF  }
0x6a: {  	s31 =	ssub.s32 $0x2, s31;
	s0 =	rddreg [dreg:$0x7]  }
0x6b: {  	[dreg:$0x9] =	wrdreg s0;
	s0 =	sshrl.u32 s31, $0x1  }
0x6c: {  	s0 =	ssub.s32 s31, s0;
	s31 =	rddreg [dreg:$0x9]  }
0x6d: {  	[hbm:s31], [sflag:s6] =	dma.local @!p0 [spmem:s5], $0x4E20  }
0x6e: {  	s0 =	smax.u32 s0, $0x1  }
0x6f: {  	s31 =	sadd.s32 $0xFFFFFFFF, s0  }
0x70: {  	p1 =	sne.s32 s31, $0x0  }
.Ltmp0:
0x71: {  	_ = 	snop;
	(pc) =	sbr.rel @!p1 .LBB2_2-.Ltmp0, $2  }
0x72: {  	_ =	sdelay $0x2  }
0x73: {  	_ =	swait.ge @!p0 [sflag:s4], $0x4E20  }
.LBB2_1:
0x74: {  	[sflag:s4] =	ssyncset.done @!p0 $0x0  }
0x75: {  	s0 =	rddreg [dreg:$0x4];
	[sflag:s4] =	ssyncadd.s32 @!p0 $0xFFFFB1E0  }
0x76: {  	[spmem:s5], [sflag:s6] =	dma.local @!p0 [hbm:s0], $0x4E20  }
0x77: {  	_ =	swait.ge @!p0 [sflag:s4], $0x4E20  }
0x78: {  	[sflag:s4] =	ssyncset.done @!p0 $0x0  }
0x79: {  	[sflag:s4] =	ssyncadd.s32 @!p0 $0xFFFFB1E0  }
0x7a: {  	[bflag:$0x0] =	sbarrier.arrive $0xFFFF  }
0x7b: {  	s0 =	rddreg [dreg:$0x5]  }
0x7c: {  	[tilespmem:s2], [sflag:$0x5] =	stream.linear.gather [hbm4b:s0+s2], $0x2710, $0x38;
	[tilespmem:$0xCB20] =	vst v63  }
0x7d: {  	_ =	swait.ge [sflag:s7], $0x2710  }
0x7e: {  	[sflag:s7] =	ssyncset.done $0x0  }
0x7f: {  	[sflag:s7] =	ssyncadd.s32 $0xFFFFD8F0  }
0x80: {  	[tilespmem:s8], [sflag:$0x1] =	stream.linear.gather [hbm4b:s3+s2], $0x3E80, $0x38;
	[tilespmem:$0xCB20] =	vst v63  }
0x81: {  	s0 =	rddreg [dreg:$0x6]  }
0x82: {  	[tilespmem:s9], [sflag:$0x2] =	stream.linear.gather [hbm4b:s0+s2], $0x3E80, $0x38;
	[tilespmem:$0xCB20] =	vst v63  }
0x83: {  	_ =	swait.ge [sflag:s10], $0x3E80  }
0x84: {  	[sflag:s10] =	ssyncset.done $0x0  }
0x85: {  	[sflag:s10] =	ssyncadd.s32 $0xFFFFC180  }
0x86: {  	[spmem:s1] =	stream.indirect.scatter.add.f32 [tilespmem:s8], [sflag:$0x3], $0x10, s2, s11, $0xb8;
	[tilespmem:$0xCB20] =	vst v63  }
0x87: {  	_ =	swait.ge [sflag:s12], $0x3E80  }
0x88: {  	[sflag:s12] =	ssyncset.done $0x0  }
0x89: {  	[sflag:s12] =	ssyncadd.s32 $0xFFFFC180  }
0x8a: {  	[spmem:s1] =	stream.indirect.scatter.add.f32 [tilespmem:s9], [sflag:$0x4], $0x10, s11, s11, $0xb8;
	[tilespmem:$0xCB20] =	vst v63  }
0x8b: {  	_ =	swait.ge [sflag:s13], $0x3E80  }
0x8c: {  	[sflag:s13] =	ssyncset.done $0x0  }
0x8d: {  	s0 =	rddreg [dreg:$0x8];
	[sflag:s13] =	ssyncadd.s32 $0xFFFFC180  }
0x8e: {  	[tilespmem:s8], [sflag:$0x1] =	stream.linear.gather [hbm4b:s0+s2], $0x3E80, $0x38;
	[tilespmem:$0xCB20] =	vst v63  }
0x8f: {  	_ =	swait.ge [sflag:s14], $0x3E80  }
0x90: {  	[sflag:s14] =	ssyncset.done $0x0  }
0x91: {  	[sflag:s14] =	ssyncadd.s32 $0xFFFFC180  }
0x92: {  	[tilespmem:s9], [sflag:$0x2] =	stream.linear.gather [hbm4b:s15+s2], $0x3E80, $0x38;
	[tilespmem:$0xCB20] =	vst v63  }
0x93: {  	_ =	swait.ge [sflag:s10], $0x3E80  }
0x94: {  	[sflag:s10] =	ssyncset.done $0x0  }
0x95: {  	[sflag:s10] =	ssyncadd.s32 $0xFFFFC180  }
0x96: {  	[spmem:s1] =	stream.indirect.scatter.add.f32 [tilespmem:s8], [sflag:$0x3], $0x10, s16, s11, $0xb8;
	[tilespmem:$0xCB20] =	vst v63  }
0x97: {  	_ =	swait.ge [sflag:s12], $0x3E80  }
0x98: {  	[sflag:s12] =	ssyncset.done $0x0  }
0x99: {  	[sflag:s12] =	ssyncadd.s32 $0xFFFFC180  }
0x9a: {  	[spmem:s1] =	stream.indirect.scatter.add.f32 [tilespmem:s9], [sflag:$0x4], $0x10, s17, s11, $0xb8;
	[tilespmem:$0xCB20] =	vst v63  }
0x9b: {  	_ =	swait.ge [sflag:s13], $0x3E80  }
0x9c: {  	[sflag:s13] =	ssyncset.done $0x0  }
0x9d: {  	[sflag:s13] =	ssyncadd.s32 $0xFFFFC180  }
0x9e: {  	[tilespmem:s8], [sflag:$0x1] =	stream.linear.gather [hbm4b:s18+s2], $0x3E80, $0x38;
	[tilespmem:$0xCB20] =	vst v63  }
0x9f: {  	_ =	swait.ge [sflag:s14], $0x3E80  }
0xa0: {  	[sflag:s14] =	ssyncset.done $0x0  }
0xa1: {  	[sflag:s14] =	ssyncadd.s32 $0xFFFFC180  }
0xa2: {  	[tilespmem:s9], [sflag:$0x2] =	stream.linear.gather [hbm4b:s19+s2], $0x3E80, $0x38;
	[tilespmem:$0xCB20] =	vst v63  }
0xa3: {  	_ =	swait.ge [sflag:s10], $0x3E80  }
0xa4: {  	[sflag:s10] =	ssyncset.done $0x0  }
0xa5: {  	[sflag:s10] =	ssyncadd.s32 $0xFFFFC180  }
0xa6: {  	[spmem:s1] =	stream.indirect.scatter.add.f32 [tilespmem:s8], [sflag:$0x3], $0x10, s20, s11, $0xb8;
	[tilespmem:$0xCB20] =	vst v63  }
0xa7: {  	_ =	swait.ge [sflag:s12], $0x3E80  }
0xa8: {  	[sflag:s12] =	ssyncset.done $0x0  }
0xa9: {  	[sflag:s12] =	ssyncadd.s32 $0xFFFFC180  }
0xaa: {  	[spmem:s1] =	stream.indirect.scatter.add.f32 [tilespmem:s9], [sflag:$0x4], $0x10, s21, s11, $0xb8;
	[tilespmem:$0xCB20] =	vst v63  }
0xab: {  	_ =	swait.ge [sflag:s13], $0x3E80  }
0xac: {  	[sflag:s13] =	ssyncset.done $0x0  }
0xad: {  	[sflag:s13] =	ssyncadd.s32 $0xFFFFC180  }
0xae: {  	[tilespmem:s8], [sflag:$0x1] =	stream.linear.gather [hbm4b:s22+s2], $0x3E80, $0x38;
	[tilespmem:$0xCB20] =	vst v63  }
0xaf: {  	_ =	swait.ge [sflag:s14], $0x3E80  }
0xb0: {  	[sflag:s14] =	ssyncset.done $0x0  }
0xb1: {  	[sflag:s14] =	ssyncadd.s32 $0xFFFFC180  }
0xb2: {  	[tilespmem:s9], [sflag:$0x2] =	stream.linear.gather [hbm4b:s23+s2], $0x3E80, $0x38;
	[tilespmem:$0xCB20] =	vst v63  }
0xb3: {  	_ =	swait.ge [sflag:s10], $0x3E80  }
0xb4: {  	[sflag:s10] =	ssyncset.done $0x0  }
0xb5: {  	[sflag:s10] =	ssyncadd.s32 $0xFFFFC180  }
0xb6: {  	[spmem:s1] =	stream.indirect.scatter.add.f32 [tilespmem:s8], [sflag:$0x3], $0x10, s24, s11, $0xb8;
	[tilespmem:$0xCB20] =	vst v63  }
0xb7: {  	_ =	swait.ge [sflag:s12], $0x3E80  }
0xb8: {  	[sflag:s12] =	ssyncset.done $0x0  }
0xb9: {  	[sflag:s12] =	ssyncadd.s32 $0xFFFFC180  }
0xba: {  	[spmem:s1] =	stream.indirect.scatter.add.f32 [tilespmem:s9], [sflag:$0x4], $0x10, s25, s11, $0xb8;
	[tilespmem:$0xCB20] =	vst v63  }
0xbb: {  	_ =	swait.ge [sflag:s13], $0x3E80  }
0xbc: {  	[sflag:s13] =	ssyncset.done $0x0  }
0xbd: {  	[sflag:s13] =	ssyncadd.s32 $0xFFFFC180  }
0xbe: {  	[tilespmem:s8], [sflag:$0x1] =	stream.linear.gather [hbm4b:s26+s2], $0x3E80, $0x38;
	[tilespmem:$0xCB20] =	vst v63  }
0xbf: {  	_ =	swait.ge [sflag:s14], $0x3E80  }
0xc0: {  	[sflag:s14] =	ssyncset.done $0x0  }
0xc1: {  	[sflag:s14] =	ssyncadd.s32 $0xFFFFC180  }
0xc2: {  	[tilespmem:s9], [sflag:$0x2] =	stream.linear.gather [hbm4b:s28+s2], $0x3E80, $0x38;
	[tilespmem:$0xCB20] =	vst v63  }
0xc3: {  	_ =	swait.ge [sflag:s10], $0x3E80  }
0xc4: {  	[sflag:s10] =	ssyncset.done $0x0  }
0xc5: {  	[sflag:s10] =	ssyncadd.s32 $0xFFFFC180  }
0xc6: {  	[spmem:s1] =	stream.indirect.scatter.add.f32 [tilespmem:s8], [sflag:$0x3], $0x10, s29, s11, $0xb8;
	[tilespmem:$0xCB20] =	vst v63  }
0xc7: {  	_ =	swait.ge [sflag:s12], $0x3E80  }
0xc8: {  	[sflag:s12] =	ssyncset.done $0x0  }
0xc9: {  	[sflag:s12] =	ssyncadd.s32 $0xFFFFC180  }
0xca: {  	[spmem:s1] =	stream.indirect.scatter.add.f32 [tilespmem:s9], [sflag:$0x4], $0x10, s30, s11, $0xb8;
	[tilespmem:$0xCB20] =	vst v63  }
0xcb: {  	_ =	swait.ge [sflag:s13], $0x3E80  }
0xcc: {  	[sflag:s13] =	ssyncset.done $0x0  }
0xcd: {  	[sflag:s13] =	ssyncadd.s32 $0xFFFFC180  }
0xce: {  	s31 =	sadd.s32 $0xFFFFFFFF, s31;
	_ =	swait.ge [sflag:s14], $0x3E80  }
0xcf: {  	p1 =	sne.s32 s31, $0x0;
	[sflag:s14] =	ssyncset.done $0x0  }
.Ltmp1:
0xd0: {  	[sflag:s14] =	ssyncadd.s32 $0xFFFFC180;
	(pc) =	sbr.rel @p1 .LBB2_1-.Ltmp1, $4  }
0xd1: {  	[bflag:$0x0] =	sbarrier.arrive $0xFFFF  }
0xd2: {  	s0 =	rddreg [dreg:$0x7]  }
0xd3: {  	[hbm:s0], [sflag:s6] =	dma.local @!p0 [spmem:s5], $0x4E20  }
0xd4: {  	_ =	swait.ge @!p0 [sflag:s4], $0x4E20  }
.LBB2_2:
0xd5: {  	[sflag:s4] =	ssyncset.done @!p0 $0x0  }
0xd6: {  	[sflag:s4] =	ssyncadd.s32 @!p0 $0xFFFFB1E0  }
0xd7: {  	_ =	sfence.sel $0x180000  }
0xd8: {  	[bflag:$0x0] =	sbarrier.arrive $0xFFFF  }
0xd9: {  	_ =	strace $0x90000056  }
0xda: {  	[bflag:$0x2] =	sbarrier.arrive $0xFFFF  }
0xdb: {  	s0 =	rddreg [dreg:$0x3]  }
0xdc: {  	s0 =	sadd.s32 @!p0 $0x100000, s0  }
0xdd: {  	[sflag:s0] =	ssyncadd.tile.s32 @!p0 $0x1;
	_ =	shalt  }
.Lfunc_end2:
_tile_overlayer_lowered:
.L_overlay_start_2:
0xde: {  	(tag) =	ssettag $0x2  }
0xdf: {  	s0 =	rddreg [dreg:$0x0];
	s2 =	stileid.u32  }
0xe0: {  	s1 =	rddreg [dreg:$0x1];
	p0 =	sne.s32 s2, $0x0  }
0xe1: {  	s3 =	rddreg [dreg:$0x2];
	[bflag:$0x3] =	sbarrier.arrive $0xFFFF;
	s2 =	simm.s32 @!p0 $0x1C05  }
0xe2: {  	[timem:s3], [sflag:s2] =	dma.local @!p0 [hbm:s0], s1  }
0xe3: {  	s0 =	simm.s32 @!p0 $0x5  }
0xe4: {  	_ =	swait.ge @!p0 [sflag:s0], s1  }
0xe5: {  	s1 =	ssub.s32 @!p0 $0x0, s1;
	[sflag:s0] =	ssyncset.done @!p0 $0x0  }
0xe6: {  	[sflag:s0] =	ssyncadd.s32 @!p0 s1  }
0xe7: {  	[bflag:$0x3] =	sbarrier.arrive $0xFFFF  }
0xe8: {  	_ =	shalt  }

// kernel: kernel.41.cloned.1.call-start
scs
__scs_entry_jumppad:
0x0: {  	(pc) =	sbr.rel $0x88, $3  }
0x1: {  	(tag) =	ssettag $0x0;
	lr =	simm.s32 $0x1  }
0x2: {  	[smem:$0x3F9B] =	sst lr;
	_ =	strace $0xD0000000  }
0x3: {  	_ = 	snop  }
0x4: {  	_ = 	snop  }
0x5: {  	_ = 	snop  }
0x6: {  	_ = 	snop  }
0x7: {  	_ = 	snop  }
__scs_overlays_trampoline_lowered:
0x8: {  	[smem:$0x3FAA] =	sst s0  }
0x9: {  	[smem:$0x3FAB] =	sst s1  }
0xa: {  	[smem:$0x3FAC] =	sst s2  }
0xb: {  	[smem:$0x3FAD] =	sst s3  }
0xc: {  	[smem:$0x3FAE] =	sst s4  }
0xd: {  	[smem:$0x3FAF] =	sst s5  }
0xe: {  	[smem:$0x3FB0] =	sst s6  }
0xf: {  	[smem:$0x3FB1] =	sst s7  }
0x10: {  	[smem:$0x3FB2] =	sst s8  }
0x11: {  	[smem:$0x3FB3] =	sst s9;
	s0 =	simm.s32 @!p0 $0x0  }
0x12: {  	s1 =	sld [smem:$0x3F99];
	s0 =	simm.s32 @p0 $0x1  }
0x13: {  	[smem:$0x3FB4] =	sst s0;
	s0 =	simm.s32 @!p1 $0x0  }
0x14: {  	s2 =	sld [smem:$0x3F98];
	s0 =	simm.s32 @p1 $0x1  }
0x15: {  	[smem:$0x3FB5] =	sst s0;
	s0 =	simm.s32 @!p2 $0x0  }
0x16: {  	s3 =	sld [smem:$0x3FDB];
	s0 =	simm.s32 @p2 $0x1  }
0x17: {  	s4 =	simm.s32 $0x1BF5;
	[smem:$0x3FB7] =	sst s0  }
0x18: {  	s0 =	sld [smem:$0x3F9A];
	_ =	swait.ge [sflag:s4], $0x0  }
0x19: {  	s7 =	sld [smem:$0x3F9B]  }
0x1a: {  	s8 =	sadd.s32 $0xFFFFE003, lr  }
0x1b: {  	s9 =	sadd.s32 $0xFFFFFEF7, lr;
	s5 =	simm.s32 $0xFFFFFFFF;
	p2 =	slt.u32 s8, $0xFFFFF086  }
0x1c: {  	p1 =	slt.u32 s9, $0xF7A;
	s5 =	simm.s32 @!p2 $0x0  }
0x1d: {  	s5 =	simm.s32 @p1 $0x1;
	p0 =	seq.s32 s7, s2  }
0x1e: {  	s7 =	smul.u32 @!p0 $0xF7A, s2;
	p2 =	seq.s32 @!p0 s5, $0x0  }
0x1f: {  	s9 =	smul.u32 $0xF7A, s1;
	s8 =	simm.s32 @!p0 $0x1BF5;
	p2 =	por !p2, p0  }
0x20: {  	[sflag:s8] =	ssyncset.s32 @!p0 $0xFFFFF086;
	s6 =	sadd.s32 @!p0 s3, s7;
	s7 =	simm.s32 @!p0 $0x108  }
0x21: {  	s3 =	sadd.s32 s3, s9;
	s6 =	sadd.s32 @!p0 $0x88, s6;
	s7 =	simm.s32 @p2 $0x1082  }
0x22: {  	[simem:s7], [sflag:s8] =	dma.local @!p0 [hbm:s6], $0xF7A  }
0x23: {  	s9 =	sor.u32 $0xD0000000, s2;
	s6 =	simm.s32 $0x108;
	_ =	swait.ge @!p0 [sflag:s8], $0x0  }
0x24: {  	s3 =	sadd.s32 $0x88, s3;
	s6 =	simm.s32 @!p1 $0x1082;
	[sflag:s4] =	ssyncset.s32 $0xFFFFF086  }
0x25: {  	[simem:s6], [sflag:s4] =	dma.local [hbm:s3], $0xF7A  }
0x26: {  	[smem:$0x3F9B] =	sst s1;
	(tag) =	ssettag s2;
	_ =	strace s9  }
0x27: {  	s1 =	sld [smem:$0x3FAB]  }
0x28: {  	s2 =	sld [smem:$0x3FAC]  }
0x29: {  	s4 =	sld [smem:$0x3FAE]  }
0x2a: {  	p0 =	seq.s32 s5, $0x0;
	s5 =	sld [smem:$0x3FAF]  }
0x2b: {  	s6 =	sld [smem:$0x3FB0]  }
0x2c: {  	s7 =	sld [smem:$0x3FB1]  }
0x2d: {  	s3 =	simm.s32 $0x108;
	s8 =	sld [smem:$0x3FB2]  }
0x2e: {  	s3 =	simm.s32 @!p0 $0x1082;
	s9 =	sld [smem:$0x3FB3]  }
0x2f: {  	lr =	sadd.s32 s0, s3;
	s0 =	sld [smem:$0x3FAA]  }
0x30: {  	s3 =	sld [smem:$0x3FAD]  }
0x31: {  	[smem:$0x3FB6] =	sst s10  }
0x32: {  	s10 =	sld [smem:$0x3FB4];
	_ =	sdelay $0x3  }
0x33: {  	p0 =	seq.s32 s10, $0x1;
	s10 =	sld [smem:$0x3FB6];
	_ =	sdelay $0x3  }
0x34: {  	[smem:$0x3FB6] =	sst s10  }
0x35: {  	s10 =	sld [smem:$0x3FB5];
	_ =	sdelay $0x3  }
0x36: {  	p1 =	seq.s32 s10, $0x1;
	s10 =	sld [smem:$0x3FB6];
	_ =	sdelay $0x3  }
0x37: {  	[smem:$0x3FB6] =	sst s10  }
0x38: {  	s10 =	sld [smem:$0x3FB7]  }
0x39: {  	_ = 	snop;
	(pc) =	sbr.ind lr, $3  }
0x3a: {  	_ = 	snop  }
0x3b: {  	_ = 	snop  }
0x3c: {  	p2 =	seq.s32 s10, $0x1;
	s10 =	sld [smem:$0x3FB6]  }
0x3d: {  	_ =	shalt  }
0x3e: {  	_ =	shalt  }
0x3f: {  	_ =	shalt  }
0x40: {  	_ =	shalt  }
0x41: {  	_ =	shalt  }
0x42: {  	_ =	shalt  }
0x43: {  	_ =	shalt  }
0x44: {  	_ =	shalt  }
0x45: {  	_ =	shalt  }
0x46: {  	_ =	shalt  }
0x47: {  	_ =	shalt  }
0x48: {  	_ =	shalt  }
0x49: {  	_ =	shalt  }
0x4a: {  	_ =	shalt  }
0x4b: {  	_ =	shalt  }
0x4c: {  	_ =	shalt  }
0x4d: {  	_ =	shalt  }
0x4e: {  	_ =	shalt  }
0x4f: {  	_ =	shalt  }
0x50: {  	_ =	shalt  }
0x51: {  	_ =	shalt  }
0x52: {  	_ =	shalt  }
0x53: {  	_ =	shalt  }
0x54: {  	_ =	shalt  }
0x55: {  	_ =	shalt  }
0x56: {  	_ =	shalt  }
0x57: {  	_ =	shalt  }
0x58: {  	_ =	shalt  }
0x59: {  	_ =	shalt  }
0x5a: {  	_ =	shalt  }
0x5b: {  	_ =	shalt  }
0x5c: {  	_ =	shalt  }
0x5d: {  	_ =	shalt  }
0x5e: {  	_ =	shalt  }
0x5f: {  	_ =	shalt  }
0x60: {  	_ =	shalt  }
0x61: {  	_ =	shalt  }
0x62: {  	_ =	shalt  }
0x63: {  	_ =	shalt  }
0x64: {  	_ =	shalt  }
0x65: {  	_ =	shalt  }
0x66: {  	_ =	shalt  }
0x67: {  	_ =	shalt  }
0x68: {  	_ =	shalt  }
0x69: {  	_ =	shalt  }
0x6a: {  	_ =	shalt  }
0x6b: {  	_ =	shalt  }
0x6c: {  	_ =	shalt  }
0x6d: {  	_ =	shalt  }
0x6e: {  	_ =	shalt  }
0x6f: {  	_ =	shalt  }
0x70: {  	_ =	shalt  }
0x71: {  	_ =	shalt  }
0x72: {  	_ =	shalt  }
0x73: {  	_ =	shalt  }
0x74: {  	_ =	shalt  }
0x75: {  	_ =	shalt  }
0x76: {  	_ =	shalt  }
0x77: {  	_ =	shalt  }
0x78: {  	_ =	shalt  }
0x79: {  	_ =	shalt  }
0x7a: {  	_ =	shalt  }
0x7b: {  	_ =	shalt  }
0x7c: {  	_ =	shalt  }
0x7d: {  	_ =	shalt  }
0x7e: {  	_ =	shalt  }
0x7f: {  	_ =	shalt  }
0x80: {  	_ =	shalt  }
0x81: {  	_ =	shalt  }
0x82: {  	_ =	shalt  }
0x83: {  	_ =	shalt  }
0x84: {  	_ =	shalt  }
0x85: {  	_ =	shalt  }
0x86: {  	_ =	shalt  }
0x87: {  	_ =	shalt  }
.Lfunc_end0:
.L_simem_size_0:
called_computation.6_lowered:
.L_overlay_start_0:
0x88: {  	s2 =	sld [smem:$0x3FD9]  }
0x89: {  	s3 =	sld [smem:$0x3FFE];
	_ =	sdelay $0x1  }
0x8a: {  	s1 =	srdreg.scid  }
0x8b: {  	s0 =	sand.u32 $0x1, s1  }
0x8c: {  	s17 =	sshll.u32 s0, $0xA;
	s2 =	sadd.s32 s3, s2  }
0x8d: {  	s2 =	sadd.s32 s2, s17  }
0x8e: {  	[smem:$0x3FC2] =	sst s2  }
0x8f: {  	_ = 	snop  }
0x90: {  	s2 =	sld [smem:$0x3FC7];
	(tm) =	ssettm $0x1  }
0x91: {  	s18 =	sld [smem:$0x3FFB];
	_ =	sdelay $0x3  }
0x92: {  	_ =	strace s18  }
0x93: {  	s3 =	sld [smem:$0x3FFC];
	_ =	sdelay $0x3  }
0x94: {  	_ =	strace s3  }
0x95: {  	s3 =	sld [smem:$0x3FFD];
	_ =	sdelay $0x3  }
0x96: {  	_ =	strace s3  }
0x97: {  	_ =	strace $0x8FFFFFFF  }
0x98: {  	s19 =	sld [smem:$0x3FDB];
	_ =	sdelay $0x1  }
0x99: {  	s4 =	simm.s32 $_scs_section_size  }
0x9a: {  	s5 =	simm.s32 $_size__tile_overlayer_lowered;
	s6 =	simm.s32 $_tile_overlayer_lowered  }
0x9b: {  	s22 =	simm.s32 $0x1BFF;
	s21 =	sshll.u32 s6, $0x1;
	s3 =	sadd.s32 s4, s19  }
0x9c: {  	s7 =	simm.s32 $0x0;
	s20 =	sshll.u32 s5, $0x1;
	s5 =	sadd.s32 s21, s3  }
0x9d: {  	[timem:s7], [sflag:s22] =	dma.local [hbm:s5], s20  }
0x9e: {  	_ =	swait.ge [sflag:s22], s20  }
0x9f: {  	s4 =	ssub.s32 $0x0, s20;
	[sflag:s22] =	ssyncset.done $0x0  }
0xa0: {  	[sflag:s22] =	ssyncadd.s32 s4;
	_ =	sdelay $0x1  }
0xa1: {  	s23 =	simm.s32 $0x1B8B  }
0xa2: {  	_ =	swait.ge [sflag:s23], $0x1  }
0xa3: {  	[sflag:s23] =	ssyncset.done $0x0  }
0xa4: {  	s25 =	simm.s32 $0x1B8E;
	s24 =	sld [smem:$0x3FFE];
	[sflag:s23] =	ssyncadd.s32 $0xFFFFFFFF  }
0xa5: {  	s26 =	simm.s32 $execute0_lowered;
	[smem:$0x3FD2] =	sst s25  }
0xa6: {  	s5 =	sshll.u32 s26, $0x1;
	_ =	strace $0x80000058;
	[dreg:$0x1] =	wrdreg $0xFFFFFFFF  }
0xa7: {  	s28 =	simm.s32 $_size_execute0_lowered;
	s3 =	sadd.s32 s3, s5;
	[dreg:$0x0] =	wrdreg $0x0  }
0xa8: {  	s5 =	sshll.u32 s28, $0x1;
	[dreg:$0x2] =	wrdreg s3  }
0xa9: {  	[dreg:$0x3] =	wrdreg s5  }
0xaa: {  	[dreg:$0x4] =	wrdreg $0xC0  }
0xab: {  	_ =	task [dreg:s7], $0x5FFFF  }
0xac: {  	[dreg:$0x1] =	wrdreg $0xFFFFFFFF  }
0xad: {  	[dreg:$0x0] =	wrdreg $0x60  }
0xae: {  	[dreg:$0x2] =	wrdreg s24  }
0xaf: {  	[dreg:$0x3] =	wrdreg s2  }
0xb0: {  	[dreg:$0x4] =	wrdreg $0x9  }
0xb1: {  	_ =	task.clear_ibuf [dreg:s7], $0x5FFFF;
	_ =	strace $0x90000058  }
0xb2: {  	s29 =	simm.s32 $0x9;
	_ =	strace $0x8000005A  }
0xb3: {  	_ =	swait.ge [sflag:s29], $0x1  }
0xb4: {  	[sflag:s29] =	ssyncadd.s32 $0xFFFFFFFF  }
0xb5: {  	_ =	strace $0x9000005A  }
0xb6: {  	_ =	sfence  }
0xb7: {  	s30 =	sld [smem:$0x0];
	_ =	sdelay $0x2  }
0xb8: {  	s31 =	sshll.u32 s1, $0xD;
	s1 =	sshrl.u32 s1, $0x2  }
0xb9: {  	s3 =	sand.u32 $0x4000, s31;
	s1 =	sadd.s32 s1, s30  }
0xba: {  	s0 =	sor.u32 s3, s0;
	s1 =	sshll.u32 s1, $0x11  }
0xbb: {  	s0 =	sor.u32 s1, s0  }
0xbc: {  	s0 =	sadd.s32 $0x8F2B, s0  }
0xbd: {  	[sflag:s0] =	ssyncadd.remote.s32 $0x1  }
0xbe: {  	_ =	sfence.sel $0xFFFF  }
0xbf: {  	[dreg:$0x0] =	wrdreg $0xFFFFFFFF;
	(pc) =	sbr.abs _section_cstart, $3  }
0xc0: {  	[dreg:$0x1] =	wrdreg $0xFFFFFFFF  }
0xc1: {  	_ =	task.clear_ibuf [dreg:s7], $0x2FFFF;
	_ =	strace $0x9FFFFFFF  }
0xc2: {  	(tm) =	ssettm $0x7FFFFFFF  }
0xc3: {  	_ =	shalt  }
tec
execute0_lowered:
.L_overlay_start_1:
0x0: {  	(tag) =	ssettag $0x1  }
0x1: {  	s0 =	srdreg.scid  }
0x2: {  	s1 =	rddreg [dreg:$0x0];
	s13 =	stileid.u32  }
0x3: {  	s5 =	rddreg [dreg:$0x1];
	s16 =	simm.s32 $0x2710;
	s17 =	simm.s32 $0x3E8  }
0x4: {  	s18 =	simm.s32 $0x4E20;
	s19 =	simm.s32 $0xCB20;
	s20 =	simm.s32 $0x8CA0  }
0x5: {  	s28 =	simm.s32 $0x5;
	s29 =	simm.s32 $0x7;
	s30 =	simm.s32 $0x6  }
0x6: {  	s31 =	simm.s32 $0x8;
	s0 =	sand.u32 $0x1, s0;
	s12 =	smul.u32 $0x2710, s13  }
0x7: {  	s3 =	sadd.s32 $0xB4A00, s1;
	s14 =	sadd.s32 $0xB9A00, s1;
	s15 =	smul.u32 $0x4E20, s13  }
0x8: {  	s2 =	sshll.u32 s0, $0x4;
	s9 =	ssub.s32 $0x2, s0;
	s10 =	smul.u32 $0x27100, s0  }
0x9: {  	s0 =	smul.u32 $0x4E200, s0;
	s6 =	sor.u32 s13, s2;
	s2 =	simm.s32 $0x0  }
0xa: {  	s11 =	sshrl.u32 s9, $0x1;
	s4 =	smul.u32 $0x2710, s6;
	[smem:$0x7FF] =	sst s2  }
0xb: {  	s6 =	smul.u32 $0x4E20, s6;
	s9 =	ssub.s32 s9, s11;
	s10 =	sadd.s32 s12, s10  }
0xc: {  	_ =	strace $0x80000059;
	s22 =	smax.u32 s9, $0x1;
	s24 =	sshll.u32 s10, $0x1  }
0xd: {  	s7 =	sshrl.u32 s4, $0x3;
	s4 =	sadd.s32 $0x18600, s1;
	[dreg:$0x6] =	wrdreg s22  }
0xe: {  	s23 =	sadd.s32 $0x3E80, s6;
	s6 =	sadd.s32 $0x4650, s6;
	s22 =	simm.s32 $0x109A0  }
0xf: {  	s8 =	sadd.s32 s7, s1;
	s1 =	sadd.s32 $0x155E00, s1;
	s5 =	sadd.s32 s5, s7  }
0x10: {  	s10 =	sadd.s32 s14, s6;
	s8 =	sadd.s32 $0x4A00, s8;
	[dreg:$0x5] =	wrdreg s5  }
0x11: {  	s9 =	sadd.s32 s1, s23;
	s5 =	sadd.s32 $0x7D0, s24;
	s11 =	sadd.s32 s1, s6  }
0x12: {  	s26 =	sadd.s32 s0, s1;
	s0 =	sadd.s32 s0, s14;
	s24 =	simm.s32 $0x3  }
0x13: {  	[dreg:$0x4] =	wrdreg s8;
	s8 =	sadd.s32 s14, s23;
	s25 =	sadd.s32 s5, s14  }
0x14: {  	s12 =	sadd.s32 s5, s1;
	s13 =	sadd.s32 s15, s26;
	s14 =	sadd.s32 s15, s0  }
0x15: {  	s15 =	simm.s32 $0x9;
	s23 =	simm.s32 $0x1;
	s26 =	simm.s32 $0x4  }
0x16: {  	s1 =	simm.s32 $0x0;
	[dreg:$0x3] =	wrdreg s25;
	s25 =	simm.s32 $0x2  }
.LBB2_1:
0x17: {  	s0 =	rddreg [dreg:$0x4]  }
0x18: {  	[tilespmem:s2], [sflag:$0x9] =	stream.linear.gather [hbm4b:s0+s2], $0x2710, $0x38;
	[tilespmem:$0x14820] =	vst v63  }
0x19: {  	_ =	swait.ge [sflag:s15], $0x2710  }
0x1a: {  	[sflag:s15] =	ssyncset.done $0x0  }
0x1b: {  	s21 =	rddreg [dreg:$0x5];
	[sflag:s15] =	ssyncadd.s32 $0xFFFFD8F0  }
0x1c: {  	[tilespmem:s16], [sflag:$0x9] =	stream.linear.gather [hbm4b:s21+s2], $0x2710, $0x38;
	[tilespmem:$0x14820] =	vst v63  }
0x1d: {  	_ =	swait.ge [sflag:s15], $0x2710  }
0x1e: {  	[sflag:s15] =	ssyncset.done $0x0  }
0x1f: {  	[sflag:s15] =	ssyncadd.s32 $0xFFFFD8F0  }
0x20: {  	[tilespmem:s18], [sflag:$0x1] =	stream.indirect.gather [hbm4b:s3+s17], $0x10, s2, s17, $0xb8;
	[tilespmem:$0x14820] =	vst v63  }
0x21: {  	_ = 	snop  }
0x22: {  	[tilespmem:s19], [sflag:$0x3] =	stream.indirect.gather [hbm4b:s4+s17], $0x10, s16, s17, $0xb8;
	[tilespmem:$0x14820] =	vst v63  }
0x23: {  	_ = 	snop  }
0x24: {  	[tilespmem:s20], [sflag:$0x2] =	stream.indirect.gather [hbm4b:s3+s17], $0x10, s17, s17, $0xb8;
	[tilespmem:$0x14820] =	vst v63  }
0x25: {  	s5 =	simm.s32 $0x2AF8  }
0x26: {  	[tilespmem:s22], [sflag:$0x4] =	stream.indirect.gather [hbm4b:s4+s17], $0x10, s5, s17, $0xb8;
	[tilespmem:$0x14820] =	vst v63  }
0x27: {  	_ =	swait.ge [sflag:s23], $0x3E80  }
0x28: {  	[sflag:s23] =	ssyncset.done $0x0  }
0x29: {  	[sflag:s23] =	ssyncadd.s32 $0xFFFFC180  }
0x2a: {  	_ =	swait.ge [sflag:s24], $0x3E80  }
0x2b: {  	[sflag:s24] =	ssyncset.done $0x0  }
0x2c: {  	s6 =	sadd.s32 $0x0, s14;
	[sflag:s24] =	ssyncadd.s32 $0xFFFFC180  }
0x2d: {  	[hbm4b:s6+s2] =	stream.linear.scatter [tilespmem:s18], [sflag:$0x5], $0x3E80, $0x38;
	[tilespmem:$0x14820] =	vst v63  }
0x2e: {  	s7 =	sadd.s32 $0x0, s13  }
0x2f: {  	[hbm4b:s7+s2] =	stream.linear.scatter [tilespmem:s19], [sflag:$0x7], $0x3E80, $0x38;
	[tilespmem:$0x14820] =	vst v63  }
0x30: {  	_ =	swait.ge [sflag:s25], $0x3E80  }
0x31: {  	[sflag:s25] =	ssyncset.done $0x0  }
0x32: {  	[sflag:s25] =	ssyncadd.s32 $0xFFFFC180  }
0x33: {  	_ =	swait.ge [sflag:s26], $0x3E80  }
0x34: {  	s21 =	rddreg [dreg:$0x3];
	[sflag:s26] =	ssyncset.done $0x0  }
0x35: {  	[sflag:s26] =	ssyncadd.s32 $0xFFFFC180;
	s0 =	sadd.s32 $0x0, s21  }
0x36: {  	[hbm4b:s0+s2] =	stream.linear.scatter [tilespmem:s20], [sflag:$0x6], $0x3E80, $0x38;
	[tilespmem:$0x14820] =	vst v63  }
0x37: {  	s5 =	sadd.s32 $0x0, s12  }
0x38: {  	[hbm4b:s5+s2] =	stream.linear.scatter [tilespmem:s22], [sflag:$0x8], $0x3E80, $0x38;
	[tilespmem:$0x14820] =	vst v63  }
0x39: {  	_ =	swait.ge [sflag:s28], $0x3E80  }
0x3a: {  	[sflag:s28] =	ssyncset.done $0x0  }
0x3b: {  	[sflag:s28] =	ssyncadd.s32 $0xFFFFC180  }
0x3c: {  	_ =	swait.ge [sflag:s29], $0x3E80  }
0x3d: {  	[sflag:s29] =	ssyncset.done $0x0  }
0x3e: {  	s6 =	simm.s32 $0x7D0;
	[sflag:s29] =	ssyncadd.s32 $0xFFFFC180  }
0x3f: {  	[tilespmem:s18], [sflag:$0x1] =	stream.indirect.gather [hbm4b:s3+s17], $0x10, s6, s17, $0xb8;
	[tilespmem:$0x14820] =	vst v63  }
0x40: {  	s7 =	simm.s32 $0x2EE0  }
0x41: {  	[tilespmem:s19], [sflag:$0x3] =	stream.indirect.gather [hbm4b:s4+s17], $0x10, s7, s17, $0xb8;
	[tilespmem:$0x14820] =	vst v63  }
0x42: {  	_ =	swait.ge [sflag:s30], $0x3E80  }
0x43: {  	[sflag:s30] =	ssyncset.done $0x0  }
0x44: {  	[sflag:s30] =	ssyncadd.s32 $0xFFFFC180  }
0x45: {  	_ =	swait.ge [sflag:s31], $0x3E80  }
0x46: {  	[sflag:s31] =	ssyncset.done $0x0  }
0x47: {  	s21 =	simm.s32 $0xBB8;
	s0 =	simm.s32 $0xFA0;
	[sflag:s31] =	ssyncadd.s32 $0xFFFFC180  }
0x48: {  	[tilespmem:s20], [sflag:$0x2] =	stream.indirect.gather [hbm4b:s3+s17], $0x10, s21, s17, $0xb8;
	[tilespmem:$0x14820] =	vst v63  }
0x49: {  	s5 =	simm.s32 $0x36B0;
	s6 =	simm.s32 $0x32C8;
	s21 =	simm.s32 $0xFA0  }
.LBB2_2:
0x4a: {  	[tilespmem:s22], [sflag:$0x4] =	stream.indirect.gather [hbm4b:s4+s17], $0x10, s6, s17, $0xb8;
	[tilespmem:$0x14820] =	vst v63  }
0x4b: {  	_ =	swait.ge [sflag:s23], $0x3E80  }
0x4c: {  	[sflag:s23] =	ssyncset.done $0x0  }
0x4d: {  	[sflag:s23] =	ssyncadd.s32 $0xFFFFC180  }
0x4e: {  	_ =	swait.ge [sflag:s24], $0x3E80  }
0x4f: {  	s6 =	smov.u32 s0;
	[sflag:s24] =	ssyncset.done $0x0  }
0x50: {  	s7 =	sadd.s32 s6, s14;
	[sflag:s24] =	ssyncadd.s32 $0xFFFFC180  }
0x51: {  	[hbm4b:s7+s2] =	stream.linear.scatter [tilespmem:s18], [sflag:$0x5], $0x3E80, $0x38;
	[tilespmem:$0x14820] =	vst v63  }
0x52: {  	s7 =	sadd.s32 s6, s13  }
0x53: {  	[hbm4b:s7+s2] =	stream.linear.scatter [tilespmem:s19], [sflag:$0x7], $0x3E80, $0x38;
	[tilespmem:$0x14820] =	vst v63  }
0x54: {  	_ =	swait.ge [sflag:s25], $0x3E80  }
0x55: {  	[sflag:s25] =	ssyncset.done $0x0  }
0x56: {  	[sflag:s25] =	ssyncadd.s32 $0xFFFFC180  }
0x57: {  	_ =	swait.ge [sflag:s26], $0x3E80  }
0x58: {  	s7 =	rddreg [dreg:$0x3];
	[sflag:s26] =	ssyncset.done $0x0  }
0x59: {  	[sflag:s26] =	ssyncadd.s32 $0xFFFFC180;
	s7 =	sadd.s32 s6, s7  }
0x5a: {  	[hbm4b:s7+s2] =	stream.linear.scatter [tilespmem:s20], [sflag:$0x6], $0x3E80, $0x38;
	[tilespmem:$0x14820] =	vst v63  }
0x5b: {  	s6 =	sadd.s32 s6, s12  }
0x5c: {  	[hbm4b:s6+s2] =	stream.linear.scatter [tilespmem:s22], [sflag:$0x8], $0x3E80, $0x38;
	[tilespmem:$0x14820] =	vst v63  }
0x5d: {  	_ =	swait.ge [sflag:s28], $0x3E80  }
0x5e: {  	[sflag:s28] =	ssyncset.done $0x0  }
0x5f: {  	[sflag:s28] =	ssyncadd.s32 $0xFFFFC180  }
0x60: {  	_ =	swait.ge [sflag:s29], $0x3E80  }
0x61: {  	[sflag:s29] =	ssyncset.done $0x0  }
0x62: {  	[sflag:s29] =	ssyncadd.s32 $0xFFFFC180  }
0x63: {  	[tilespmem:s18], [sflag:$0x1] =	stream.indirect.gather [hbm4b:s3+s17], $0x10, s21, s17, $0xb8;
	[tilespmem:$0x14820] =	vst v63  }
0x64: {  	_ = 	snop  }
0x65: {  	[tilespmem:s19], [sflag:$0x3] =	stream.indirect.gather [hbm4b:s4+s17], $0x10, s5, s17, $0xb8;
	[tilespmem:$0x14820] =	vst v63  }
0x66: {  	_ =	swait.ge [sflag:s30], $0x3E80  }
0x67: {  	p0 =	sne.s32 s0, $0x2EE0;
	[sflag:s30] =	ssyncset.done $0x0  }
.Ltmp0:
0x68: {  	[sflag:s30] =	ssyncadd.s32 $0xFFFFC180;
	(pc) =	sbr.rel @p0 .LBB2_2-.Ltmp0, $4  }
0x69: {  	s0 =	sadd.s32 $0xFA0, s0;
	_ =	swait.ge [sflag:s31], $0x3E80  }
0x6a: {  	s7 =	sadd.s32 $0x3E8, s21;
	s6 =	sadd.s32 $0x3E8, s5;
	[sflag:s31] =	ssyncset.done $0x0  }
0x6b: {  	s21 =	sadd.s32 $0x7D0, s21;
	s5 =	sadd.s32 $0x7D0, s5;
	[sflag:s31] =	ssyncadd.s32 $0xFFFFC180  }
0x6c: {  	[tilespmem:s20], [sflag:$0x2] =	stream.indirect.gather [hbm4b:s3+s17], $0x10, s7, s17, $0xb8;
	[tilespmem:$0x14820] =	vst v63  }
0x6d: {  	[tilespmem:s22], [sflag:$0x4] =	stream.indirect.gather [hbm4b:s4+s17], $0x10, s6, s17, $0xb8;
	[tilespmem:$0x14820] =	vst v63  }
0x6e: {  	_ =	swait.ge [sflag:s23], $0x3E80  }
0x6f: {  	[sflag:s23] =	ssyncset.done $0x0  }
0x70: {  	[sflag:s23] =	ssyncadd.s32 $0xFFFFC180  }
0x71: {  	_ =	swait.ge [sflag:s24], $0x3E80  }
0x72: {  	[sflag:s24] =	ssyncset.done $0x0  }
0x73: {  	[sflag:s24] =	ssyncadd.s32 $0xFFFFC180  }
0x74: {  	[hbm4b:s8+s2] =	stream.linear.scatter [tilespmem:s18], [sflag:$0x5], $0x3E80, $0x38;
	[tilespmem:$0x14820] =	vst v63  }
0x75: {  	_ = 	snop  }
0x76: {  	[hbm4b:s9+s2] =	stream.linear.scatter [tilespmem:s19], [sflag:$0x7], $0x3E80, $0x38;
	[tilespmem:$0x14820] =	vst v63  }
0x77: {  	_ =	swait.ge [sflag:s25], $0x3E80  }
0x78: {  	[sflag:s25] =	ssyncset.done $0x0  }
0x79: {  	[sflag:s25] =	ssyncadd.s32 $0xFFFFC180  }
0x7a: {  	_ =	swait.ge [sflag:s26], $0x3E80  }
0x7b: {  	[sflag:s26] =	ssyncset.done $0x0  }
0x7c: {  	[sflag:s26] =	ssyncadd.s32 $0xFFFFC180  }
0x7d: {  	[hbm4b:s10+s2] =	stream.linear.scatter [tilespmem:s20], [sflag:$0x6], $0x3E80, $0x38;
	[tilespmem:$0x14820] =	vst v63  }
0x7e: {  	_ = 	snop  }
0x7f: {  	[hbm4b:s11+s2] =	stream.linear.scatter [tilespmem:s22], [sflag:$0x8], $0x3E80, $0x38;
	[tilespmem:$0x14820] =	vst v63  }
0x80: {  	_ =	swait.ge [sflag:s28], $0x3E80  }
0x81: {  	[sflag:s28] =	ssyncset.done $0x0  }
0x82: {  	[sflag:s28] =	ssyncadd.s32 $0xFFFFC180  }
0x83: {  	_ =	swait.ge [sflag:s29], $0x3E80  }
0x84: {  	[sflag:s29] =	ssyncset.done $0x0  }
0x85: {  	[sflag:s29] =	ssyncadd.s32 $0xFFFFC180  }
0x86: {  	_ =	swait.ge [sflag:s30], $0x3E80  }
0x87: {  	[sflag:s30] =	ssyncset.done $0x0  }
0x88: {  	[sflag:s30] =	ssyncadd.s32 $0xFFFFC180  }
0x89: {  	_ =	swait.ge [sflag:s31], $0x3E80  }
0x8a: {  	s1 =	sadd.s32 $0x1, s1;
	s0 =	rddreg [dreg:$0x6]  }
0x8b: {  	p0 =	sne.s32 s1, s0  }
.Ltmp1:
0x8c: {  	_ = 	snop;
	(pc) =	sbr.rel @p0 .LBB2_1-.Ltmp1, $3  }
0x8d: {  	_ =	sdelay $0x1  }
0x8e: {  	[sflag:s31] =	ssyncset.done $0x0  }
0x8f: {  	[sflag:s31] =	ssyncadd.s32 $0xFFFFC180  }
0x90: {  	_ =	sfence.sel $0x180000  }
0x91: {  	[bflag:$0x0] =	sbarrier.arrive $0xFFFF  }
0x92: {  	_ =	strace $0x90000059  }
0x93: {  	s0 =	stileid.u32;
	[bflag:$0x2] =	sbarrier.arrive $0xFFFF  }
0x94: {  	p0 =	sne.s32 s0, $0x0;
	s0 =	rddreg [dreg:$0x2]  }
0x95: {  	s0 =	sadd.s32 @!p0 $0x100000, s0  }
0x96: {  	[sflag:s0] =	ssyncadd.tile.s32 @!p0 $0x1;
	_ =	shalt  }
.Lfunc_end2:
_tile_overlayer_lowered:
.L_overlay_start_2:
0x97: {  	(tag) =	ssettag $0x2  }
0x98: {  	s0 =	rddreg [dreg:$0x0];
	s2 =	stileid.u32  }
0x99: {  	s1 =	rddreg [dreg:$0x1];
	p0 =	sne.s32 s2, $0x0  }
0x9a: {  	s3 =	rddreg [dreg:$0x2];
	[bflag:$0x3] =	sbarrier.arrive $0xFFFF;
	s2 =	simm.s32 @!p0 $0x1C09  }
0x9b: {  	[timem:s3], [sflag:s2] =	dma.local @!p0 [hbm:s0], s1  }
0x9c: {  	s0 =	simm.s32 @!p0 $0x9  }
0x9d: {  	_ =	swait.ge @!p0 [sflag:s0], s1  }
0x9e: {  	s1 =	ssub.s32 @!p0 $0x0, s1;
	[sflag:s0] =	ssyncset.done @!p0 $0x0  }
0x9f: {  	[sflag:s0] =	ssyncadd.s32 @!p0 s1  }
0xa0: {  	[bflag:$0x3] =	sbarrier.arrive $0xFFFF  }
0xa1: {  	_ =	shalt  }

// kernel: kernel.44.cloned.1.call-start
scs
__scs_entry_jumppad:
0x0: {  	(pc) =	sbr.rel $0x88, $3  }
0x1: {  	(tag) =	ssettag $0x0;
	lr =	simm.s32 $0x1  }
0x2: {  	[smem:$0x3F9B] =	sst lr;
	_ =	strace $0xD0000000  }
0x3: {  	_ = 	snop  }
0x4: {  	_ = 	snop  }
0x5: {  	_ = 	snop  }
0x6: {  	_ = 	snop  }
0x7: {  	_ = 	snop  }
__scs_overlays_trampoline_lowered:
0x8: {  	[smem:$0x3FAA] =	sst s0  }
0x9: {  	[smem:$0x3FAB] =	sst s1  }
0xa: {  	[smem:$0x3FAC] =	sst s2  }
0xb: {  	[smem:$0x3FAD] =	sst s3  }
0xc: {  	[smem:$0x3FAE] =	sst s4  }
0xd: {  	[smem:$0x3FAF] =	sst s5  }
0xe: {  	[smem:$0x3FB0] =	sst s6  }
0xf: {  	[smem:$0x3FB1] =	sst s7  }
0x10: {  	[smem:$0x3FB2] =	sst s8  }
0x11: {  	[smem:$0x3FB3] =	sst s9;
	s0 =	simm.s32 @!p0 $0x0  }
0x12: {  	s1 =	sld [smem:$0x3F99];
	s0 =	simm.s32 @p0 $0x1  }
0x13: {  	[smem:$0x3FB4] =	sst s0;
	s0 =	simm.s32 @!p1 $0x0  }
0x14: {  	s2 =	sld [smem:$0x3F98];
	s0 =	simm.s32 @p1 $0x1  }
0x15: {  	[smem:$0x3FB5] =	sst s0;
	s0 =	simm.s32 @!p2 $0x0  }
0x16: {  	s3 =	sld [smem:$0x3FDB];
	s0 =	simm.s32 @p2 $0x1  }
0x17: {  	s4 =	simm.s32 $0x1BF5;
	[smem:$0x3FB7] =	sst s0  }
0x18: {  	s0 =	sld [smem:$0x3F9A];
	_ =	swait.ge [sflag:s4], $0x0  }
0x19: {  	s7 =	sld [smem:$0x3F9B]  }
0x1a: {  	s8 =	sadd.s32 $0xFFFFE003, lr  }
0x1b: {  	s9 =	sadd.s32 $0xFFFFFEF7, lr;
	s5 =	simm.s32 $0xFFFFFFFF;
	p2 =	slt.u32 s8, $0xFFFFF086  }
0x1c: {  	p1 =	slt.u32 s9, $0xF7A;
	s5 =	simm.s32 @!p2 $0x0  }
0x1d: {  	s5 =	simm.s32 @p1 $0x1;
	p0 =	seq.s32 s7, s2  }
0x1e: {  	s7 =	smul.u32 @!p0 $0xF7A, s2;
	p2 =	seq.s32 @!p0 s5, $0x0  }
0x1f: {  	s9 =	smul.u32 $0xF7A, s1;
	s8 =	simm.s32 @!p0 $0x1BF5;
	p2 =	por !p2, p0  }
0x20: {  	[sflag:s8] =	ssyncset.s32 @!p0 $0xFFFFF086;
	s6 =	sadd.s32 @!p0 s3, s7;
	s7 =	simm.s32 @!p0 $0x108  }
0x21: {  	s3 =	sadd.s32 s3, s9;
	s6 =	sadd.s32 @!p0 $0x88, s6;
	s7 =	simm.s32 @p2 $0x1082  }
0x22: {  	[simem:s7], [sflag:s8] =	dma.local @!p0 [hbm:s6], $0xF7A  }
0x23: {  	s9 =	sor.u32 $0xD0000000, s2;
	s6 =	simm.s32 $0x108;
	_ =	swait.ge @!p0 [sflag:s8], $0x0  }
0x24: {  	s3 =	sadd.s32 $0x88, s3;
	s6 =	simm.s32 @!p1 $0x1082;
	[sflag:s4] =	ssyncset.s32 $0xFFFFF086  }
0x25: {  	[simem:s6], [sflag:s4] =	dma.local [hbm:s3], $0xF7A  }
0x26: {  	[smem:$0x3F9B] =	sst s1;
	(tag) =	ssettag s2;
	_ =	strace s9  }
0x27: {  	s1 =	sld [smem:$0x3FAB]  }
0x28: {  	s2 =	sld [smem:$0x3FAC]  }
0x29: {  	s4 =	sld [smem:$0x3FAE]  }
0x2a: {  	p0 =	seq.s32 s5, $0x0;
	s5 =	sld [smem:$0x3FAF]  }
0x2b: {  	s6 =	sld [smem:$0x3FB0]  }
0x2c: {  	s7 =	sld [smem:$0x3FB1]  }
0x2d: {  	s3 =	simm.s32 $0x108;
	s8 =	sld [smem:$0x3FB2]  }
0x2e: {  	s3 =	simm.s32 @!p0 $0x1082;
	s9 =	sld [smem:$0x3FB3]  }
0x2f: {  	lr =	sadd.s32 s0, s3;
	s0 =	sld [smem:$0x3FAA]  }
0x30: {  	s3 =	sld [smem:$0x3FAD]  }
0x31: {  	[smem:$0x3FB6] =	sst s10  }
0x32: {  	s10 =	sld [smem:$0x3FB4];
	_ =	sdelay $0x3  }
0x33: {  	p0 =	seq.s32 s10, $0x1;
	s10 =	sld [smem:$0x3FB6];
	_ =	sdelay $0x3  }
0x34: {  	[smem:$0x3FB6] =	sst s10  }
0x35: {  	s10 =	sld [smem:$0x3FB5];
	_ =	sdelay $0x3  }
0x36: {  	p1 =	seq.s32 s10, $0x1;
	s10 =	sld [smem:$0x3FB6];
	_ =	sdelay $0x3  }
0x37: {  	[smem:$0x3FB6] =	sst s10  }
0x38: {  	s10 =	sld [smem:$0x3FB7]  }
0x39: {  	_ = 	snop;
	(pc) =	sbr.ind lr, $3  }
0x3a: {  	_ = 	snop  }
0x3b: {  	_ = 	snop  }
0x3c: {  	p2 =	seq.s32 s10, $0x1;
	s10 =	sld [smem:$0x3FB6]  }
0x3d: {  	_ =	shalt  }
0x3e: {  	_ =	shalt  }
0x3f: {  	_ =	shalt  }
0x40: {  	_ =	shalt  }
0x41: {  	_ =	shalt  }
0x42: {  	_ =	shalt  }
0x43: {  	_ =	shalt  }
0x44: {  	_ =	shalt  }
0x45: {  	_ =	shalt  }
0x46: {  	_ =	shalt  }
0x47: {  	_ =	shalt  }
0x48: {  	_ =	shalt  }
0x49: {  	_ =	shalt  }
0x4a: {  	_ =	shalt  }
0x4b: {  	_ =	shalt  }
0x4c: {  	_ =	shalt  }
0x4d: {  	_ =	shalt  }
0x4e: {  	_ =	shalt  }
0x4f: {  	_ =	shalt  }
0x50: {  	_ =	shalt  }
0x51: {  	_ =	shalt  }
0x52: {  	_ =	shalt  }
0x53: {  	_ =	shalt  }
0x54: {  	_ =	shalt  }
0x55: {  	_ =	shalt  }
0x56: {  	_ =	shalt  }
0x57: {  	_ =	shalt  }
0x58: {  	_ =	shalt  }
0x59: {  	_ =	shalt  }
0x5a: {  	_ =	shalt  }
0x5b: {  	_ =	shalt  }
0x5c: {  	_ =	shalt  }
0x5d: {  	_ =	shalt  }
0x5e: {  	_ =	shalt  }
0x5f: {  	_ =	shalt  }
0x60: {  	_ =	shalt  }
0x61: {  	_ =	shalt  }
0x62: {  	_ =	shalt  }
0x63: {  	_ =	shalt  }
0x64: {  	_ =	shalt  }
0x65: {  	_ =	shalt  }
0x66: {  	_ =	shalt  }
0x67: {  	_ =	shalt  }
0x68: {  	_ =	shalt  }
0x69: {  	_ =	shalt  }
0x6a: {  	_ =	shalt  }
0x6b: {  	_ =	shalt  }
0x6c: {  	_ =	shalt  }
0x6d: {  	_ =	shalt  }
0x6e: {  	_ =	shalt  }
0x6f: {  	_ =	shalt  }
0x70: {  	_ =	shalt  }
0x71: {  	_ =	shalt  }
0x72: {  	_ =	shalt  }
0x73: {  	_ =	shalt  }
0x74: {  	_ =	shalt  }
0x75: {  	_ =	shalt  }
0x76: {  	_ =	shalt  }
0x77: {  	_ =	shalt  }
0x78: {  	_ =	shalt  }
0x79: {  	_ =	shalt  }
0x7a: {  	_ =	shalt  }
0x7b: {  	_ =	shalt  }
0x7c: {  	_ =	shalt  }
0x7d: {  	_ =	shalt  }
0x7e: {  	_ =	shalt  }
0x7f: {  	_ =	shalt  }
0x80: {  	_ =	shalt  }
0x81: {  	_ =	shalt  }
0x82: {  	_ =	shalt  }
0x83: {  	_ =	shalt  }
0x84: {  	_ =	shalt  }
0x85: {  	_ =	shalt  }
0x86: {  	_ =	shalt  }
0x87: {  	_ =	shalt  }
.Lfunc_end0:
.L_simem_size_0:
called_computation.7_lowered:
.L_overlay_start_0:
0x88: {  	s2 =	sld [smem:$0x3FD9]  }
0x89: {  	s3 =	sld [smem:$0x3FFE];
	_ =	sdelay $0x1  }
0x8a: {  	s1 =	srdreg.scid  }
0x8b: {  	s0 =	sand.u32 $0x1, s1  }
0x8c: {  	s17 =	sshll.u32 s0, $0xA;
	s2 =	sadd.s32 s3, s2  }
0x8d: {  	s2 =	sadd.s32 s2, s17  }
0x8e: {  	[smem:$0x3FC2] =	sst s2  }
0x8f: {  	_ = 	snop  }
0x90: {  	s2 =	sld [smem:$0x3FD0];
	(tm) =	ssettm $0x1  }
0x91: {  	s18 =	sld [smem:$0x3FFB];
	_ =	sdelay $0x3  }
0x92: {  	_ =	strace s18  }
0x93: {  	s3 =	sld [smem:$0x3FFC];
	_ =	sdelay $0x3  }
0x94: {  	_ =	strace s3  }
0x95: {  	s3 =	sld [smem:$0x3FFD];
	_ =	sdelay $0x3  }
0x96: {  	_ =	strace s3  }
0x97: {  	_ =	strace $0x8FFFFFFF  }
0x98: {  	s19 =	sld [smem:$0x3FDB];
	_ =	sdelay $0x1  }
0x99: {  	s4 =	simm.s32 $_scs_section_size  }
0x9a: {  	s5 =	simm.s32 $_size__tile_overlayer_lowered;
	s6 =	simm.s32 $_tile_overlayer_lowered  }
0x9b: {  	s22 =	simm.s32 $0x1BFF;
	s21 =	sshll.u32 s6, $0x1;
	s3 =	sadd.s32 s4, s19  }
0x9c: {  	s7 =	simm.s32 $0x0;
	s20 =	sshll.u32 s5, $0x1;
	s5 =	sadd.s32 s21, s3  }
0x9d: {  	[timem:s7], [sflag:s22] =	dma.local [hbm:s5], s20  }
0x9e: {  	_ =	swait.ge [sflag:s22], s20  }
0x9f: {  	s4 =	ssub.s32 $0x0, s20;
	[sflag:s22] =	ssyncset.done $0x0  }
0xa0: {  	[sflag:s22] =	ssyncadd.s32 s4;
	_ =	sdelay $0x1  }
0xa1: {  	s23 =	simm.s32 $0x1B8B  }
0xa2: {  	_ =	swait.ge [sflag:s23], $0x1  }
0xa3: {  	[sflag:s23] =	ssyncset.done $0x0  }
0xa4: {  	s25 =	simm.s32 $0x1B8E;
	s24 =	sld [smem:$0x3FFE];
	[sflag:s23] =	ssyncadd.s32 $0xFFFFFFFF  }
0xa5: {  	s26 =	simm.s32 $execute0_lowered;
	[smem:$0x3FD2] =	sst s25  }
0xa6: {  	s5 =	sshll.u32 s26, $0x1;
	_ =	strace $0x8000005B;
	[dreg:$0x1] =	wrdreg $0xFFFFFFFF  }
0xa7: {  	s28 =	simm.s32 $_size_execute0_lowered;
	s3 =	sadd.s32 s3, s5;
	[dreg:$0x0] =	wrdreg $0x0  }
0xa8: {  	s5 =	sshll.u32 s28, $0x1;
	[dreg:$0x2] =	wrdreg s3  }
0xa9: {  	[dreg:$0x3] =	wrdreg s5  }
0xaa: {  	[dreg:$0x4] =	wrdreg $0xC0  }
0xab: {  	_ =	task [dreg:s7], $0x5FFFF  }
0xac: {  	[dreg:$0x1] =	wrdreg $0xFFFFFFFF  }
0xad: {  	[dreg:$0x0] =	wrdreg $0x60  }
0xae: {  	[dreg:$0x2] =	wrdreg s24  }
0xaf: {  	[dreg:$0x3] =	wrdreg s2  }
0xb0: {  	[dreg:$0x4] =	wrdreg $0xA4100  }
0xb1: {  	[dreg:$0x5] =	wrdreg $0x9  }
0xb2: {  	_ =	task.clear_ibuf [dreg:s7], $0x6FFFF;
	_ =	strace $0x9000005B  }
0xb3: {  	s29 =	simm.s32 $0x9;
	_ =	strace $0x8000005D  }
0xb4: {  	_ =	swait.ge [sflag:s29], $0x1  }
0xb5: {  	[sflag:s29] =	ssyncadd.s32 $0xFFFFFFFF  }
0xb6: {  	_ =	strace $0x9000005D  }
0xb7: {  	_ =	sfence  }
0xb8: {  	s30 =	sld [smem:$0x0];
	_ =	sdelay $0x2  }
0xb9: {  	s31 =	sshll.u32 s1, $0xD;
	s1 =	sshrl.u32 s1, $0x2  }
0xba: {  	s3 =	sand.u32 $0x4000, s31;
	s1 =	sadd.s32 s1, s30  }
0xbb: {  	s0 =	sor.u32 s3, s0;
	s1 =	sshll.u32 s1, $0x11  }
0xbc: {  	s0 =	sor.u32 s1, s0  }
0xbd: {  	s0 =	sadd.s32 $0x8F2B, s0  }
0xbe: {  	[sflag:s0] =	ssyncadd.remote.s32 $0x1  }
0xbf: {  	_ =	sfence.sel $0xFFFF  }
0xc0: {  	[dreg:$0x0] =	wrdreg $0xFFFFFFFF;
	(pc) =	sbr.abs _section_cstart, $3  }
0xc1: {  	[dreg:$0x1] =	wrdreg $0xFFFFFFFF  }
0xc2: {  	_ =	task.clear_ibuf [dreg:s7], $0x2FFFF;
	_ =	strace $0x9FFFFFFF  }
0xc3: {  	(tm) =	ssettm $0x7FFFFFFF  }
tec
execute0_lowered:
.L_overlay_start_1:
0x0: {  	(tag) =	ssettag $0x1  }
0x1: {  	s0 =	srdreg.scid  }
0x2: {  	s3 =	rddreg [dreg:$0x0];
	s31 =	sand.u32 $0x1, s0  }
0x3: {  	s1 =	rddreg [dreg:$0x1];
	s4 =	stileid.u32;
	s0 =	sshll.u32 s31, $0x4  }
0x4: {  	[dreg:$0x4] =	wrdreg s1;
	s5 =	sor.u32 s4, s0  }
0x5: {  	s2 =	simm.s32 $0x0;
	s1 =	rddreg [dreg:$0x2];
	s6 =	smul.u32 $0x4E2, s5  }
0x6: {  	[smem:$0x7FF] =	sst s2;
	s9 =	sadd.s32 $0x18600, s3;
	s8 =	smul.u32 $0x4E20, s31  }
0x7: {  	_ =	strace $0x8000005C;
	s7 =	smul.u32 $0x27100, s5;
	s6 =	sadd.s32 s6, s3  }
0x8: {  	s5 =	smul.u32 $0x4E20, s5;
	s3 =	sadd.s32 s8, s3;
	s6 =	sadd.s32 $0xE800, s6  }
0x9: {  	s7 =	sshrl.u32 s7, $0x3;
	s25 =	sadd.s32 $0xB4A00, s3;
	[dreg:$0x5] =	wrdreg s6  }
0xa: {  	p0 =	sne.s32 s4, $0x0;
	s7 =	sadd.s32 s9, s7;
	[dreg:$0x7] =	wrdreg s25  }
0xb: {  	s3 =	sadd.s32 s9, s5;
	s24 =	sadd.s32 $0x7D0, s7;
	s7 =	rddreg [dreg:$0x4]  }
0xc: {  	s4 =	simm.s32 @!p0 $0x5;
	s5 =	sadd.s32 $0xFA0, s3;
	[dreg:$0x6] =	wrdreg s24  }
0xd: {  	s6 =	simm.s32 @!p0 $0x1C05;
	[dreg:$0x8] =	wrdreg s5;
	s5 =	sshrl.u32 @!p0 s1, $0x3  }
0xe: {  	[spmem:s5], [sflag:s6] =	dma.local @!p0 [hbm:s7], $0x4E20  }
0xf: {  	_ =	swait.ge @!p0 [sflag:s4], $0x4E20  }
0x10: {  	[sflag:s4] =	ssyncset.done @!p0 $0x0  }
0x11: {  	[sflag:s4] =	ssyncadd.s32 @!p0 $0xFFFFB1E0  }
0x12: {  	[bflag:$0x0] =	sbarrier.arrive $0xFFFF  }
0x13: {  	s7 =	simm.s32 $0x5;
	s26 =	rddreg [dreg:$0x5]  }
0x14: {  	[tilespmem:s2], [sflag:$0x5] =	stream.linear.gather [hbm4b:s26+s2], $0x2710, $0x38;
	[tilespmem:$0xCB20] =	vst v63  }
0x15: {  	_ =	swait.ge [sflag:s7], $0x2710  }
0x16: {  	[sflag:s7] =	ssyncset.done $0x0  }
0x17: {  	s8 =	simm.s32 $0x2710;
	[sflag:s7] =	ssyncadd.s32 $0xFFFFD8F0  }
0x18: {  	[tilespmem:s8], [sflag:$0x1] =	stream.linear.gather [hbm4b:s3+s2], $0x3E80, $0x38;
	[tilespmem:$0xCB20] =	vst v63  }
0x19: {  	s10 =	simm.s32 $0x1;
	s9 =	simm.s32 $0x6590;
	s11 =	rddreg [dreg:$0x6]  }
0x1a: {  	[tilespmem:s9], [sflag:$0x2] =	stream.linear.gather [hbm4b:s11+s2], $0x3E80, $0x38;
	[tilespmem:$0xCB20] =	vst v63  }
0x1b: {  	_ =	swait.ge [sflag:s10], $0x3E80  }
0x1c: {  	[sflag:s10] =	ssyncset.done $0x0  }
0x1d: {  	s12 =	simm.s32 $0x2;
	s11 =	simm.s32 $0x3E8;
	[sflag:s10] =	ssyncadd.s32 $0xFFFFC180  }
0x1e: {  	[spmem:s1] =	stream.indirect.scatter.add.f32 [tilespmem:s8], [sflag:$0x3], $0x10, s2, s11, $0xb8;
	[tilespmem:$0xCB20] =	vst v63  }
0x1f: {  	_ =	swait.ge [sflag:s12], $0x3E80  }
0x20: {  	[sflag:s12] =	ssyncset.done $0x0  }
0x21: {  	s13 =	simm.s32 $0x3;
	[sflag:s12] =	ssyncadd.s32 $0xFFFFC180  }
0x22: {  	[spmem:s1] =	stream.indirect.scatter.add.f32 [tilespmem:s9], [sflag:$0x4], $0x10, s11, s11, $0xb8;
	[tilespmem:$0xCB20] =	vst v63  }
0x23: {  	_ =	swait.ge [sflag:s13], $0x3E80  }
0x24: {  	[sflag:s13] =	ssyncset.done $0x0  }
0x25: {  	s14 =	simm.s32 $0x4;
	s15 =	rddreg [dreg:$0x8];
	[sflag:s13] =	ssyncadd.s32 $0xFFFFC180  }
0x26: {  	[tilespmem:s8], [sflag:$0x1] =	stream.linear.gather [hbm4b:s15+s2], $0x3E80, $0x38;
	[tilespmem:$0xCB20] =	vst v63  }
0x27: {  	_ =	swait.ge [sflag:s14], $0x3E80  }
0x28: {  	[sflag:s14] =	ssyncset.done $0x0  }
0x29: {  	s15 =	sadd.s32 $0x1770, s3;
	[sflag:s14] =	ssyncadd.s32 $0xFFFFC180  }
0x2a: {  	[tilespmem:s9], [sflag:$0x2] =	stream.linear.gather [hbm4b:s15+s2], $0x3E80, $0x38;
	[tilespmem:$0xCB20] =	vst v63  }
0x2b: {  	_ =	swait.ge [sflag:s10], $0x3E80  }
0x2c: {  	[sflag:s10] =	ssyncset.done $0x0  }
0x2d: {  	s16 =	simm.s32 $0x7D0;
	[sflag:s10] =	ssyncadd.s32 $0xFFFFC180  }
0x2e: {  	[spmem:s1] =	stream.indirect.scatter.add.f32 [tilespmem:s8], [sflag:$0x3], $0x10, s16, s11, $0xb8;
	[tilespmem:$0xCB20] =	vst v63  }
0x2f: {  	_ =	swait.ge [sflag:s12], $0x3E80  }
0x30: {  	[sflag:s12] =	ssyncset.done $0x0  }
0x31: {  	s17 =	simm.s32 $0xBB8;
	[sflag:s12] =	ssyncadd.s32 $0xFFFFC180  }
0x32: {  	[spmem:s1] =	stream.indirect.scatter.add.f32 [tilespmem:s9], [sflag:$0x4], $0x10, s17, s11, $0xb8;
	[tilespmem:$0xCB20] =	vst v63  }
0x33: {  	_ =	swait.ge [sflag:s13], $0x3E80  }
0x34: {  	[sflag:s13] =	ssyncset.done $0x0  }
0x35: {  	s18 =	sadd.s32 $0x1F40, s3;
	[sflag:s13] =	ssyncadd.s32 $0xFFFFC180  }
0x36: {  	[tilespmem:s8], [sflag:$0x1] =	stream.linear.gather [hbm4b:s18+s2], $0x3E80, $0x38;
	[tilespmem:$0xCB20] =	vst v63  }
0x37: {  	_ =	swait.ge [sflag:s14], $0x3E80  }
0x38: {  	[sflag:s14] =	ssyncset.done $0x0  }
0x39: {  	s19 =	sadd.s32 $0x2710, s3;
	[sflag:s14] =	ssyncadd.s32 $0xFFFFC180  }
0x3a: {  	[tilespmem:s9], [sflag:$0x2] =	stream.linear.gather [hbm4b:s19+s2], $0x3E80, $0x38;
	[tilespmem:$0xCB20] =	vst v63  }
0x3b: {  	_ =	swait.ge [sflag:s10], $0x3E80  }
0x3c: {  	[sflag:s10] =	ssyncset.done $0x0  }
0x3d: {  	s20 =	simm.s32 $0xFA0;
	[sflag:s10] =	ssyncadd.s32 $0xFFFFC180  }
0x3e: {  	[spmem:s1] =	stream.indirect.scatter.add.f32 [tilespmem:s8], [sflag:$0x3], $0x10, s20, s11, $0xb8;
	[tilespmem:$0xCB20] =	vst v63  }
0x3f: {  	_ =	swait.ge [sflag:s12], $0x3E80  }
0x40: {  	[sflag:s12] =	ssyncset.done $0x0  }
0x41: {  	s21 =	simm.s32 $0x1388;
	[sflag:s12] =	ssyncadd.s32 $0xFFFFC180  }
0x42: {  	[spmem:s1] =	stream.indirect.scatter.add.f32 [tilespmem:s9], [sflag:$0x4], $0x10, s21, s11, $0xb8;
	[tilespmem:$0xCB20] =	vst v63  }
0x43: {  	_ =	swait.ge [sflag:s13], $0x3E80  }
0x44: {  	[sflag:s13] =	ssyncset.done $0x0  }
0x45: {  	s22 =	sadd.s32 $0x2EE0, s3;
	[sflag:s13] =	ssyncadd.s32 $0xFFFFC180  }
0x46: {  	[tilespmem:s8], [sflag:$0x1] =	stream.linear.gather [hbm4b:s22+s2], $0x3E80, $0x38;
	[tilespmem:$0xCB20] =	vst v63  }
0x47: {  	_ =	swait.ge [sflag:s14], $0x3E80  }
0x48: {  	[sflag:s14] =	ssyncset.done $0x0  }
0x49: {  	s23 =	sadd.s32 $0x36B0, s3;
	[sflag:s14] =	ssyncadd.s32 $0xFFFFC180  }
0x4a: {  	[tilespmem:s9], [sflag:$0x2] =	stream.linear.gather [hbm4b:s23+s2], $0x3E80, $0x38;
	[tilespmem:$0xCB20] =	vst v63  }
0x4b: {  	_ =	swait.ge [sflag:s10], $0x3E80  }
0x4c: {  	[sflag:s10] =	ssyncset.done $0x0  }
0x4d: {  	s24 =	simm.s32 $0x1770;
	[sflag:s10] =	ssyncadd.s32 $0xFFFFC180  }
0x4e: {  	[spmem:s1] =	stream.indirect.scatter.add.f32 [tilespmem:s8], [sflag:$0x3], $0x10, s24, s11, $0xb8;
	[tilespmem:$0xCB20] =	vst v63  }
0x4f: {  	_ =	swait.ge [sflag:s12], $0x3E80  }
0x50: {  	[sflag:s12] =	ssyncset.done $0x0  }
0x51: {  	s25 =	simm.s32 $0x1B58;
	[sflag:s12] =	ssyncadd.s32 $0xFFFFC180  }
0x52: {  	[spmem:s1] =	stream.indirect.scatter.add.f32 [tilespmem:s9], [sflag:$0x4], $0x10, s25, s11, $0xb8;
	[tilespmem:$0xCB20] =	vst v63  }
0x53: {  	_ =	swait.ge [sflag:s13], $0x3E80  }
0x54: {  	[sflag:s13] =	ssyncset.done $0x0  }
0x55: {  	s26 =	sadd.s32 $0x3E80, s3;
	[sflag:s13] =	ssyncadd.s32 $0xFFFFC180  }
0x56: {  	[tilespmem:s8], [sflag:$0x1] =	stream.linear.gather [hbm4b:s26+s2], $0x3E80, $0x38;
	[tilespmem:$0xCB20] =	vst v63  }
0x57: {  	_ =	swait.ge [sflag:s14], $0x3E80  }
0x58: {  	[sflag:s14] =	ssyncset.done $0x0  }
0x59: {  	s28 =	sadd.s32 $0x4650, s3;
	[sflag:s14] =	ssyncadd.s32 $0xFFFFC180  }
0x5a: {  	[tilespmem:s9], [sflag:$0x2] =	stream.linear.gather [hbm4b:s28+s2], $0x3E80, $0x38;
	[tilespmem:$0xCB20] =	vst v63  }
0x5b: {  	_ =	swait.ge [sflag:s10], $0x3E80  }
0x5c: {  	[sflag:s10] =	ssyncset.done $0x0  }
0x5d: {  	s29 =	simm.s32 $0x1F40;
	[sflag:s10] =	ssyncadd.s32 $0xFFFFC180  }
0x5e: {  	[spmem:s1] =	stream.indirect.scatter.add.f32 [tilespmem:s8], [sflag:$0x3], $0x10, s29, s11, $0xb8;
	[tilespmem:$0xCB20] =	vst v63  }
0x5f: {  	_ =	swait.ge [sflag:s12], $0x3E80  }
0x60: {  	[sflag:s12] =	ssyncset.done $0x0  }
0x61: {  	s30 =	simm.s32 $0x2328;
	[sflag:s12] =	ssyncadd.s32 $0xFFFFC180  }
0x62: {  	[spmem:s1] =	stream.indirect.scatter.add.f32 [tilespmem:s9], [sflag:$0x4], $0x10, s30, s11, $0xb8;
	[tilespmem:$0xCB20] =	vst v63  }
0x63: {  	_ =	swait.ge [sflag:s13], $0x3E80  }
0x64: {  	[sflag:s13] =	ssyncset.done $0x0  }
0x65: {  	[sflag:s13] =	ssyncadd.s32 $0xFFFFC180  }
0x66: {  	_ =	swait.ge [sflag:s14], $0x3E80  }
0x67: {  	[sflag:s14] =	ssyncset.done $0x0  }
0x68: {  	[sflag:s14] =	ssyncadd.s32 $0xFFFFC180  }
0x69: {  	[bflag:$0x0] =	sbarrier.arrive $0xFFFF  }
0x6a: {  	s31 =	ssub.s32 $0x2, s31;
	s0 =	rddreg [dreg:$0x7]  }
0x6b: {  	[dreg:$0x9] =	wrdreg s0;
	s0 =	sshrl.u32 s31, $0x1  }
0x6c: {  	s0 =	ssub.s32 s31, s0;
	s31 =	rddreg [dreg:$0x9]  }
0x6d: {  	[hbm:s31], [sflag:s6] =	dma.local @!p0 [spmem:s5], $0x4E20  }
0x6e: {  	s0 =	smax.u32 s0, $0x1  }
0x6f: {  	s31 =	sadd.s32 $0xFFFFFFFF, s0  }
0x70: {  	p1 =	sne.s32 s31, $0x0  }
.Ltmp0:
0x71: {  	_ = 	snop;
	(pc) =	sbr.rel @!p1 .LBB2_2-.Ltmp0, $2  }
0x72: {  	_ =	sdelay $0x2  }
0x73: {  	_ =	swait.ge @!p0 [sflag:s4], $0x4E20  }
.LBB2_1:
0x74: {  	[sflag:s4] =	ssyncset.done @!p0 $0x0  }
0x75: {  	s0 =	rddreg [dreg:$0x4];
	[sflag:s4] =	ssyncadd.s32 @!p0 $0xFFFFB1E0  }
0x76: {  	[spmem:s5], [sflag:s6] =	dma.local @!p0 [hbm:s0], $0x4E20  }
0x77: {  	_ =	swait.ge @!p0 [sflag:s4], $0x4E20  }
0x78: {  	[sflag:s4] =	ssyncset.done @!p0 $0x0  }
0x79: {  	[sflag:s4] =	ssyncadd.s32 @!p0 $0xFFFFB1E0  }
0x7a: {  	[bflag:$0x0] =	sbarrier.arrive $0xFFFF  }
0x7b: {  	s0 =	rddreg [dreg:$0x5]  }
0x7c: {  	[tilespmem:s2], [sflag:$0x5] =	stream.linear.gather [hbm4b:s0+s2], $0x2710, $0x38;
	[tilespmem:$0xCB20] =	vst v63  }
0x7d: {  	_ =	swait.ge [sflag:s7], $0x2710  }
0x7e: {  	[sflag:s7] =	ssyncset.done $0x0  }
0x7f: {  	[sflag:s7] =	ssyncadd.s32 $0xFFFFD8F0  }
0x80: {  	[tilespmem:s8], [sflag:$0x1] =	stream.linear.gather [hbm4b:s3+s2], $0x3E80, $0x38;
	[tilespmem:$0xCB20] =	vst v63  }
0x81: {  	s0 =	rddreg [dreg:$0x6]  }
0x82: {  	[tilespmem:s9], [sflag:$0x2] =	stream.linear.gather [hbm4b:s0+s2], $0x3E80, $0x38;
	[tilespmem:$0xCB20] =	vst v63  }
0x83: {  	_ =	swait.ge [sflag:s10], $0x3E80  }
0x84: {  	[sflag:s10] =	ssyncset.done $0x0  }
0x85: {  	[sflag:s10] =	ssyncadd.s32 $0xFFFFC180  }
0x86: {  	[spmem:s1] =	stream.indirect.scatter.add.f32 [tilespmem:s8], [sflag:$0x3], $0x10, s2, s11, $0xb8;
	[tilespmem:$0xCB20] =	vst v63  }
0x87: {  	_ =	swait.ge [sflag:s12], $0x3E80  }
0x88: {  	[sflag:s12] =	ssyncset.done $0x0  }
0x89: {  	[sflag:s12] =	ssyncadd.s32 $0xFFFFC180  }
0x8a: {  	[spmem:s1] =	stream.indirect.scatter.add.f32 [tilespmem:s9], [sflag:$0x4], $0x10, s11, s11, $0xb8;
	[tilespmem:$0xCB20] =	vst v63  }
0x8b: {  	_ =	swait.ge [sflag:s13], $0x3E80  }
0x8c: {  	[sflag:s13] =	ssyncset.done $0x0  }
0x8d: {  	s0 =	rddreg [dreg:$0x8];
	[sflag:s13] =	ssyncadd.s32 $0xFFFFC180  }
0x8e: {  	[tilespmem:s8], [sflag:$0x1] =	stream.linear.gather [hbm4b:s0+s2], $0x3E80, $0x38;
	[tilespmem:$0xCB20] =	vst v63  }
0x8f: {  	_ =	swait.ge [sflag:s14], $0x3E80  }
0x90: {  	[sflag:s14] =	ssyncset.done $0x0  }
0x91: {  	[sflag:s14] =	ssyncadd.s32 $0xFFFFC180  }
0x92: {  	[tilespmem:s9], [sflag:$0x2] =	stream.linear.gather [hbm4b:s15+s2], $0x3E80, $0x38;
	[tilespmem:$0xCB20] =	vst v63  }
0x93: {  	_ =	swait.ge [sflag:s10], $0x3E80  }
0x94: {  	[sflag:s10] =	ssyncset.done $0x0  }
0x95: {  	[sflag:s10] =	ssyncadd.s32 $0xFFFFC180  }
0x96: {  	[spmem:s1] =	stream.indirect.scatter.add.f32 [tilespmem:s8], [sflag:$0x3], $0x10, s16, s11, $0xb8;
	[tilespmem:$0xCB20] =	vst v63  }
0x97: {  	_ =	swait.ge [sflag:s12], $0x3E80  }
0x98: {  	[sflag:s12] =	ssyncset.done $0x0  }
0x99: {  	[sflag:s12] =	ssyncadd.s32 $0xFFFFC180  }
0x9a: {  	[spmem:s1] =	stream.indirect.scatter.add.f32 [tilespmem:s9], [sflag:$0x4], $0x10, s17, s11, $0xb8;
	[tilespmem:$0xCB20] =	vst v63  }
0x9b: {  	_ =	swait.ge [sflag:s13], $0x3E80  }
0x9c: {  	[sflag:s13] =	ssyncset.done $0x0  }
0x9d: {  	[sflag:s13] =	ssyncadd.s32 $0xFFFFC180  }
0x9e: {  	[tilespmem:s8], [sflag:$0x1] =	stream.linear.gather [hbm4b:s18+s2], $0x3E80, $0x38;
	[tilespmem:$0xCB20] =	vst v63  }
0x9f: {  	_ =	swait.ge [sflag:s14], $0x3E80  }
0xa0: {  	[sflag:s14] =	ssyncset.done $0x0  }
0xa1: {  	[sflag:s14] =	ssyncadd.s32 $0xFFFFC180  }
0xa2: {  	[tilespmem:s9], [sflag:$0x2] =	stream.linear.gather [hbm4b:s19+s2], $0x3E80, $0x38;
	[tilespmem:$0xCB20] =	vst v63  }
0xa3: {  	_ =	swait.ge [sflag:s10], $0x3E80  }
0xa4: {  	[sflag:s10] =	ssyncset.done $0x0  }
0xa5: {  	[sflag:s10] =	ssyncadd.s32 $0xFFFFC180  }
0xa6: {  	[spmem:s1] =	stream.indirect.scatter.add.f32 [tilespmem:s8], [sflag:$0x3], $0x10, s20, s11, $0xb8;
	[tilespmem:$0xCB20] =	vst v63  }
0xa7: {  	_ =	swait.ge [sflag:s12], $0x3E80  }
0xa8: {  	[sflag:s12] =	ssyncset.done $0x0  }
0xa9: {  	[sflag:s12] =	ssyncadd.s32 $0xFFFFC180  }
0xaa: {  	[spmem:s1] =	stream.indirect.scatter.add.f32 [tilespmem:s9], [sflag:$0x4], $0x10, s21, s11, $0xb8;
	[tilespmem:$0xCB20] =	vst v63  }
0xab: {  	_ =	swait.ge [sflag:s13], $0x3E80  }
0xac: {  	[sflag:s13] =	ssyncset.done $0x0  }
0xad: {  	[sflag:s13] =	ssyncadd.s32 $0xFFFFC180  }
0xae: {  	[tilespmem:s8], [sflag:$0x1] =	stream.linear.gather [hbm4b:s22+s2], $0x3E80, $0x38;
	[tilespmem:$0xCB20] =	vst v63  }
0xaf: {  	_ =	swait.ge [sflag:s14], $0x3E80  }
0xb0: {  	[sflag:s14] =	ssyncset.done $0x0  }
0xb1: {  	[sflag:s14] =	ssyncadd.s32 $0xFFFFC180  }
0xb2: {  	[tilespmem:s9], [sflag:$0x2] =	stream.linear.gather [hbm4b:s23+s2], $0x3E80, $0x38;
	[tilespmem:$0xCB20] =	vst v63  }
0xb3: {  	_ =	swait.ge [sflag:s10], $0x3E80  }
0xb4: {  	[sflag:s10] =	ssyncset.done $0x0  }
0xb5: {  	[sflag:s10] =	ssyncadd.s32 $0xFFFFC180  }
0xb6: {  	[spmem:s1] =	stream.indirect.scatter.add.f32 [tilespmem:s8], [sflag:$0x3], $0x10, s24, s11, $0xb8;
	[tilespmem:$0xCB20] =	vst v63  }
0xb7: {  	_ =	swait.ge [sflag:s12], $0x3E80  }
0xb8: {  	[sflag:s12] =	ssyncset.done $0x0  }
0xb9: {  	[sflag:s12] =	ssyncadd.s32 $0xFFFFC180  }
0xba: {  	[spmem:s1] =	stream.indirect.scatter.add.f32 [tilespmem:s9], [sflag:$0x4], $0x10, s25, s11, $0xb8;
	[tilespmem:$0xCB20] =	vst v63  }
0xbb: {  	_ =	swait.ge [sflag:s13], $0x3E80  }
0xbc: {  	[sflag:s13] =	ssyncset.done $0x0  }
0xbd: {  	[sflag:s13] =	ssyncadd.s32 $0xFFFFC180  }
0xbe: {  	[tilespmem:s8], [sflag:$0x1] =	stream.linear.gather [hbm4b:s26+s2], $0x3E80, $0x38;
	[tilespmem:$0xCB20] =	vst v63  }
0xbf: {  	_ =	swait.ge [sflag:s14], $0x3E80  }
0xc0: {  	[sflag:s14] =	ssyncset.done $0x0  }
0xc1: {  	[sflag:s14] =	ssyncadd.s32 $0xFFFFC180  }
0xc2: {  	[tilespmem:s9], [sflag:$0x2] =	stream.linear.gather [hbm4b:s28+s2], $0x3E80, $0x38;
	[tilespmem:$0xCB20] =	vst v63  }
0xc3: {  	_ =	swait.ge [sflag:s10], $0x3E80  }
0xc4: {  	[sflag:s10] =	ssyncset.done $0x0  }
0xc5: {  	[sflag:s10] =	ssyncadd.s32 $0xFFFFC180  }
0xc6: {  	[spmem:s1] =	stream.indirect.scatter.add.f32 [tilespmem:s8], [sflag:$0x3], $0x10, s29, s11, $0xb8;
	[tilespmem:$0xCB20] =	vst v63  }
0xc7: {  	_ =	swait.ge [sflag:s12], $0x3E80  }
0xc8: {  	[sflag:s12] =	ssyncset.done $0x0  }
0xc9: {  	[sflag:s12] =	ssyncadd.s32 $0xFFFFC180  }
0xca: {  	[spmem:s1] =	stream.indirect.scatter.add.f32 [tilespmem:s9], [sflag:$0x4], $0x10, s30, s11, $0xb8;
	[tilespmem:$0xCB20] =	vst v63  }
0xcb: {  	_ =	swait.ge [sflag:s13], $0x3E80  }
0xcc: {  	[sflag:s13] =	ssyncset.done $0x0  }
0xcd: {  	[sflag:s13] =	ssyncadd.s32 $0xFFFFC180  }
0xce: {  	s31 =	sadd.s32 $0xFFFFFFFF, s31;
	_ =	swait.ge [sflag:s14], $0x3E80  }
0xcf: {  	p1 =	sne.s32 s31, $0x0;
	[sflag:s14] =	ssyncset.done $0x0  }
.Ltmp1:
0xd0: {  	[sflag:s14] =	ssyncadd.s32 $0xFFFFC180;
	(pc) =	sbr.rel @p1 .LBB2_1-.Ltmp1, $4  }
0xd1: {  	[bflag:$0x0] =	sbarrier.arrive $0xFFFF  }
0xd2: {  	s0 =	rddreg [dreg:$0x7]  }
0xd3: {  	[hbm:s0], [sflag:s6] =	dma.local @!p0 [spmem:s5], $0x4E20  }
0xd4: {  	_ =	swait.ge @!p0 [sflag:s4], $0x4E20  }
.LBB2_2:
0xd5: {  	[sflag:s4] =	ssyncset.done @!p0 $0x0  }
0xd6: {  	[sflag:s4] =	ssyncadd.s32 @!p0 $0xFFFFB1E0  }
0xd7: {  	_ =	sfence.sel $0x180000  }
0xd8: {  	[bflag:$0x0] =	sbarrier.arrive $0xFFFF  }
0xd9: {  	_ =	strace $0x9000005C  }
0xda: {  	[bflag:$0x2] =	sbarrier.arrive $0xFFFF  }
0xdb: {  	s0 =	rddreg [dreg:$0x3]  }
0xdc: {  	s0 =	sadd.s32 @!p0 $0x100000, s0  }
0xdd: {  	[sflag:s0] =	ssyncadd.tile.s32 @!p0 $0x1;
	_ =	shalt  }
.Lfunc_end2:
_tile_overlayer_lowered:
.L_overlay_start_2:
0xde: {  	(tag) =	ssettag $0x2  }
0xdf: {  	s0 =	rddreg [dreg:$0x0];
	s2 =	stileid.u32  }
0xe0: {  	s1 =	rddreg [dreg:$0x1];
	p0 =	sne.s32 s2, $0x0  }
0xe1: {  	s3 =	rddreg [dreg:$0x2];
	[bflag:$0x3] =	sbarrier.arrive $0xFFFF;
	s2 =	simm.s32 @!p0 $0x1C05  }
0xe2: {  	[timem:s3], [sflag:s2] =	dma.local @!p0 [hbm:s0], s1  }
0xe3: {  	s0 =	simm.s32 @!p0 $0x5  }
0xe4: {  	_ =	swait.ge @!p0 [sflag:s0], s1  }
0xe5: {  	s1 =	ssub.s32 @!p0 $0x0, s1;
	[sflag:s0] =	ssyncset.done @!p0 $0x0  }
0xe6: {  	[sflag:s0] =	ssyncadd.s32 @!p0 s1  }
0xe7: {  	[bflag:$0x3] =	sbarrier.arrive $0xFFFF  }
0xe8: {  	_ =	shalt  }

// kernel: kernel.47.cloned.1.call-start
scs
__scs_entry_jumppad:
0x0: {  	(pc) =	sbr.rel $0x88, $3  }
0x1: {  	(tag) =	ssettag $0x0;
	lr =	simm.s32 $0x1  }
0x2: {  	[smem:$0x3F9B] =	sst lr;
	_ =	strace $0xD0000000  }
0x3: {  	_ = 	snop  }
0x4: {  	_ = 	snop  }
0x5: {  	_ = 	snop  }
0x6: {  	_ = 	snop  }
0x7: {  	_ = 	snop  }
__scs_overlays_trampoline_lowered:
0x8: {  	[smem:$0x3FAA] =	sst s0  }
0x9: {  	[smem:$0x3FAB] =	sst s1  }
0xa: {  	[smem:$0x3FAC] =	sst s2  }
0xb: {  	[smem:$0x3FAD] =	sst s3  }
0xc: {  	[smem:$0x3FAE] =	sst s4  }
0xd: {  	[smem:$0x3FAF] =	sst s5  }
0xe: {  	[smem:$0x3FB0] =	sst s6  }
0xf: {  	[smem:$0x3FB1] =	sst s7  }
0x10: {  	[smem:$0x3FB2] =	sst s8  }
0x11: {  	[smem:$0x3FB3] =	sst s9;
	s0 =	simm.s32 @!p0 $0x0  }
0x12: {  	s1 =	sld [smem:$0x3F99];
	s0 =	simm.s32 @p0 $0x1  }
0x13: {  	[smem:$0x3FB4] =	sst s0;
	s0 =	simm.s32 @!p1 $0x0  }
0x14: {  	s2 =	sld [smem:$0x3F98];
	s0 =	simm.s32 @p1 $0x1  }
0x15: {  	[smem:$0x3FB5] =	sst s0;
	s0 =	simm.s32 @!p2 $0x0  }
0x16: {  	s3 =	sld [smem:$0x3FDB];
	s0 =	simm.s32 @p2 $0x1  }
0x17: {  	s4 =	simm.s32 $0x1BF5;
	[smem:$0x3FB7] =	sst s0  }
0x18: {  	s0 =	sld [smem:$0x3F9A];
	_ =	swait.ge [sflag:s4], $0x0  }
0x19: {  	s7 =	sld [smem:$0x3F9B]  }
0x1a: {  	s8 =	sadd.s32 $0xFFFFE003, lr  }
0x1b: {  	s9 =	sadd.s32 $0xFFFFFEF7, lr;
	s5 =	simm.s32 $0xFFFFFFFF;
	p2 =	slt.u32 s8, $0xFFFFF086  }
0x1c: {  	p1 =	slt.u32 s9, $0xF7A;
	s5 =	simm.s32 @!p2 $0x0  }
0x1d: {  	s5 =	simm.s32 @p1 $0x1;
	p0 =	seq.s32 s7, s2  }
0x1e: {  	s7 =	smul.u32 @!p0 $0xF7A, s2;
	p2 =	seq.s32 @!p0 s5, $0x0  }
0x1f: {  	s9 =	smul.u32 $0xF7A, s1;
	s8 =	simm.s32 @!p0 $0x1BF5;
	p2 =	por !p2, p0  }
0x20: {  	[sflag:s8] =	ssyncset.s32 @!p0 $0xFFFFF086;
	s6 =	sadd.s32 @!p0 s3, s7;
	s7 =	simm.s32 @!p0 $0x108  }
0x21: {  	s3 =	sadd.s32 s3, s9;
	s6 =	sadd.s32 @!p0 $0x88, s6;
	s7 =	simm.s32 @p2 $0x1082  }
0x22: {  	[simem:s7], [sflag:s8] =	dma.local @!p0 [hbm:s6], $0xF7A  }
0x23: {  	s9 =	sor.u32 $0xD0000000, s2;
	s6 =	simm.s32 $0x108;
	_ =	swait.ge @!p0 [sflag:s8], $0x0  }
0x24: {  	s3 =	sadd.s32 $0x88, s3;
	s6 =	simm.s32 @!p1 $0x1082;
	[sflag:s4] =	ssyncset.s32 $0xFFFFF086  }
0x25: {  	[simem:s6], [sflag:s4] =	dma.local [hbm:s3], $0xF7A  }
0x26: {  	[smem:$0x3F9B] =	sst s1;
	(tag) =	ssettag s2;
	_ =	strace s9  }
0x27: {  	s1 =	sld [smem:$0x3FAB]  }
0x28: {  	s2 =	sld [smem:$0x3FAC]  }
0x29: {  	s4 =	sld [smem:$0x3FAE]  }
0x2a: {  	p0 =	seq.s32 s5, $0x0;
	s5 =	sld [smem:$0x3FAF]  }
0x2b: {  	s6 =	sld [smem:$0x3FB0]  }
0x2c: {  	s7 =	sld [smem:$0x3FB1]  }
0x2d: {  	s3 =	simm.s32 $0x108;
	s8 =	sld [smem:$0x3FB2]  }
0x2e: {  	s3 =	simm.s32 @!p0 $0x1082;
	s9 =	sld [smem:$0x3FB3]  }
0x2f: {  	lr =	sadd.s32 s0, s3;
	s0 =	sld [smem:$0x3FAA]  }
0x30: {  	s3 =	sld [smem:$0x3FAD]  }
0x31: {  	[smem:$0x3FB6] =	sst s10  }
0x32: {  	s10 =	sld [smem:$0x3FB4];
	_ =	sdelay $0x3  }
0x33: {  	p0 =	seq.s32 s10, $0x1;
	s10 =	sld [smem:$0x3FB6];
	_ =	sdelay $0x3  }
0x34: {  	[smem:$0x3FB6] =	sst s10  }
0x35: {  	s10 =	sld [smem:$0x3FB5];
	_ =	sdelay $0x3  }
0x36: {  	p1 =	seq.s32 s10, $0x1;
	s10 =	sld [smem:$0x3FB6];
	_ =	sdelay $0x3  }
0x37: {  	[smem:$0x3FB6] =	sst s10  }
0x38: {  	s10 =	sld [smem:$0x3FB7]  }
0x39: {  	_ = 	snop;
	(pc) =	sbr.ind lr, $3  }
0x3a: {  	_ = 	snop  }
0x3b: {  	_ = 	snop  }
0x3c: {  	p2 =	seq.s32 s10, $0x1;
	s10 =	sld [smem:$0x3FB6]  }
0x3d: {  	_ =	shalt  }
0x3e: {  	_ =	shalt  }
0x3f: {  	_ =	shalt  }
0x40: {  	_ =	shalt  }
0x41: {  	_ =	shalt  }
0x42: {  	_ =	shalt  }
0x43: {  	_ =	shalt  }
0x44: {  	_ =	shalt  }
0x45: {  	_ =	shalt  }
0x46: {  	_ =	shalt  }
0x47: {  	_ =	shalt  }
0x48: {  	_ =	shalt  }
0x49: {  	_ =	shalt  }
0x4a: {  	_ =	shalt  }
0x4b: {  	_ =	shalt  }
0x4c: {  	_ =	shalt  }
0x4d: {  	_ =	shalt  }
0x4e: {  	_ =	shalt  }
0x4f: {  	_ =	shalt  }
0x50: {  	_ =	shalt  }
0x51: {  	_ =	shalt  }
0x52: {  	_ =	shalt  }
0x53: {  	_ =	shalt  }
0x54: {  	_ =	shalt  }
0x55: {  	_ =	shalt  }
0x56: {  	_ =	shalt  }
0x57: {  	_ =	shalt  }
0x58: {  	_ =	shalt  }
0x59: {  	_ =	shalt  }
0x5a: {  	_ =	shalt  }
0x5b: {  	_ =	shalt  }
0x5c: {  	_ =	shalt  }
0x5d: {  	_ =	shalt  }
0x5e: {  	_ =	shalt  }
0x5f: {  	_ =	shalt  }
0x60: {  	_ =	shalt  }
0x61: {  	_ =	shalt  }
0x62: {  	_ =	shalt  }
0x63: {  	_ =	shalt  }
0x64: {  	_ =	shalt  }
0x65: {  	_ =	shalt  }
0x66: {  	_ =	shalt  }
0x67: {  	_ =	shalt  }
0x68: {  	_ =	shalt  }
0x69: {  	_ =	shalt  }
0x6a: {  	_ =	shalt  }
0x6b: {  	_ =	shalt  }
0x6c: {  	_ =	shalt  }
0x6d: {  	_ =	shalt  }
0x6e: {  	_ =	shalt  }
0x6f: {  	_ =	shalt  }
0x70: {  	_ =	shalt  }
0x71: {  	_ =	shalt  }
0x72: {  	_ =	shalt  }
0x73: {  	_ =	shalt  }
0x74: {  	_ =	shalt  }
0x75: {  	_ =	shalt  }
0x76: {  	_ =	shalt  }
0x77: {  	_ =	shalt  }
0x78: {  	_ =	shalt  }
0x79: {  	_ =	shalt  }
0x7a: {  	_ =	shalt  }
0x7b: {  	_ =	shalt  }
0x7c: {  	_ =	shalt  }
0x7d: {  	_ =	shalt  }
0x7e: {  	_ =	shalt  }
0x7f: {  	_ =	shalt  }
0x80: {  	_ =	shalt  }
0x81: {  	_ =	shalt  }
0x82: {  	_ =	shalt  }
0x83: {  	_ =	shalt  }
0x84: {  	_ =	shalt  }
0x85: {  	_ =	shalt  }
0x86: {  	_ =	shalt  }
0x87: {  	_ =	shalt  }
.Lfunc_end0:
.L_simem_size_0:
called_computation.8_lowered:
.L_overlay_start_0:
0x88: {  	s2 =	sld [smem:$0x3FD9]  }
0x89: {  	s3 =	sld [smem:$0x3FFE];
	_ =	sdelay $0x1  }
0x8a: {  	s1 =	srdreg.scid  }
0x8b: {  	s0 =	sand.u32 $0x1, s1  }
0x8c: {  	s17 =	sshll.u32 s0, $0xA;
	s2 =	sadd.s32 s3, s2  }
0x8d: {  	s2 =	sadd.s32 s2, s17  }
0x8e: {  	[smem:$0x3FC2] =	sst s2  }
0x8f: {  	_ = 	snop  }
0x90: {  	s2 =	sld [smem:$0x3FC7];
	(tm) =	ssettm $0x1  }
0x91: {  	s18 =	sld [smem:$0x3FFB];
	_ =	sdelay $0x3  }
0x92: {  	_ =	strace s18  }
0x93: {  	s3 =	sld [smem:$0x3FFC];
	_ =	sdelay $0x3  }
0x94: {  	_ =	strace s3  }
0x95: {  	s3 =	sld [smem:$0x3FFD];
	_ =	sdelay $0x3  }
0x96: {  	_ =	strace s3  }
0x97: {  	_ =	strace $0x8FFFFFFF  }
0x98: {  	s19 =	sld [smem:$0x3FDB];
	_ =	sdelay $0x1  }
0x99: {  	s4 =	simm.s32 $_scs_section_size  }
0x9a: {  	s5 =	simm.s32 $_size__tile_overlayer_lowered;
	s6 =	simm.s32 $_tile_overlayer_lowered  }
0x9b: {  	s22 =	simm.s32 $0x1BFF;
	s21 =	sshll.u32 s6, $0x1;
	s3 =	sadd.s32 s4, s19  }
0x9c: {  	s7 =	simm.s32 $0x0;
	s20 =	sshll.u32 s5, $0x1;
	s5 =	sadd.s32 s21, s3  }
0x9d: {  	[timem:s7], [sflag:s22] =	dma.local [hbm:s5], s20  }
0x9e: {  	_ =	swait.ge [sflag:s22], s20  }
0x9f: {  	s4 =	ssub.s32 $0x0, s20;
	[sflag:s22] =	ssyncset.done $0x0  }
0xa0: {  	[sflag:s22] =	ssyncadd.s32 s4;
	_ =	sdelay $0x1  }
0xa1: {  	s23 =	simm.s32 $0x1B8B  }
0xa2: {  	_ =	swait.ge [sflag:s23], $0x1  }
0xa3: {  	[sflag:s23] =	ssyncset.done $0x0  }
0xa4: {  	s25 =	simm.s32 $0x1B8E;
	s24 =	sld [smem:$0x3FFE];
	[sflag:s23] =	ssyncadd.s32 $0xFFFFFFFF  }
0xa5: {  	s26 =	simm.s32 $execute0_lowered;
	[smem:$0x3FD2] =	sst s25  }
0xa6: {  	s5 =	sshll.u32 s26, $0x1;
	_ =	strace $0x8000005E;
	[dreg:$0x1] =	wrdreg $0xFFFFFFFF  }
0xa7: {  	s28 =	simm.s32 $_size_execute0_lowered;
	s3 =	sadd.s32 s3, s5;
	[dreg:$0x0] =	wrdreg $0x0  }
0xa8: {  	s5 =	sshll.u32 s28, $0x1;
	[dreg:$0x2] =	wrdreg s3  }
0xa9: {  	[dreg:$0x3] =	wrdreg s5  }
0xaa: {  	[dreg:$0x4] =	wrdreg $0xC0  }
0xab: {  	_ =	task [dreg:s7], $0x5FFFF  }
0xac: {  	[dreg:$0x1] =	wrdreg $0xFFFFFFFF  }
0xad: {  	[dreg:$0x0] =	wrdreg $0x60  }
0xae: {  	[dreg:$0x2] =	wrdreg s24  }
0xaf: {  	[dreg:$0x3] =	wrdreg s2  }
0xb0: {  	[dreg:$0x4] =	wrdreg $0x9  }
0xb1: {  	_ =	task.clear_ibuf [dreg:s7], $0x5FFFF;
	_ =	strace $0x9000005E  }
0xb2: {  	s29 =	simm.s32 $0x9;
	_ =	strace $0x80000060  }
0xb3: {  	_ =	swait.ge [sflag:s29], $0x1  }
0xb4: {  	[sflag:s29] =	ssyncadd.s32 $0xFFFFFFFF  }
0xb5: {  	_ =	strace $0x90000060  }
0xb6: {  	_ =	sfence  }
0xb7: {  	s30 =	sld [smem:$0x0];
	_ =	sdelay $0x2  }
0xb8: {  	s31 =	sshll.u32 s1, $0xD;
	s1 =	sshrl.u32 s1, $0x2  }
0xb9: {  	s3 =	sand.u32 $0x4000, s31;
	s1 =	sadd.s32 s1, s30  }
0xba: {  	s0 =	sor.u32 s3, s0;
	s1 =	sshll.u32 s1, $0x11  }
0xbb: {  	s0 =	sor.u32 s1, s0  }
0xbc: {  	s0 =	sadd.s32 $0x8F2B, s0  }
0xbd: {  	[sflag:s0] =	ssyncadd.remote.s32 $0x1  }
0xbe: {  	_ =	sfence.sel $0xFFFF  }
0xbf: {  	[dreg:$0x0] =	wrdreg $0xFFFFFFFF;
	(pc) =	sbr.abs _section_cstart, $3  }
0xc0: {  	[dreg:$0x1] =	wrdreg $0xFFFFFFFF  }
0xc1: {  	_ =	task.clear_ibuf [dreg:s7], $0x2FFFF;
	_ =	strace $0x9FFFFFFF  }
0xc2: {  	(tm) =	ssettm $0x7FFFFFFF  }
0xc3: {  	_ =	shalt  }
tec
execute0_lowered:
.L_overlay_start_1:
0x0: {  	(tag) =	ssettag $0x1  }
0x1: {  	s0 =	srdreg.scid  }
0x2: {  	s1 =	rddreg [dreg:$0x0];
	s13 =	stileid.u32  }
0x3: {  	s5 =	rddreg [dreg:$0x1];
	s16 =	simm.s32 $0x2710;
	s17 =	simm.s32 $0x3E8  }
0x4: {  	s18 =	simm.s32 $0x4E20;
	s19 =	simm.s32 $0xCB20;
	s20 =	simm.s32 $0x8CA0  }
0x5: {  	s28 =	simm.s32 $0x5;
	s29 =	simm.s32 $0x7;
	s30 =	simm.s32 $0x6  }
0x6: {  	s31 =	simm.s32 $0x8;
	s0 =	sand.u32 $0x1, s0;
	s12 =	smul.u32 $0x2710, s13  }
0x7: {  	s3 =	sadd.s32 $0xB4A00, s1;
	s14 =	sadd.s32 $0xB9A00, s1;
	s15 =	smul.u32 $0x4E20, s13  }
0x8: {  	s2 =	sshll.u32 s0, $0x4;
	s9 =	ssub.s32 $0x2, s0;
	s10 =	smul.u32 $0x27100, s0  }
0x9: {  	s0 =	smul.u32 $0x4E200, s0;
	s6 =	sor.u32 s13, s2;
	s2 =	simm.s32 $0x0  }
0xa: {  	s11 =	sshrl.u32 s9, $0x1;
	s4 =	smul.u32 $0x2710, s6;
	[smem:$0x7FF] =	sst s2  }
0xb: {  	s6 =	smul.u32 $0x4E20, s6;
	s9 =	ssub.s32 s9, s11;
	s10 =	sadd.s32 s12, s10  }
0xc: {  	_ =	strace $0x8000005F;
	s22 =	smax.u32 s9, $0x1;
	s24 =	sshll.u32 s10, $0x1  }
0xd: {  	s7 =	sshrl.u32 s4, $0x3;
	s4 =	sadd.s32 $0x18600, s1;
	[dreg:$0x6] =	wrdreg s22  }
0xe: {  	s23 =	sadd.s32 $0x3E80, s6;
	s6 =	sadd.s32 $0x4650, s6;
	s22 =	simm.s32 $0x109A0  }
0xf: {  	s8 =	sadd.s32 s7, s1;
	s1 =	sadd.s32 $0x155E00, s1;
	s5 =	sadd.s32 s5, s7  }
0x10: {  	s10 =	sadd.s32 s14, s6;
	s8 =	sadd.s32 $0x4A00, s8;
	[dreg:$0x5] =	wrdreg s5  }
0x11: {  	s9 =	sadd.s32 s1, s23;
	s5 =	sadd.s32 $0x7D0, s24;
	s11 =	sadd.s32 s1, s6  }
0x12: {  	s26 =	sadd.s32 s0, s1;
	s0 =	sadd.s32 s0, s14;
	s24 =	simm.s32 $0x3  }
0x13: {  	[dreg:$0x4] =	wrdreg s8;
	s8 =	sadd.s32 s14, s23;
	s25 =	sadd.s32 s5, s14  }
0x14: {  	s12 =	sadd.s32 s5, s1;
	s13 =	sadd.s32 s15, s26;
	s14 =	sadd.s32 s15, s0  }
0x15: {  	s15 =	simm.s32 $0x9;
	s23 =	simm.s32 $0x1;
	s26 =	simm.s32 $0x4  }
0x16: {  	s1 =	simm.s32 $0x0;
	[dreg:$0x3] =	wrdreg s25;
	s25 =	simm.s32 $0x2  }
.LBB2_1:
0x17: {  	s0 =	rddreg [dreg:$0x4]  }
0x18: {  	[tilespmem:s2], [sflag:$0x9] =	stream.linear.gather [hbm4b:s0+s2], $0x2710, $0x38;
	[tilespmem:$0x14820] =	vst v63  }
0x19: {  	_ =	swait.ge [sflag:s15], $0x2710  }
0x1a: {  	[sflag:s15] =	ssyncset.done $0x0  }
0x1b: {  	s21 =	rddreg [dreg:$0x5];
	[sflag:s15] =	ssyncadd.s32 $0xFFFFD8F0  }
0x1c: {  	[tilespmem:s16], [sflag:$0x9] =	stream.linear.gather [hbm4b:s21+s2], $0x2710, $0x38;
	[tilespmem:$0x14820] =	vst v63  }
0x1d: {  	_ =	swait.ge [sflag:s15], $0x2710  }
0x1e: {  	[sflag:s15] =	ssyncset.done $0x0  }
0x1f: {  	[sflag:s15] =	ssyncadd.s32 $0xFFFFD8F0  }
0x20: {  	[tilespmem:s18], [sflag:$0x1] =	stream.indirect.gather [hbm4b:s3+s17], $0x10, s2, s17, $0xb8;
	[tilespmem:$0x14820] =	vst v63  }
0x21: {  	_ = 	snop  }
0x22: {  	[tilespmem:s19], [sflag:$0x3] =	stream.indirect.gather [hbm4b:s4+s17], $0x10, s16, s17, $0xb8;
	[tilespmem:$0x14820] =	vst v63  }
0x23: {  	_ = 	snop  }
0x24: {  	[tilespmem:s20], [sflag:$0x2] =	stream.indirect.gather [hbm4b:s3+s17], $0x10, s17, s17, $0xb8;
	[tilespmem:$0x14820] =	vst v63  }
0x25: {  	s5 =	simm.s32 $0x2AF8  }
0x26: {  	[tilespmem:s22], [sflag:$0x4] =	stream.indirect.gather [hbm4b:s4+s17], $0x10, s5, s17, $0xb8;
	[tilespmem:$0x14820] =	vst v63  }
0x27: {  	_ =	swait.ge [sflag:s23], $0x3E80  }
0x28: {  	[sflag:s23] =	ssyncset.done $0x0  }
0x29: {  	[sflag:s23] =	ssyncadd.s32 $0xFFFFC180  }
0x2a: {  	_ =	swait.ge [sflag:s24], $0x3E80  }
0x2b: {  	[sflag:s24] =	ssyncset.done $0x0  }
0x2c: {  	s6 =	sadd.s32 $0x0, s14;
	[sflag:s24] =	ssyncadd.s32 $0xFFFFC180  }
0x2d: {  	[hbm4b:s6+s2] =	stream.linear.scatter [tilespmem:s18], [sflag:$0x5], $0x3E80, $0x38;
	[tilespmem:$0x14820] =	vst v63  }
0x2e: {  	s7 =	sadd.s32 $0x0, s13  }
0x2f: {  	[hbm4b:s7+s2] =	stream.linear.scatter [tilespmem:s19], [sflag:$0x7], $0x3E80, $0x38;
	[tilespmem:$0x14820] =	vst v63  }
0x30: {  	_ =	swait.ge [sflag:s25], $0x3E80  }
0x31: {  	[sflag:s25] =	ssyncset.done $0x0  }
0x32: {  	[sflag:s25] =	ssyncadd.s32 $0xFFFFC180  }
0x33: {  	_ =	swait.ge [sflag:s26], $0x3E80  }
0x34: {  	s21 =	rddreg [dreg:$0x3];
	[sflag:s26] =	ssyncset.done $0x0  }
0x35: {  	[sflag:s26] =	ssyncadd.s32 $0xFFFFC180;
	s0 =	sadd.s32 $0x0, s21  }
0x36: {  	[hbm4b:s0+s2] =	stream.linear.scatter [tilespmem:s20], [sflag:$0x6], $0x3E80, $0x38;
	[tilespmem:$0x14820] =	vst v63  }
0x37: {  	s5 =	sadd.s32 $0x0, s12  }
0x38: {  	[hbm4b:s5+s2] =	stream.linear.scatter [tilespmem:s22], [sflag:$0x8], $0x3E80, $0x38;
	[tilespmem:$0x14820] =	vst v63  }
0x39: {  	_ =	swait.ge [sflag:s28], $0x3E80  }
0x3a: {  	[sflag:s28] =	ssyncset.done $0x0  }
0x3b: {  	[sflag:s28] =	ssyncadd.s32 $0xFFFFC180  }
0x3c: {  	_ =	swait.ge [sflag:s29], $0x3E80  }
0x3d: {  	[sflag:s29] =	ssyncset.done $0x0  }
0x3e: {  	s6 =	simm.s32 $0x7D0;
	[sflag:s29] =	ssyncadd.s32 $0xFFFFC180  }
0x3f: {  	[tilespmem:s18], [sflag:$0x1] =	stream.indirect.gather [hbm4b:s3+s17], $0x10, s6, s17, $0xb8;
	[tilespmem:$0x14820] =	vst v63  }
0x40: {  	s7 =	simm.s32 $0x2EE0  }
0x41: {  	[tilespmem:s19], [sflag:$0x3] =	stream.indirect.gather [hbm4b:s4+s17], $0x10, s7, s17, $0xb8;
	[tilespmem:$0x14820] =	vst v63  }
0x42: {  	_ =	swait.ge [sflag:s30], $0x3E80  }
0x43: {  	[sflag:s30] =	ssyncset.done $0x0  }
0x44: {  	[sflag:s30] =	ssyncadd.s32 $0xFFFFC180  }
0x45: {  	_ =	swait.ge [sflag:s31], $0x3E80  }
0x46: {  	[sflag:s31] =	ssyncset.done $0x0  }
0x47: {  	s21 =	simm.s32 $0xBB8;
	s0 =	simm.s32 $0xFA0;
	[sflag:s31] =	ssyncadd.s32 $0xFFFFC180  }
0x48: {  	[tilespmem:s20], [sflag:$0x2] =	stream.indirect.gather [hbm4b:s3+s17], $0x10, s21, s17, $0xb8;
	[tilespmem:$0x14820] =	vst v63  }
0x49: {  	s5 =	simm.s32 $0x36B0;
	s6 =	simm.s32 $0x32C8;
	s21 =	simm.s32 $0xFA0  }
.LBB2_2:
0x4a: {  	[tilespmem:s22], [sflag:$0x4] =	stream.indirect.gather [hbm4b:s4+s17], $0x10, s6, s17, $0xb8;
	[tilespmem:$0x14820] =	vst v63  }
0x4b: {  	_ =	swait.ge [sflag:s23], $0x3E80  }
0x4c: {  	[sflag:s23] =	ssyncset.done $0x0  }
0x4d: {  	[sflag:s23] =	ssyncadd.s32 $0xFFFFC180  }
0x4e: {  	_ =	swait.ge [sflag:s24], $0x3E80  }
0x4f: {  	s6 =	smov.u32 s0;
	[sflag:s24] =	ssyncset.done $0x0  }
0x50: {  	s7 =	sadd.s32 s6, s14;
	[sflag:s24] =	ssyncadd.s32 $0xFFFFC180  }
0x51: {  	[hbm4b:s7+s2] =	stream.linear.scatter [tilespmem:s18], [sflag:$0x5], $0x3E80, $0x38;
	[tilespmem:$0x14820] =	vst v63  }
0x52: {  	s7 =	sadd.s32 s6, s13  }
0x53: {  	[hbm4b:s7+s2] =	stream.linear.scatter [tilespmem:s19], [sflag:$0x7], $0x3E80, $0x38;
	[tilespmem:$0x14820] =	vst v63  }
0x54: {  	_ =	swait.ge [sflag:s25], $0x3E80  }
0x55: {  	[sflag:s25] =	ssyncset.done $0x0  }
0x56: {  	[sflag:s25] =	ssyncadd.s32 $0xFFFFC180  }
0x57: {  	_ =	swait.ge [sflag:s26], $0x3E80  }
0x58: {  	s7 =	rddreg [dreg:$0x3];
	[sflag:s26] =	ssyncset.done $0x0  }
0x59: {  	[sflag:s26] =	ssyncadd.s32 $0xFFFFC180;
	s7 =	sadd.s32 s6, s7  }
0x5a: {  	[hbm4b:s7+s2] =	stream.linear.scatter [tilespmem:s20], [sflag:$0x6], $0x3E80, $0x38;
	[tilespmem:$0x14820] =	vst v63  }
0x5b: {  	s6 =	sadd.s32 s6, s12  }
0x5c: {  	[hbm4b:s6+s2] =	stream.linear.scatter [tilespmem:s22], [sflag:$0x8], $0x3E80, $0x38;
	[tilespmem:$0x14820] =	vst v63  }
0x5d: {  	_ =	swait.ge [sflag:s28], $0x3E80  }
0x5e: {  	[sflag:s28] =	ssyncset.done $0x0  }
0x5f: {  	[sflag:s28] =	ssyncadd.s32 $0xFFFFC180  }
0x60: {  	_ =	swait.ge [sflag:s29], $0x3E80  }
0x61: {  	[sflag:s29] =	ssyncset.done $0x0  }
0x62: {  	[sflag:s29] =	ssyncadd.s32 $0xFFFFC180  }
0x63: {  	[tilespmem:s18], [sflag:$0x1] =	stream.indirect.gather [hbm4b:s3+s17], $0x10, s21, s17, $0xb8;
	[tilespmem:$0x14820] =	vst v63  }
0x64: {  	_ = 	snop  }
0x65: {  	[tilespmem:s19], [sflag:$0x3] =	stream.indirect.gather [hbm4b:s4+s17], $0x10, s5, s17, $0xb8;
	[tilespmem:$0x14820] =	vst v63  }
0x66: {  	_ =	swait.ge [sflag:s30], $0x3E80  }
0x67: {  	p0 =	sne.s32 s0, $0x2EE0;
	[sflag:s30] =	ssyncset.done $0x0  }
.Ltmp0:
0x68: {  	[sflag:s30] =	ssyncadd.s32 $0xFFFFC180;
	(pc) =	sbr.rel @p0 .LBB2_2-.Ltmp0, $4  }
0x69: {  	s0 =	sadd.s32 $0xFA0, s0;
	_ =	swait.ge [sflag:s31], $0x3E80  }
0x6a: {  	s7 =	sadd.s32 $0x3E8, s21;
	s6 =	sadd.s32 $0x3E8, s5;
	[sflag:s31] =	ssyncset.done $0x0  }
0x6b: {  	s21 =	sadd.s32 $0x7D0, s21;
	s5 =	sadd.s32 $0x7D0, s5;
	[sflag:s31] =	ssyncadd.s32 $0xFFFFC180  }
0x6c: {  	[tilespmem:s20], [sflag:$0x2] =	stream.indirect.gather [hbm4b:s3+s17], $0x10, s7, s17, $0xb8;
	[tilespmem:$0x14820] =	vst v63  }
0x6d: {  	[tilespmem:s22], [sflag:$0x4] =	stream.indirect.gather [hbm4b:s4+s17], $0x10, s6, s17, $0xb8;
	[tilespmem:$0x14820] =	vst v63  }
0x6e: {  	_ =	swait.ge [sflag:s23], $0x3E80  }
0x6f: {  	[sflag:s23] =	ssyncset.done $0x0  }
0x70: {  	[sflag:s23] =	ssyncadd.s32 $0xFFFFC180  }
0x71: {  	_ =	swait.ge [sflag:s24], $0x3E80  }
0x72: {  	[sflag:s24] =	ssyncset.done $0x0  }
0x73: {  	[sflag:s24] =	ssyncadd.s32 $0xFFFFC180  }
0x74: {  	[hbm4b:s8+s2] =	stream.linear.scatter [tilespmem:s18], [sflag:$0x5], $0x3E80, $0x38;
	[tilespmem:$0x14820] =	vst v63  }
0x75: {  	_ = 	snop  }
0x76: {  	[hbm4b:s9+s2] =	stream.linear.scatter [tilespmem:s19], [sflag:$0x7], $0x3E80, $0x38;
	[tilespmem:$0x14820] =	vst v63  }
0x77: {  	_ =	swait.ge [sflag:s25], $0x3E80  }
0x78: {  	[sflag:s25] =	ssyncset.done $0x0  }
0x79: {  	[sflag:s25] =	ssyncadd.s32 $0xFFFFC180  }
0x7a: {  	_ =	swait.ge [sflag:s26], $0x3E80  }
0x7b: {  	[sflag:s26] =	ssyncset.done $0x0  }
0x7c: {  	[sflag:s26] =	ssyncadd.s32 $0xFFFFC180  }
0x7d: {  	[hbm4b:s10+s2] =	stream.linear.scatter [tilespmem:s20], [sflag:$0x6], $0x3E80, $0x38;
	[tilespmem:$0x14820] =	vst v63  }
0x7e: {  	_ = 	snop  }
0x7f: {  	[hbm4b:s11+s2] =	stream.linear.scatter [tilespmem:s22], [sflag:$0x8], $0x3E80, $0x38;
	[tilespmem:$0x14820] =	vst v63  }
0x80: {  	_ =	swait.ge [sflag:s28], $0x3E80  }
0x81: {  	[sflag:s28] =	ssyncset.done $0x0  }
0x82: {  	[sflag:s28] =	ssyncadd.s32 $0xFFFFC180  }
0x83: {  	_ =	swait.ge [sflag:s29], $0x3E80  }
0x84: {  	[sflag:s29] =	ssyncset.done $0x0  }
0x85: {  	[sflag:s29] =	ssyncadd.s32 $0xFFFFC180  }
0x86: {  	_ =	swait.ge [sflag:s30], $0x3E80  }
0x87: {  	[sflag:s30] =	ssyncset.done $0x0  }
0x88: {  	[sflag:s30] =	ssyncadd.s32 $0xFFFFC180  }
0x89: {  	_ =	swait.ge [sflag:s31], $0x3E80  }
0x8a: {  	s1 =	sadd.s32 $0x1, s1;
	s0 =	rddreg [dreg:$0x6]  }
0x8b: {  	p0 =	sne.s32 s1, s0  }
.Ltmp1:
0x8c: {  	_ = 	snop;
	(pc) =	sbr.rel @p0 .LBB2_1-.Ltmp1, $3  }
0x8d: {  	_ =	sdelay $0x1  }
0x8e: {  	[sflag:s31] =	ssyncset.done $0x0  }
0x8f: {  	[sflag:s31] =	ssyncadd.s32 $0xFFFFC180  }
0x90: {  	_ =	sfence.sel $0x180000  }
0x91: {  	[bflag:$0x0] =	sbarrier.arrive $0xFFFF  }
0x92: {  	_ =	strace $0x9000005F  }
0x93: {  	s0 =	stileid.u32;
	[bflag:$0x2] =	sbarrier.arrive $0xFFFF  }
0x94: {  	p0 =	sne.s32 s0, $0x0;
	s0 =	rddreg [dreg:$0x2]  }
0x95: {  	s0 =	sadd.s32 @!p0 $0x100000, s0  }
0x96: {  	[sflag:s0] =	ssyncadd.tile.s32 @!p0 $0x1;
	_ =	shalt  }
.Lfunc_end2:
_tile_overlayer_lowered:
.L_overlay_start_2:
0x97: {  	(tag) =	ssettag $0x2  }
0x98: {  	s0 =	rddreg [dreg:$0x0];
	s2 =	stileid.u32  }
0x99: {  	s1 =	rddreg [dreg:$0x1];
	p0 =	sne.s32 s2, $0x0  }
0x9a: {  	s3 =	rddreg [dreg:$0x2];
	[bflag:$0x3] =	sbarrier.arrive $0xFFFF;
	s2 =	simm.s32 @!p0 $0x1C09  }
0x9b: {  	[timem:s3], [sflag:s2] =	dma.local @!p0 [hbm:s0], s1  }
0x9c: {  	s0 =	simm.s32 @!p0 $0x9  }
0x9d: {  	_ =	swait.ge @!p0 [sflag:s0], s1  }
0x9e: {  	s1 =	ssub.s32 @!p0 $0x0, s1;
	[sflag:s0] =	ssyncset.done @!p0 $0x0  }
0x9f: {  	[sflag:s0] =	ssyncadd.s32 @!p0 s1  }
0xa0: {  	[bflag:$0x3] =	sbarrier.arrive $0xFFFF  }
0xa1: {  	_ =	shalt  }

// kernel: kernel.50.cloned.1.call-start
scs
__scs_entry_jumppad:
0x0: {  	(pc) =	sbr.rel $0x88, $3  }
0x1: {  	(tag) =	ssettag $0x0;
	lr =	simm.s32 $0x1  }
0x2: {  	[smem:$0x3F9B] =	sst lr;
	_ =	strace $0xD0000000  }
0x3: {  	_ = 	snop  }
0x4: {  	_ = 	snop  }
0x5: {  	_ = 	snop  }
0x6: {  	_ = 	snop  }
0x7: {  	_ = 	snop  }
__scs_overlays_trampoline_lowered:
0x8: {  	[smem:$0x3FAA] =	sst s0  }
0x9: {  	[smem:$0x3FAB] =	sst s1  }
0xa: {  	[smem:$0x3FAC] =	sst s2  }
0xb: {  	[smem:$0x3FAD] =	sst s3  }
0xc: {  	[smem:$0x3FAE] =	sst s4  }
0xd: {  	[smem:$0x3FAF] =	sst s5  }
0xe: {  	[smem:$0x3FB0] =	sst s6  }
0xf: {  	[smem:$0x3FB1] =	sst s7  }
0x10: {  	[smem:$0x3FB2] =	sst s8  }
0x11: {  	[smem:$0x3FB3] =	sst s9;
	s0 =	simm.s32 @!p0 $0x0  }
0x12: {  	s1 =	sld [smem:$0x3F99];
	s0 =	simm.s32 @p0 $0x1  }
0x13: {  	[smem:$0x3FB4] =	sst s0;
	s0 =	simm.s32 @!p1 $0x0  }
0x14: {  	s2 =	sld [smem:$0x3F98];
	s0 =	simm.s32 @p1 $0x1  }
0x15: {  	[smem:$0x3FB5] =	sst s0;
	s0 =	simm.s32 @!p2 $0x0  }
0x16: {  	s3 =	sld [smem:$0x3FDB];
	s0 =	simm.s32 @p2 $0x1  }
0x17: {  	s4 =	simm.s32 $0x1BF5;
	[smem:$0x3FB7] =	sst s0  }
0x18: {  	s0 =	sld [smem:$0x3F9A];
	_ =	swait.ge [sflag:s4], $0x0  }
0x19: {  	s7 =	sld [smem:$0x3F9B]  }
0x1a: {  	s8 =	sadd.s32 $0xFFFFE003, lr  }
0x1b: {  	s9 =	sadd.s32 $0xFFFFFEF7, lr;
	s5 =	simm.s32 $0xFFFFFFFF;
	p2 =	slt.u32 s8, $0xFFFFF086  }
0x1c: {  	p1 =	slt.u32 s9, $0xF7A;
	s5 =	simm.s32 @!p2 $0x0  }
0x1d: {  	s5 =	simm.s32 @p1 $0x1;
	p0 =	seq.s32 s7, s2  }
0x1e: {  	s7 =	smul.u32 @!p0 $0xF7A, s2;
	p2 =	seq.s32 @!p0 s5, $0x0  }
0x1f: {  	s9 =	smul.u32 $0xF7A, s1;
	s8 =	simm.s32 @!p0 $0x1BF5;
	p2 =	por !p2, p0  }
0x20: {  	[sflag:s8] =	ssyncset.s32 @!p0 $0xFFFFF086;
	s6 =	sadd.s32 @!p0 s3, s7;
	s7 =	simm.s32 @!p0 $0x108  }
0x21: {  	s3 =	sadd.s32 s3, s9;
	s6 =	sadd.s32 @!p0 $0x88, s6;
	s7 =	simm.s32 @p2 $0x1082  }
0x22: {  	[simem:s7], [sflag:s8] =	dma.local @!p0 [hbm:s6], $0xF7A  }
0x23: {  	s9 =	sor.u32 $0xD0000000, s2;
	s6 =	simm.s32 $0x108;
	_ =	swait.ge @!p0 [sflag:s8], $0x0  }
0x24: {  	s3 =	sadd.s32 $0x88, s3;
	s6 =	simm.s32 @!p1 $0x1082;
	[sflag:s4] =	ssyncset.s32 $0xFFFFF086  }
0x25: {  	[simem:s6], [sflag:s4] =	dma.local [hbm:s3], $0xF7A  }
0x26: {  	[smem:$0x3F9B] =	sst s1;
	(tag) =	ssettag s2;
	_ =	strace s9  }
0x27: {  	s1 =	sld [smem:$0x3FAB]  }
0x28: {  	s2 =	sld [smem:$0x3FAC]  }
0x29: {  	s4 =	sld [smem:$0x3FAE]  }
0x2a: {  	p0 =	seq.s32 s5, $0x0;
	s5 =	sld [smem:$0x3FAF]  }
0x2b: {  	s6 =	sld [smem:$0x3FB0]  }
0x2c: {  	s7 =	sld [smem:$0x3FB1]  }
0x2d: {  	s3 =	simm.s32 $0x108;
	s8 =	sld [smem:$0x3FB2]  }
0x2e: {  	s3 =	simm.s32 @!p0 $0x1082;
	s9 =	sld [smem:$0x3FB3]  }
0x2f: {  	lr =	sadd.s32 s0, s3;
	s0 =	sld [smem:$0x3FAA]  }
0x30: {  	s3 =	sld [smem:$0x3FAD]  }
0x31: {  	[smem:$0x3FB6] =	sst s10  }
0x32: {  	s10 =	sld [smem:$0x3FB4];
	_ =	sdelay $0x3  }
0x33: {  	p0 =	seq.s32 s10, $0x1;
	s10 =	sld [smem:$0x3FB6];
	_ =	sdelay $0x3  }
0x34: {  	[smem:$0x3FB6] =	sst s10  }
0x35: {  	s10 =	sld [smem:$0x3FB5];
	_ =	sdelay $0x3  }
0x36: {  	p1 =	seq.s32 s10, $0x1;
	s10 =	sld [smem:$0x3FB6];
	_ =	sdelay $0x3  }
0x37: {  	[smem:$0x3FB6] =	sst s10  }
0x38: {  	s10 =	sld [smem:$0x3FB7]  }
0x39: {  	_ = 	snop;
	(pc) =	sbr.ind lr, $3  }
0x3a: {  	_ = 	snop  }
0x3b: {  	_ = 	snop  }
0x3c: {  	p2 =	seq.s32 s10, $0x1;
	s10 =	sld [smem:$0x3FB6]  }
0x3d: {  	_ =	shalt  }
0x3e: {  	_ =	shalt  }
0x3f: {  	_ =	shalt  }
0x40: {  	_ =	shalt  }
0x41: {  	_ =	shalt  }
0x42: {  	_ =	shalt  }
0x43: {  	_ =	shalt  }
0x44: {  	_ =	shalt  }
0x45: {  	_ =	shalt  }
0x46: {  	_ =	shalt  }
0x47: {  	_ =	shalt  }
0x48: {  	_ =	shalt  }
0x49: {  	_ =	shalt  }
0x4a: {  	_ =	shalt  }
0x4b: {  	_ =	shalt  }
0x4c: {  	_ =	shalt  }
0x4d: {  	_ =	shalt  }
0x4e: {  	_ =	shalt  }
0x4f: {  	_ =	shalt  }
0x50: {  	_ =	shalt  }
0x51: {  	_ =	shalt  }
0x52: {  	_ =	shalt  }
0x53: {  	_ =	shalt  }
0x54: {  	_ =	shalt  }
0x55: {  	_ =	shalt  }
0x56: {  	_ =	shalt  }
0x57: {  	_ =	shalt  }
0x58: {  	_ =	shalt  }
0x59: {  	_ =	shalt  }
0x5a: {  	_ =	shalt  }
0x5b: {  	_ =	shalt  }
0x5c: {  	_ =	shalt  }
0x5d: {  	_ =	shalt  }
0x5e: {  	_ =	shalt  }
0x5f: {  	_ =	shalt  }
0x60: {  	_ =	shalt  }
0x61: {  	_ =	shalt  }
0x62: {  	_ =	shalt  }
0x63: {  	_ =	shalt  }
0x64: {  	_ =	shalt  }
0x65: {  	_ =	shalt  }
0x66: {  	_ =	shalt  }
0x67: {  	_ =	shalt  }
0x68: {  	_ =	shalt  }
0x69: {  	_ =	shalt  }
0x6a: {  	_ =	shalt  }
0x6b: {  	_ =	shalt  }
0x6c: {  	_ =	shalt  }
0x6d: {  	_ =	shalt  }
0x6e: {  	_ =	shalt  }
0x6f: {  	_ =	shalt  }
0x70: {  	_ =	shalt  }
0x71: {  	_ =	shalt  }
0x72: {  	_ =	shalt  }
0x73: {  	_ =	shalt  }
0x74: {  	_ =	shalt  }
0x75: {  	_ =	shalt  }
0x76: {  	_ =	shalt  }
0x77: {  	_ =	shalt  }
0x78: {  	_ =	shalt  }
0x79: {  	_ =	shalt  }
0x7a: {  	_ =	shalt  }
0x7b: {  	_ =	shalt  }
0x7c: {  	_ =	shalt  }
0x7d: {  	_ =	shalt  }
0x7e: {  	_ =	shalt  }
0x7f: {  	_ =	shalt  }
0x80: {  	_ =	shalt  }
0x81: {  	_ =	shalt  }
0x82: {  	_ =	shalt  }
0x83: {  	_ =	shalt  }
0x84: {  	_ =	shalt  }
0x85: {  	_ =	shalt  }
0x86: {  	_ =	shalt  }
0x87: {  	_ =	shalt  }
.Lfunc_end0:
.L_simem_size_0:
called_computation.9_lowered:
.L_overlay_start_0:
0x88: {  	s2 =	sld [smem:$0x3FD9]  }
0x89: {  	s3 =	sld [smem:$0x3FFE];
	_ =	sdelay $0x1  }
0x8a: {  	s1 =	srdreg.scid  }
0x8b: {  	s0 =	sand.u32 $0x1, s1  }
0x8c: {  	s17 =	sshll.u32 s0, $0xA;
	s2 =	sadd.s32 s3, s2  }
0x8d: {  	s2 =	sadd.s32 s2, s17  }
0x8e: {  	[smem:$0x3FC2] =	sst s2  }
0x8f: {  	_ = 	snop  }
0x90: {  	s2 =	sld [smem:$0x3FD0];
	(tm) =	ssettm $0x1  }
0x91: {  	s18 =	sld [smem:$0x3FFB];
	_ =	sdelay $0x3  }
0x92: {  	_ =	strace s18  }
0x93: {  	s3 =	sld [smem:$0x3FFC];
	_ =	sdelay $0x3  }
0x94: {  	_ =	strace s3  }
0x95: {  	s3 =	sld [smem:$0x3FFD];
	_ =	sdelay $0x3  }
0x96: {  	_ =	strace s3  }
0x97: {  	_ =	strace $0x8FFFFFFF  }
0x98: {  	s19 =	sld [smem:$0x3FDB];
	_ =	sdelay $0x1  }
0x99: {  	s4 =	simm.s32 $_scs_section_size  }
0x9a: {  	s5 =	simm.s32 $_size__tile_overlayer_lowered;
	s6 =	simm.s32 $_tile_overlayer_lowered  }
0x9b: {  	s22 =	simm.s32 $0x1BFF;
	s21 =	sshll.u32 s6, $0x1;
	s3 =	sadd.s32 s4, s19  }
0x9c: {  	s7 =	simm.s32 $0x0;
	s20 =	sshll.u32 s5, $0x1;
	s5 =	sadd.s32 s21, s3  }
0x9d: {  	[timem:s7], [sflag:s22] =	dma.local [hbm:s5], s20  }
0x9e: {  	_ =	swait.ge [sflag:s22], s20  }
0x9f: {  	s4 =	ssub.s32 $0x0, s20;
	[sflag:s22] =	ssyncset.done $0x0  }
0xa0: {  	[sflag:s22] =	ssyncadd.s32 s4;
	_ =	sdelay $0x1  }
0xa1: {  	s23 =	simm.s32 $0x1B8B  }
0xa2: {  	_ =	swait.ge [sflag:s23], $0x1  }
0xa3: {  	[sflag:s23] =	ssyncset.done $0x0  }
0xa4: {  	s25 =	simm.s32 $0x1B8E;
	s24 =	sld [smem:$0x3FFE];
	[sflag:s23] =	ssyncadd.s32 $0xFFFFFFFF  }
0xa5: {  	s26 =	simm.s32 $execute0_lowered;
	[smem:$0x3FD2] =	sst s25  }
0xa6: {  	s5 =	sshll.u32 s26, $0x1;
	_ =	strace $0x80000061;
	[dreg:$0x1] =	wrdreg $0xFFFFFFFF  }
0xa7: {  	s28 =	simm.s32 $_size_execute0_lowered;
	s3 =	sadd.s32 s3, s5;
	[dreg:$0x0] =	wrdreg $0x0  }
0xa8: {  	s5 =	sshll.u32 s28, $0x1;
	[dreg:$0x2] =	wrdreg s3  }
0xa9: {  	[dreg:$0x3] =	wrdreg s5  }
0xaa: {  	[dreg:$0x4] =	wrdreg $0xC0  }
0xab: {  	_ =	task [dreg:s7], $0x5FFFF  }
0xac: {  	[dreg:$0x1] =	wrdreg $0xFFFFFFFF  }
0xad: {  	[dreg:$0x0] =	wrdreg $0x60  }
0xae: {  	[dreg:$0x2] =	wrdreg s24  }
0xaf: {  	[dreg:$0x3] =	wrdreg s2  }
0xb0: {  	[dreg:$0x4] =	wrdreg $0xA4100  }
0xb1: {  	[dreg:$0x5] =	wrdreg $0x9  }
0xb2: {  	_ =	task.clear_ibuf [dreg:s7], $0x6FFFF;
	_ =	strace $0x90000061  }
0xb3: {  	s29 =	simm.s32 $0x9;
	_ =	strace $0x80000063  }
0xb4: {  	_ =	swait.ge [sflag:s29], $0x1  }
0xb5: {  	[sflag:s29] =	ssyncadd.s32 $0xFFFFFFFF  }
0xb6: {  	_ =	strace $0x90000063  }
0xb7: {  	_ =	sfence  }
0xb8: {  	s30 =	sld [smem:$0x0];
	_ =	sdelay $0x2  }
0xb9: {  	s31 =	sshll.u32 s1, $0xD;
	s1 =	sshrl.u32 s1, $0x2  }
0xba: {  	s3 =	sand.u32 $0x4000, s31;
	s1 =	sadd.s32 s1, s30  }
0xbb: {  	s0 =	sor.u32 s3, s0;
	s1 =	sshll.u32 s1, $0x11  }
0xbc: {  	s0 =	sor.u32 s1, s0  }
0xbd: {  	s0 =	sadd.s32 $0x8F2B, s0  }
0xbe: {  	[sflag:s0] =	ssyncadd.remote.s32 $0x1  }
0xbf: {  	_ =	sfence.sel $0xFFFF  }
0xc0: {  	[dreg:$0x0] =	wrdreg $0xFFFFFFFF;
	(pc) =	sbr.abs _section_cstart, $3  }
0xc1: {  	[dreg:$0x1] =	wrdreg $0xFFFFFFFF  }
0xc2: {  	_ =	task.clear_ibuf [dreg:s7], $0x2FFFF;
	_ =	strace $0x9FFFFFFF  }
0xc3: {  	(tm) =	ssettm $0x7FFFFFFF  }
tec
execute0_lowered:
.L_overlay_start_1:
0x0: {  	(tag) =	ssettag $0x1  }
0x1: {  	s0 =	srdreg.scid  }
0x2: {  	s3 =	rddreg [dreg:$0x0];
	s31 =	sand.u32 $0x1, s0  }
0x3: {  	s1 =	rddreg [dreg:$0x1];
	s4 =	stileid.u32;
	s0 =	sshll.u32 s31, $0x4  }
0x4: {  	[dreg:$0x4] =	wrdreg s1;
	s5 =	sor.u32 s4, s0  }
0x5: {  	s2 =	simm.s32 $0x0;
	s1 =	rddreg [dreg:$0x2];
	s6 =	smul.u32 $0x4E2, s5  }
0x6: {  	[smem:$0x7FF] =	sst s2;
	s9 =	sadd.s32 $0x18600, s3;
	s8 =	smul.u32 $0x4E20, s31  }
0x7: {  	_ =	strace $0x80000062;
	s7 =	smul.u32 $0x27100, s5;
	s6 =	sadd.s32 s6, s3  }
0x8: {  	s5 =	smul.u32 $0x4E20, s5;
	s3 =	sadd.s32 s8, s3;
	s6 =	sadd.s32 $0xE800, s6  }
0x9: {  	s7 =	sshrl.u32 s7, $0x3;
	s25 =	sadd.s32 $0x4A00, s3;
	[dreg:$0x5] =	wrdreg s6  }
0xa: {  	p0 =	sne.s32 s4, $0x0;
	s7 =	sadd.s32 s9, s7;
	[dreg:$0x7] =	wrdreg s25  }
0xb: {  	s3 =	sadd.s32 s9, s5;
	s24 =	sadd.s32 $0x7D0, s7;
	s7 =	rddreg [dreg:$0x4]  }
0xc: {  	s4 =	simm.s32 @!p0 $0x5;
	s5 =	sadd.s32 $0xFA0, s3;
	[dreg:$0x6] =	wrdreg s24  }
0xd: {  	s6 =	simm.s32 @!p0 $0x1C05;
	[dreg:$0x8] =	wrdreg s5;
	s5 =	sshrl.u32 @!p0 s1, $0x3  }
0xe: {  	[spmem:s5], [sflag:s6] =	dma.local @!p0 [hbm:s7], $0x4E20  }
0xf: {  	_ =	swait.ge @!p0 [sflag:s4], $0x4E20  }
0x10: {  	[sflag:s4] =	ssyncset.done @!p0 $0x0  }
0x11: {  	[sflag:s4] =	ssyncadd.s32 @!p0 $0xFFFFB1E0  }
0x12: {  	[bflag:$0x0] =	sbarrier.arrive $0xFFFF  }
0x13: {  	s7 =	simm.s32 $0x5;
	s26 =	rddreg [dreg:$0x5]  }
0x14: {  	[tilespmem:s2], [sflag:$0x5] =	stream.linear.gather [hbm4b:s26+s2], $0x2710, $0x38;
	[tilespmem:$0xCB20] =	vst v63  }
0x15: {  	_ =	swait.ge [sflag:s7], $0x2710  }
0x16: {  	[sflag:s7] =	ssyncset.done $0x0  }
0x17: {  	s8 =	simm.s32 $0x2710;
	[sflag:s7] =	ssyncadd.s32 $0xFFFFD8F0  }
0x18: {  	[tilespmem:s8], [sflag:$0x1] =	stream.linear.gather [hbm4b:s3+s2], $0x3E80, $0x38;
	[tilespmem:$0xCB20] =	vst v63  }
0x19: {  	s10 =	simm.s32 $0x1;
	s9 =	simm.s32 $0x6590;
	s11 =	rddreg [dreg:$0x6]  }
0x1a: {  	[tilespmem:s9], [sflag:$0x2] =	stream.linear.gather [hbm4b:s11+s2], $0x3E80, $0x38;
	[tilespmem:$0xCB20] =	vst v63  }
0x1b: {  	_ =	swait.ge [sflag:s10], $0x3E80  }
0x1c: {  	[sflag:s10] =	ssyncset.done $0x0  }
0x1d: {  	s12 =	simm.s32 $0x2;
	s11 =	simm.s32 $0x3E8;
	[sflag:s10] =	ssyncadd.s32 $0xFFFFC180  }
0x1e: {  	[spmem:s1] =	stream.indirect.scatter.add.f32 [tilespmem:s8], [sflag:$0x3], $0x10, s2, s11, $0xb8;
	[tilespmem:$0xCB20] =	vst v63  }
0x1f: {  	_ =	swait.ge [sflag:s12], $0x3E80  }
0x20: {  	[sflag:s12] =	ssyncset.done $0x0  }
0x21: {  	s13 =	simm.s32 $0x3;
	[sflag:s12] =	ssyncadd.s32 $0xFFFFC180  }
0x22: {  	[spmem:s1] =	stream.indirect.scatter.add.f32 [tilespmem:s9], [sflag:$0x4], $0x10, s11, s11, $0xb8;
	[tilespmem:$0xCB20] =	vst v63  }
0x23: {  	_ =	swait.ge [sflag:s13], $0x3E80  }
0x24: {  	[sflag:s13] =	ssyncset.done $0x0  }
0x25: {  	s14 =	simm.s32 $0x4;
	s15 =	rddreg [dreg:$0x8];
	[sflag:s13] =	ssyncadd.s32 $0xFFFFC180  }
0x26: {  	[tilespmem:s8], [sflag:$0x1] =	stream.linear.gather [hbm4b:s15+s2], $0x3E80, $0x38;
	[tilespmem:$0xCB20] =	vst v63  }
0x27: {  	_ =	swait.ge [sflag:s14], $0x3E80  }
0x28: {  	[sflag:s14] =	ssyncset.done $0x0  }
0x29: {  	s15 =	sadd.s32 $0x1770, s3;
	[sflag:s14] =	ssyncadd.s32 $0xFFFFC180  }
0x2a: {  	[tilespmem:s9], [sflag:$0x2] =	stream.linear.gather [hbm4b:s15+s2], $0x3E80, $0x38;
	[tilespmem:$0xCB20] =	vst v63  }
0x2b: {  	_ =	swait.ge [sflag:s10], $0x3E80  }
0x2c: {  	[sflag:s10] =	ssyncset.done $0x0  }
0x2d: {  	s16 =	simm.s32 $0x7D0;
	[sflag:s10] =	ssyncadd.s32 $0xFFFFC180  }
0x2e: {  	[spmem:s1] =	stream.indirect.scatter.add.f32 [tilespmem:s8], [sflag:$0x3], $0x10, s16, s11, $0xb8;
	[tilespmem:$0xCB20] =	vst v63  }
0x2f: {  	_ =	swait.ge [sflag:s12], $0x3E80  }
0x30: {  	[sflag:s12] =	ssyncset.done $0x0  }
0x31: {  	s17 =	simm.s32 $0xBB8;
	[sflag:s12] =	ssyncadd.s32 $0xFFFFC180  }
0x32: {  	[spmem:s1] =	stream.indirect.scatter.add.f32 [tilespmem:s9], [sflag:$0x4], $0x10, s17, s11, $0xb8;
	[tilespmem:$0xCB20] =	vst v63  }
0x33: {  	_ =	swait.ge [sflag:s13], $0x3E80  }
0x34: {  	[sflag:s13] =	ssyncset.done $0x0  }
0x35: {  	s18 =	sadd.s32 $0x1F40, s3;
	[sflag:s13] =	ssyncadd.s32 $0xFFFFC180  }
0x36: {  	[tilespmem:s8], [sflag:$0x1] =	stream.linear.gather [hbm4b:s18+s2], $0x3E80, $0x38;
	[tilespmem:$0xCB20] =	vst v63  }
0x37: {  	_ =	swait.ge [sflag:s14], $0x3E80  }
0x38: {  	[sflag:s14] =	ssyncset.done $0x0  }
0x39: {  	s19 =	sadd.s32 $0x2710, s3;
	[sflag:s14] =	ssyncadd.s32 $0xFFFFC180  }
0x3a: {  	[tilespmem:s9], [sflag:$0x2] =	stream.linear.gather [hbm4b:s19+s2], $0x3E80, $0x38;
	[tilespmem:$0xCB20] =	vst v63  }
0x3b: {  	_ =	swait.ge [sflag:s10], $0x3E80  }
0x3c: {  	[sflag:s10] =	ssyncset.done $0x0  }
0x3d: {  	s20 =	simm.s32 $0xFA0;
	[sflag:s10] =	ssyncadd.s32 $0xFFFFC180  }
0x3e: {  	[spmem:s1] =	stream.indirect.scatter.add.f32 [tilespmem:s8], [sflag:$0x3], $0x10, s20, s11, $0xb8;
	[tilespmem:$0xCB20] =	vst v63  }
0x3f: {  	_ =	swait.ge [sflag:s12], $0x3E80  }
0x40: {  	[sflag:s12] =	ssyncset.done $0x0  }
0x41: {  	s21 =	simm.s32 $0x1388;
	[sflag:s12] =	ssyncadd.s32 $0xFFFFC180  }
0x42: {  	[spmem:s1] =	stream.indirect.scatter.add.f32 [tilespmem:s9], [sflag:$0x4], $0x10, s21, s11, $0xb8;
	[tilespmem:$0xCB20] =	vst v63  }
0x43: {  	_ =	swait.ge [sflag:s13], $0x3E80  }
0x44: {  	[sflag:s13] =	ssyncset.done $0x0  }
0x45: {  	s22 =	sadd.s32 $0x2EE0, s3;
	[sflag:s13] =	ssyncadd.s32 $0xFFFFC180  }
0x46: {  	[tilespmem:s8], [sflag:$0x1] =	stream.linear.gather [hbm4b:s22+s2], $0x3E80, $0x38;
	[tilespmem:$0xCB20] =	vst v63  }
0x47: {  	_ =	swait.ge [sflag:s14], $0x3E80  }
0x48: {  	[sflag:s14] =	ssyncset.done $0x0  }
0x49: {  	s23 =	sadd.s32 $0x36B0, s3;
	[sflag:s14] =	ssyncadd.s32 $0xFFFFC180  }
0x4a: {  	[tilespmem:s9], [sflag:$0x2] =	stream.linear.gather [hbm4b:s23+s2], $0x3E80, $0x38;
	[tilespmem:$0xCB20] =	vst v63  }
0x4b: {  	_ =	swait.ge [sflag:s10], $0x3E80  }
0x4c: {  	[sflag:s10] =	ssyncset.done $0x0  }
0x4d: {  	s24 =	simm.s32 $0x1770;
	[sflag:s10] =	ssyncadd.s32 $0xFFFFC180  }
0x4e: {  	[spmem:s1] =	stream.indirect.scatter.add.f32 [tilespmem:s8], [sflag:$0x3], $0x10, s24, s11, $0xb8;
	[tilespmem:$0xCB20] =	vst v63  }
0x4f: {  	_ =	swait.ge [sflag:s12], $0x3E80  }
0x50: {  	[sflag:s12] =	ssyncset.done $0x0  }
0x51: {  	s25 =	simm.s32 $0x1B58;
	[sflag:s12] =	ssyncadd.s32 $0xFFFFC180  }
0x52: {  	[spmem:s1] =	stream.indirect.scatter.add.f32 [tilespmem:s9], [sflag:$0x4], $0x10, s25, s11, $0xb8;
	[tilespmem:$0xCB20] =	vst v63  }
0x53: {  	_ =	swait.ge [sflag:s13], $0x3E80  }
0x54: {  	[sflag:s13] =	ssyncset.done $0x0  }
0x55: {  	s26 =	sadd.s32 $0x3E80, s3;
	[sflag:s13] =	ssyncadd.s32 $0xFFFFC180  }
0x56: {  	[tilespmem:s8], [sflag:$0x1] =	stream.linear.gather [hbm4b:s26+s2], $0x3E80, $0x38;
	[tilespmem:$0xCB20] =	vst v63  }
0x57: {  	_ =	swait.ge [sflag:s14], $0x3E80  }
0x58: {  	[sflag:s14] =	ssyncset.done $0x0  }
0x59: {  	s28 =	sadd.s32 $0x4650, s3;
	[sflag:s14] =	ssyncadd.s32 $0xFFFFC180  }
0x5a: {  	[tilespmem:s9], [sflag:$0x2] =	stream.linear.gather [hbm4b:s28+s2], $0x3E80, $0x38;
	[tilespmem:$0xCB20] =	vst v63  }
0x5b: {  	_ =	swait.ge [sflag:s10], $0x3E80  }
0x5c: {  	[sflag:s10] =	ssyncset.done $0x0  }
0x5d: {  	s29 =	simm.s32 $0x1F40;
	[sflag:s10] =	ssyncadd.s32 $0xFFFFC180  }
0x5e: {  	[spmem:s1] =	stream.indirect.scatter.add.f32 [tilespmem:s8], [sflag:$0x3], $0x10, s29, s11, $0xb8;
	[tilespmem:$0xCB20] =	vst v63  }
0x5f: {  	_ =	swait.ge [sflag:s12], $0x3E80  }
0x60: {  	[sflag:s12] =	ssyncset.done $0x0  }
0x61: {  	s30 =	simm.s32 $0x2328;
	[sflag:s12] =	ssyncadd.s32 $0xFFFFC180  }
0x62: {  	[spmem:s1] =	stream.indirect.scatter.add.f32 [tilespmem:s9], [sflag:$0x4], $0x10, s30, s11, $0xb8;
	[tilespmem:$0xCB20] =	vst v63  }
0x63: {  	_ =	swait.ge [sflag:s13], $0x3E80  }
0x64: {  	[sflag:s13] =	ssyncset.done $0x0  }
0x65: {  	[sflag:s13] =	ssyncadd.s32 $0xFFFFC180  }
0x66: {  	_ =	swait.ge [sflag:s14], $0x3E80  }
0x67: {  	[sflag:s14] =	ssyncset.done $0x0  }
0x68: {  	[sflag:s14] =	ssyncadd.s32 $0xFFFFC180  }
0x69: {  	[bflag:$0x0] =	sbarrier.arrive $0xFFFF  }
0x6a: {  	s31 =	ssub.s32 $0x2, s31;
	s0 =	rddreg [dreg:$0x7]  }
0x6b: {  	[dreg:$0x9] =	wrdreg s0;
	s0 =	sshrl.u32 s31, $0x1  }
0x6c: {  	s0 =	ssub.s32 s31, s0;
	s31 =	rddreg [dreg:$0x9]  }
0x6d: {  	[hbm:s31], [sflag:s6] =	dma.local @!p0 [spmem:s5], $0x4E20  }
0x6e: {  	s0 =	smax.u32 s0, $0x1  }
0x6f: {  	s31 =	sadd.s32 $0xFFFFFFFF, s0  }
0x70: {  	p1 =	sne.s32 s31, $0x0  }
.Ltmp0:
0x71: {  	_ = 	snop;
	(pc) =	sbr.rel @!p1 .LBB2_2-.Ltmp0, $2  }
0x72: {  	_ =	sdelay $0x2  }
0x73: {  	_ =	swait.ge @!p0 [sflag:s4], $0x4E20  }
.LBB2_1:
0x74: {  	[sflag:s4] =	ssyncset.done @!p0 $0x0  }
0x75: {  	s0 =	rddreg [dreg:$0x4];
	[sflag:s4] =	ssyncadd.s32 @!p0 $0xFFFFB1E0  }
0x76: {  	[spmem:s5], [sflag:s6] =	dma.local @!p0 [hbm:s0], $0x4E20  }
0x77: {  	_ =	swait.ge @!p0 [sflag:s4], $0x4E20  }
0x78: {  	[sflag:s4] =	ssyncset.done @!p0 $0x0  }
0x79: {  	[sflag:s4] =	ssyncadd.s32 @!p0 $0xFFFFB1E0  }
0x7a: {  	[bflag:$0x0] =	sbarrier.arrive $0xFFFF  }
0x7b: {  	s0 =	rddreg [dreg:$0x5]  }
0x7c: {  	[tilespmem:s2], [sflag:$0x5] =	stream.linear.gather [hbm4b:s0+s2], $0x2710, $0x38;
	[tilespmem:$0xCB20] =	vst v63  }
0x7d: {  	_ =	swait.ge [sflag:s7], $0x2710  }
0x7e: {  	[sflag:s7] =	ssyncset.done $0x0  }
0x7f: {  	[sflag:s7] =	ssyncadd.s32 $0xFFFFD8F0  }
0x80: {  	[tilespmem:s8], [sflag:$0x1] =	stream.linear.gather [hbm4b:s3+s2], $0x3E80, $0x38;
	[tilespmem:$0xCB20] =	vst v63  }
0x81: {  	s0 =	rddreg [dreg:$0x6]  }
0x82: {  	[tilespmem:s9], [sflag:$0x2] =	stream.linear.gather [hbm4b:s0+s2], $0x3E80, $0x38;
	[tilespmem:$0xCB20] =	vst v63  }
0x83: {  	_ =	swait.ge [sflag:s10], $0x3E80  }
0x84: {  	[sflag:s10] =	ssyncset.done $0x0  }
0x85: {  	[sflag:s10] =	ssyncadd.s32 $0xFFFFC180  }
0x86: {  	[spmem:s1] =	stream.indirect.scatter.add.f32 [tilespmem:s8], [sflag:$0x3], $0x10, s2, s11, $0xb8;
	[tilespmem:$0xCB20] =	vst v63  }
0x87: {  	_ =	swait.ge [sflag:s12], $0x3E80  }
0x88: {  	[sflag:s12] =	ssyncset.done $0x0  }
0x89: {  	[sflag:s12] =	ssyncadd.s32 $0xFFFFC180  }
0x8a: {  	[spmem:s1] =	stream.indirect.scatter.add.f32 [tilespmem:s9], [sflag:$0x4], $0x10, s11, s11, $0xb8;
	[tilespmem:$0xCB20] =	vst v63  }
0x8b: {  	_ =	swait.ge [sflag:s13], $0x3E80  }
0x8c: {  	[sflag:s13] =	ssyncset.done $0x0  }
0x8d: {  	s0 =	rddreg [dreg:$0x8];
	[sflag:s13] =	ssyncadd.s32 $0xFFFFC180  }
0x8e: {  	[tilespmem:s8], [sflag:$0x1] =	stream.linear.gather [hbm4b:s0+s2], $0x3E80, $0x38;
	[tilespmem:$0xCB20] =	vst v63  }
0x8f: {  	_ =	swait.ge [sflag:s14], $0x3E80  }
0x90: {  	[sflag:s14] =	ssyncset.done $0x0  }
0x91: {  	[sflag:s14] =	ssyncadd.s32 $0xFFFFC180  }
0x92: {  	[tilespmem:s9], [sflag:$0x2] =	stream.linear.gather [hbm4b:s15+s2], $0x3E80, $0x38;
	[tilespmem:$0xCB20] =	vst v63  }
0x93: {  	_ =	swait.ge [sflag:s10], $0x3E80  }
0x94: {  	[sflag:s10] =	ssyncset.done $0x0  }
0x95: {  	[sflag:s10] =	ssyncadd.s32 $0xFFFFC180  }
0x96: {  	[spmem:s1] =	stream.indirect.scatter.add.f32 [tilespmem:s8], [sflag:$0x3], $0x10, s16, s11, $0xb8;
	[tilespmem:$0xCB20] =	vst v63  }
0x97: {  	_ =	swait.ge [sflag:s12], $0x3E80  }
0x98: {  	[sflag:s12] =	ssyncset.done $0x0  }
0x99: {  	[sflag:s12] =	ssyncadd.s32 $0xFFFFC180  }
0x9a: {  	[spmem:s1] =	stream.indirect.scatter.add.f32 [tilespmem:s9], [sflag:$0x4], $0x10, s17, s11, $0xb8;
	[tilespmem:$0xCB20] =	vst v63  }
0x9b: {  	_ =	swait.ge [sflag:s13], $0x3E80  }
0x9c: {  	[sflag:s13] =	ssyncset.done $0x0  }
0x9d: {  	[sflag:s13] =	ssyncadd.s32 $0xFFFFC180  }
0x9e: {  	[tilespmem:s8], [sflag:$0x1] =	stream.linear.gather [hbm4b:s18+s2], $0x3E80, $0x38;
	[tilespmem:$0xCB20] =	vst v63  }
0x9f: {  	_ =	swait.ge [sflag:s14], $0x3E80  }
0xa0: {  	[sflag:s14] =	ssyncset.done $0x0  }
0xa1: {  	[sflag:s14] =	ssyncadd.s32 $0xFFFFC180  }
0xa2: {  	[tilespmem:s9], [sflag:$0x2] =	stream.linear.gather [hbm4b:s19+s2], $0x3E80, $0x38;
	[tilespmem:$0xCB20] =	vst v63  }
0xa3: {  	_ =	swait.ge [sflag:s10], $0x3E80  }
0xa4: {  	[sflag:s10] =	ssyncset.done $0x0  }
0xa5: {  	[sflag:s10] =	ssyncadd.s32 $0xFFFFC180  }
0xa6: {  	[spmem:s1] =	stream.indirect.scatter.add.f32 [tilespmem:s8], [sflag:$0x3], $0x10, s20, s11, $0xb8;
	[tilespmem:$0xCB20] =	vst v63  }
0xa7: {  	_ =	swait.ge [sflag:s12], $0x3E80  }
0xa8: {  	[sflag:s12] =	ssyncset.done $0x0  }
0xa9: {  	[sflag:s12] =	ssyncadd.s32 $0xFFFFC180  }
0xaa: {  	[spmem:s1] =	stream.indirect.scatter.add.f32 [tilespmem:s9], [sflag:$0x4], $0x10, s21, s11, $0xb8;
	[tilespmem:$0xCB20] =	vst v63  }
0xab: {  	_ =	swait.ge [sflag:s13], $0x3E80  }
0xac: {  	[sflag:s13] =	ssyncset.done $0x0  }
0xad: {  	[sflag:s13] =	ssyncadd.s32 $0xFFFFC180  }
0xae: {  	[tilespmem:s8], [sflag:$0x1] =	stream.linear.gather [hbm4b:s22+s2], $0x3E80, $0x38;
	[tilespmem:$0xCB20] =	vst v63  }
0xaf: {  	_ =	swait.ge [sflag:s14], $0x3E80  }
0xb0: {  	[sflag:s14] =	ssyncset.done $0x0  }
0xb1: {  	[sflag:s14] =	ssyncadd.s32 $0xFFFFC180  }
0xb2: {  	[tilespmem:s9], [sflag:$0x2] =	stream.linear.gather [hbm4b:s23+s2], $0x3E80, $0x38;
	[tilespmem:$0xCB20] =	vst v63  }
0xb3: {  	_ =	swait.ge [sflag:s10], $0x3E80  }
0xb4: {  	[sflag:s10] =	ssyncset.done $0x0  }
0xb5: {  	[sflag:s10] =	ssyncadd.s32 $0xFFFFC180  }
0xb6: {  	[spmem:s1] =	stream.indirect.scatter.add.f32 [tilespmem:s8], [sflag:$0x3], $0x10, s24, s11, $0xb8;
	[tilespmem:$0xCB20] =	vst v63  }
0xb7: {  	_ =	swait.ge [sflag:s12], $0x3E80  }
0xb8: {  	[sflag:s12] =	ssyncset.done $0x0  }
0xb9: {  	[sflag:s12] =	ssyncadd.s32 $0xFFFFC180  }
0xba: {  	[spmem:s1] =	stream.indirect.scatter.add.f32 [tilespmem:s9], [sflag:$0x4], $0x10, s25, s11, $0xb8;
	[tilespmem:$0xCB20] =	vst v63  }
0xbb: {  	_ =	swait.ge [sflag:s13], $0x3E80  }
0xbc: {  	[sflag:s13] =	ssyncset.done $0x0  }
0xbd: {  	[sflag:s13] =	ssyncadd.s32 $0xFFFFC180  }
0xbe: {  	[tilespmem:s8], [sflag:$0x1] =	stream.linear.gather [hbm4b:s26+s2], $0x3E80, $0x38;
	[tilespmem:$0xCB20] =	vst v63  }
0xbf: {  	_ =	swait.ge [sflag:s14], $0x3E80  }
0xc0: {  	[sflag:s14] =	ssyncset.done $0x0  }
0xc1: {  	[sflag:s14] =	ssyncadd.s32 $0xFFFFC180  }
0xc2: {  	[tilespmem:s9], [sflag:$0x2] =	stream.linear.gather [hbm4b:s28+s2], $0x3E80, $0x38;
	[tilespmem:$0xCB20] =	vst v63  }
0xc3: {  	_ =	swait.ge [sflag:s10], $0x3E80  }
0xc4: {  	[sflag:s10] =	ssyncset.done $0x0  }
0xc5: {  	[sflag:s10] =	ssyncadd.s32 $0xFFFFC180  }
0xc6: {  	[spmem:s1] =	stream.indirect.scatter.add.f32 [tilespmem:s8], [sflag:$0x3], $0x10, s29, s11, $0xb8;
	[tilespmem:$0xCB20] =	vst v63  }
0xc7: {  	_ =	swait.ge [sflag:s12], $0x3E80  }
0xc8: {  	[sflag:s12] =	ssyncset.done $0x0  }
0xc9: {  	[sflag:s12] =	ssyncadd.s32 $0xFFFFC180  }
0xca: {  	[spmem:s1] =	stream.indirect.scatter.add.f32 [tilespmem:s9], [sflag:$0x4], $0x10, s30, s11, $0xb8;
	[tilespmem:$0xCB20] =	vst v63  }
0xcb: {  	_ =	swait.ge [sflag:s13], $0x3E80  }
0xcc: {  	[sflag:s13] =	ssyncset.done $0x0  }
0xcd: {  	[sflag:s13] =	ssyncadd.s32 $0xFFFFC180  }
0xce: {  	s31 =	sadd.s32 $0xFFFFFFFF, s31;
	_ =	swait.ge [sflag:s14], $0x3E80  }
0xcf: {  	p1 =	sne.s32 s31, $0x0;
	[sflag:s14] =	ssyncset.done $0x0  }
.Ltmp1:
0xd0: {  	[sflag:s14] =	ssyncadd.s32 $0xFFFFC180;
	(pc) =	sbr.rel @p1 .LBB2_1-.Ltmp1, $4  }
0xd1: {  	[bflag:$0x0] =	sbarrier.arrive $0xFFFF  }
0xd2: {  	s0 =	rddreg [dreg:$0x7]  }
0xd3: {  	[hbm:s0], [sflag:s6] =	dma.local @!p0 [spmem:s5], $0x4E20  }
0xd4: {  	_ =	swait.ge @!p0 [sflag:s4], $0x4E20  }
.LBB2_2:
0xd5: {  	[sflag:s4] =	ssyncset.done @!p0 $0x0  }
0xd6: {  	[sflag:s4] =	ssyncadd.s32 @!p0 $0xFFFFB1E0  }
0xd7: {  	_ =	sfence.sel $0x180000  }
0xd8: {  	[bflag:$0x0] =	sbarrier.arrive $0xFFFF  }
0xd9: {  	_ =	strace $0x90000062  }
0xda: {  	[bflag:$0x2] =	sbarrier.arrive $0xFFFF  }
0xdb: {  	s0 =	rddreg [dreg:$0x3]  }
0xdc: {  	s0 =	sadd.s32 @!p0 $0x100000, s0  }
0xdd: {  	[sflag:s0] =	ssyncadd.tile.s32 @!p0 $0x1;
	_ =	shalt  }
.Lfunc_end2:
_tile_overlayer_lowered:
.L_overlay_start_2:
0xde: {  	(tag) =	ssettag $0x2  }
0xdf: {  	s0 =	rddreg [dreg:$0x0];
	s2 =	stileid.u32  }
0xe0: {  	s1 =	rddreg [dreg:$0x1];
	p0 =	sne.s32 s2, $0x0  }
0xe1: {  	s3 =	rddreg [dreg:$0x2];
	[bflag:$0x3] =	sbarrier.arrive $0xFFFF;
	s2 =	simm.s32 @!p0 $0x1C05  }
0xe2: {  	[timem:s3], [sflag:s2] =	dma.local @!p0 [hbm:s0], s1  }
0xe3: {  	s0 =	simm.s32 @!p0 $0x5  }
0xe4: {  	_ =	swait.ge @!p0 [sflag:s0], s1  }
0xe5: {  	s1 =	ssub.s32 @!p0 $0x0, s1;
	[sflag:s0] =	ssyncset.done @!p0 $0x0  }
0xe6: {  	[sflag:s0] =	ssyncadd.s32 @!p0 s1  }
0xe7: {  	[bflag:$0x3] =	sbarrier.arrive $0xFFFF  }
0xe8: {  	_ =	shalt  }

</sc_bundles>
